<compile_context>
chip_gen: v7x
topology: tpu7x:2x2x1
jax: 0.10.2.dev20260603
libtpu: 0.0.44.dev20260713+nightly
codegen_flags: <defaults>
</compile_context>

<pallas_src>
import functools

import jax
import jax.numpy as jnp
from jax import lax
from jax.experimental import pallas as pl
from jax.experimental.pallas import tpu as pltpu
from jax.experimental.pallas import tpu_sc as plsc

NC = 2
NS = 16
L = 16
NW = NC * NS

_TOFF = (0, 1, 3, 4, 6, 7, 9, 10, 12, 13)
NF = 10
TR = 8
TLC = 128

CS = 17408
CE = 32768
TCB = 1024


def _sc_loss_body(NA, NB, pred, targ, score, mask, stride, out,
                  pbuf, tbuf, sbuf, mbuf, stbuf, ostage, sem0, sem1):
    nrt = NB // TR
    nhead = CS // TLC
    ntail = (NA - CE + TLC - 1) // TLC
    ncu = nhead + ntail
    NU = nrt * ncu
    SLOTS = ((NU + NW - 1) // NW + 1) // 2 * 2
    wid = lax.axis_index("s") * NC + lax.axis_index("c")
    u0 = (wid * NU) // NW
    cnt = ((wid + 1) * NU) // NW - u0
    sems = (sem0, sem1)

    def unit_of(k):
        u = u0 + jnp.minimum(k, cnt - 1)
        ucol = u // nrt
        tr = u - ucol * nrt
        tc = jnp.where(ucol < nhead, ucol, ucol + (CE // TLC - nhead))
        return tr * TR, tc * TLC, tc

    def issue(k, b):
        ro, co, _ = unit_of(k)
        sm = sems[b]
        for p in range(NF):
            pltpu.async_copy(pred.at[p, pl.ds(ro, TR), pl.ds(co, TLC)],
                             pbuf.at[b, p], sm)
            pltpu.async_copy(targ.at[_TOFF[p], pl.ds(ro, TR), pl.ds(co, TLC)],
                             tbuf.at[b, p], sm)
        pltpu.async_copy(score.at[pl.ds(ro, TR), pl.ds(co, TLC)], sbuf.at[b], sm)
        pltpu.async_copy(mask.at[pl.ds(ro, TR), pl.ds(co, TLC)], mbuf.at[b], sm)
        pltpu.async_copy(stride.at[pl.ds(co, TLC)], stbuf.at[b], sm)

    def drain(b):
        sm = sems[b]
        pltpu.make_async_copy(
            pred.at[pl.ds(0, NF), pl.ds(0, TR), pl.ds(0, TLC)],
            pbuf.at[b], sm).wait()
        pltpu.make_async_copy(
            targ.at[pl.ds(0, NF), pl.ds(0, TR), pl.ds(0, TLC)],
            tbuf.at[b], sm).wait()
        pltpu.make_async_copy(score.at[pl.ds(0, TR), pl.ds(0, TLC)],
                              sbuf.at[b], sm).wait()
        pltpu.make_async_copy(mask.at[pl.ds(0, TR), pl.ds(0, TLC)],
                              mbuf.at[b], sm).wait()
        pltpu.make_async_copy(stride.at[pl.ds(0, TLC)], stbuf.at[b], sm).wait()

    def compute(k, b, al, an):
        _, _, tc = unit_of(k)
        vc = jnp.where(k < cnt,
                       jnp.minimum(NA - tc * TLC, TLC) // L,
                       0)

        def jbody(ch, carry):
            al, an = carry
            r = ch // vc
            co = (ch - r * vc) * L
            si = 1.0 / stbuf[b, pl.ds(co, L)]
            mk = mbuf[b, r, pl.ds(co, L)]
            w = sbuf[b, r, pl.ds(co, L)] * mk
            an = an + mk
            s = None
            for p in range(0, NF, 2):
                tp = None
                for q in (p, p + 1):
                    pp = pbuf[b, q, r, pl.ds(co, L)]
                    tt = tbuf[b, q, r, pl.ds(co, L)]
                    d = jnp.abs(pp - tt * si)
                    m = jnp.minimum(d, 1.0)
                    t = (d - 0.5 * m) * m
                    tp = t if tp is None else tp + t
                s = tp if s is None else s + tp
            al = al + s * w
            return al, an

        return lax.fori_loop(0, vc * TR, jbody, (al, an))

    issue(jnp.int32(0), 0)

    def pair(kp, carry):
        al, an = carry
        for b in (0, 1):
            k = kp * 2 + b

            @pl.when(k + 1 < cnt)
            def _():
                issue(k + 1, 1 - b)

            @pl.when(k < cnt)
            def _():
                drain(b)

            al, an = compute(k, b, al, an)
        return al, an

    al = jnp.zeros((L,), jnp.float32)
    an = jnp.zeros((L,), jnp.float32)
    al, an = lax.fori_loop(0, SLOTS // 2, pair, (al, an))

    ostage[pl.ds(0, L)] = al
    ostage[pl.ds(L, L)] = an
    pltpu.sync_copy(ostage, out.at[pl.ds(wid * 2 * L, 2 * L)])


@functools.partial(jax.jit, static_argnums=(5, 6))
def _sc_loss(pred, targ, score, mask, stride, NA, NB):
    mesh = plsc.VectorSubcoreMesh(core_axis_name="c", subcore_axis_name="s",
                                  num_cores=NC, num_subcores=NS)
    body = functools.partial(_sc_loss_body, NA, NB)
    f = pl.kernel(
        body,
        out_type=jax.ShapeDtypeStruct((NW * 2 * L,), jnp.float32),
        mesh=mesh,
        scratch_types=[
            pltpu.VMEM((2, NF, TR, TLC), jnp.float32),
            pltpu.VMEM((2, NF, TR, TLC), jnp.float32),
            pltpu.VMEM((2, TR, TLC), jnp.float32),
            pltpu.VMEM((2, TR, TLC), jnp.float32),
            pltpu.VMEM((2, TLC), jnp.float32),
            pltpu.VMEM((2 * L,), jnp.float32),
            pltpu.SemaphoreType.DMA,
            pltpu.SemaphoreType.DMA,
        ],
        compiler_params=pltpu.CompilerParams(
            needs_layout_passes=False,
            use_tc_tiling_on_sc=True,
            disable_bounds_checks=True,
        ),
    )
    return f(pred, targ, score, mask, stride)


def _tc_body(nblk, pred_ref, *rest):
    targ_refs = rest[:NF]
    (score_ref, mask_ref, stride_ref, lout_ref, nout_ref,
     lacc_ref, nacc_ref) = rest[NF:]
    i = pl.program_id(0)

    @pl.when(i == 0)
    def _():
        lacc_ref[...] = jnp.zeros_like(lacc_ref)
        nacc_ref[...] = jnp.zeros_like(nacc_ref)

    si = 1.0 / stride_ref[...]
    mk = mask_ref[...]
    w = score_ref[...] * mk
    acc = None
    for f in range(NF):
        pr = pred_ref[f]
        tg = targ_refs[f][0]
        d = jnp.abs(pr - tg * si[None, :])
        m = jnp.minimum(d, 1.0)
        t = (d - 0.5 * m) * m
        acc = t if acc is None else acc + t
    lacc_ref[...] += acc * w
    nacc_ref[...] += mk

    @pl.when(i == nblk - 1)
    def _():
        def fold(x):
            y = x[:8] + x[8:]
            z = None
            for t in range(TCB // 128):
                part = y[:, t * 128:(t + 1) * 128]
                z = part if z is None else z + part
            return z

        lout_ref[...] = fold(lacc_ref[...])
        nout_ref[...] = fold(nacc_ref[...])


@jax.jit
def _tc_loss(pred, targ, score, mask, stride):
    nb = pred.shape[1]
    nblk = (CE - CS) // TCB
    c0 = CS // TCB
    return pl.pallas_call(
        functools.partial(_tc_body, nblk),
        grid=(nblk,),
        in_specs=[
            pl.BlockSpec((NF, nb, TCB), lambda i: (0, 0, c0 + i)),
        ] + [
            pl.BlockSpec((1, nb, TCB),
                         functools.partial(lambda t, i: (t, 0, c0 + i),
                                           _TOFF[f]))
            for f in range(NF)
        ] + [
            pl.BlockSpec((nb, TCB), lambda i: (0, c0 + i)),
            pl.BlockSpec((nb, TCB), lambda i: (0, c0 + i)),
            pl.BlockSpec((TCB,), lambda i: (c0 + i,)),
        ],
        out_specs=[
            pl.BlockSpec((8, 128), lambda i: (0, 0)),
            pl.BlockSpec((8, 128), lambda i: (0, 0)),
        ],
        out_shape=[
            jax.ShapeDtypeStruct((8, 128), jnp.float32),
            jax.ShapeDtypeStruct((8, 128), jnp.float32),
        ],
        scratch_shapes=[
            pltpu.VMEM((nb, TCB), jnp.float32),
            pltpu.VMEM((nb, TCB), jnp.float32),
        ],
    )(pred, *([targ] * NF), score, mask, stride)


def kernel(pred_kps, target_kps, stride_tensor, target_scores,
           target_scores_sum, fg_mask):
    bs, na = fg_mask.shape

    pred = pred_kps.transpose(2, 0, 1)
    targ = target_kps.transpose(2, 0, 1)
    score = target_scores.reshape(bs, na)
    mask = fg_mask.astype(jnp.float32)
    stride = stride_tensor.reshape(-1)

    o = _sc_loss(pred, targ, score, mask, stride, na, bs).reshape(NW, 2, L)
    tl, tn = _tc_loss(pred, targ, score, mask, stride)
    loss_sum = (o[:, 0].sum() + tl.sum()).reshape(1)
    num_pos = (o[:, 1].sum() + tn.sum()).reshape(1)
    denom = num_pos * 10.0
    safe = jnp.where(denom == 0.0, jnp.float32(1.0), denom)
    l = loss_sum / safe
    ts = target_scores_sum
    lpos = jnp.where(ts == 0.0, l, l / ts)
    return jnp.where(num_pos > 0.0, lpos,
                     jnp.zeros((1,), jnp.float32)).reshape(())

# --- scband reference (transcript-rebuilt; emitter-appended) ---
"""Pipeline reference for scband-kps-loss-29884382445675 (READ-ONLY COPY).

The authoritative reference and input builder live on the scoring server;
editing this copy changes nothing except your own understanding.
"""

import jax, jax.numpy as jnp
import numpy as np


def setup_inputs(seed: int = 0) -> dict:
    key = jax.random.key(seed)
    ks = jax.random.split(key, 4)
    bs, na = 16, 33600
    pred_kps = jax.random.normal(ks[0], (bs, na, 10), dtype=jnp.float32)
    target_kps = jax.random.normal(ks[1], (bs, na, 15), dtype=jnp.float32)
    stride_tensor = jnp.ones((na, 1), dtype=jnp.float32)
    target_scores = jax.random.uniform(ks[2], (bs, na, 1), dtype=jnp.float32)
    target_scores_sum = jnp.ones((1,), dtype=jnp.float32)
    fg_mask = jax.random.randint(ks[3], (bs, na), 0, 2).astype(bool)
    return {
        "pred_kps": pred_kps,
        "target_kps": target_kps,
        "stride_tensor": stride_tensor,
        "target_scores": target_scores,
        "target_scores_sum": target_scores_sum,
        "fg_mask": fg_mask,
    }


def reference(pred_kps, target_kps, stride_tensor, target_scores, target_scores_sum, fg_mask):
    bs, na = fg_mask.shape
    # target_kps: (bs, na, 15) -> (-1, 3) -> keep xy -> (bs, na, 10)
    tk = target_kps.reshape((-1, 3))[:, :2].reshape((bs, na, -1))
    # divide by stride broadcast to (bs, na, 10) (same as repeat)
    tk = tk / stride_tensor[None, :, :]
    num_pos = fg_mask.sum()
    maskf = fg_mask.astype(pred_kps.dtype)[:, :, None]
    kps_weight = target_scores.sum(-1)[:, :, None]
    beta = 1.0
    loss_weight = 1.0
    diff = jnp.abs(pred_kps - tk)
    loss = jnp.where(diff < beta, 0.5 * diff * diff / beta, diff - 0.5 * beta)
    # weight.repeat([1, 10]) on (N,1) is equivalent to broadcasting
    loss = loss * kps_weight * maskf
    denom = (num_pos * 10).astype(loss.dtype)
    safe_denom = jnp.where(denom == 0, jnp.ones_like(denom), denom)
    loss_sll = loss_weight * (loss.sum() / safe_denom)
    ts = target_scores_sum.reshape(())
    loss_kps_pos = jnp.where(ts == 0, jnp.sum(loss_sll), jnp.sum(loss_sll) / ts)
    loss_kps = jnp.where(num_pos > 0, loss_kps_pos, pred_kps.sum() * 0.0)
    return loss_kps

if __name__ == "__main__":
    import jax
    _d = setup_inputs()
    print(jax.jit(kernel)(*tuple(_d.values())))

</pallas_src>

<mosaic_0001>
#map = affine_map<(d0, d1) -> (0, 0, 0)>
#map1 = affine_map<(d0, d1) -> (0, 0)>
#map2 = affine_map<(d0, d1) -> (0)>
module attributes {stable_mosaic.version = 14 : i64} {
  func.func @_sc_loss_body(%arg0: i32, %arg1: i32, %arg2: memref<10x16x33600xf32, #tpu.memory_space<hbm>>, %arg3: memref<15x16x33600xf32, #tpu.memory_space<hbm>>, %arg4: memref<16x33600xf32, #tpu.memory_space<hbm>>, %arg5: memref<16x33600xf32, #tpu.memory_space<hbm>>, %arg6: memref<33600xf32, #tpu.memory_space<hbm>>, %arg7: memref<1024xf32, #tpu.memory_space<hbm>>, %arg8: memref<2x10x8x128xf32, #tpu.memory_space<vmem>>, %arg9: memref<2x10x8x128xf32, #tpu.memory_space<vmem>>, %arg10: memref<2x8x128xf32, #tpu.memory_space<vmem>>, %arg11: memref<2x8x128xf32, #tpu.memory_space<vmem>>, %arg12: memref<2x128xf32, #tpu.memory_space<vmem>>, %arg13: memref<32xf32, #tpu.memory_space<vmem>>, %arg14: memref<!tpu.dma_semaphore, #tpu.memory_space<semaphore_mem>>, %arg15: memref<!tpu.dma_semaphore, #tpu.memory_space<semaphore_mem>>) attributes {dimension_semantics = [#tpu.dimension_semantics<core_parallel>, #tpu.dimension_semantics<subcore_parallel>], iteration_bounds = array<i64: 2, 16>, scalar_prefetch = 0 : i64, scratch_operands = 8 : i64, tpu.core_type = #tpu.core_type<sc_vector_subcore>, window_params = [{transform_indices = #map}, {transform_indices = #map}, {transform_indices = #map1}, {transform_indices = #map1}, {transform_indices = #map2}, {transform_indices = #map2}]} {
    %mul3A = arith.constant 2 : i32
    %mul3A_0 = arith.muli %arg1, %mul3A : i32
    %add3A = arith.addi %mul3A_0, %arg0 : i32
    %mul3A_1 = arith.constant 286 : i32
    %mul3A_2 = arith.muli %add3A, %mul3A_1 : i32
    %jit3A = arith.constant 32 : i32
    %div3A = arith.divsi %mul3A_2, %jit3A : i32
    %sign3A = arith.constant 0 : i32
    %sign3A_3 = arith.cmpi sgt, %mul3A_2, %sign3A : i32
    %sign3A_4 = arith.extui %sign3A_3 : i1 to i32
    %sign3A_5 = arith.constant 0 : i32
    %sign3A_6 = arith.cmpi slt, %mul3A_2, %sign3A_5 : i32
    %sign3A_7 = arith.extui %sign3A_6 : i1 to i32
    %sign3A_8 = arith.subi %sign3A_4, %sign3A_7 : i32
    %sign3A_9 = arith.constant 0 : i32
    %sign3A_10 = arith.cmpi sgt, %jit3A, %sign3A_9 : i32
    %sign3A_11 = arith.extui %sign3A_10 : i1 to i32
    %sign3A_12 = arith.constant 0 : i32
    %sign3A_13 = arith.cmpi slt, %jit3A, %sign3A_12 : i32
    %sign3A_14 = arith.extui %sign3A_13 : i1 to i32
    %sign3A_15 = arith.subi %sign3A_11, %sign3A_14 : i32
    %ne3A = arith.cmpi ne, %sign3A_8, %sign3A_15 : i32
    %rem3A = arith.remsi %mul3A_2, %jit3A : i32
    %ne3A_16 = arith.constant 0 : i32
    %ne3A_17 = arith.cmpi ne, %rem3A, %ne3A_16 : i32
    %and3A = arith.andi %ne3A, %ne3A_17 : i1
    %sub3A = arith.constant 1 : i32
    %sub3A_18 = arith.subi %div3A, %sub3A : i32
    %select_n3A = arith.select %and3A, %sub3A_18, %div3A : i32
    %add3A_19 = arith.constant 1 : i32
    %add3A_20 = arith.addi %add3A, %add3A_19 : i32
    %mul3A_21 = arith.constant 286 : i32
    %mul3A_22 = arith.muli %add3A_20, %mul3A_21 : i32
    %jit3A_23 = arith.constant 32 : i32
    %div3A_24 = arith.divsi %mul3A_22, %jit3A_23 : i32
    %sign3A_25 = arith.constant 0 : i32
    %sign3A_26 = arith.cmpi sgt, %mul3A_22, %sign3A_25 : i32
    %sign3A_27 = arith.extui %sign3A_26 : i1 to i32
    %sign3A_28 = arith.constant 0 : i32
    %sign3A_29 = arith.cmpi slt, %mul3A_22, %sign3A_28 : i32
    %sign3A_30 = arith.extui %sign3A_29 : i1 to i32
    %sign3A_31 = arith.subi %sign3A_27, %sign3A_30 : i32
    %sign3A_32 = arith.constant 0 : i32
    %sign3A_33 = arith.cmpi sgt, %jit3A_23, %sign3A_32 : i32
    %sign3A_34 = arith.extui %sign3A_33 : i1 to i32
    %sign3A_35 = arith.constant 0 : i32
    %sign3A_36 = arith.cmpi slt, %jit3A_23, %sign3A_35 : i32
    %sign3A_37 = arith.extui %sign3A_36 : i1 to i32
    %sign3A_38 = arith.subi %sign3A_34, %sign3A_37 : i32
    %ne3A_39 = arith.cmpi ne, %sign3A_31, %sign3A_38 : i32
    %rem3A_40 = arith.remsi %mul3A_22, %jit3A_23 : i32
    %ne3A_41 = arith.constant 0 : i32
    %ne3A_42 = arith.cmpi ne, %rem3A_40, %ne3A_41 : i32
    %and3A_43 = arith.andi %ne3A_39, %ne3A_42 : i1
    %sub3A_44 = arith.constant 1 : i32
    %sub3A_45 = arith.subi %div3A_24, %sub3A_44 : i32
    %select_n3A_46 = arith.select %and3A_43, %sub3A_45, %div3A_24 : i32
    %sub3A_47 = arith.subi %select_n3A_46, %select_n3A : i32
    %sub3A_48 = arith.constant 1 : i32
    %sub3A_49 = arith.subi %sub3A_47, %sub3A_48 : i32
    %min3A = arith.constant 0 : i32
    %min3A_50 = arith.minsi %min3A, %sub3A_49 : i32
    %add3A_51 = arith.addi %select_n3A, %min3A_50 : i32
    %jit3A_52 = arith.constant 2 : i32
    %div3A_53 = arith.divsi %add3A_51, %jit3A_52 : i32
    %sign3A_54 = arith.constant 0 : i32
    %sign3A_55 = arith.cmpi sgt, %add3A_51, %sign3A_54 : i32
    %sign3A_56 = arith.extui %sign3A_55 : i1 to i32
    %sign3A_57 = arith.constant 0 : i32
    %sign3A_58 = arith.cmpi slt, %add3A_51, %sign3A_57 : i32
    %sign3A_59 = arith.extui %sign3A_58 : i1 to i32
    %sign3A_60 = arith.subi %sign3A_56, %sign3A_59 : i32
    %sign3A_61 = arith.constant 0 : i32
    %sign3A_62 = arith.cmpi sgt, %jit3A_52, %sign3A_61 : i32
    %sign3A_63 = arith.extui %sign3A_62 : i1 to i32
    %sign3A_64 = arith.constant 0 : i32
    %sign3A_65 = arith.cmpi slt, %jit3A_52, %sign3A_64 : i32
    %sign3A_66 = arith.extui %sign3A_65 : i1 to i32
    %sign3A_67 = arith.subi %sign3A_63, %sign3A_66 : i32
    %ne3A_68 = arith.cmpi ne, %sign3A_60, %sign3A_67 : i32
    %rem3A_69 = arith.remsi %add3A_51, %jit3A_52 : i32
    %ne3A_70 = arith.constant 0 : i32
    %ne3A_71 = arith.cmpi ne, %rem3A_69, %ne3A_70 : i32
    %and3A_72 = arith.andi %ne3A_68, %ne3A_71 : i1
    %sub3A_73 = arith.constant 1 : i32
    %sub3A_74 = arith.subi %div3A_53, %sub3A_73 : i32
    %select_n3A_75 = arith.select %and3A_72, %sub3A_74, %div3A_53 : i32
    %mul3A_76 = arith.constant 2 : i32
    %mul3A_77 = arith.muli %select_n3A_75, %mul3A_76 : i32
    %sub3A_78 = arith.subi %add3A_51, %mul3A_77 : i32
    %lt3A = arith.constant 136 : i32
    %lt3A_79 = arith.cmpi slt, %select_n3A_75, %lt3A : i32
    %add3A_80 = arith.constant 120 : i32
    %add3A_81 = arith.addi %select_n3A_75, %add3A_80 : i32
    %select_n3A_82 = arith.select %lt3A_79, %select_n3A_75, %add3A_81 : i32
    %mul3A_83 = arith.constant 8 : i32
    %mul3A_84 = arith.muli %sub3A_78, %mul3A_83 : i32
    %mul3A_85 = arith.constant 128 : i32
    %mul3A_86 = arith.muli %select_n3A_82, %mul3A_85 : i32
    %dma_start3A = arith.constant 0 : i32
    %dma_start3A_87 = arith.constant 0 : i32
    %dma_start3A_88 = arith.constant 0 : i32
    %dma_start3A_89 = arith.constant 0 : i32
    %dma_start3A_90 = arith.constant 0 : i32
    %dma_start3A_91 = tpu.memref_slice %arg8[%dma_start3A_87, %dma_start3A_88, %dma_start3A_89, %dma_start3A_90] : memref<2x10x8x128xf32, #tpu.memory_space<vmem>> -> memref<1x1x8x128xf32, #tpu.memory_space<vmem>>
    %dma_start3A_92 = tpu.memref_squeeze %dma_start3A_91 : memref<1x1x8x128xf32, #tpu.memory_space<vmem>> -> memref<8x128xf32, #tpu.memory_space<vmem>>
    %dma_start3A_93 = tpu.memref_slice %arg2[%dma_start3A, %mul3A_84, %mul3A_86] : memref<10x16x33600xf32, #tpu.memory_space<hbm>> -> memref<1x8x128xf32, #tpu.memory_space<hbm>>
    %dma_start3A_94 = tpu.memref_squeeze %dma_start3A_93 : memref<1x8x128xf32, #tpu.memory_space<hbm>> -> memref<8x128xf32, #tpu.memory_space<hbm>>
    %dma_start3A_95 = arith.constant 0 : i32
    %dma_start3A_96 = arith.constant 0 : i32
    %dma_start3A_97 = tpu.memref_slice %arg8[%dma_start3A_87, %dma_start3A_88, %dma_start3A_95, %dma_start3A_96] : memref<2x10x8x128xf32, #tpu.memory_space<vmem>> -> memref<1x1x8x128xf32, #tpu.memory_space<vmem>>
    %dma_start3A_98 = tpu.memref_squeeze %dma_start3A_97 : memref<1x1x8x128xf32, #tpu.memory_space<vmem>> -> memref<8x128xf32, #tpu.memory_space<vmem>>
    %dma_start3A_99 = tpu.memref_slice %arg2[%dma_start3A, %mul3A_84, %mul3A_86] : memref<10x16x33600xf32, #tpu.memory_space<hbm>> -> memref<1x8x128xf32, #tpu.memory_space<hbm>>
    %dma_start3A_100 = tpu.memref_squeeze %dma_start3A_99 : memref<1x8x128xf32, #tpu.memory_space<hbm>> -> memref<8x128xf32, #tpu.memory_space<hbm>>
    tpu.enqueue_dma source(%dma_start3A_100 : memref<8x128xf32, #tpu.memory_space<hbm>>) target(%dma_start3A_98 : memref<8x128xf32, #tpu.memory_space<vmem>>) target_semaphore(%arg14 : memref<!tpu.dma_semaphore, #tpu.memory_space<semaphore_mem>>)
    %dma_start3A_101 = arith.constant 0 : i32
    %dma_start3A_102 = arith.constant 0 : i32
    %dma_start3A_103 = arith.constant 0 : i32
    %dma_start3A_104 = arith.constant 0 : i32
    %dma_start3A_105 = arith.constant 0 : i32
    %dma_start3A_106 = tpu.memref_slice %arg9[%dma_start3A_102, %dma_start3A_103, %dma_start3A_104, %dma_start3A_105] : memref<2x10x8x128xf32, #tpu.memory_space<vmem>> -> memref<1x1x8x128xf32, #tpu.memory_space<vmem>>
    %dma_start3A_107 = tpu.memref_squeeze %dma_start3A_106 : memref<1x1x8x128xf32, #tpu.memory_space<vmem>> -> memref<8x128xf32, #tpu.memory_space<vmem>>
    %dma_start3A_108 = tpu.memref_slice %arg3[%dma_start3A_101, %mul3A_84, %mul3A_86] : memref<15x16x33600xf32, #tpu.memory_space<hbm>> -> memref<1x8x128xf32, #tpu.memory_space<hbm>>
    %dma_start3A_109 = tpu.memref_squeeze %dma_start3A_108 : memref<1x8x128xf32, #tpu.memory_space<hbm>> -> memref<8x128xf32, #tpu.memory_space<hbm>>
    %dma_start3A_110 = arith.constant 0 : i32
    %dma_start3A_111 = arith.constant 0 : i32
    %dma_start3A_112 = tpu.memref_slice %arg9[%dma_start3A_102, %dma_start3A_103, %dma_start3A_110, %dma_start3A_111] : memref<2x10x8x128xf32, #tpu.memory_space<vmem>> -> memref<1x1x8x128xf32, #tpu.memory_space<vmem>>
    %dma_start3A_113 = tpu.memref_squeeze %dma_start3A_112 : memref<1x1x8x128xf32, #tpu.memory_space<vmem>> -> memref<8x128xf32, #tpu.memory_space<vmem>>
    %dma_start3A_114 = tpu.memref_slice %arg3[%dma_start3A_101, %mul3A_84, %mul3A_86] : memref<15x16x33600xf32, #tpu.memory_space<hbm>> -> memref<1x8x128xf32, #tpu.memory_space<hbm>>
    %dma_start3A_115 = tpu.memref_squeeze %dma_start3A_114 : memref<1x8x128xf32, #tpu.memory_space<hbm>> -> memref<8x128xf32, #tpu.memory_space<hbm>>
    tpu.enqueue_dma source(%dma_start3A_115 : memref<8x128xf32, #tpu.memory_space<hbm>>) target(%dma_start3A_113 : memref<8x128xf32, #tpu.memory_space<vmem>>) target_semaphore(%arg14 : memref<!tpu.dma_semaphore, #tpu.memory_space<semaphore_mem>>)
    %dma_start3A_116 = arith.constant 1 : i32
    %dma_start3A_117 = arith.constant 0 : i32
    %dma_start3A_118 = arith.constant 1 : i32
    %dma_start3A_119 = arith.constant 0 : i32
    %dma_start3A_120 = arith.constant 0 : i32
    %dma_start3A_121 = tpu.memref_slice %arg8[%dma_start3A_117, %dma_start3A_118, %dma_start3A_119, %dma_start3A_120] : memref<2x10x8x128xf32, #tpu.memory_space<vmem>> -> memref<1x1x8x128xf32, #tpu.memory_space<vmem>>
    %dma_start3A_122 = tpu.memref_squeeze %dma_start3A_121 : memref<1x1x8x128xf32, #tpu.memory_space<vmem>> -> memref<8x128xf32, #tpu.memory_space<vmem>>
    %dma_start3A_123 = tpu.memref_slice %arg2[%dma_start3A_116, %mul3A_84, %mul3A_86] : memref<10x16x33600xf32, #tpu.memory_space<hbm>> -> memref<1x8x128xf32, #tpu.memory_space<hbm>>
    %dma_start3A_124 = tpu.memref_squeeze %dma_start3A_123 : memref<1x8x128xf32, #tpu.memory_space<hbm>> -> memref<8x128xf32, #tpu.memory_space<hbm>>
    %dma_start3A_125 = arith.constant 0 : i32
    %dma_start3A_126 = arith.constant 0 : i32
    %dma_start3A_127 = tpu.memref_slice %arg8[%dma_start3A_117, %dma_start3A_118, %dma_start3A_125, %dma_start3A_126] : memref<2x10x8x128xf32, #tpu.memory_space<vmem>> -> memref<1x1x8x128xf32, #tpu.memory_space<vmem>>
    %dma_start3A_128 = tpu.memref_squeeze %dma_start3A_127 : memref<1x1x8x128xf32, #tpu.memory_space<vmem>> -> memref<8x128xf32, #tpu.memory_space<vmem>>
    %dma_start3A_129 = tpu.memref_slice %arg2[%dma_start3A_116, %mul3A_84, %mul3A_86] : memref<10x16x33600xf32, #tpu.memory_space<hbm>> -> memref<1x8x128xf32, #tpu.memory_space<hbm>>
    %dma_start3A_130 = tpu.memref_squeeze %dma_start3A_129 : memref<1x8x128xf32, #tpu.memory_space<hbm>> -> memref<8x128xf32, #tpu.memory_space<hbm>>
    tpu.enqueue_dma source(%dma_start3A_130 : memref<8x128xf32, #tpu.memory_space<hbm>>) target(%dma_start3A_128 : memref<8x128xf32, #tpu.memory_space<vmem>>) target_semaphore(%arg14 : memref<!tpu.dma_semaphore, #tpu.memory_space<semaphore_mem>>)
    %dma_start3A_131 = arith.constant 1 : i32
    %dma_start3A_132 = arith.constant 0 : i32
    %dma_start3A_133 = arith.constant 1 : i32
    %dma_start3A_134 = arith.constant 0 : i32
    %dma_start3A_135 = arith.constant 0 : i32
    %dma_start3A_136 = tpu.memref_slice %arg9[%dma_start3A_132, %dma_start3A_133, %dma_start3A_134, %dma_start3A_135] : memref<2x10x8x128xf32, #tpu.memory_space<vmem>> -> memref<1x1x8x128xf32, #tpu.memory_space<vmem>>
    %dma_start3A_137 = tpu.memref_squeeze %dma_start3A_136 : memref<1x1x8x128xf32, #tpu.memory_space<vmem>> -> memref<8x128xf32, #tpu.memory_space<vmem>>
    %dma_start3A_138 = tpu.memref_slice %arg3[%dma_start3A_131, %mul3A_84, %mul3A_86] : memref<15x16x33600xf32, #tpu.memory_space<hbm>> -> memref<1x8x128xf32, #tpu.memory_space<hbm>>
    %dma_start3A_139 = tpu.memref_squeeze %dma_start3A_138 : memref<1x8x128xf32, #tpu.memory_space<hbm>> -> memref<8x128xf32, #tpu.memory_space<hbm>>
    %dma_start3A_140 = arith.constant 0 : i32
    %dma_start3A_141 = arith.constant 0 : i32
    %dma_start3A_142 = tpu.memref_slice %arg9[%dma_start3A_132, %dma_start3A_133, %dma_start3A_140, %dma_start3A_141] : memref<2x10x8x128xf32, #tpu.memory_space<vmem>> -> memref<1x1x8x128xf32, #tpu.memory_space<vmem>>
    %dma_start3A_143 = tpu.memref_squeeze %dma_start3A_142 : memref<1x1x8x128xf32, #tpu.memory_space<vmem>> -> memref<8x128xf32, #tpu.memory_space<vmem>>
    %dma_start3A_144 = tpu.memref_slice %arg3[%dma_start3A_131, %mul3A_84, %mul3A_86] : memref<15x16x33600xf32, #tpu.memory_space<hbm>> -> memref<1x8x128xf32, #tpu.memory_space<hbm>>
    %dma_start3A_145 = tpu.memref_squeeze %dma_start3A_144 : memref<1x8x128xf32, #tpu.memory_space<hbm>> -> memref<8x128xf32, #tpu.memory_space<hbm>>
    tpu.enqueue_dma source(%dma_start3A_145 : memref<8x128xf32, #tpu.memory_space<hbm>>) target(%dma_start3A_143 : memref<8x128xf32, #tpu.memory_space<vmem>>) target_semaphore(%arg14 : memref<!tpu.dma_semaphore, #tpu.memory_space<semaphore_mem>>)
    %dma_start3A_146 = arith.constant 2 : i32
    %dma_start3A_147 = arith.constant 0 : i32
    %dma_start3A_148 = arith.constant 2 : i32
    %dma_start3A_149 = arith.constant 0 : i32
    %dma_start3A_150 = arith.constant 0 : i32
    %dma_start3A_151 = tpu.memref_slice %arg8[%dma_start3A_147, %dma_start3A_148, %dma_start3A_149, %dma_start3A_150] : memref<2x10x8x128xf32, #tpu.memory_space<vmem>> -> memref<1x1x8x128xf32, #tpu.memory_space<vmem>>
    %dma_start3A_152 = tpu.memref_squeeze %dma_start3A_151 : memref<1x1x8x128xf32, #tpu.memory_space<vmem>> -> memref<8x128xf32, #tpu.memory_space<vmem>>
    %dma_start3A_153 = tpu.memref_slice %arg2[%dma_start3A_146, %mul3A_84, %mul3A_86] : memref<10x16x33600xf32, #tpu.memory_space<hbm>> -> memref<1x8x128xf32, #tpu.memory_space<hbm>>
    %dma_start3A_154 = tpu.memref_squeeze %dma_start3A_153 : memref<1x8x128xf32, #tpu.memory_space<hbm>> -> memref<8x128xf32, #tpu.memory_space<hbm>>
    %dma_start3A_155 = arith.constant 0 : i32
    %dma_start3A_156 = arith.constant 0 : i32
    %dma_start3A_157 = tpu.memref_slice %arg8[%dma_start3A_147, %dma_start3A_148, %dma_start3A_155, %dma_start3A_156] : memref<2x10x8x128xf32, #tpu.memory_space<vmem>> -> memref<1x1x8x128xf32, #tpu.memory_space<vmem>>
    %dma_start3A_158 = tpu.memref_squeeze %dma_start3A_157 : memref<1x1x8x128xf32, #tpu.memory_space<vmem>> -> memref<8x128xf32, #tpu.memory_space<vmem>>
    %dma_start3A_159 = tpu.memref_slice %arg2[%dma_start3A_146, %mul3A_84, %mul3A_86] : memref<10x16x33600xf32, #tpu.memory_space<hbm>> -> memref<1x8x128xf32, #tpu.memory_space<hbm>>
    %dma_start3A_160 = tpu.memref_squeeze %dma_start3A_159 : memref<1x8x128xf32, #tpu.memory_space<hbm>> -> memref<8x128xf32, #tpu.memory_space<hbm>>
    tpu.enqueue_dma source(%dma_start3A_160 : memref<8x128xf32, #tpu.memory_space<hbm>>) target(%dma_start3A_158 : memref<8x128xf32, #tpu.memory_space<vmem>>) target_semaphore(%arg14 : memref<!tpu.dma_semaphore, #tpu.memory_space<semaphore_mem>>)
    %dma_start3A_161 = arith.constant 3 : i32
    %dma_start3A_162 = arith.constant 0 : i32
    %dma_start3A_163 = arith.constant 2 : i32
    %dma_start3A_164 = arith.constant 0 : i32
    %dma_start3A_165 = arith.constant 0 : i32
    %dma_start3A_166 = tpu.memref_slice %arg9[%dma_start3A_162, %dma_start3A_163, %dma_start3A_164, %dma_start3A_165] : memref<2x10x8x128xf32, #tpu.memory_space<vmem>> -> memref<1x1x8x128xf32, #tpu.memory_space<vmem>>
    %dma_start3A_167 = tpu.memref_squeeze %dma_start3A_166 : memref<1x1x8x128xf32, #tpu.memory_space<vmem>> -> memref<8x128xf32, #tpu.memory_space<vmem>>
    %dma_start3A_168 = tpu.memref_slice %arg3[%dma_start3A_161, %mul3A_84, %mul3A_86] : memref<15x16x33600xf32, #tpu.memory_space<hbm>> -> memref<1x8x128xf32, #tpu.memory_space<hbm>>
    %dma_start3A_169 = tpu.memref_squeeze %dma_start3A_168 : memref<1x8x128xf32, #tpu.memory_space<hbm>> -> memref<8x128xf32, #tpu.memory_space<hbm>>
    %dma_start3A_170 = arith.constant 0 : i32
    %dma_start3A_171 = arith.constant 0 : i32
    %dma_start3A_172 = tpu.memref_slice %arg9[%dma_start3A_162, %dma_start3A_163, %dma_start3A_170, %dma_start3A_171] : memref<2x10x8x128xf32, #tpu.memory_space<vmem>> -> memref<1x1x8x128xf32, #tpu.memory_space<vmem>>
    %dma_start3A_173 = tpu.memref_squeeze %dma_start3A_172 : memref<1x1x8x128xf32, #tpu.memory_space<vmem>> -> memref<8x128xf32, #tpu.memory_space<vmem>>
    %dma_start3A_174 = tpu.memref_slice %arg3[%dma_start3A_161, %mul3A_84, %mul3A_86] : memref<15x16x33600xf32, #tpu.memory_space<hbm>> -> memref<1x8x128xf32, #tpu.memory_space<hbm>>
    %dma_start3A_175 = tpu.memref_squeeze %dma_start3A_174 : memref<1x8x128xf32, #tpu.memory_space<hbm>> -> memref<8x128xf32, #tpu.memory_space<hbm>>
    tpu.enqueue_dma source(%dma_start3A_175 : memref<8x128xf32, #tpu.memory_space<hbm>>) target(%dma_start3A_173 : memref<8x128xf32, #tpu.memory_space<vmem>>) target_semaphore(%arg14 : memref<!tpu.dma_semaphore, #tpu.memory_space<semaphore_mem>>)
    %dma_start3A_176 = arith.constant 3 : i32
    %dma_start3A_177 = arith.constant 0 : i32
    %dma_start3A_178 = arith.constant 3 : i32
    %dma_start3A_179 = arith.constant 0 : i32
    %dma_start3A_180 = arith.constant 0 : i32
    %dma_start3A_181 = tpu.memref_slice %arg8[%dma_start3A_177, %dma_start3A_178, %dma_start3A_179, %dma_start3A_180] : memref<2x10x8x128xf32, #tpu.memory_space<vmem>> -> memref<1x1x8x128xf32, #tpu.memory_space<vmem>>
    %dma_start3A_182 = tpu.memref_squeeze %dma_start3A_181 : memref<1x1x8x128xf32, #tpu.memory_space<vmem>> -> memref<8x128xf32, #tpu.memory_space<vmem>>
    %dma_start3A_183 = tpu.memref_slice %arg2[%dma_start3A_176, %mul3A_84, %mul3A_86] : memref<10x16x33600xf32, #tpu.memory_space<hbm>> -> memref<1x8x128xf32, #tpu.memory_space<hbm>>
    %dma_start3A_184 = tpu.memref_squeeze %dma_start3A_183 : memref<1x8x128xf32, #tpu.memory_space<hbm>> -> memref<8x128xf32, #tpu.memory_space<hbm>>
    %dma_start3A_185 = arith.constant 0 : i32
    %dma_start3A_186 = arith.constant 0 : i32
    %dma_start3A_187 = tpu.memref_slice %arg8[%dma_start3A_177, %dma_start3A_178, %dma_start3A_185, %dma_start3A_186] : memref<2x10x8x128xf32, #tpu.memory_space<vmem>> -> memref<1x1x8x128xf32, #tpu.memory_space<vmem>>
    %dma_start3A_188 = tpu.memref_squeeze %dma_start3A_187 : memref<1x1x8x128xf32, #tpu.memory_space<vmem>> -> memref<8x128xf32, #tpu.memory_space<vmem>>
    %dma_start3A_189 = tpu.memref_slice %arg2[%dma_start3A_176, %mul3A_84, %mul3A_86] : memref<10x16x33600xf32, #tpu.memory_space<hbm>> -> memref<1x8x128xf32, #tpu.memory_space<hbm>>
    %dma_start3A_190 = tpu.memref_squeeze %dma_start3A_189 : memref<1x8x128xf32, #tpu.memory_space<hbm>> -> memref<8x128xf32, #tpu.memory_space<hbm>>
    tpu.enqueue_dma source(%dma_start3A_190 : memref<8x128xf32, #tpu.memory_space<hbm>>) target(%dma_start3A_188 : memref<8x128xf32, #tpu.memory_space<vmem>>) target_semaphore(%arg14 : memref<!tpu.dma_semaphore, #tpu.memory_space<semaphore_mem>>)
    %dma_start3A_191 = arith.constant 4 : i32
    %dma_start3A_192 = arith.constant 0 : i32
    %dma_start3A_193 = arith.constant 3 : i32
    %dma_start3A_194 = arith.constant 0 : i32
    %dma_start3A_195 = arith.constant 0 : i32
    %dma_start3A_196 = tpu.memref_slice %arg9[%dma_start3A_192, %dma_start3A_193, %dma_start3A_194, %dma_start3A_195] : memref<2x10x8x128xf32, #tpu.memory_space<vmem>> -> memref<1x1x8x128xf32, #tpu.memory_space<vmem>>
    %dma_start3A_197 = tpu.memref_squeeze %dma_start3A_196 : memref<1x1x8x128xf32, #tpu.memory_space<vmem>> -> memref<8x128xf32, #tpu.memory_space<vmem>>
    %dma_start3A_198 = tpu.memref_slice %arg3[%dma_start3A_191, %mul3A_84, %mul3A_86] : memref<15x16x33600xf32, #tpu.memory_space<hbm>> -> memref<1x8x128xf32, #tpu.memory_space<hbm>>
    %dma_start3A_199 = tpu.memref_squeeze %dma_start3A_198 : memref<1x8x128xf32, #tpu.memory_space<hbm>> -> memref<8x128xf32, #tpu.memory_space<hbm>>
    %dma_start3A_200 = arith.constant 0 : i32
    %dma_start3A_201 = arith.constant 0 : i32
    %dma_start3A_202 = tpu.memref_slice %arg9[%dma_start3A_192, %dma_start3A_193, %dma_start3A_200, %dma_start3A_201] : memref<2x10x8x128xf32, #tpu.memory_space<vmem>> -> memref<1x1x8x128xf32, #tpu.memory_space<vmem>>
    %dma_start3A_203 = tpu.memref_squeeze %dma_start3A_202 : memref<1x1x8x128xf32, #tpu.memory_space<vmem>> -> memref<8x128xf32, #tpu.memory_space<vmem>>
    %dma_start3A_204 = tpu.memref_slice %arg3[%dma_start3A_191, %mul3A_84, %mul3A_86] : memref<15x16x33600xf32, #tpu.memory_space<hbm>> -> memref<1x8x128xf32, #tpu.memory_space<hbm>>
    %dma_start3A_205 = tpu.memref_squeeze %dma_start3A_204 : memref<1x8x128xf32, #tpu.memory_space<hbm>> -> memref<8x128xf32, #tpu.memory_space<hbm>>
    tpu.enqueue_dma source(%dma_start3A_205 : memref<8x128xf32, #tpu.memory_space<hbm>>) target(%dma_start3A_203 : memref<8x128xf32, #tpu.memory_space<vmem>>) target_semaphore(%arg14 : memref<!tpu.dma_semaphore, #tpu.memory_space<semaphore_mem>>)
    %dma_start3A_206 = arith.constant 4 : i32
    %dma_start3A_207 = arith.constant 0 : i32
    %dma_start3A_208 = arith.constant 4 : i32
    %dma_start3A_209 = arith.constant 0 : i32
    %dma_start3A_210 = arith.constant 0 : i32
    %dma_start3A_211 = tpu.memref_slice %arg8[%dma_start3A_207, %dma_start3A_208, %dma_start3A_209, %dma_start3A_210] : memref<2x10x8x128xf32, #tpu.memory_space<vmem>> -> memref<1x1x8x128xf32, #tpu.memory_space<vmem>>
    %dma_start3A_212 = tpu.memref_squeeze %dma_start3A_211 : memref<1x1x8x128xf32, #tpu.memory_space<vmem>> -> memref<8x128xf32, #tpu.memory_space<vmem>>
    %dma_start3A_213 = tpu.memref_slice %arg2[%dma_start3A_206, %mul3A_84, %mul3A_86] : memref<10x16x33600xf32, #tpu.memory_space<hbm>> -> memref<1x8x128xf32, #tpu.memory_space<hbm>>
    %dma_start3A_214 = tpu.memref_squeeze %dma_start3A_213 : memref<1x8x128xf32, #tpu.memory_space<hbm>> -> memref<8x128xf32, #tpu.memory_space<hbm>>
    %dma_start3A_215 = arith.constant 0 : i32
    %dma_start3A_216 = arith.constant 0 : i32
    %dma_start3A_217 = tpu.memref_slice %arg8[%dma_start3A_207, %dma_start3A_208, %dma_start3A_215, %dma_start3A_216] : memref<2x10x8x128xf32, #tpu.memory_space<vmem>> -> memref<1x1x8x128xf32, #tpu.memory_space<vmem>>
    %dma_start3A_218 = tpu.memref_squeeze %dma_start3A_217 : memref<1x1x8x128xf32, #tpu.memory_space<vmem>> -> memref<8x128xf32, #tpu.memory_space<vmem>>
    %dma_start3A_219 = tpu.memref_slice %arg2[%dma_start3A_206, %mul3A_84, %mul3A_86] : memref<10x16x33600xf32, #tpu.memory_space<hbm>> -> memref<1x8x128xf32, #tpu.memory_space<hbm>>
    %dma_start3A_220 = tpu.memref_squeeze %dma_start3A_219 : memref<1x8x128xf32, #tpu.memory_space<hbm>> -> memref<8x128xf32, #tpu.memory_space<hbm>>
    tpu.enqueue_dma source(%dma_start3A_220 : memref<8x128xf32, #tpu.memory_space<hbm>>) target(%dma_start3A_218 : memref<8x128xf32, #tpu.memory_space<vmem>>) target_semaphore(%arg14 : memref<!tpu.dma_semaphore, #tpu.memory_space<semaphore_mem>>)
    %dma_start3A_221 = arith.constant 6 : i32
    %dma_start3A_222 = arith.constant 0 : i32
    %dma_start3A_223 = arith.constant 4 : i32
    %dma_start3A_224 = arith.constant 0 : i32
    %dma_start3A_225 = arith.constant 0 : i32
    %dma_start3A_226 = tpu.memref_slice %arg9[%dma_start3A_222, %dma_start3A_223, %dma_start3A_224, %dma_start3A_225] : memref<2x10x8x128xf32, #tpu.memory_space<vmem>> -> memref<1x1x8x128xf32, #tpu.memory_space<vmem>>
    %dma_start3A_227 = tpu.memref_squeeze %dma_start3A_226 : memref<1x1x8x128xf32, #tpu.memory_space<vmem>> -> memref<8x128xf32, #tpu.memory_space<vmem>>
    %dma_start3A_228 = tpu.memref_slice %arg3[%dma_start3A_221, %mul3A_84, %mul3A_86] : memref<15x16x33600xf32, #tpu.memory_space<hbm>> -> memref<1x8x128xf32, #tpu.memory_space<hbm>>
    %dma_start3A_229 = tpu.memref_squeeze %dma_start3A_228 : memref<1x8x128xf32, #tpu.memory_space<hbm>> -> memref<8x128xf32, #tpu.memory_space<hbm>>
    %dma_start3A_230 = arith.constant 0 : i32
    %dma_start3A_231 = arith.constant 0 : i32
    %dma_start3A_232 = tpu.memref_slice %arg9[%dma_start3A_222, %dma_start3A_223, %dma_start3A_230, %dma_start3A_231] : memref<2x10x8x128xf32, #tpu.memory_space<vmem>> -> memref<1x1x8x128xf32, #tpu.memory_space<vmem>>
    %dma_start3A_233 = tpu.memref_squeeze %dma_start3A_232 : memref<1x1x8x128xf32, #tpu.memory_space<vmem>> -> memref<8x128xf32, #tpu.memory_space<vmem>>
    %dma_start3A_234 = tpu.memref_slice %arg3[%dma_start3A_221, %mul3A_84, %mul3A_86] : memref<15x16x33600xf32, #tpu.memory_space<hbm>> -> memref<1x8x128xf32, #tpu.memory_space<hbm>>
    %dma_start3A_235 = tpu.memref_squeeze %dma_start3A_234 : memref<1x8x128xf32, #tpu.memory_space<hbm>> -> memref<8x128xf32, #tpu.memory_space<hbm>>
    tpu.enqueue_dma source(%dma_start3A_235 : memref<8x128xf32, #tpu.memory_space<hbm>>) target(%dma_start3A_233 : memref<8x128xf32, #tpu.memory_space<vmem>>) target_semaphore(%arg14 : memref<!tpu.dma_semaphore, #tpu.memory_space<semaphore_mem>>)
    %dma_start3A_236 = arith.constant 5 : i32
    %dma_start3A_237 = arith.constant 0 : i32
    %dma_start3A_238 = arith.constant 5 : i32
    %dma_start3A_239 = arith.constant 0 : i32
    %dma_start3A_240 = arith.constant 0 : i32
    %dma_start3A_241 = tpu.memref_slice %arg8[%dma_start3A_237, %dma_start3A_238, %dma_start3A_239, %dma_start3A_240] : memref<2x10x8x128xf32, #tpu.memory_space<vmem>> -> memref<1x1x8x128xf32, #tpu.memory_space<vmem>>
    %dma_start3A_242 = tpu.memref_squeeze %dma_start3A_241 : memref<1x1x8x128xf32, #tpu.memory_space<vmem>> -> memref<8x128xf32, #tpu.memory_space<vmem>>
    %dma_start3A_243 = tpu.memref_slice %arg2[%dma_start3A_236, %mul3A_84, %mul3A_86] : memref<10x16x33600xf32, #tpu.memory_space<hbm>> -> memref<1x8x128xf32, #tpu.memory_space<hbm>>
    %dma_start3A_244 = tpu.memref_squeeze %dma_start3A_243 : memref<1x8x128xf32, #tpu.memory_space<hbm>> -> memref<8x128xf32, #tpu.memory_space<hbm>>
    %dma_start3A_245 = arith.constant 0 : i32
    %dma_start3A_246 = arith.constant 0 : i32
    %dma_start3A_247 = tpu.memref_slice %arg8[%dma_start3A_237, %dma_start3A_238, %dma_start3A_245, %dma_start3A_246] : memref<2x10x8x128xf32, #tpu.memory_space<vmem>> -> memref<1x1x8x128xf32, #tpu.memory_space<vmem>>
    %dma_start3A_248 = tpu.memref_squeeze %dma_start3A_247 : memref<1x1x8x128xf32, #tpu.memory_space<vmem>> -> memref<8x128xf32, #tpu.memory_space<vmem>>
    %dma_start3A_249 = tpu.memref_slice %arg2[%dma_start3A_236, %mul3A_84, %mul3A_86] : memref<10x16x33600xf32, #tpu.memory_space<hbm>> -> memref<1x8x128xf32, #tpu.memory_space<hbm>>
    %dma_start3A_250 = tpu.memref_squeeze %dma_start3A_249 : memref<1x8x128xf32, #tpu.memory_space<hbm>> -> memref<8x128xf32, #tpu.memory_space<hbm>>
    tpu.enqueue_dma source(%dma_start3A_250 : memref<8x128xf32, #tpu.memory_space<hbm>>) target(%dma_start3A_248 : memref<8x128xf32, #tpu.memory_space<vmem>>) target_semaphore(%arg14 : memref<!tpu.dma_semaphore, #tpu.memory_space<semaphore_mem>>)
    %dma_start3A_251 = arith.constant 7 : i32
    %dma_start3A_252 = arith.constant 0 : i32
    %dma_start3A_253 = arith.constant 5 : i32
    %dma_start3A_254 = arith.constant 0 : i32
    %dma_start3A_255 = arith.constant 0 : i32
    %dma_start3A_256 = tpu.memref_slice %arg9[%dma_start3A_252, %dma_start3A_253, %dma_start3A_254, %dma_start3A_255] : memref<2x10x8x128xf32, #tpu.memory_space<vmem>> -> memref<1x1x8x128xf32, #tpu.memory_space<vmem>>
    %dma_start3A_257 = tpu.memref_squeeze %dma_start3A_256 : memref<1x1x8x128xf32, #tpu.memory_space<vmem>> -> memref<8x128xf32, #tpu.memory_space<vmem>>
    %dma_start3A_258 = tpu.memref_slice %arg3[%dma_start3A_251, %mul3A_84, %mul3A_86] : memref<15x16x33600xf32, #tpu.memory_space<hbm>> -> memref<1x8x128xf32, #tpu.memory_space<hbm>>
    %dma_start3A_259 = tpu.memref_squeeze %dma_start3A_258 : memref<1x8x128xf32, #tpu.memory_space<hbm>> -> memref<8x128xf32, #tpu.memory_space<hbm>>
    %dma_start3A_260 = arith.constant 0 : i32
    %dma_start3A_261 = arith.constant 0 : i32
    %dma_start3A_262 = tpu.memref_slice %arg9[%dma_start3A_252, %dma_start3A_253, %dma_start3A_260, %dma_start3A_261] : memref<2x10x8x128xf32, #tpu.memory_space<vmem>> -> memref<1x1x8x128xf32, #tpu.memory_space<vmem>>
    %dma_start3A_263 = tpu.memref_squeeze %dma_start3A_262 : memref<1x1x8x128xf32, #tpu.memory_space<vmem>> -> memref<8x128xf32, #tpu.memory_space<vmem>>
    %dma_start3A_264 = tpu.memref_slice %arg3[%dma_start3A_251, %mul3A_84, %mul3A_86] : memref<15x16x33600xf32, #tpu.memory_space<hbm>> -> memref<1x8x128xf32, #tpu.memory_space<hbm>>
    %dma_start3A_265 = tpu.memref_squeeze %dma_start3A_264 : memref<1x8x128xf32, #tpu.memory_space<hbm>> -> memref<8x128xf32, #tpu.memory_space<hbm>>
    tpu.enqueue_dma source(%dma_start3A_265 : memref<8x128xf32, #tpu.memory_space<hbm>>) target(%dma_start3A_263 : memref<8x128xf32, #tpu.memory_space<vmem>>) target_semaphore(%arg14 : memref<!tpu.dma_semaphore, #tpu.memory_space<semaphore_mem>>)
    %dma_start3A_266 = arith.constant 6 : i32
    %dma_start3A_267 = arith.constant 0 : i32
    %dma_start3A_268 = arith.constant 6 : i32
    %dma_start3A_269 = arith.constant 0 : i32
    %dma_start3A_270 = arith.constant 0 : i32
    %dma_start3A_271 = tpu.memref_slice %arg8[%dma_start3A_267, %dma_start3A_268, %dma_start3A_269, %dma_start3A_270] : memref<2x10x8x128xf32, #tpu.memory_space<vmem>> -> memref<1x1x8x128xf32, #tpu.memory_space<vmem>>
    %dma_start3A_272 = tpu.memref_squeeze %dma_start3A_271 : memref<1x1x8x128xf32, #tpu.memory_space<vmem>> -> memref<8x128xf32, #tpu.memory_space<vmem>>
    %dma_start3A_273 = tpu.memref_slice %arg2[%dma_start3A_266, %mul3A_84, %mul3A_86] : memref<10x16x33600xf32, #tpu.memory_space<hbm>> -> memref<1x8x128xf32, #tpu.memory_space<hbm>>
    %dma_start3A_274 = tpu.memref_squeeze %dma_start3A_273 : memref<1x8x128xf32, #tpu.memory_space<hbm>> -> memref<8x128xf32, #tpu.memory_space<hbm>>
    %dma_start3A_275 = arith.constant 0 : i32
    %dma_start3A_276 = arith.constant 0 : i32
    %dma_start3A_277 = tpu.memref_slice %arg8[%dma_start3A_267, %dma_start3A_268, %dma_start3A_275, %dma_start3A_276] : memref<2x10x8x128xf32, #tpu.memory_space<vmem>> -> memref<1x1x8x128xf32, #tpu.memory_space<vmem>>
    %dma_start3A_278 = tpu.memref_squeeze %dma_start3A_277 : memref<1x1x8x128xf32, #tpu.memory_space<vmem>> -> memref<8x128xf32, #tpu.memory_space<vmem>>
    %dma_start3A_279 = tpu.memref_slice %arg2[%dma_start3A_266, %mul3A_84, %mul3A_86] : memref<10x16x33600xf32, #tpu.memory_space<hbm>> -> memref<1x8x128xf32, #tpu.memory_space<hbm>>
    %dma_start3A_280 = tpu.memref_squeeze %dma_start3A_279 : memref<1x8x128xf32, #tpu.memory_space<hbm>> -> memref<8x128xf32, #tpu.memory_space<hbm>>
    tpu.enqueue_dma source(%dma_start3A_280 : memref<8x128xf32, #tpu.memory_space<hbm>>) target(%dma_start3A_278 : memref<8x128xf32, #tpu.memory_space<vmem>>) target_semaphore(%arg14 : memref<!tpu.dma_semaphore, #tpu.memory_space<semaphore_mem>>)
    %dma_start3A_281 = arith.constant 9 : i32
    %dma_start3A_282 = arith.constant 0 : i32
    %dma_start3A_283 = arith.constant 6 : i32
    %dma_start3A_284 = arith.constant 0 : i32
    %dma_start3A_285 = arith.constant 0 : i32
    %dma_start3A_286 = tpu.memref_slice %arg9[%dma_start3A_282, %dma_start3A_283, %dma_start3A_284, %dma_start3A_285] : memref<2x10x8x128xf32, #tpu.memory_space<vmem>> -> memref<1x1x8x128xf32, #tpu.memory_space<vmem>>
    %dma_start3A_287 = tpu.memref_squeeze %dma_start3A_286 : memref<1x1x8x128xf32, #tpu.memory_space<vmem>> -> memref<8x128xf32, #tpu.memory_space<vmem>>
    %dma_start3A_288 = tpu.memref_slice %arg3[%dma_start3A_281, %mul3A_84, %mul3A_86] : memref<15x16x33600xf32, #tpu.memory_space<hbm>> -> memref<1x8x128xf32, #tpu.memory_space<hbm>>
    %dma_start3A_289 = tpu.memref_squeeze %dma_start3A_288 : memref<1x8x128xf32, #tpu.memory_space<hbm>> -> memref<8x128xf32, #tpu.memory_space<hbm>>
    %dma_start3A_290 = arith.constant 0 : i32
    %dma_start3A_291 = arith.constant 0 : i32
    %dma_start3A_292 = tpu.memref_slice %arg9[%dma_start3A_282, %dma_start3A_283, %dma_start3A_290, %dma_start3A_291] : memref<2x10x8x128xf32, #tpu.memory_space<vmem>> -> memref<1x1x8x128xf32, #tpu.memory_space<vmem>>
    %dma_start3A_293 = tpu.memref_squeeze %dma_start3A_292 : memref<1x1x8x128xf32, #tpu.memory_space<vmem>> -> memref<8x128xf32, #tpu.memory_space<vmem>>
    %dma_start3A_294 = tpu.memref_slice %arg3[%dma_start3A_281, %mul3A_84, %mul3A_86] : memref<15x16x33600xf32, #tpu.memory_space<hbm>> -> memref<1x8x128xf32, #tpu.memory_space<hbm>>
    %dma_start3A_295 = tpu.memref_squeeze %dma_start3A_294 : memref<1x8x128xf32, #tpu.memory_space<hbm>> -> memref<8x128xf32, #tpu.memory_space<hbm>>
    tpu.enqueue_dma source(%dma_start3A_295 : memref<8x128xf32, #tpu.memory_space<hbm>>) target(%dma_start3A_293 : memref<8x128xf32, #tpu.memory_space<vmem>>) target_semaphore(%arg14 : memref<!tpu.dma_semaphore, #tpu.memory_space<semaphore_mem>>)
    %dma_start3A_296 = arith.constant 7 : i32
    %dma_start3A_297 = arith.constant 0 : i32
    %dma_start3A_298 = arith.constant 7 : i32
    %dma_start3A_299 = arith.constant 0 : i32
    %dma_start3A_300 = arith.constant 0 : i32
    %dma_start3A_301 = tpu.memref_slice %arg8[%dma_start3A_297, %dma_start3A_298, %dma_start3A_299, %dma_start3A_300] : memref<2x10x8x128xf32, #tpu.memory_space<vmem>> -> memref<1x1x8x128xf32, #tpu.memory_space<vmem>>
    %dma_start3A_302 = tpu.memref_squeeze %dma_start3A_301 : memref<1x1x8x128xf32, #tpu.memory_space<vmem>> -> memref<8x128xf32, #tpu.memory_space<vmem>>
    %dma_start3A_303 = tpu.memref_slice %arg2[%dma_start3A_296, %mul3A_84, %mul3A_86] : memref<10x16x33600xf32, #tpu.memory_space<hbm>> -> memref<1x8x128xf32, #tpu.memory_space<hbm>>
    %dma_start3A_304 = tpu.memref_squeeze %dma_start3A_303 : memref<1x8x128xf32, #tpu.memory_space<hbm>> -> memref<8x128xf32, #tpu.memory_space<hbm>>
    %dma_start3A_305 = arith.constant 0 : i32
    %dma_start3A_306 = arith.constant 0 : i32
    %dma_start3A_307 = tpu.memref_slice %arg8[%dma_start3A_297, %dma_start3A_298, %dma_start3A_305, %dma_start3A_306] : memref<2x10x8x128xf32, #tpu.memory_space<vmem>> -> memref<1x1x8x128xf32, #tpu.memory_space<vmem>>
    %dma_start3A_308 = tpu.memref_squeeze %dma_start3A_307 : memref<1x1x8x128xf32, #tpu.memory_space<vmem>> -> memref<8x128xf32, #tpu.memory_space<vmem>>
    %dma_start3A_309 = tpu.memref_slice %arg2[%dma_start3A_296, %mul3A_84, %mul3A_86] : memref<10x16x33600xf32, #tpu.memory_space<hbm>> -> memref<1x8x128xf32, #tpu.memory_space<hbm>>
    %dma_start3A_310 = tpu.memref_squeeze %dma_start3A_309 : memref<1x8x128xf32, #tpu.memory_space<hbm>> -> memref<8x128xf32, #tpu.memory_space<hbm>>
    tpu.enqueue_dma source(%dma_start3A_310 : memref<8x128xf32, #tpu.memory_space<hbm>>) target(%dma_start3A_308 : memref<8x128xf32, #tpu.memory_space<vmem>>) target_semaphore(%arg14 : memref<!tpu.dma_semaphore, #tpu.memory_space<semaphore_mem>>)
    %dma_start3A_311 = arith.constant 10 : i32
    %dma_start3A_312 = arith.constant 0 : i32
    %dma_start3A_313 = arith.constant 7 : i32
    %dma_start3A_314 = arith.constant 0 : i32
    %dma_start3A_315 = arith.constant 0 : i32
    %dma_start3A_316 = tpu.memref_slice %arg9[%dma_start3A_312, %dma_start3A_313, %dma_start3A_314, %dma_start3A_315] : memref<2x10x8x128xf32, #tpu.memory_space<vmem>> -> memref<1x1x8x128xf32, #tpu.memory_space<vmem>>
    %dma_start3A_317 = tpu.memref_squeeze %dma_start3A_316 : memref<1x1x8x128xf32, #tpu.memory_space<vmem>> -> memref<8x128xf32, #tpu.memory_space<vmem>>
    %dma_start3A_318 = tpu.memref_slice %arg3[%dma_start3A_311, %mul3A_84, %mul3A_86] : memref<15x16x33600xf32, #tpu.memory_space<hbm>> -> memref<1x8x128xf32, #tpu.memory_space<hbm>>
    %dma_start3A_319 = tpu.memref_squeeze %dma_start3A_318 : memref<1x8x128xf32, #tpu.memory_space<hbm>> -> memref<8x128xf32, #tpu.memory_space<hbm>>
    %dma_start3A_320 = arith.constant 0 : i32
    %dma_start3A_321 = arith.constant 0 : i32
    %dma_start3A_322 = tpu.memref_slice %arg9[%dma_start3A_312, %dma_start3A_313, %dma_start3A_320, %dma_start3A_321] : memref<2x10x8x128xf32, #tpu.memory_space<vmem>> -> memref<1x1x8x128xf32, #tpu.memory_space<vmem>>
    %dma_start3A_323 = tpu.memref_squeeze %dma_start3A_322 : memref<1x1x8x128xf32, #tpu.memory_space<vmem>> -> memref<8x128xf32, #tpu.memory_space<vmem>>
    %dma_start3A_324 = tpu.memref_slice %arg3[%dma_start3A_311, %mul3A_84, %mul3A_86] : memref<15x16x33600xf32, #tpu.memory_space<hbm>> -> memref<1x8x128xf32, #tpu.memory_space<hbm>>
    %dma_start3A_325 = tpu.memref_squeeze %dma_start3A_324 : memref<1x8x128xf32, #tpu.memory_space<hbm>> -> memref<8x128xf32, #tpu.memory_space<hbm>>
    tpu.enqueue_dma source(%dma_start3A_325 : memref<8x128xf32, #tpu.memory_space<hbm>>) target(%dma_start3A_323 : memref<8x128xf32, #tpu.memory_space<vmem>>) target_semaphore(%arg14 : memref<!tpu.dma_semaphore, #tpu.memory_space<semaphore_mem>>)
    %dma_start3A_326 = arith.constant 8 : i32
    %dma_start3A_327 = arith.constant 0 : i32
    %dma_start3A_328 = arith.constant 8 : i32
    %dma_start3A_329 = arith.constant 0 : i32
    %dma_start3A_330 = arith.constant 0 : i32
    %dma_start3A_331 = tpu.memref_slice %arg8[%dma_start3A_327, %dma_start3A_328, %dma_start3A_329, %dma_start3A_330] : memref<2x10x8x128xf32, #tpu.memory_space<vmem>> -> memref<1x1x8x128xf32, #tpu.memory_space<vmem>>
    %dma_start3A_332 = tpu.memref_squeeze %dma_start3A_331 : memref<1x1x8x128xf32, #tpu.memory_space<vmem>> -> memref<8x128xf32, #tpu.memory_space<vmem>>
    %dma_start3A_333 = tpu.memref_slice %arg2[%dma_start3A_326, %mul3A_84, %mul3A_86] : memref<10x16x33600xf32, #tpu.memory_space<hbm>> -> memref<1x8x128xf32, #tpu.memory_space<hbm>>
    %dma_start3A_334 = tpu.memref_squeeze %dma_start3A_333 : memref<1x8x128xf32, #tpu.memory_space<hbm>> -> memref<8x128xf32, #tpu.memory_space<hbm>>
    %dma_start3A_335 = arith.constant 0 : i32
    %dma_start3A_336 = arith.constant 0 : i32
    %dma_start3A_337 = tpu.memref_slice %arg8[%dma_start3A_327, %dma_start3A_328, %dma_start3A_335, %dma_start3A_336] : memref<2x10x8x128xf32, #tpu.memory_space<vmem>> -> memref<1x1x8x128xf32, #tpu.memory_space<vmem>>
    %dma_start3A_338 = tpu.memref_squeeze %dma_start3A_337 : memref<1x1x8x128xf32, #tpu.memory_space<vmem>> -> memref<8x128xf32, #tpu.memory_space<vmem>>
    %dma_start3A_339 = tpu.memref_slice %arg2[%dma_start3A_326, %mul3A_84, %mul3A_86] : memref<10x16x33600xf32, #tpu.memory_space<hbm>> -> memref<1x8x128xf32, #tpu.memory_space<hbm>>
    %dma_start3A_340 = tpu.memref_squeeze %dma_start3A_339 : memref<1x8x128xf32, #tpu.memory_space<hbm>> -> memref<8x128xf32, #tpu.memory_space<hbm>>
    tpu.enqueue_dma source(%dma_start3A_340 : memref<8x128xf32, #tpu.memory_space<hbm>>) target(%dma_start3A_338 : memref<8x128xf32, #tpu.memory_space<vmem>>) target_semaphore(%arg14 : memref<!tpu.dma_semaphore, #tpu.memory_space<semaphore_mem>>)
    %dma_start3A_341 = arith.constant 12 : i32
    %dma_start3A_342 = arith.constant 0 : i32
    %dma_start3A_343 = arith.constant 8 : i32
    %dma_start3A_344 = arith.constant 0 : i32
    %dma_start3A_345 = arith.constant 0 : i32
    %dma_start3A_346 = tpu.memref_slice %arg9[%dma_start3A_342, %dma_start3A_343, %dma_start3A_344, %dma_start3A_345] : memref<2x10x8x128xf32, #tpu.memory_space<vmem>> -> memref<1x1x8x128xf32, #tpu.memory_space<vmem>>
    %dma_start3A_347 = tpu.memref_squeeze %dma_start3A_346 : memref<1x1x8x128xf32, #tpu.memory_space<vmem>> -> memref<8x128xf32, #tpu.memory_space<vmem>>
    %dma_start3A_348 = tpu.memref_slice %arg3[%dma_start3A_341, %mul3A_84, %mul3A_86] : memref<15x16x33600xf32, #tpu.memory_space<hbm>> -> memref<1x8x128xf32, #tpu.memory_space<hbm>>
    %dma_start3A_349 = tpu.memref_squeeze %dma_start3A_348 : memref<1x8x128xf32, #tpu.memory_space<hbm>> -> memref<8x128xf32, #tpu.memory_space<hbm>>
    %dma_start3A_350 = arith.constant 0 : i32
    %dma_start3A_351 = arith.constant 0 : i32
    %dma_start3A_352 = tpu.memref_slice %arg9[%dma_start3A_342, %dma_start3A_343, %dma_start3A_350, %dma_start3A_351] : memref<2x10x8x128xf32, #tpu.memory_space<vmem>> -> memref<1x1x8x128xf32, #tpu.memory_space<vmem>>
    %dma_start3A_353 = tpu.memref_squeeze %dma_start3A_352 : memref<1x1x8x128xf32, #tpu.memory_space<vmem>> -> memref<8x128xf32, #tpu.memory_space<vmem>>
    %dma_start3A_354 = tpu.memref_slice %arg3[%dma_start3A_341, %mul3A_84, %mul3A_86] : memref<15x16x33600xf32, #tpu.memory_space<hbm>> -> memref<1x8x128xf32, #tpu.memory_space<hbm>>
    %dma_start3A_355 = tpu.memref_squeeze %dma_start3A_354 : memref<1x8x128xf32, #tpu.memory_space<hbm>> -> memref<8x128xf32, #tpu.memory_space<hbm>>
    tpu.enqueue_dma source(%dma_start3A_355 : memref<8x128xf32, #tpu.memory_space<hbm>>) target(%dma_start3A_353 : memref<8x128xf32, #tpu.memory_space<vmem>>) target_semaphore(%arg14 : memref<!tpu.dma_semaphore, #tpu.memory_space<semaphore_mem>>)
    %dma_start3A_356 = arith.constant 9 : i32
    %dma_start3A_357 = arith.constant 0 : i32
    %dma_start3A_358 = arith.constant 9 : i32
    %dma_start3A_359 = arith.constant 0 : i32
    %dma_start3A_360 = arith.constant 0 : i32
    %dma_start3A_361 = tpu.memref_slice %arg8[%dma_start3A_357, %dma_start3A_358, %dma_start3A_359, %dma_start3A_360] : memref<2x10x8x128xf32, #tpu.memory_space<vmem>> -> memref<1x1x8x128xf32, #tpu.memory_space<vmem>>
    %dma_start3A_362 = tpu.memref_squeeze %dma_start3A_361 : memref<1x1x8x128xf32, #tpu.memory_space<vmem>> -> memref<8x128xf32, #tpu.memory_space<vmem>>
    %dma_start3A_363 = tpu.memref_slice %arg2[%dma_start3A_356, %mul3A_84, %mul3A_86] : memref<10x16x33600xf32, #tpu.memory_space<hbm>> -> memref<1x8x128xf32, #tpu.memory_space<hbm>>
    %dma_start3A_364 = tpu.memref_squeeze %dma_start3A_363 : memref<1x8x128xf32, #tpu.memory_space<hbm>> -> memref<8x128xf32, #tpu.memory_space<hbm>>
    %dma_start3A_365 = arith.constant 0 : i32
    %dma_start3A_366 = arith.constant 0 : i32
    %dma_start3A_367 = tpu.memref_slice %arg8[%dma_start3A_357, %dma_start3A_358, %dma_start3A_365, %dma_start3A_366] : memref<2x10x8x128xf32, #tpu.memory_space<vmem>> -> memref<1x1x8x128xf32, #tpu.memory_space<vmem>>
    %dma_start3A_368 = tpu.memref_squeeze %dma_start3A_367 : memref<1x1x8x128xf32, #tpu.memory_space<vmem>> -> memref<8x128xf32, #tpu.memory_space<vmem>>
    %dma_start3A_369 = tpu.memref_slice %arg2[%dma_start3A_356, %mul3A_84, %mul3A_86] : memref<10x16x33600xf32, #tpu.memory_space<hbm>> -> memref<1x8x128xf32, #tpu.memory_space<hbm>>
    %dma_start3A_370 = tpu.memref_squeeze %dma_start3A_369 : memref<1x8x128xf32, #tpu.memory_space<hbm>> -> memref<8x128xf32, #tpu.memory_space<hbm>>
    tpu.enqueue_dma source(%dma_start3A_370 : memref<8x128xf32, #tpu.memory_space<hbm>>) target(%dma_start3A_368 : memref<8x128xf32, #tpu.memory_space<vmem>>) target_semaphore(%arg14 : memref<!tpu.dma_semaphore, #tpu.memory_space<semaphore_mem>>)
    %dma_start3A_371 = arith.constant 13 : i32
    %dma_start3A_372 = arith.constant 0 : i32
    %dma_start3A_373 = arith.constant 9 : i32
    %dma_start3A_374 = arith.constant 0 : i32
    %dma_start3A_375 = arith.constant 0 : i32
    %dma_start3A_376 = tpu.memref_slice %arg9[%dma_start3A_372, %dma_start3A_373, %dma_start3A_374, %dma_start3A_375] : memref<2x10x8x128xf32, #tpu.memory_space<vmem>> -> memref<1x1x8x128xf32, #tpu.memory_space<vmem>>
    %dma_start3A_377 = tpu.memref_squeeze %dma_start3A_376 : memref<1x1x8x128xf32, #tpu.memory_space<vmem>> -> memref<8x128xf32, #tpu.memory_space<vmem>>
    %dma_start3A_378 = tpu.memref_slice %arg3[%dma_start3A_371, %mul3A_84, %mul3A_86] : memref<15x16x33600xf32, #tpu.memory_space<hbm>> -> memref<1x8x128xf32, #tpu.memory_space<hbm>>
    %dma_start3A_379 = tpu.memref_squeeze %dma_start3A_378 : memref<1x8x128xf32, #tpu.memory_space<hbm>> -> memref<8x128xf32, #tpu.memory_space<hbm>>
    %dma_start3A_380 = arith.constant 0 : i32
    %dma_start3A_381 = arith.constant 0 : i32
    %dma_start3A_382 = tpu.memref_slice %arg9[%dma_start3A_372, %dma_start3A_373, %dma_start3A_380, %dma_start3A_381] : memref<2x10x8x128xf32, #tpu.memory_space<vmem>> -> memref<1x1x8x128xf32, #tpu.memory_space<vmem>>
    %dma_start3A_383 = tpu.memref_squeeze %dma_start3A_382 : memref<1x1x8x128xf32, #tpu.memory_space<vmem>> -> memref<8x128xf32, #tpu.memory_space<vmem>>
    %dma_start3A_384 = tpu.memref_slice %arg3[%dma_start3A_371, %mul3A_84, %mul3A_86] : memref<15x16x33600xf32, #tpu.memory_space<hbm>> -> memref<1x8x128xf32, #tpu.memory_space<hbm>>
    %dma_start3A_385 = tpu.memref_squeeze %dma_start3A_384 : memref<1x8x128xf32, #tpu.memory_space<hbm>> -> memref<8x128xf32, #tpu.memory_space<hbm>>
    tpu.enqueue_dma source(%dma_start3A_385 : memref<8x128xf32, #tpu.memory_space<hbm>>) target(%dma_start3A_383 : memref<8x128xf32, #tpu.memory_space<vmem>>) target_semaphore(%arg14 : memref<!tpu.dma_semaphore, #tpu.memory_space<semaphore_mem>>)
    %dma_start3A_386 = arith.constant 0 : i32
    %dma_start3A_387 = arith.constant 0 : i32
    %dma_start3A_388 = arith.constant 0 : i32
    %dma_start3A_389 = tpu.memref_slice %arg10[%dma_start3A_386, %dma_start3A_387, %dma_start3A_388] : memref<2x8x128xf32, #tpu.memory_space<vmem>> -> memref<1x8x128xf32, #tpu.memory_space<vmem>>
    %dma_start3A_390 = tpu.memref_squeeze %dma_start3A_389 : memref<1x8x128xf32, #tpu.memory_space<vmem>> -> memref<8x128xf32, #tpu.memory_space<vmem>>
    %dma_start3A_391 = tpu.memref_slice %arg4[%mul3A_84, %mul3A_86] : memref<16x33600xf32, #tpu.memory_space<hbm>> -> memref<8x128xf32, #tpu.memory_space<hbm>>
    %dma_start3A_392 = arith.constant 0 : i32
    %dma_start3A_393 = arith.constant 0 : i32
    %dma_start3A_394 = tpu.memref_slice %arg10[%dma_start3A_386, %dma_start3A_392, %dma_start3A_393] : memref<2x8x128xf32, #tpu.memory_space<vmem>> -> memref<1x8x128xf32, #tpu.memory_space<vmem>>
    %dma_start3A_395 = tpu.memref_squeeze %dma_start3A_394 : memref<1x8x128xf32, #tpu.memory_space<vmem>> -> memref<8x128xf32, #tpu.memory_space<vmem>>
    %dma_start3A_396 = tpu.memref_slice %arg4[%mul3A_84, %mul3A_86] : memref<16x33600xf32, #tpu.memory_space<hbm>> -> memref<8x128xf32, #tpu.memory_space<hbm>>
    tpu.enqueue_dma source(%dma_start3A_396 : memref<8x128xf32, #tpu.memory_space<hbm>>) target(%dma_start3A_395 : memref<8x128xf32, #tpu.memory_space<vmem>>) target_semaphore(%arg14 : memref<!tpu.dma_semaphore, #tpu.memory_space<semaphore_mem>>)
    %dma_start3A_397 = arith.constant 0 : i32
    %dma_start3A_398 = arith.constant 0 : i32
    %dma_start3A_399 = arith.constant 0 : i32
    %dma_start3A_400 = tpu.memref_slice %arg11[%dma_start3A_397, %dma_start3A_398, %dma_start3A_399] : memref<2x8x128xf32, #tpu.memory_space<vmem>> -> memref<1x8x128xf32, #tpu.memory_space<vmem>>
    %dma_start3A_401 = tpu.memref_squeeze %dma_start3A_400 : memref<1x8x128xf32, #tpu.memory_space<vmem>> -> memref<8x128xf32, #tpu.memory_space<vmem>>
    %dma_start3A_402 = tpu.memref_slice %arg5[%mul3A_84, %mul3A_86] : memref<16x33600xf32, #tpu.memory_space<hbm>> -> memref<8x128xf32, #tpu.memory_space<hbm>>
    %dma_start3A_403 = arith.constant 0 : i32
    %dma_start3A_404 = arith.constant 0 : i32
    %dma_start3A_405 = tpu.memref_slice %arg11[%dma_start3A_397, %dma_start3A_403, %dma_start3A_404] : memref<2x8x128xf32, #tpu.memory_space<vmem>> -> memref<1x8x128xf32, #tpu.memory_space<vmem>>
    %dma_start3A_406 = tpu.memref_squeeze %dma_start3A_405 : memref<1x8x128xf32, #tpu.memory_space<vmem>> -> memref<8x128xf32, #tpu.memory_space<vmem>>
    %dma_start3A_407 = tpu.memref_slice %arg5[%mul3A_84, %mul3A_86] : memref<16x33600xf32, #tpu.memory_space<hbm>> -> memref<8x128xf32, #tpu.memory_space<hbm>>
    tpu.enqueue_dma source(%dma_start3A_407 : memref<8x128xf32, #tpu.memory_space<hbm>>) target(%dma_start3A_406 : memref<8x128xf32, #tpu.memory_space<vmem>>) target_semaphore(%arg14 : memref<!tpu.dma_semaphore, #tpu.memory_space<semaphore_mem>>)
    %dma_start3A_408 = arith.constant 0 : i32
    %dma_start3A_409 = arith.constant 0 : i32
    %dma_start3A_410 = tpu.memref_slice %arg12[%dma_start3A_408, %dma_start3A_409] : memref<2x128xf32, #tpu.memory_space<vmem>> -> memref<1x128xf32, #tpu.memory_space<vmem>>
    %dma_start3A_411 = tpu.memref_squeeze %dma_start3A_410 : memref<1x128xf32, #tpu.memory_space<vmem>> -> memref<128xf32, #tpu.memory_space<vmem>>
    %dma_start3A_412 = tpu.memref_slice %arg6[%mul3A_86] : memref<33600xf32, #tpu.memory_space<hbm>> -> memref<128xf32, #tpu.memory_space<hbm>>
    %dma_start3A_413 = arith.constant 0 : i32
    %dma_start3A_414 = tpu.memref_slice %arg12[%dma_start3A_408, %dma_start3A_413] : memref<2x128xf32, #tpu.memory_space<vmem>> -> memref<1x128xf32, #tpu.memory_space<vmem>>
    %dma_start3A_415 = tpu.memref_squeeze %dma_start3A_414 : memref<1x128xf32, #tpu.memory_space<vmem>> -> memref<128xf32, #tpu.memory_space<vmem>>
    %dma_start3A_416 = tpu.memref_slice %arg6[%mul3A_86] : memref<33600xf32, #tpu.memory_space<hbm>> -> memref<128xf32, #tpu.memory_space<hbm>>
    tpu.enqueue_dma source(%dma_start3A_416 : memref<128xf32, #tpu.memory_space<hbm>>) target(%dma_start3A_415 : memref<128xf32, #tpu.memory_space<vmem>>) target_semaphore(%arg14 : memref<!tpu.dma_semaphore, #tpu.memory_space<semaphore_mem>>)
    %broadcast_in_dim3A = arith.constant 0.000000e+00 : f32
    %broadcast_in_dim3A_417 = vector.broadcast %broadcast_in_dim3A : f32 to vector<16xf32>
    %broadcast_in_dim3A_418 = arith.constant 0.000000e+00 : f32
    %broadcast_in_dim3A_419 = vector.broadcast %broadcast_in_dim3A_418 : f32 to vector<16xf32>
    %scan3A = arith.constant 0 : i32
    %scan3A_420 = arith.constant 5 : i32
    %scan3A_421 = arith.addi %scan3A, %scan3A_420 : i32
    %scan3A_422 = arith.constant 1 : i32
    %scan3A_423:2 = scf.for %scan3A_432 = %scan3A to %scan3A_421 step %scan3A_422 iter_args(%scan3A_433 = %broadcast_in_dim3A_417, %scan3A_434 = %broadcast_in_dim3A_419) -> (vector<16xf32>, vector<16xf32>)  : i32 {
      %mul3A_435 = arith.constant 2 : i32
      %mul3A_436 = arith.muli %scan3A_432, %mul3A_435 : i32
      %add3A_437 = arith.constant 0 : i32
      %add3A_438 = arith.addi %mul3A_436, %add3A_437 : i32
      %add3A_439 = arith.constant 1 : i32
      %add3A_440 = arith.addi %add3A_438, %add3A_439 : i32
      %lt3A_441 = arith.cmpi slt, %add3A_440, %sub3A_47 : i32
      %convert_element_type3A = arith.extui %lt3A_441 : i1 to i32
      %cond3A = arith.constant 0 : i32
      %cond3A_442 = arith.cmpi ne, %convert_element_type3A, %cond3A : i32
      scf.if %cond3A_442 {
        %add3A_632 = arith.constant 1 : i32
        %add3A_633 = arith.addi %add3A_438, %add3A_632 : i32
        %sub3A_634 = arith.constant 1 : i32
        %sub3A_635 = arith.subi %sub3A_47, %sub3A_634 : i32
        %min3A_636 = arith.minsi %add3A_633, %sub3A_635 : i32
        %add3A_637 = arith.addi %select_n3A, %min3A_636 : i32
        %jit3A_638 = arith.constant 2 : i32
        %div3A_639 = arith.divsi %add3A_637, %jit3A_638 : i32
        %sign3A_640 = arith.constant 0 : i32
        %sign3A_641 = arith.cmpi sgt, %add3A_637, %sign3A_640 : i32
        %sign3A_642 = arith.extui %sign3A_641 : i1 to i32
        %sign3A_643 = arith.constant 0 : i32
        %sign3A_644 = arith.cmpi slt, %add3A_637, %sign3A_643 : i32
        %sign3A_645 = arith.extui %sign3A_644 : i1 to i32
        %sign3A_646 = arith.subi %sign3A_642, %sign3A_645 : i32
        %sign3A_647 = arith.constant 0 : i32
        %sign3A_648 = arith.cmpi sgt, %jit3A_638, %sign3A_647 : i32
        %sign3A_649 = arith.extui %sign3A_648 : i1 to i32
        %sign3A_650 = arith.constant 0 : i32
        %sign3A_651 = arith.cmpi slt, %jit3A_638, %sign3A_650 : i32
        %sign3A_652 = arith.extui %sign3A_651 : i1 to i32
        %sign3A_653 = arith.subi %sign3A_649, %sign3A_652 : i32
        %ne3A_654 = arith.cmpi ne, %sign3A_646, %sign3A_653 : i32
        %rem3A_655 = arith.remsi %add3A_637, %jit3A_638 : i32
        %ne3A_656 = arith.constant 0 : i32
        %ne3A_657 = arith.cmpi ne, %rem3A_655, %ne3A_656 : i32
        %and3A_658 = arith.andi %ne3A_654, %ne3A_657 : i1
        %sub3A_659 = arith.constant 1 : i32
        %sub3A_660 = arith.subi %div3A_639, %sub3A_659 : i32
        %select_n3A_661 = arith.select %and3A_658, %sub3A_660, %div3A_639 : i32
        %mul3A_662 = arith.constant 2 : i32
        %mul3A_663 = arith.muli %select_n3A_661, %mul3A_662 : i32
        %sub3A_664 = arith.subi %add3A_637, %mul3A_663 : i32
        %lt3A_665 = arith.constant 136 : i32
        %lt3A_666 = arith.cmpi slt, %select_n3A_661, %lt3A_665 : i32
        %add3A_667 = arith.constant 120 : i32
        %add3A_668 = arith.addi %select_n3A_661, %add3A_667 : i32
        %select_n3A_669 = arith.select %lt3A_666, %select_n3A_661, %add3A_668 : i32
        %mul3A_670 = arith.constant 8 : i32
        %mul3A_671 = arith.muli %sub3A_664, %mul3A_670 : i32
        %mul3A_672 = arith.constant 128 : i32
        %mul3A_673 = arith.muli %select_n3A_669, %mul3A_672 : i32
        %dma_start3A_674 = arith.constant 0 : i32
        %dma_start3A_675 = arith.constant 1 : i32
        %dma_start3A_676 = arith.constant 0 : i32
        %dma_start3A_677 = arith.constant 0 : i32
        %dma_start3A_678 = arith.constant 0 : i32
        %dma_start3A_679 = tpu.memref_slice %arg8[%dma_start3A_675, %dma_start3A_676, %dma_start3A_677, %dma_start3A_678] : memref<2x10x8x128xf32, #tpu.memory_space<vmem>> -> memref<1x1x8x128xf32, #tpu.memory_space<vmem>>
        %dma_start3A_680 = tpu.memref_squeeze %dma_start3A_679 : memref<1x1x8x128xf32, #tpu.memory_space<vmem>> -> memref<8x128xf32, #tpu.memory_space<vmem>>
        %dma_start3A_681 = tpu.memref_slice %arg2[%dma_start3A_674, %mul3A_671, %mul3A_673] : memref<10x16x33600xf32, #tpu.memory_space<hbm>> -> memref<1x8x128xf32, #tpu.memory_space<hbm>>
        %dma_start3A_682 = tpu.memref_squeeze %dma_start3A_681 : memref<1x8x128xf32, #tpu.memory_space<hbm>> -> memref<8x128xf32, #tpu.memory_space<hbm>>
        %dma_start3A_683 = arith.constant 0 : i32
        %dma_start3A_684 = arith.constant 0 : i32
        %dma_start3A_685 = tpu.memref_slice %arg8[%dma_start3A_675, %dma_start3A_676, %dma_start3A_683, %dma_start3A_684] : memref<2x10x8x128xf32, #tpu.memory_space<vmem>> -> memref<1x1x8x128xf32, #tpu.memory_space<vmem>>
        %dma_start3A_686 = tpu.memref_squeeze %dma_start3A_685 : memref<1x1x8x128xf32, #tpu.memory_space<vmem>> -> memref<8x128xf32, #tpu.memory_space<vmem>>
        %dma_start3A_687 = tpu.memref_slice %arg2[%dma_start3A_674, %mul3A_671, %mul3A_673] : memref<10x16x33600xf32, #tpu.memory_space<hbm>> -> memref<1x8x128xf32, #tpu.memory_space<hbm>>
        %dma_start3A_688 = tpu.memref_squeeze %dma_start3A_687 : memref<1x8x128xf32, #tpu.memory_space<hbm>> -> memref<8x128xf32, #tpu.memory_space<hbm>>
        tpu.enqueue_dma source(%dma_start3A_688 : memref<8x128xf32, #tpu.memory_space<hbm>>) target(%dma_start3A_686 : memref<8x128xf32, #tpu.memory_space<vmem>>) target_semaphore(%arg15 : memref<!tpu.dma_semaphore, #tpu.memory_space<semaphore_mem>>)
        %dma_start3A_689 = arith.constant 0 : i32
        %dma_start3A_690 = arith.constant 1 : i32
        %dma_start3A_691 = arith.constant 0 : i32
        %dma_start3A_692 = arith.constant 0 : i32
        %dma_start3A_693 = arith.constant 0 : i32
        %dma_start3A_694 = tpu.memref_slice %arg9[%dma_start3A_690, %dma_start3A_691, %dma_start3A_692, %dma_start3A_693] : memref<2x10x8x128xf32, #tpu.memory_space<vmem>> -> memref<1x1x8x128xf32, #tpu.memory_space<vmem>>
        %dma_start3A_695 = tpu.memref_squeeze %dma_start3A_694 : memref<1x1x8x128xf32, #tpu.memory_space<vmem>> -> memref<8x128xf32, #tpu.memory_space<vmem>>
        %dma_start3A_696 = tpu.memref_slice %arg3[%dma_start3A_689, %mul3A_671, %mul3A_673] : memref<15x16x33600xf32, #tpu.memory_space<hbm>> -> memref<1x8x128xf32, #tpu.memory_space<hbm>>
        %dma_start3A_697 = tpu.memref_squeeze %dma_start3A_696 : memref<1x8x128xf32, #tpu.memory_space<hbm>> -> memref<8x128xf32, #tpu.memory_space<hbm>>
        %dma_start3A_698 = arith.constant 0 : i32
        %dma_start3A_699 = arith.constant 0 : i32
        %dma_start3A_700 = tpu.memref_slice %arg9[%dma_start3A_690, %dma_start3A_691, %dma_start3A_698, %dma_start3A_699] : memref<2x10x8x128xf32, #tpu.memory_space<vmem>> -> memref<1x1x8x128xf32, #tpu.memory_space<vmem>>
        %dma_start3A_701 = tpu.memref_squeeze %dma_start3A_700 : memref<1x1x8x128xf32, #tpu.memory_space<vmem>> -> memref<8x128xf32, #tpu.memory_space<vmem>>
        %dma_start3A_702 = tpu.memref_slice %arg3[%dma_start3A_689, %mul3A_671, %mul3A_673] : memref<15x16x33600xf32, #tpu.memory_space<hbm>> -> memref<1x8x128xf32, #tpu.memory_space<hbm>>
        %dma_start3A_703 = tpu.memref_squeeze %dma_start3A_702 : memref<1x8x128xf32, #tpu.memory_space<hbm>> -> memref<8x128xf32, #tpu.memory_space<hbm>>
        tpu.enqueue_dma source(%dma_start3A_703 : memref<8x128xf32, #tpu.memory_space<hbm>>) target(%dma_start3A_701 : memref<8x128xf32, #tpu.memory_space<vmem>>) target_semaphore(%arg15 : memref<!tpu.dma_semaphore, #tpu.memory_space<semaphore_mem>>)
        %dma_start3A_704 = arith.constant 1 : i32
        %dma_start3A_705 = arith.constant 1 : i32
        %dma_start3A_706 = arith.constant 1 : i32
        %dma_start3A_707 = arith.constant 0 : i32
        %dma_start3A_708 = arith.constant 0 : i32
        %dma_start3A_709 = tpu.memref_slice %arg8[%dma_start3A_705, %dma_start3A_706, %dma_start3A_707, %dma_start3A_708] : memref<2x10x8x128xf32, #tpu.memory_space<vmem>> -> memref<1x1x8x128xf32, #tpu.memory_space<vmem>>
        %dma_start3A_710 = tpu.memref_squeeze %dma_start3A_709 : memref<1x1x8x128xf32, #tpu.memory_space<vmem>> -> memref<8x128xf32, #tpu.memory_space<vmem>>
        %dma_start3A_711 = tpu.memref_slice %arg2[%dma_start3A_704, %mul3A_671, %mul3A_673] : memref<10x16x33600xf32, #tpu.memory_space<hbm>> -> memref<1x8x128xf32, #tpu.memory_space<hbm>>
        %dma_start3A_712 = tpu.memref_squeeze %dma_start3A_711 : memref<1x8x128xf32, #tpu.memory_space<hbm>> -> memref<8x128xf32, #tpu.memory_space<hbm>>
        %dma_start3A_713 = arith.constant 0 : i32
        %dma_start3A_714 = arith.constant 0 : i32
        %dma_start3A_715 = tpu.memref_slice %arg8[%dma_start3A_705, %dma_start3A_706, %dma_start3A_713, %dma_start3A_714] : memref<2x10x8x128xf32, #tpu.memory_space<vmem>> -> memref<1x1x8x128xf32, #tpu.memory_space<vmem>>
        %dma_start3A_716 = tpu.memref_squeeze %dma_start3A_715 : memref<1x1x8x128xf32, #tpu.memory_space<vmem>> -> memref<8x128xf32, #tpu.memory_space<vmem>>
        %dma_start3A_717 = tpu.memref_slice %arg2[%dma_start3A_704, %mul3A_671, %mul3A_673] : memref<10x16x33600xf32, #tpu.memory_space<hbm>> -> memref<1x8x128xf32, #tpu.memory_space<hbm>>
        %dma_start3A_718 = tpu.memref_squeeze %dma_start3A_717 : memref<1x8x128xf32, #tpu.memory_space<hbm>> -> memref<8x128xf32, #tpu.memory_space<hbm>>
        tpu.enqueue_dma source(%dma_start3A_718 : memref<8x128xf32, #tpu.memory_space<hbm>>) target(%dma_start3A_716 : memref<8x128xf32, #tpu.memory_space<vmem>>) target_semaphore(%arg15 : memref<!tpu.dma_semaphore, #tpu.memory_space<semaphore_mem>>)
        %dma_start3A_719 = arith.constant 1 : i32
        %dma_start3A_720 = arith.constant 1 : i32
        %dma_start3A_721 = arith.constant 1 : i32
        %dma_start3A_722 = arith.constant 0 : i32
        %dma_start3A_723 = arith.constant 0 : i32
        %dma_start3A_724 = tpu.memref_slice %arg9[%dma_start3A_720, %dma_start3A_721, %dma_start3A_722, %dma_start3A_723] : memref<2x10x8x128xf32, #tpu.memory_space<vmem>> -> memref<1x1x8x128xf32, #tpu.memory_space<vmem>>
        %dma_start3A_725 = tpu.memref_squeeze %dma_start3A_724 : memref<1x1x8x128xf32, #tpu.memory_space<vmem>> -> memref<8x128xf32, #tpu.memory_space<vmem>>
        %dma_start3A_726 = tpu.memref_slice %arg3[%dma_start3A_719, %mul3A_671, %mul3A_673] : memref<15x16x33600xf32, #tpu.memory_space<hbm>> -> memref<1x8x128xf32, #tpu.memory_space<hbm>>
        %dma_start3A_727 = tpu.memref_squeeze %dma_start3A_726 : memref<1x8x128xf32, #tpu.memory_space<hbm>> -> memref<8x128xf32, #tpu.memory_space<hbm>>
        %dma_start3A_728 = arith.constant 0 : i32
        %dma_start3A_729 = arith.constant 0 : i32
        %dma_start3A_730 = tpu.memref_slice %arg9[%dma_start3A_720, %dma_start3A_721, %dma_start3A_728, %dma_start3A_729] : memref<2x10x8x128xf32, #tpu.memory_space<vmem>> -> memref<1x1x8x128xf32, #tpu.memory_space<vmem>>
        %dma_start3A_731 = tpu.memref_squeeze %dma_start3A_730 : memref<1x1x8x128xf32, #tpu.memory_space<vmem>> -> memref<8x128xf32, #tpu.memory_space<vmem>>
        %dma_start3A_732 = tpu.memref_slice %arg3[%dma_start3A_719, %mul3A_671, %mul3A_673] : memref<15x16x33600xf32, #tpu.memory_space<hbm>> -> memref<1x8x128xf32, #tpu.memory_space<hbm>>
        %dma_start3A_733 = tpu.memref_squeeze %dma_start3A_732 : memref<1x8x128xf32, #tpu.memory_space<hbm>> -> memref<8x128xf32, #tpu.memory_space<hbm>>
        tpu.enqueue_dma source(%dma_start3A_733 : memref<8x128xf32, #tpu.memory_space<hbm>>) target(%dma_start3A_731 : memref<8x128xf32, #tpu.memory_space<vmem>>) target_semaphore(%arg15 : memref<!tpu.dma_semaphore, #tpu.memory_space<semaphore_mem>>)
        %dma_start3A_734 = arith.constant 2 : i32
        %dma_start3A_735 = arith.constant 1 : i32
        %dma_start3A_736 = arith.constant 2 : i32
        %dma_start3A_737 = arith.constant 0 : i32
        %dma_start3A_738 = arith.constant 0 : i32
        %dma_start3A_739 = tpu.memref_slice %arg8[%dma_start3A_735, %dma_start3A_736, %dma_start3A_737, %dma_start3A_738] : memref<2x10x8x128xf32, #tpu.memory_space<vmem>> -> memref<1x1x8x128xf32, #tpu.memory_space<vmem>>
        %dma_start3A_740 = tpu.memref_squeeze %dma_start3A_739 : memref<1x1x8x128xf32, #tpu.memory_space<vmem>> -> memref<8x128xf32, #tpu.memory_space<vmem>>
        %dma_start3A_741 = tpu.memref_slice %arg2[%dma_start3A_734, %mul3A_671, %mul3A_673] : memref<10x16x33600xf32, #tpu.memory_space<hbm>> -> memref<1x8x128xf32, #tpu.memory_space<hbm>>
        %dma_start3A_742 = tpu.memref_squeeze %dma_start3A_741 : memref<1x8x128xf32, #tpu.memory_space<hbm>> -> memref<8x128xf32, #tpu.memory_space<hbm>>
        %dma_start3A_743 = arith.constant 0 : i32
        %dma_start3A_744 = arith.constant 0 : i32
        %dma_start3A_745 = tpu.memref_slice %arg8[%dma_start3A_735, %dma_start3A_736, %dma_start3A_743, %dma_start3A_744] : memref<2x10x8x128xf32, #tpu.memory_space<vmem>> -> memref<1x1x8x128xf32, #tpu.memory_space<vmem>>
        %dma_start3A_746 = tpu.memref_squeeze %dma_start3A_745 : memref<1x1x8x128xf32, #tpu.memory_space<vmem>> -> memref<8x128xf32, #tpu.memory_space<vmem>>
        %dma_start3A_747 = tpu.memref_slice %arg2[%dma_start3A_734, %mul3A_671, %mul3A_673] : memref<10x16x33600xf32, #tpu.memory_space<hbm>> -> memref<1x8x128xf32, #tpu.memory_space<hbm>>
        %dma_start3A_748 = tpu.memref_squeeze %dma_start3A_747 : memref<1x8x128xf32, #tpu.memory_space<hbm>> -> memref<8x128xf32, #tpu.memory_space<hbm>>
        tpu.enqueue_dma source(%dma_start3A_748 : memref<8x128xf32, #tpu.memory_space<hbm>>) target(%dma_start3A_746 : memref<8x128xf32, #tpu.memory_space<vmem>>) target_semaphore(%arg15 : memref<!tpu.dma_semaphore, #tpu.memory_space<semaphore_mem>>)
        %dma_start3A_749 = arith.constant 3 : i32
        %dma_start3A_750 = arith.constant 1 : i32
        %dma_start3A_751 = arith.constant 2 : i32
        %dma_start3A_752 = arith.constant 0 : i32
        %dma_start3A_753 = arith.constant 0 : i32
        %dma_start3A_754 = tpu.memref_slice %arg9[%dma_start3A_750, %dma_start3A_751, %dma_start3A_752, %dma_start3A_753] : memref<2x10x8x128xf32, #tpu.memory_space<vmem>> -> memref<1x1x8x128xf32, #tpu.memory_space<vmem>>
        %dma_start3A_755 = tpu.memref_squeeze %dma_start3A_754 : memref<1x1x8x128xf32, #tpu.memory_space<vmem>> -> memref<8x128xf32, #tpu.memory_space<vmem>>
        %dma_start3A_756 = tpu.memref_slice %arg3[%dma_start3A_749, %mul3A_671, %mul3A_673] : memref<15x16x33600xf32, #tpu.memory_space<hbm>> -> memref<1x8x128xf32, #tpu.memory_space<hbm>>
        %dma_start3A_757 = tpu.memref_squeeze %dma_start3A_756 : memref<1x8x128xf32, #tpu.memory_space<hbm>> -> memref<8x128xf32, #tpu.memory_space<hbm>>
        %dma_start3A_758 = arith.constant 0 : i32
        %dma_start3A_759 = arith.constant 0 : i32
        %dma_start3A_760 = tpu.memref_slice %arg9[%dma_start3A_750, %dma_start3A_751, %dma_start3A_758, %dma_start3A_759] : memref<2x10x8x128xf32, #tpu.memory_space<vmem>> -> memref<1x1x8x128xf32, #tpu.memory_space<vmem>>
        %dma_start3A_761 = tpu.memref_squeeze %dma_start3A_760 : memref<1x1x8x128xf32, #tpu.memory_space<vmem>> -> memref<8x128xf32, #tpu.memory_space<vmem>>
        %dma_start3A_762 = tpu.memref_slice %arg3[%dma_start3A_749, %mul3A_671, %mul3A_673] : memref<15x16x33600xf32, #tpu.memory_space<hbm>> -> memref<1x8x128xf32, #tpu.memory_space<hbm>>
        %dma_start3A_763 = tpu.memref_squeeze %dma_start3A_762 : memref<1x8x128xf32, #tpu.memory_space<hbm>> -> memref<8x128xf32, #tpu.memory_space<hbm>>
        tpu.enqueue_dma source(%dma_start3A_763 : memref<8x128xf32, #tpu.memory_space<hbm>>) target(%dma_start3A_761 : memref<8x128xf32, #tpu.memory_space<vmem>>) target_semaphore(%arg15 : memref<!tpu.dma_semaphore, #tpu.memory_space<semaphore_mem>>)
        %dma_start3A_764 = arith.constant 3 : i32
        %dma_start3A_765 = arith.constant 1 : i32
        %dma_start3A_766 = arith.constant 3 : i32
        %dma_start3A_767 = arith.constant 0 : i32
        %dma_start3A_768 = arith.constant 0 : i32
        %dma_start3A_769 = tpu.memref_slice %arg8[%dma_start3A_765, %dma_start3A_766, %dma_start3A_767, %dma_start3A_768] : memref<2x10x8x128xf32, #tpu.memory_space<vmem>> -> memref<1x1x8x128xf32, #tpu.memory_space<vmem>>
        %dma_start3A_770 = tpu.memref_squeeze %dma_start3A_769 : memref<1x1x8x128xf32, #tpu.memory_space<vmem>> -> memref<8x128xf32, #tpu.memory_space<vmem>>
        %dma_start3A_771 = tpu.memref_slice %arg2[%dma_start3A_764, %mul3A_671, %mul3A_673] : memref<10x16x33600xf32, #tpu.memory_space<hbm>> -> memref<1x8x128xf32, #tpu.memory_space<hbm>>
        %dma_start3A_772 = tpu.memref_squeeze %dma_start3A_771 : memref<1x8x128xf32, #tpu.memory_space<hbm>> -> memref<8x128xf32, #tpu.memory_space<hbm>>
        %dma_start3A_773 = arith.constant 0 : i32
        %dma_start3A_774 = arith.constant 0 : i32
        %dma_start3A_775 = tpu.memref_slice %arg8[%dma_start3A_765, %dma_start3A_766, %dma_start3A_773, %dma_start3A_774] : memref<2x10x8x128xf32, #tpu.memory_space<vmem>> -> memref<1x1x8x128xf32, #tpu.memory_space<vmem>>
        %dma_start3A_776 = tpu.memref_squeeze %dma_start3A_775 : memref<1x1x8x128xf32, #tpu.memory_space<vmem>> -> memref<8x128xf32, #tpu.memory_space<vmem>>
        %dma_start3A_777 = tpu.memref_slice %arg2[%dma_start3A_764, %mul3A_671, %mul3A_673] : memref<10x16x33600xf32, #tpu.memory_space<hbm>> -> memref<1x8x128xf32, #tpu.memory_space<hbm>>
        %dma_start3A_778 = tpu.memref_squeeze %dma_start3A_777 : memref<1x8x128xf32, #tpu.memory_space<hbm>> -> memref<8x128xf32, #tpu.memory_space<hbm>>
        tpu.enqueue_dma source(%dma_start3A_778 : memref<8x128xf32, #tpu.memory_space<hbm>>) target(%dma_start3A_776 : memref<8x128xf32, #tpu.memory_space<vmem>>) target_semaphore(%arg15 : memref<!tpu.dma_semaphore, #tpu.memory_space<semaphore_mem>>)
        %dma_start3A_779 = arith.constant 4 : i32
        %dma_start3A_780 = arith.constant 1 : i32
        %dma_start3A_781 = arith.constant 3 : i32
        %dma_start3A_782 = arith.constant 0 : i32
        %dma_start3A_783 = arith.constant 0 : i32
        %dma_start3A_784 = tpu.memref_slice %arg9[%dma_start3A_780, %dma_start3A_781, %dma_start3A_782, %dma_start3A_783] : memref<2x10x8x128xf32, #tpu.memory_space<vmem>> -> memref<1x1x8x128xf32, #tpu.memory_space<vmem>>
        %dma_start3A_785 = tpu.memref_squeeze %dma_start3A_784 : memref<1x1x8x128xf32, #tpu.memory_space<vmem>> -> memref<8x128xf32, #tpu.memory_space<vmem>>
        %dma_start3A_786 = tpu.memref_slice %arg3[%dma_start3A_779, %mul3A_671, %mul3A_673] : memref<15x16x33600xf32, #tpu.memory_space<hbm>> -> memref<1x8x128xf32, #tpu.memory_space<hbm>>
        %dma_start3A_787 = tpu.memref_squeeze %dma_start3A_786 : memref<1x8x128xf32, #tpu.memory_space<hbm>> -> memref<8x128xf32, #tpu.memory_space<hbm>>
        %dma_start3A_788 = arith.constant 0 : i32
        %dma_start3A_789 = arith.constant 0 : i32
        %dma_start3A_790 = tpu.memref_slice %arg9[%dma_start3A_780, %dma_start3A_781, %dma_start3A_788, %dma_start3A_789] : memref<2x10x8x128xf32, #tpu.memory_space<vmem>> -> memref<1x1x8x128xf32, #tpu.memory_space<vmem>>
        %dma_start3A_791 = tpu.memref_squeeze %dma_start3A_790 : memref<1x1x8x128xf32, #tpu.memory_space<vmem>> -> memref<8x128xf32, #tpu.memory_space<vmem>>
        %dma_start3A_792 = tpu.memref_slice %arg3[%dma_start3A_779, %mul3A_671, %mul3A_673] : memref<15x16x33600xf32, #tpu.memory_space<hbm>> -> memref<1x8x128xf32, #tpu.memory_space<hbm>>
        %dma_start3A_793 = tpu.memref_squeeze %dma_start3A_792 : memref<1x8x128xf32, #tpu.memory_space<hbm>> -> memref<8x128xf32, #tpu.memory_space<hbm>>
        tpu.enqueue_dma source(%dma_start3A_793 : memref<8x128xf32, #tpu.memory_space<hbm>>) target(%dma_start3A_791 : memref<8x128xf32, #tpu.memory_space<vmem>>) target_semaphore(%arg15 : memref<!tpu.dma_semaphore, #tpu.memory_space<semaphore_mem>>)
        %dma_start3A_794 = arith.constant 4 : i32
        %dma_start3A_795 = arith.constant 1 : i32
        %dma_start3A_796 = arith.constant 4 : i32
        %dma_start3A_797 = arith.constant 0 : i32
        %dma_start3A_798 = arith.constant 0 : i32
        %dma_start3A_799 = tpu.memref_slice %arg8[%dma_start3A_795, %dma_start3A_796, %dma_start3A_797, %dma_start3A_798] : memref<2x10x8x128xf32, #tpu.memory_space<vmem>> -> memref<1x1x8x128xf32, #tpu.memory_space<vmem>>
        %dma_start3A_800 = tpu.memref_squeeze %dma_start3A_799 : memref<1x1x8x128xf32, #tpu.memory_space<vmem>> -> memref<8x128xf32, #tpu.memory_space<vmem>>
        %dma_start3A_801 = tpu.memref_slice %arg2[%dma_start3A_794, %mul3A_671, %mul3A_673] : memref<10x16x33600xf32, #tpu.memory_space<hbm>> -> memref<1x8x128xf32, #tpu.memory_space<hbm>>
        %dma_start3A_802 = tpu.memref_squeeze %dma_start3A_801 : memref<1x8x128xf32, #tpu.memory_space<hbm>> -> memref<8x128xf32, #tpu.memory_space<hbm>>
        %dma_start3A_803 = arith.constant 0 : i32
        %dma_start3A_804 = arith.constant 0 : i32
        %dma_start3A_805 = tpu.memref_slice %arg8[%dma_start3A_795, %dma_start3A_796, %dma_start3A_803, %dma_start3A_804] : memref<2x10x8x128xf32, #tpu.memory_space<vmem>> -> memref<1x1x8x128xf32, #tpu.memory_space<vmem>>
        %dma_start3A_806 = tpu.memref_squeeze %dma_start3A_805 : memref<1x1x8x128xf32, #tpu.memory_space<vmem>> -> memref<8x128xf32, #tpu.memory_space<vmem>>
        %dma_start3A_807 = tpu.memref_slice %arg2[%dma_start3A_794, %mul3A_671, %mul3A_673] : memref<10x16x33600xf32, #tpu.memory_space<hbm>> -> memref<1x8x128xf32, #tpu.memory_space<hbm>>
        %dma_start3A_808 = tpu.memref_squeeze %dma_start3A_807 : memref<1x8x128xf32, #tpu.memory_space<hbm>> -> memref<8x128xf32, #tpu.memory_space<hbm>>
        tpu.enqueue_dma source(%dma_start3A_808 : memref<8x128xf32, #tpu.memory_space<hbm>>) target(%dma_start3A_806 : memref<8x128xf32, #tpu.memory_space<vmem>>) target_semaphore(%arg15 : memref<!tpu.dma_semaphore, #tpu.memory_space<semaphore_mem>>)
        %dma_start3A_809 = arith.constant 6 : i32
        %dma_start3A_810 = arith.constant 1 : i32
        %dma_start3A_811 = arith.constant 4 : i32
        %dma_start3A_812 = arith.constant 0 : i32
        %dma_start3A_813 = arith.constant 0 : i32
        %dma_start3A_814 = tpu.memref_slice %arg9[%dma_start3A_810, %dma_start3A_811, %dma_start3A_812, %dma_start3A_813] : memref<2x10x8x128xf32, #tpu.memory_space<vmem>> -> memref<1x1x8x128xf32, #tpu.memory_space<vmem>>
        %dma_start3A_815 = tpu.memref_squeeze %dma_start3A_814 : memref<1x1x8x128xf32, #tpu.memory_space<vmem>> -> memref<8x128xf32, #tpu.memory_space<vmem>>
        %dma_start3A_816 = tpu.memref_slice %arg3[%dma_start3A_809, %mul3A_671, %mul3A_673] : memref<15x16x33600xf32, #tpu.memory_space<hbm>> -> memref<1x8x128xf32, #tpu.memory_space<hbm>>
        %dma_start3A_817 = tpu.memref_squeeze %dma_start3A_816 : memref<1x8x128xf32, #tpu.memory_space<hbm>> -> memref<8x128xf32, #tpu.memory_space<hbm>>
        %dma_start3A_818 = arith.constant 0 : i32
        %dma_start3A_819 = arith.constant 0 : i32
        %dma_start3A_820 = tpu.memref_slice %arg9[%dma_start3A_810, %dma_start3A_811, %dma_start3A_818, %dma_start3A_819] : memref<2x10x8x128xf32, #tpu.memory_space<vmem>> -> memref<1x1x8x128xf32, #tpu.memory_space<vmem>>
        %dma_start3A_821 = tpu.memref_squeeze %dma_start3A_820 : memref<1x1x8x128xf32, #tpu.memory_space<vmem>> -> memref<8x128xf32, #tpu.memory_space<vmem>>
        %dma_start3A_822 = tpu.memref_slice %arg3[%dma_start3A_809, %mul3A_671, %mul3A_673] : memref<15x16x33600xf32, #tpu.memory_space<hbm>> -> memref<1x8x128xf32, #tpu.memory_space<hbm>>
        %dma_start3A_823 = tpu.memref_squeeze %dma_start3A_822 : memref<1x8x128xf32, #tpu.memory_space<hbm>> -> memref<8x128xf32, #tpu.memory_space<hbm>>
        tpu.enqueue_dma source(%dma_start3A_823 : memref<8x128xf32, #tpu.memory_space<hbm>>) target(%dma_start3A_821 : memref<8x128xf32, #tpu.memory_space<vmem>>) target_semaphore(%arg15 : memref<!tpu.dma_semaphore, #tpu.memory_space<semaphore_mem>>)
        %dma_start3A_824 = arith.constant 5 : i32
        %dma_start3A_825 = arith.constant 1 : i32
        %dma_start3A_826 = arith.constant 5 : i32
        %dma_start3A_827 = arith.constant 0 : i32
        %dma_start3A_828 = arith.constant 0 : i32
        %dma_start3A_829 = tpu.memref_slice %arg8[%dma_start3A_825, %dma_start3A_826, %dma_start3A_827, %dma_start3A_828] : memref<2x10x8x128xf32, #tpu.memory_space<vmem>> -> memref<1x1x8x128xf32, #tpu.memory_space<vmem>>
        %dma_start3A_830 = tpu.memref_squeeze %dma_start3A_829 : memref<1x1x8x128xf32, #tpu.memory_space<vmem>> -> memref<8x128xf32, #tpu.memory_space<vmem>>
        %dma_start3A_831 = tpu.memref_slice %arg2[%dma_start3A_824, %mul3A_671, %mul3A_673] : memref<10x16x33600xf32, #tpu.memory_space<hbm>> -> memref<1x8x128xf32, #tpu.memory_space<hbm>>
        %dma_start3A_832 = tpu.memref_squeeze %dma_start3A_831 : memref<1x8x128xf32, #tpu.memory_space<hbm>> -> memref<8x128xf32, #tpu.memory_space<hbm>>
        %dma_start3A_833 = arith.constant 0 : i32
        %dma_start3A_834 = arith.constant 0 : i32
        %dma_start3A_835 = tpu.memref_slice %arg8[%dma_start3A_825, %dma_start3A_826, %dma_start3A_833, %dma_start3A_834] : memref<2x10x8x128xf32, #tpu.memory_space<vmem>> -> memref<1x1x8x128xf32, #tpu.memory_space<vmem>>
        %dma_start3A_836 = tpu.memref_squeeze %dma_start3A_835 : memref<1x1x8x128xf32, #tpu.memory_space<vmem>> -> memref<8x128xf32, #tpu.memory_space<vmem>>
        %dma_start3A_837 = tpu.memref_slice %arg2[%dma_start3A_824, %mul3A_671, %mul3A_673] : memref<10x16x33600xf32, #tpu.memory_space<hbm>> -> memref<1x8x128xf32, #tpu.memory_space<hbm>>
        %dma_start3A_838 = tpu.memref_squeeze %dma_start3A_837 : memref<1x8x128xf32, #tpu.memory_space<hbm>> -> memref<8x128xf32, #tpu.memory_space<hbm>>
        tpu.enqueue_dma source(%dma_start3A_838 : memref<8x128xf32, #tpu.memory_space<hbm>>) target(%dma_start3A_836 : memref<8x128xf32, #tpu.memory_space<vmem>>) target_semaphore(%arg15 : memref<!tpu.dma_semaphore, #tpu.memory_space<semaphore_mem>>)
        %dma_start3A_839 = arith.constant 7 : i32
        %dma_start3A_840 = arith.constant 1 : i32
        %dma_start3A_841 = arith.constant 5 : i32
        %dma_start3A_842 = arith.constant 0 : i32
        %dma_start3A_843 = arith.constant 0 : i32
        %dma_start3A_844 = tpu.memref_slice %arg9[%dma_start3A_840, %dma_start3A_841, %dma_start3A_842, %dma_start3A_843] : memref<2x10x8x128xf32, #tpu.memory_space<vmem>> -> memref<1x1x8x128xf32, #tpu.memory_space<vmem>>
        %dma_start3A_845 = tpu.memref_squeeze %dma_start3A_844 : memref<1x1x8x128xf32, #tpu.memory_space<vmem>> -> memref<8x128xf32, #tpu.memory_space<vmem>>
        %dma_start3A_846 = tpu.memref_slice %arg3[%dma_start3A_839, %mul3A_671, %mul3A_673] : memref<15x16x33600xf32, #tpu.memory_space<hbm>> -> memref<1x8x128xf32, #tpu.memory_space<hbm>>
        %dma_start3A_847 = tpu.memref_squeeze %dma_start3A_846 : memref<1x8x128xf32, #tpu.memory_space<hbm>> -> memref<8x128xf32, #tpu.memory_space<hbm>>
        %dma_start3A_848 = arith.constant 0 : i32
        %dma_start3A_849 = arith.constant 0 : i32
        %dma_start3A_850 = tpu.memref_slice %arg9[%dma_start3A_840, %dma_start3A_841, %dma_start3A_848, %dma_start3A_849] : memref<2x10x8x128xf32, #tpu.memory_space<vmem>> -> memref<1x1x8x128xf32, #tpu.memory_space<vmem>>
        %dma_start3A_851 = tpu.memref_squeeze %dma_start3A_850 : memref<1x1x8x128xf32, #tpu.memory_space<vmem>> -> memref<8x128xf32, #tpu.memory_space<vmem>>
        %dma_start3A_852 = tpu.memref_slice %arg3[%dma_start3A_839, %mul3A_671, %mul3A_673] : memref<15x16x33600xf32, #tpu.memory_space<hbm>> -> memref<1x8x128xf32, #tpu.memory_space<hbm>>
        %dma_start3A_853 = tpu.memref_squeeze %dma_start3A_852 : memref<1x8x128xf32, #tpu.memory_space<hbm>> -> memref<8x128xf32, #tpu.memory_space<hbm>>
        tpu.enqueue_dma source(%dma_start3A_853 : memref<8x128xf32, #tpu.memory_space<hbm>>) target(%dma_start3A_851 : memref<8x128xf32, #tpu.memory_space<vmem>>) target_semaphore(%arg15 : memref<!tpu.dma_semaphore, #tpu.memory_space<semaphore_mem>>)
        %dma_start3A_854 = arith.constant 6 : i32
        %dma_start3A_855 = arith.constant 1 : i32
        %dma_start3A_856 = arith.constant 6 : i32
        %dma_start3A_857 = arith.constant 0 : i32
        %dma_start3A_858 = arith.constant 0 : i32
        %dma_start3A_859 = tpu.memref_slice %arg8[%dma_start3A_855, %dma_start3A_856, %dma_start3A_857, %dma_start3A_858] : memref<2x10x8x128xf32, #tpu.memory_space<vmem>> -> memref<1x1x8x128xf32, #tpu.memory_space<vmem>>
        %dma_start3A_860 = tpu.memref_squeeze %dma_start3A_859 : memref<1x1x8x128xf32, #tpu.memory_space<vmem>> -> memref<8x128xf32, #tpu.memory_space<vmem>>
        %dma_start3A_861 = tpu.memref_slice %arg2[%dma_start3A_854, %mul3A_671, %mul3A_673] : memref<10x16x33600xf32, #tpu.memory_space<hbm>> -> memref<1x8x128xf32, #tpu.memory_space<hbm>>
        %dma_start3A_862 = tpu.memref_squeeze %dma_start3A_861 : memref<1x8x128xf32, #tpu.memory_space<hbm>> -> memref<8x128xf32, #tpu.memory_space<hbm>>
        %dma_start3A_863 = arith.constant 0 : i32
        %dma_start3A_864 = arith.constant 0 : i32
        %dma_start3A_865 = tpu.memref_slice %arg8[%dma_start3A_855, %dma_start3A_856, %dma_start3A_863, %dma_start3A_864] : memref<2x10x8x128xf32, #tpu.memory_space<vmem>> -> memref<1x1x8x128xf32, #tpu.memory_space<vmem>>
        %dma_start3A_866 = tpu.memref_squeeze %dma_start3A_865 : memref<1x1x8x128xf32, #tpu.memory_space<vmem>> -> memref<8x128xf32, #tpu.memory_space<vmem>>
        %dma_start3A_867 = tpu.memref_slice %arg2[%dma_start3A_854, %mul3A_671, %mul3A_673] : memref<10x16x33600xf32, #tpu.memory_space<hbm>> -> memref<1x8x128xf32, #tpu.memory_space<hbm>>
        %dma_start3A_868 = tpu.memref_squeeze %dma_start3A_867 : memref<1x8x128xf32, #tpu.memory_space<hbm>> -> memref<8x128xf32, #tpu.memory_space<hbm>>
        tpu.enqueue_dma source(%dma_start3A_868 : memref<8x128xf32, #tpu.memory_space<hbm>>) target(%dma_start3A_866 : memref<8x128xf32, #tpu.memory_space<vmem>>) target_semaphore(%arg15 : memref<!tpu.dma_semaphore, #tpu.memory_space<semaphore_mem>>)
        %dma_start3A_869 = arith.constant 9 : i32
        %dma_start3A_870 = arith.constant 1 : i32
        %dma_start3A_871 = arith.constant 6 : i32
        %dma_start3A_872 = arith.constant 0 : i32
        %dma_start3A_873 = arith.constant 0 : i32
        %dma_start3A_874 = tpu.memref_slice %arg9[%dma_start3A_870, %dma_start3A_871, %dma_start3A_872, %dma_start3A_873] : memref<2x10x8x128xf32, #tpu.memory_space<vmem>> -> memref<1x1x8x128xf32, #tpu.memory_space<vmem>>
        %dma_start3A_875 = tpu.memref_squeeze %dma_start3A_874 : memref<1x1x8x128xf32, #tpu.memory_space<vmem>> -> memref<8x128xf32, #tpu.memory_space<vmem>>
        %dma_start3A_876 = tpu.memref_slice %arg3[%dma_start3A_869, %mul3A_671, %mul3A_673] : memref<15x16x33600xf32, #tpu.memory_space<hbm>> -> memref<1x8x128xf32, #tpu.memory_space<hbm>>
        %dma_start3A_877 = tpu.memref_squeeze %dma_start3A_876 : memref<1x8x128xf32, #tpu.memory_space<hbm>> -> memref<8x128xf32, #tpu.memory_space<hbm>>
        %dma_start3A_878 = arith.constant 0 : i32
        %dma_start3A_879 = arith.constant 0 : i32
        %dma_start3A_880 = tpu.memref_slice %arg9[%dma_start3A_870, %dma_start3A_871, %dma_start3A_878, %dma_start3A_879] : memref<2x10x8x128xf32, #tpu.memory_space<vmem>> -> memref<1x1x8x128xf32, #tpu.memory_space<vmem>>
        %dma_start3A_881 = tpu.memref_squeeze %dma_start3A_880 : memref<1x1x8x128xf32, #tpu.memory_space<vmem>> -> memref<8x128xf32, #tpu.memory_space<vmem>>
        %dma_start3A_882 = tpu.memref_slice %arg3[%dma_start3A_869, %mul3A_671, %mul3A_673] : memref<15x16x33600xf32, #tpu.memory_space<hbm>> -> memref<1x8x128xf32, #tpu.memory_space<hbm>>
        %dma_start3A_883 = tpu.memref_squeeze %dma_start3A_882 : memref<1x8x128xf32, #tpu.memory_space<hbm>> -> memref<8x128xf32, #tpu.memory_space<hbm>>
        tpu.enqueue_dma source(%dma_start3A_883 : memref<8x128xf32, #tpu.memory_space<hbm>>) target(%dma_start3A_881 : memref<8x128xf32, #tpu.memory_space<vmem>>) target_semaphore(%arg15 : memref<!tpu.dma_semaphore, #tpu.memory_space<semaphore_mem>>)
        %dma_start3A_884 = arith.constant 7 : i32
        %dma_start3A_885 = arith.constant 1 : i32
        %dma_start3A_886 = arith.constant 7 : i32
        %dma_start3A_887 = arith.constant 0 : i32
        %dma_start3A_888 = arith.constant 0 : i32
        %dma_start3A_889 = tpu.memref_slice %arg8[%dma_start3A_885, %dma_start3A_886, %dma_start3A_887, %dma_start3A_888] : memref<2x10x8x128xf32, #tpu.memory_space<vmem>> -> memref<1x1x8x128xf32, #tpu.memory_space<vmem>>
        %dma_start3A_890 = tpu.memref_squeeze %dma_start3A_889 : memref<1x1x8x128xf32, #tpu.memory_space<vmem>> -> memref<8x128xf32, #tpu.memory_space<vmem>>
        %dma_start3A_891 = tpu.memref_slice %arg2[%dma_start3A_884, %mul3A_671, %mul3A_673] : memref<10x16x33600xf32, #tpu.memory_space<hbm>> -> memref<1x8x128xf32, #tpu.memory_space<hbm>>
        %dma_start3A_892 = tpu.memref_squeeze %dma_start3A_891 : memref<1x8x128xf32, #tpu.memory_space<hbm>> -> memref<8x128xf32, #tpu.memory_space<hbm>>
        %dma_start3A_893 = arith.constant 0 : i32
        %dma_start3A_894 = arith.constant 0 : i32
        %dma_start3A_895 = tpu.memref_slice %arg8[%dma_start3A_885, %dma_start3A_886, %dma_start3A_893, %dma_start3A_894] : memref<2x10x8x128xf32, #tpu.memory_space<vmem>> -> memref<1x1x8x128xf32, #tpu.memory_space<vmem>>
        %dma_start3A_896 = tpu.memref_squeeze %dma_start3A_895 : memref<1x1x8x128xf32, #tpu.memory_space<vmem>> -> memref<8x128xf32, #tpu.memory_space<vmem>>
        %dma_start3A_897 = tpu.memref_slice %arg2[%dma_start3A_884, %mul3A_671, %mul3A_673] : memref<10x16x33600xf32, #tpu.memory_space<hbm>> -> memref<1x8x128xf32, #tpu.memory_space<hbm>>
        %dma_start3A_898 = tpu.memref_squeeze %dma_start3A_897 : memref<1x8x128xf32, #tpu.memory_space<hbm>> -> memref<8x128xf32, #tpu.memory_space<hbm>>
        tpu.enqueue_dma source(%dma_start3A_898 : memref<8x128xf32, #tpu.memory_space<hbm>>) target(%dma_start3A_896 : memref<8x128xf32, #tpu.memory_space<vmem>>) target_semaphore(%arg15 : memref<!tpu.dma_semaphore, #tpu.memory_space<semaphore_mem>>)
        %dma_start3A_899 = arith.constant 10 : i32
        %dma_start3A_900 = arith.constant 1 : i32
        %dma_start3A_901 = arith.constant 7 : i32
        %dma_start3A_902 = arith.constant 0 : i32
        %dma_start3A_903 = arith.constant 0 : i32
        %dma_start3A_904 = tpu.memref_slice %arg9[%dma_start3A_900, %dma_start3A_901, %dma_start3A_902, %dma_start3A_903] : memref<2x10x8x128xf32, #tpu.memory_space<vmem>> -> memref<1x1x8x128xf32, #tpu.memory_space<vmem>>
        %dma_start3A_905 = tpu.memref_squeeze %dma_start3A_904 : memref<1x1x8x128xf32, #tpu.memory_space<vmem>> -> memref<8x128xf32, #tpu.memory_space<vmem>>
        %dma_start3A_906 = tpu.memref_slice %arg3[%dma_start3A_899, %mul3A_671, %mul3A_673] : memref<15x16x33600xf32, #tpu.memory_space<hbm>> -> memref<1x8x128xf32, #tpu.memory_space<hbm>>
        %dma_start3A_907 = tpu.memref_squeeze %dma_start3A_906 : memref<1x8x128xf32, #tpu.memory_space<hbm>> -> memref<8x128xf32, #tpu.memory_space<hbm>>
        %dma_start3A_908 = arith.constant 0 : i32
        %dma_start3A_909 = arith.constant 0 : i32
        %dma_start3A_910 = tpu.memref_slice %arg9[%dma_start3A_900, %dma_start3A_901, %dma_start3A_908, %dma_start3A_909] : memref<2x10x8x128xf32, #tpu.memory_space<vmem>> -> memref<1x1x8x128xf32, #tpu.memory_space<vmem>>
        %dma_start3A_911 = tpu.memref_squeeze %dma_start3A_910 : memref<1x1x8x128xf32, #tpu.memory_space<vmem>> -> memref<8x128xf32, #tpu.memory_space<vmem>>
        %dma_start3A_912 = tpu.memref_slice %arg3[%dma_start3A_899, %mul3A_671, %mul3A_673] : memref<15x16x33600xf32, #tpu.memory_space<hbm>> -> memref<1x8x128xf32, #tpu.memory_space<hbm>>
        %dma_start3A_913 = tpu.memref_squeeze %dma_start3A_912 : memref<1x8x128xf32, #tpu.memory_space<hbm>> -> memref<8x128xf32, #tpu.memory_space<hbm>>
        tpu.enqueue_dma source(%dma_start3A_913 : memref<8x128xf32, #tpu.memory_space<hbm>>) target(%dma_start3A_911 : memref<8x128xf32, #tpu.memory_space<vmem>>) target_semaphore(%arg15 : memref<!tpu.dma_semaphore, #tpu.memory_space<semaphore_mem>>)
        %dma_start3A_914 = arith.constant 8 : i32
        %dma_start3A_915 = arith.constant 1 : i32
        %dma_start3A_916 = arith.constant 8 : i32
        %dma_start3A_917 = arith.constant 0 : i32
        %dma_start3A_918 = arith.constant 0 : i32
        %dma_start3A_919 = tpu.memref_slice %arg8[%dma_start3A_915, %dma_start3A_916, %dma_start3A_917, %dma_start3A_918] : memref<2x10x8x128xf32, #tpu.memory_space<vmem>> -> memref<1x1x8x128xf32, #tpu.memory_space<vmem>>
        %dma_start3A_920 = tpu.memref_squeeze %dma_start3A_919 : memref<1x1x8x128xf32, #tpu.memory_space<vmem>> -> memref<8x128xf32, #tpu.memory_space<vmem>>
        %dma_start3A_921 = tpu.memref_slice %arg2[%dma_start3A_914, %mul3A_671, %mul3A_673] : memref<10x16x33600xf32, #tpu.memory_space<hbm>> -> memref<1x8x128xf32, #tpu.memory_space<hbm>>
        %dma_start3A_922 = tpu.memref_squeeze %dma_start3A_921 : memref<1x8x128xf32, #tpu.memory_space<hbm>> -> memref<8x128xf32, #tpu.memory_space<hbm>>
        %dma_start3A_923 = arith.constant 0 : i32
        %dma_start3A_924 = arith.constant 0 : i32
        %dma_start3A_925 = tpu.memref_slice %arg8[%dma_start3A_915, %dma_start3A_916, %dma_start3A_923, %dma_start3A_924] : memref<2x10x8x128xf32, #tpu.memory_space<vmem>> -> memref<1x1x8x128xf32, #tpu.memory_space<vmem>>
        %dma_start3A_926 = tpu.memref_squeeze %dma_start3A_925 : memref<1x1x8x128xf32, #tpu.memory_space<vmem>> -> memref<8x128xf32, #tpu.memory_space<vmem>>
        %dma_start3A_927 = tpu.memref_slice %arg2[%dma_start3A_914, %mul3A_671, %mul3A_673] : memref<10x16x33600xf32, #tpu.memory_space<hbm>> -> memref<1x8x128xf32, #tpu.memory_space<hbm>>
        %dma_start3A_928 = tpu.memref_squeeze %dma_start3A_927 : memref<1x8x128xf32, #tpu.memory_space<hbm>> -> memref<8x128xf32, #tpu.memory_space<hbm>>
        tpu.enqueue_dma source(%dma_start3A_928 : memref<8x128xf32, #tpu.memory_space<hbm>>) target(%dma_start3A_926 : memref<8x128xf32, #tpu.memory_space<vmem>>) target_semaphore(%arg15 : memref<!tpu.dma_semaphore, #tpu.memory_space<semaphore_mem>>)
        %dma_start3A_929 = arith.constant 12 : i32
        %dma_start3A_930 = arith.constant 1 : i32
        %dma_start3A_931 = arith.constant 8 : i32
        %dma_start3A_932 = arith.constant 0 : i32
        %dma_start3A_933 = arith.constant 0 : i32
        %dma_start3A_934 = tpu.memref_slice %arg9[%dma_start3A_930, %dma_start3A_931, %dma_start3A_932, %dma_start3A_933] : memref<2x10x8x128xf32, #tpu.memory_space<vmem>> -> memref<1x1x8x128xf32, #tpu.memory_space<vmem>>
        %dma_start3A_935 = tpu.memref_squeeze %dma_start3A_934 : memref<1x1x8x128xf32, #tpu.memory_space<vmem>> -> memref<8x128xf32, #tpu.memory_space<vmem>>
        %dma_start3A_936 = tpu.memref_slice %arg3[%dma_start3A_929, %mul3A_671, %mul3A_673] : memref<15x16x33600xf32, #tpu.memory_space<hbm>> -> memref<1x8x128xf32, #tpu.memory_space<hbm>>
        %dma_start3A_937 = tpu.memref_squeeze %dma_start3A_936 : memref<1x8x128xf32, #tpu.memory_space<hbm>> -> memref<8x128xf32, #tpu.memory_space<hbm>>
        %dma_start3A_938 = arith.constant 0 : i32
        %dma_start3A_939 = arith.constant 0 : i32
        %dma_start3A_940 = tpu.memref_slice %arg9[%dma_start3A_930, %dma_start3A_931, %dma_start3A_938, %dma_start3A_939] : memref<2x10x8x128xf32, #tpu.memory_space<vmem>> -> memref<1x1x8x128xf32, #tpu.memory_space<vmem>>
        %dma_start3A_941 = tpu.memref_squeeze %dma_start3A_940 : memref<1x1x8x128xf32, #tpu.memory_space<vmem>> -> memref<8x128xf32, #tpu.memory_space<vmem>>
        %dma_start3A_942 = tpu.memref_slice %arg3[%dma_start3A_929, %mul3A_671, %mul3A_673] : memref<15x16x33600xf32, #tpu.memory_space<hbm>> -> memref<1x8x128xf32, #tpu.memory_space<hbm>>
        %dma_start3A_943 = tpu.memref_squeeze %dma_start3A_942 : memref<1x8x128xf32, #tpu.memory_space<hbm>> -> memref<8x128xf32, #tpu.memory_space<hbm>>
        tpu.enqueue_dma source(%dma_start3A_943 : memref<8x128xf32, #tpu.memory_space<hbm>>) target(%dma_start3A_941 : memref<8x128xf32, #tpu.memory_space<vmem>>) target_semaphore(%arg15 : memref<!tpu.dma_semaphore, #tpu.memory_space<semaphore_mem>>)
        %dma_start3A_944 = arith.constant 9 : i32
        %dma_start3A_945 = arith.constant 1 : i32
        %dma_start3A_946 = arith.constant 9 : i32
        %dma_start3A_947 = arith.constant 0 : i32
        %dma_start3A_948 = arith.constant 0 : i32
        %dma_start3A_949 = tpu.memref_slice %arg8[%dma_start3A_945, %dma_start3A_946, %dma_start3A_947, %dma_start3A_948] : memref<2x10x8x128xf32, #tpu.memory_space<vmem>> -> memref<1x1x8x128xf32, #tpu.memory_space<vmem>>
        %dma_start3A_950 = tpu.memref_squeeze %dma_start3A_949 : memref<1x1x8x128xf32, #tpu.memory_space<vmem>> -> memref<8x128xf32, #tpu.memory_space<vmem>>
        %dma_start3A_951 = tpu.memref_slice %arg2[%dma_start3A_944, %mul3A_671, %mul3A_673] : memref<10x16x33600xf32, #tpu.memory_space<hbm>> -> memref<1x8x128xf32, #tpu.memory_space<hbm>>
        %dma_start3A_952 = tpu.memref_squeeze %dma_start3A_951 : memref<1x8x128xf32, #tpu.memory_space<hbm>> -> memref<8x128xf32, #tpu.memory_space<hbm>>
        %dma_start3A_953 = arith.constant 0 : i32
        %dma_start3A_954 = arith.constant 0 : i32
        %dma_start3A_955 = tpu.memref_slice %arg8[%dma_start3A_945, %dma_start3A_946, %dma_start3A_953, %dma_start3A_954] : memref<2x10x8x128xf32, #tpu.memory_space<vmem>> -> memref<1x1x8x128xf32, #tpu.memory_space<vmem>>
        %dma_start3A_956 = tpu.memref_squeeze %dma_start3A_955 : memref<1x1x8x128xf32, #tpu.memory_space<vmem>> -> memref<8x128xf32, #tpu.memory_space<vmem>>
        %dma_start3A_957 = tpu.memref_slice %arg2[%dma_start3A_944, %mul3A_671, %mul3A_673] : memref<10x16x33600xf32, #tpu.memory_space<hbm>> -> memref<1x8x128xf32, #tpu.memory_space<hbm>>
        %dma_start3A_958 = tpu.memref_squeeze %dma_start3A_957 : memref<1x8x128xf32, #tpu.memory_space<hbm>> -> memref<8x128xf32, #tpu.memory_space<hbm>>
        tpu.enqueue_dma source(%dma_start3A_958 : memref<8x128xf32, #tpu.memory_space<hbm>>) target(%dma_start3A_956 : memref<8x128xf32, #tpu.memory_space<vmem>>) target_semaphore(%arg15 : memref<!tpu.dma_semaphore, #tpu.memory_space<semaphore_mem>>)
        %dma_start3A_959 = arith.constant 13 : i32
        %dma_start3A_960 = arith.constant 1 : i32
        %dma_start3A_961 = arith.constant 9 : i32
        %dma_start3A_962 = arith.constant 0 : i32
        %dma_start3A_963 = arith.constant 0 : i32
        %dma_start3A_964 = tpu.memref_slice %arg9[%dma_start3A_960, %dma_start3A_961, %dma_start3A_962, %dma_start3A_963] : memref<2x10x8x128xf32, #tpu.memory_space<vmem>> -> memref<1x1x8x128xf32, #tpu.memory_space<vmem>>
        %dma_start3A_965 = tpu.memref_squeeze %dma_start3A_964 : memref<1x1x8x128xf32, #tpu.memory_space<vmem>> -> memref<8x128xf32, #tpu.memory_space<vmem>>
        %dma_start3A_966 = tpu.memref_slice %arg3[%dma_start3A_959, %mul3A_671, %mul3A_673] : memref<15x16x33600xf32, #tpu.memory_space<hbm>> -> memref<1x8x128xf32, #tpu.memory_space<hbm>>
        %dma_start3A_967 = tpu.memref_squeeze %dma_start3A_966 : memref<1x8x128xf32, #tpu.memory_space<hbm>> -> memref<8x128xf32, #tpu.memory_space<hbm>>
        %dma_start3A_968 = arith.constant 0 : i32
        %dma_start3A_969 = arith.constant 0 : i32
        %dma_start3A_970 = tpu.memref_slice %arg9[%dma_start3A_960, %dma_start3A_961, %dma_start3A_968, %dma_start3A_969] : memref<2x10x8x128xf32, #tpu.memory_space<vmem>> -> memref<1x1x8x128xf32, #tpu.memory_space<vmem>>
        %dma_start3A_971 = tpu.memref_squeeze %dma_start3A_970 : memref<1x1x8x128xf32, #tpu.memory_space<vmem>> -> memref<8x128xf32, #tpu.memory_space<vmem>>
        %dma_start3A_972 = tpu.memref_slice %arg3[%dma_start3A_959, %mul3A_671, %mul3A_673] : memref<15x16x33600xf32, #tpu.memory_space<hbm>> -> memref<1x8x128xf32, #tpu.memory_space<hbm>>
        %dma_start3A_973 = tpu.memref_squeeze %dma_start3A_972 : memref<1x8x128xf32, #tpu.memory_space<hbm>> -> memref<8x128xf32, #tpu.memory_space<hbm>>
        tpu.enqueue_dma source(%dma_start3A_973 : memref<8x128xf32, #tpu.memory_space<hbm>>) target(%dma_start3A_971 : memref<8x128xf32, #tpu.memory_space<vmem>>) target_semaphore(%arg15 : memref<!tpu.dma_semaphore, #tpu.memory_space<semaphore_mem>>)
        %dma_start3A_974 = arith.constant 1 : i32
        %dma_start3A_975 = arith.constant 0 : i32
        %dma_start3A_976 = arith.constant 0 : i32
        %dma_start3A_977 = tpu.memref_slice %arg10[%dma_start3A_974, %dma_start3A_975, %dma_start3A_976] : memref<2x8x128xf32, #tpu.memory_space<vmem>> -> memref<1x8x128xf32, #tpu.memory_space<vmem>>
        %dma_start3A_978 = tpu.memref_squeeze %dma_start3A_977 : memref<1x8x128xf32, #tpu.memory_space<vmem>> -> memref<8x128xf32, #tpu.memory_space<vmem>>
        %dma_start3A_979 = tpu.memref_slice %arg4[%mul3A_671, %mul3A_673] : memref<16x33600xf32, #tpu.memory_space<hbm>> -> memref<8x128xf32, #tpu.memory_space<hbm>>
        %dma_start3A_980 = arith.constant 0 : i32
        %dma_start3A_981 = arith.constant 0 : i32
        %dma_start3A_982 = tpu.memref_slice %arg10[%dma_start3A_974, %dma_start3A_980, %dma_start3A_981] : memref<2x8x128xf32, #tpu.memory_space<vmem>> -> memref<1x8x128xf32, #tpu.memory_space<vmem>>
        %dma_start3A_983 = tpu.memref_squeeze %dma_start3A_982 : memref<1x8x128xf32, #tpu.memory_space<vmem>> -> memref<8x128xf32, #tpu.memory_space<vmem>>
        %dma_start3A_984 = tpu.memref_slice %arg4[%mul3A_671, %mul3A_673] : memref<16x33600xf32, #tpu.memory_space<hbm>> -> memref<8x128xf32, #tpu.memory_space<hbm>>
        tpu.enqueue_dma source(%dma_start3A_984 : memref<8x128xf32, #tpu.memory_space<hbm>>) target(%dma_start3A_983 : memref<8x128xf32, #tpu.memory_space<vmem>>) target_semaphore(%arg15 : memref<!tpu.dma_semaphore, #tpu.memory_space<semaphore_mem>>)
        %dma_start3A_985 = arith.constant 1 : i32
        %dma_start3A_986 = arith.constant 0 : i32
        %dma_start3A_987 = arith.constant 0 : i32
        %dma_start3A_988 = tpu.memref_slice %arg11[%dma_start3A_985, %dma_start3A_986, %dma_start3A_987] : memref<2x8x128xf32, #tpu.memory_space<vmem>> -> memref<1x8x128xf32, #tpu.memory_space<vmem>>
        %dma_start3A_989 = tpu.memref_squeeze %dma_start3A_988 : memref<1x8x128xf32, #tpu.memory_space<vmem>> -> memref<8x128xf32, #tpu.memory_space<vmem>>
        %dma_start3A_990 = tpu.memref_slice %arg5[%mul3A_671, %mul3A_673] : memref<16x33600xf32, #tpu.memory_space<hbm>> -> memref<8x128xf32, #tpu.memory_space<hbm>>
        %dma_start3A_991 = arith.constant 0 : i32
        %dma_start3A_992 = arith.constant 0 : i32
        %dma_start3A_993 = tpu.memref_slice %arg11[%dma_start3A_985, %dma_start3A_991, %dma_start3A_992] : memref<2x8x128xf32, #tpu.memory_space<vmem>> -> memref<1x8x128xf32, #tpu.memory_space<vmem>>
        %dma_start3A_994 = tpu.memref_squeeze %dma_start3A_993 : memref<1x8x128xf32, #tpu.memory_space<vmem>> -> memref<8x128xf32, #tpu.memory_space<vmem>>
        %dma_start3A_995 = tpu.memref_slice %arg5[%mul3A_671, %mul3A_673] : memref<16x33600xf32, #tpu.memory_space<hbm>> -> memref<8x128xf32, #tpu.memory_space<hbm>>
        tpu.enqueue_dma source(%dma_start3A_995 : memref<8x128xf32, #tpu.memory_space<hbm>>) target(%dma_start3A_994 : memref<8x128xf32, #tpu.memory_space<vmem>>) target_semaphore(%arg15 : memref<!tpu.dma_semaphore, #tpu.memory_space<semaphore_mem>>)
        %dma_start3A_996 = arith.constant 1 : i32
        %dma_start3A_997 = arith.constant 0 : i32
        %dma_start3A_998 = tpu.memref_slice %arg12[%dma_start3A_996, %dma_start3A_997] : memref<2x128xf32, #tpu.memory_space<vmem>> -> memref<1x128xf32, #tpu.memory_space<vmem>>
        %dma_start3A_999 = tpu.memref_squeeze %dma_start3A_998 : memref<1x128xf32, #tpu.memory_space<vmem>> -> memref<128xf32, #tpu.memory_space<vmem>>
        %dma_start3A_1000 = tpu.memref_slice %arg6[%mul3A_673] : memref<33600xf32, #tpu.memory_space<hbm>> -> memref<128xf32, #tpu.memory_space<hbm>>
        %dma_start3A_1001 = arith.constant 0 : i32
        %dma_start3A_1002 = tpu.memref_slice %arg12[%dma_start3A_996, %dma_start3A_1001] : memref<2x128xf32, #tpu.memory_space<vmem>> -> memref<1x128xf32, #tpu.memory_space<vmem>>
        %dma_start3A_1003 = tpu.memref_squeeze %dma_start3A_1002 : memref<1x128xf32, #tpu.memory_space<vmem>> -> memref<128xf32, #tpu.memory_space<vmem>>
        %dma_start3A_1004 = tpu.memref_slice %arg6[%mul3A_673] : memref<33600xf32, #tpu.memory_space<hbm>> -> memref<128xf32, #tpu.memory_space<hbm>>
        tpu.enqueue_dma source(%dma_start3A_1004 : memref<128xf32, #tpu.memory_space<hbm>>) target(%dma_start3A_1003 : memref<128xf32, #tpu.memory_space<vmem>>) target_semaphore(%arg15 : memref<!tpu.dma_semaphore, #tpu.memory_space<semaphore_mem>>)
      } else {
      }
      %lt3A_443 = arith.cmpi slt, %add3A_438, %sub3A_47 : i32
      %convert_element_type3A_444 = arith.extui %lt3A_443 : i1 to i32
      %cond3A_445 = arith.constant 0 : i32
      %cond3A_446 = arith.cmpi ne, %convert_element_type3A_444, %cond3A_445 : i32
      scf.if %cond3A_446 {
        %dma_wait3A = arith.constant 0 : i32
        %dma_wait3A_632 = arith.constant 0 : i32
        %dma_wait3A_633 = arith.constant 0 : i32
        %dma_wait3A_634 = arith.constant 0 : i32
        %dma_wait3A_635 = tpu.memref_slice %arg8[%dma_wait3A, %dma_wait3A_632, %dma_wait3A_633, %dma_wait3A_634] : memref<2x10x8x128xf32, #tpu.memory_space<vmem>> -> memref<1x10x8x128xf32, #tpu.memory_space<vmem>>
        %dma_wait3A_636 = tpu.memref_squeeze %dma_wait3A_635 : memref<1x10x8x128xf32, #tpu.memory_space<vmem>> -> memref<10x8x128xf32, #tpu.memory_space<vmem>>
        %dma_wait3A_637 = arith.constant 0 : i32
        %dma_wait3A_638 = arith.constant 0 : i32
        %dma_wait3A_639 = arith.constant 0 : i32
        %dma_wait3A_640 = tpu.memref_slice %arg2[%dma_wait3A_637, %dma_wait3A_638, %dma_wait3A_639] : memref<10x16x33600xf32, #tpu.memory_space<hbm>> -> memref<10x8x128xf32, #tpu.memory_space<hbm>>
        %dma_wait3A_641 = arith.constant 0 : i32
        %dma_wait3A_642 = arith.constant 0 : i32
        %dma_wait3A_643 = arith.constant 0 : i32
        %dma_wait3A_644 = tpu.memref_slice %arg8[%dma_wait3A, %dma_wait3A_641, %dma_wait3A_642, %dma_wait3A_643] : memref<2x10x8x128xf32, #tpu.memory_space<vmem>> -> memref<1x10x8x128xf32, #tpu.memory_space<vmem>>
        %dma_wait3A_645 = tpu.memref_squeeze %dma_wait3A_644 : memref<1x10x8x128xf32, #tpu.memory_space<vmem>> -> memref<10x8x128xf32, #tpu.memory_space<vmem>>
        %dma_wait3A_646 = arith.constant 0 : i32
        %dma_wait3A_647 = arith.constant 0 : i32
        %dma_wait3A_648 = arith.constant 0 : i32
        %dma_wait3A_649 = tpu.memref_slice %arg2[%dma_wait3A_646, %dma_wait3A_647, %dma_wait3A_648] : memref<10x16x33600xf32, #tpu.memory_space<hbm>> -> memref<10x8x128xf32, #tpu.memory_space<hbm>>
        tpu.wait_dma2 semaphore(%arg14 : memref<!tpu.dma_semaphore, #tpu.memory_space<semaphore_mem>>) src(%dma_wait3A_649 : memref<10x8x128xf32, #tpu.memory_space<hbm>>) dst(%dma_wait3A_645 : memref<10x8x128xf32, #tpu.memory_space<vmem>>)
        %dma_wait3A_650 = arith.constant 0 : i32
        %dma_wait3A_651 = arith.constant 0 : i32
        %dma_wait3A_652 = arith.constant 0 : i32
        %dma_wait3A_653 = arith.constant 0 : i32
        %dma_wait3A_654 = tpu.memref_slice %arg9[%dma_wait3A_650, %dma_wait3A_651, %dma_wait3A_652, %dma_wait3A_653] : memref<2x10x8x128xf32, #tpu.memory_space<vmem>> -> memref<1x10x8x128xf32, #tpu.memory_space<vmem>>
        %dma_wait3A_655 = tpu.memref_squeeze %dma_wait3A_654 : memref<1x10x8x128xf32, #tpu.memory_space<vmem>> -> memref<10x8x128xf32, #tpu.memory_space<vmem>>
        %dma_wait3A_656 = arith.constant 0 : i32
        %dma_wait3A_657 = arith.constant 0 : i32
        %dma_wait3A_658 = arith.constant 0 : i32
        %dma_wait3A_659 = tpu.memref_slice %arg3[%dma_wait3A_656, %dma_wait3A_657, %dma_wait3A_658] : memref<15x16x33600xf32, #tpu.memory_space<hbm>> -> memref<10x8x128xf32, #tpu.memory_space<hbm>>
        %dma_wait3A_660 = arith.constant 0 : i32
        %dma_wait3A_661 = arith.constant 0 : i32
        %dma_wait3A_662 = arith.constant 0 : i32
        %dma_wait3A_663 = tpu.memref_slice %arg9[%dma_wait3A_650, %dma_wait3A_660, %dma_wait3A_661, %dma_wait3A_662] : memref<2x10x8x128xf32, #tpu.memory_space<vmem>> -> memref<1x10x8x128xf32, #tpu.memory_space<vmem>>
        %dma_wait3A_664 = tpu.memref_squeeze %dma_wait3A_663 : memref<1x10x8x128xf32, #tpu.memory_space<vmem>> -> memref<10x8x128xf32, #tpu.memory_space<vmem>>
        %dma_wait3A_665 = arith.constant 0 : i32
        %dma_wait3A_666 = arith.constant 0 : i32
        %dma_wait3A_667 = arith.constant 0 : i32
        %dma_wait3A_668 = tpu.memref_slice %arg3[%dma_wait3A_665, %dma_wait3A_666, %dma_wait3A_667] : memref<15x16x33600xf32, #tpu.memory_space<hbm>> -> memref<10x8x128xf32, #tpu.memory_space<hbm>>
        tpu.wait_dma2 semaphore(%arg14 : memref<!tpu.dma_semaphore, #tpu.memory_space<semaphore_mem>>) src(%dma_wait3A_668 : memref<10x8x128xf32, #tpu.memory_space<hbm>>) dst(%dma_wait3A_664 : memref<10x8x128xf32, #tpu.memory_space<vmem>>)
        %dma_wait3A_669 = arith.constant 0 : i32
        %dma_wait3A_670 = arith.constant 0 : i32
        %dma_wait3A_671 = arith.constant 0 : i32
        %dma_wait3A_672 = tpu.memref_slice %arg10[%dma_wait3A_669, %dma_wait3A_670, %dma_wait3A_671] : memref<2x8x128xf32, #tpu.memory_space<vmem>> -> memref<1x8x128xf32, #tpu.memory_space<vmem>>
        %dma_wait3A_673 = tpu.memref_squeeze %dma_wait3A_672 : memref<1x8x128xf32, #tpu.memory_space<vmem>> -> memref<8x128xf32, #tpu.memory_space<vmem>>
        %dma_wait3A_674 = arith.constant 0 : i32
        %dma_wait3A_675 = arith.constant 0 : i32
        %dma_wait3A_676 = tpu.memref_slice %arg4[%dma_wait3A_674, %dma_wait3A_675] : memref<16x33600xf32, #tpu.memory_space<hbm>> -> memref<8x128xf32, #tpu.memory_space<hbm>>
        %dma_wait3A_677 = arith.constant 0 : i32
        %dma_wait3A_678 = arith.constant 0 : i32
        %dma_wait3A_679 = tpu.memref_slice %arg10[%dma_wait3A_669, %dma_wait3A_677, %dma_wait3A_678] : memref<2x8x128xf32, #tpu.memory_space<vmem>> -> memref<1x8x128xf32, #tpu.memory_space<vmem>>
        %dma_wait3A_680 = tpu.memref_squeeze %dma_wait3A_679 : memref<1x8x128xf32, #tpu.memory_space<vmem>> -> memref<8x128xf32, #tpu.memory_space<vmem>>
        %dma_wait3A_681 = arith.constant 0 : i32
        %dma_wait3A_682 = arith.constant 0 : i32
        %dma_wait3A_683 = tpu.memref_slice %arg4[%dma_wait3A_681, %dma_wait3A_682] : memref<16x33600xf32, #tpu.memory_space<hbm>> -> memref<8x128xf32, #tpu.memory_space<hbm>>
        tpu.wait_dma2 semaphore(%arg14 : memref<!tpu.dma_semaphore, #tpu.memory_space<semaphore_mem>>) src(%dma_wait3A_683 : memref<8x128xf32, #tpu.memory_space<hbm>>) dst(%dma_wait3A_680 : memref<8x128xf32, #tpu.memory_space<vmem>>)
        %dma_wait3A_684 = arith.constant 0 : i32
        %dma_wait3A_685 = arith.constant 0 : i32
        %dma_wait3A_686 = arith.constant 0 : i32
        %dma_wait3A_687 = tpu.memref_slice %arg11[%dma_wait3A_684, %dma_wait3A_685, %dma_wait3A_686] : memref<2x8x128xf32, #tpu.memory_space<vmem>> -> memref<1x8x128xf32, #tpu.memory_space<vmem>>
        %dma_wait3A_688 = tpu.memref_squeeze %dma_wait3A_687 : memref<1x8x128xf32, #tpu.memory_space<vmem>> -> memref<8x128xf32, #tpu.memory_space<vmem>>
        %dma_wait3A_689 = arith.constant 0 : i32
        %dma_wait3A_690 = arith.constant 0 : i32
        %dma_wait3A_691 = tpu.memref_slice %arg5[%dma_wait3A_689, %dma_wait3A_690] : memref<16x33600xf32, #tpu.memory_space<hbm>> -> memref<8x128xf32, #tpu.memory_space<hbm>>
        %dma_wait3A_692 = arith.constant 0 : i32
        %dma_wait3A_693 = arith.constant 0 : i32
        %dma_wait3A_694 = tpu.memref_slice %arg11[%dma_wait3A_684, %dma_wait3A_692, %dma_wait3A_693] : memref<2x8x128xf32, #tpu.memory_space<vmem>> -> memref<1x8x128xf32, #tpu.memory_space<vmem>>
        %dma_wait3A_695 = tpu.memref_squeeze %dma_wait3A_694 : memref<1x8x128xf32, #tpu.memory_space<vmem>> -> memref<8x128xf32, #tpu.memory_space<vmem>>
        %dma_wait3A_696 = arith.constant 0 : i32
        %dma_wait3A_697 = arith.constant 0 : i32
        %dma_wait3A_698 = tpu.memref_slice %arg5[%dma_wait3A_696, %dma_wait3A_697] : memref<16x33600xf32, #tpu.memory_space<hbm>> -> memref<8x128xf32, #tpu.memory_space<hbm>>
        tpu.wait_dma2 semaphore(%arg14 : memref<!tpu.dma_semaphore, #tpu.memory_space<semaphore_mem>>) src(%dma_wait3A_698 : memref<8x128xf32, #tpu.memory_space<hbm>>) dst(%dma_wait3A_695 : memref<8x128xf32, #tpu.memory_space<vmem>>)
        %dma_wait3A_699 = arith.constant 0 : i32
        %dma_wait3A_700 = arith.constant 0 : i32
        %dma_wait3A_701 = tpu.memref_slice %arg12[%dma_wait3A_699, %dma_wait3A_700] : memref<2x128xf32, #tpu.memory_space<vmem>> -> memref<1x128xf32, #tpu.memory_space<vmem>>
        %dma_wait3A_702 = tpu.memref_squeeze %dma_wait3A_701 : memref<1x128xf32, #tpu.memory_space<vmem>> -> memref<128xf32, #tpu.memory_space<vmem>>
        %dma_wait3A_703 = arith.constant 0 : i32
        %dma_wait3A_704 = tpu.memref_slice %arg6[%dma_wait3A_703] : memref<33600xf32, #tpu.memory_space<hbm>> -> memref<128xf32, #tpu.memory_space<hbm>>
        %dma_wait3A_705 = arith.constant 0 : i32
        %dma_wait3A_706 = tpu.memref_slice %arg12[%dma_wait3A_699, %dma_wait3A_705] : memref<2x128xf32, #tpu.memory_space<vmem>> -> memref<1x128xf32, #tpu.memory_space<vmem>>
        %dma_wait3A_707 = tpu.memref_squeeze %dma_wait3A_706 : memref<1x128xf32, #tpu.memory_space<vmem>> -> memref<128xf32, #tpu.memory_space<vmem>>
        %dma_wait3A_708 = arith.constant 0 : i32
        %dma_wait3A_709 = tpu.memref_slice %arg6[%dma_wait3A_708] : memref<33600xf32, #tpu.memory_space<hbm>> -> memref<128xf32, #tpu.memory_space<hbm>>
        tpu.wait_dma2 semaphore(%arg14 : memref<!tpu.dma_semaphore, #tpu.memory_space<semaphore_mem>>) src(%dma_wait3A_709 : memref<128xf32, #tpu.memory_space<hbm>>) dst(%dma_wait3A_707 : memref<128xf32, #tpu.memory_space<vmem>>)
      } else {
      }
      %sub3A_447 = arith.constant 1 : i32
      %sub3A_448 = arith.subi %sub3A_47, %sub3A_447 : i32
      %min3A_449 = arith.minsi %add3A_438, %sub3A_448 : i32
      %add3A_450 = arith.addi %select_n3A, %min3A_449 : i32
      %jit3A_451 = arith.constant 2 : i32
      %div3A_452 = arith.divsi %add3A_450, %jit3A_451 : i32
      %sign3A_453 = arith.constant 0 : i32
      %sign3A_454 = arith.cmpi sgt, %add3A_450, %sign3A_453 : i32
      %sign3A_455 = arith.extui %sign3A_454 : i1 to i32
      %sign3A_456 = arith.constant 0 : i32
      %sign3A_457 = arith.cmpi slt, %add3A_450, %sign3A_456 : i32
      %sign3A_458 = arith.extui %sign3A_457 : i1 to i32
      %sign3A_459 = arith.subi %sign3A_455, %sign3A_458 : i32
      %sign3A_460 = arith.constant 0 : i32
      %sign3A_461 = arith.cmpi sgt, %jit3A_451, %sign3A_460 : i32
      %sign3A_462 = arith.extui %sign3A_461 : i1 to i32
      %sign3A_463 = arith.constant 0 : i32
      %sign3A_464 = arith.cmpi slt, %jit3A_451, %sign3A_463 : i32
      %sign3A_465 = arith.extui %sign3A_464 : i1 to i32
      %sign3A_466 = arith.subi %sign3A_462, %sign3A_465 : i32
      %ne3A_467 = arith.cmpi ne, %sign3A_459, %sign3A_466 : i32
      %rem3A_468 = arith.remsi %add3A_450, %jit3A_451 : i32
      %ne3A_469 = arith.constant 0 : i32
      %ne3A_470 = arith.cmpi ne, %rem3A_468, %ne3A_469 : i32
      %and3A_471 = arith.andi %ne3A_467, %ne3A_470 : i1
      %sub3A_472 = arith.constant 1 : i32
      %sub3A_473 = arith.subi %div3A_452, %sub3A_472 : i32
      %select_n3A_474 = arith.select %and3A_471, %sub3A_473, %div3A_452 : i32
      %mul3A_475 = arith.constant 2 : i32
      %mul3A_476 = arith.muli %select_n3A_474, %mul3A_475 : i32
      %sub3A_477 = arith.subi %add3A_450, %mul3A_476 : i32
      %lt3A_478 = arith.constant 136 : i32
      %lt3A_479 = arith.cmpi slt, %select_n3A_474, %lt3A_478 : i32
      %add3A_480 = arith.constant 120 : i32
      %add3A_481 = arith.addi %select_n3A_474, %add3A_480 : i32
      %select_n3A_482 = arith.select %lt3A_479, %select_n3A_474, %add3A_481 : i32
      %mul3A_483 = arith.constant 8 : i32
      %mul3A_484 = arith.muli %sub3A_477, %mul3A_483 : i32
      %mul3A_485 = arith.constant 128 : i32
      %mul3A_486 = arith.muli %select_n3A_482, %mul3A_485 : i32
      %lt3A_487 = arith.cmpi slt, %add3A_438, %sub3A_47 : i32
      %mul3A_488 = arith.constant 128 : i32
      %mul3A_489 = arith.muli %select_n3A_482, %mul3A_488 : i32
      %sub3A_490 = arith.constant 33600 : i32
      %sub3A_491 = arith.subi %sub3A_490, %mul3A_489 : i32
      %min3A_492 = arith.constant 128 : i32
      %min3A_493 = arith.minsi %sub3A_491, %min3A_492 : i32
      %jit3A_494 = arith.constant 16 : i32
      %div3A_495 = arith.divsi %min3A_493, %jit3A_494 : i32
      %sign3A_496 = arith.constant 0 : i32
      %sign3A_497 = arith.cmpi sgt, %min3A_493, %sign3A_496 : i32
      %sign3A_498 = arith.extui %sign3A_497 : i1 to i32
      %sign3A_499 = arith.constant 0 : i32
      %sign3A_500 = arith.cmpi slt, %min3A_493, %sign3A_499 : i32
      %sign3A_501 = arith.extui %sign3A_500 : i1 to i32
      %sign3A_502 = arith.subi %sign3A_498, %sign3A_501 : i32
      %sign3A_503 = arith.constant 0 : i32
      %sign3A_504 = arith.cmpi sgt, %jit3A_494, %sign3A_503 : i32
      %sign3A_505 = arith.extui %sign3A_504 : i1 to i32
      %sign3A_506 = arith.constant 0 : i32
      %sign3A_507 = arith.cmpi slt, %jit3A_494, %sign3A_506 : i32
      %sign3A_508 = arith.extui %sign3A_507 : i1 to i32
      %sign3A_509 = arith.subi %sign3A_505, %sign3A_508 : i32
      %ne3A_510 = arith.cmpi ne, %sign3A_502, %sign3A_509 : i32
      %rem3A_511 = arith.remsi %min3A_493, %jit3A_494 : i32
      %ne3A_512 = arith.constant 0 : i32
      %ne3A_513 = arith.cmpi ne, %rem3A_511, %ne3A_512 : i32
      %and3A_514 = arith.andi %ne3A_510, %ne3A_513 : i1
      %sub3A_515 = arith.constant 1 : i32
      %sub3A_516 = arith.subi %div3A_495, %sub3A_515 : i32
      %select_n3A_517 = arith.select %and3A_514, %sub3A_516, %div3A_495 : i32
      %jit3A_518 = arith.constant 0 : i32
      %select_n3A_519 = arith.select %lt3A_487, %select_n3A_517, %jit3A_518 : i32
      %mul3A_520 = arith.constant 8 : i32
      %mul3A_521 = arith.muli %select_n3A_519, %mul3A_520 : i32
      %while3A = arith.constant 0 : i32
      %while3A_522 = arith.subi %mul3A_521, %while3A : i32
      %while3A_523 = arith.addi %while3A, %while3A_522 : i32
      %while3A_524 = arith.constant 1 : i32
      %while3A_525 = arith.divsi %while3A_522, %while3A_524 : i32
      %while3A_526 = arith.muli %while3A_525, %while3A_524 : i32
      %while3A_527 = arith.addi %while3A, %while3A_526 : i32
      %while3A_528 = arith.constant 1 : i32
      %while3A_529:2 = scf.for %while3A_632 = %while3A to %while3A_527 step %while3A_528 iter_args(%while3A_633 = %scan3A_433, %while3A_634 = %scan3A_434) -> (vector<16xf32>, vector<16xf32>)  : i32 {
        %div3A_635 = arith.divsi %while3A_632, %select_n3A_519 : i32
        %sign3A_636 = arith.constant 0 : i32
        %sign3A_637 = arith.cmpi sgt, %while3A_632, %sign3A_636 : i32
        %sign3A_638 = arith.extui %sign3A_637 : i1 to i32
        %sign3A_639 = arith.constant 0 : i32
        %sign3A_640 = arith.cmpi slt, %while3A_632, %sign3A_639 : i32
        %sign3A_641 = arith.extui %sign3A_640 : i1 to i32
        %sign3A_642 = arith.subi %sign3A_638, %sign3A_641 : i32
        %sign3A_643 = arith.constant 0 : i32
        %sign3A_644 = arith.cmpi sgt, %select_n3A_519, %sign3A_643 : i32
        %sign3A_645 = arith.extui %sign3A_644 : i1 to i32
        %sign3A_646 = arith.constant 0 : i32
        %sign3A_647 = arith.cmpi slt, %select_n3A_519, %sign3A_646 : i32
        %sign3A_648 = arith.extui %sign3A_647 : i1 to i32
        %sign3A_649 = arith.subi %sign3A_645, %sign3A_648 : i32
        %ne3A_650 = arith.cmpi ne, %sign3A_642, %sign3A_649 : i32
        %rem3A_651 = arith.remsi %while3A_632, %select_n3A_519 : i32
        %ne3A_652 = arith.constant 0 : i32
        %ne3A_653 = arith.cmpi ne, %rem3A_651, %ne3A_652 : i32
        %and3A_654 = arith.andi %ne3A_650, %ne3A_653 : i1
        %sub3A_655 = arith.constant 1 : i32
        %sub3A_656 = arith.subi %div3A_635, %sub3A_655 : i32
        %select_n3A_657 = arith.select %and3A_654, %sub3A_656, %div3A_635 : i32
        %mul3A_658 = arith.muli %select_n3A_657, %select_n3A_519 : i32
        %sub3A_659 = arith.subi %while3A_632, %mul3A_658 : i32
        %mul3A_660 = arith.constant 16 : i32
        %mul3A_661 = arith.muli %sub3A_659, %mul3A_660 : i32
        %get3A = arith.constant 0 : i32
        %get3A_662 = arith.index_cast %get3A : i32 to index
        %get3A_663 = arith.index_cast %mul3A_661 : i32 to index
        %get3A_664 = tpu.vector_load %arg12[%get3A_662, %get3A_663] {strides = array<i32>} : memref<2x128xf32, #tpu.memory_space<vmem>>, vector<16xf32>,
        %div3A_665 = arith.constant 1.000000e+00 : f32
        %div3A_666 = vector.broadcast %div3A_665 : f32 to vector<16xf32>
        %div3A_667 = arith.divf %div3A_666, %get3A_664 : vector<16xf32>
        %get3A_668 = arith.constant 0 : i32
        %get3A_669 = arith.index_cast %get3A_668 : i32 to index
        %get3A_670 = arith.index_cast %select_n3A_657 : i32 to index
        %get3A_671 = arith.index_cast %mul3A_661 : i32 to index
        %get3A_672 = tpu.vector_load %arg11[%get3A_669, %get3A_670, %get3A_671] {strides = array<i32>} : memref<2x8x128xf32, #tpu.memory_space<vmem>>, vector<16xf32>,
        %get3A_673 = arith.constant 0 : i32
        %get3A_674 = arith.index_cast %get3A_673 : i32 to index
        %get3A_675 = arith.index_cast %select_n3A_657 : i32 to index
        %get3A_676 = arith.index_cast %mul3A_661 : i32 to index
        %get3A_677 = tpu.vector_load %arg10[%get3A_674, %get3A_675, %get3A_676] {strides = array<i32>} : memref<2x8x128xf32, #tpu.memory_space<vmem>>, vector<16xf32>,
        %mul3A_678 = arith.mulf %get3A_677, %get3A_672 : vector<16xf32>
        %add3A_679 = arith.addf %while3A_634, %get3A_672 : vector<16xf32>
        %get3A_680 = arith.constant 0 : i32
        %get3A_681 = arith.constant 0 : i32
        %get3A_682 = arith.index_cast %get3A_680 : i32 to index
        %get3A_683 = arith.index_cast %get3A_681 : i32 to index
        %get3A_684 = arith.index_cast %select_n3A_657 : i32 to index
        %get3A_685 = arith.index_cast %mul3A_661 : i32 to index
        %get3A_686 = tpu.vector_load %arg8[%get3A_682, %get3A_683, %get3A_684, %get3A_685] {strides = array<i32>} : memref<2x10x8x128xf32, #tpu.memory_space<vmem>>, vector<16xf32>,
        %get3A_687 = arith.constant 0 : i32
        %get3A_688 = arith.constant 0 : i32
        %get3A_689 = arith.index_cast %get3A_687 : i32 to index
        %get3A_690 = arith.index_cast %get3A_688 : i32 to index
        %get3A_691 = arith.index_cast %select_n3A_657 : i32 to index
        %get3A_692 = arith.index_cast %mul3A_661 : i32 to index
        %get3A_693 = tpu.vector_load %arg9[%get3A_689, %get3A_690, %get3A_691, %get3A_692] {strides = array<i32>} : memref<2x10x8x128xf32, #tpu.memory_space<vmem>>, vector<16xf32>,
        %mul3A_694 = arith.mulf %get3A_693, %div3A_667 : vector<16xf32>
        %sub3A_695 = arith.subf %get3A_686, %mul3A_694 : vector<16xf32>
        %abs3A = math.absf %sub3A_695 : vector<16xf32>
        %min3A_696 = arith.constant 1.000000e+00 : f32
        %min3A_697 = vector.broadcast %min3A_696 : f32 to vector<16xf32>
        %min3A_698 = arith.minimumf %abs3A, %min3A_697 : vector<16xf32>
        %mul3A_699 = arith.constant 5.000000e-01 : f32
        %mul3A_700 = vector.broadcast %mul3A_699 : f32 to vector<16xf32>
        %mul3A_701 = arith.mulf %mul3A_700, %min3A_698 : vector<16xf32>
        %sub3A_702 = arith.subf %abs3A, %mul3A_701 : vector<16xf32>
        %mul3A_703 = arith.mulf %sub3A_702, %min3A_698 : vector<16xf32>
        %get3A_704 = arith.constant 0 : i32
        %get3A_705 = arith.constant 1 : i32
        %get3A_706 = arith.index_cast %get3A_704 : i32 to index
        %get3A_707 = arith.index_cast %get3A_705 : i32 to index
        %get3A_708 = arith.index_cast %select_n3A_657 : i32 to index
        %get3A_709 = arith.index_cast %mul3A_661 : i32 to index
        %get3A_710 = tpu.vector_load %arg8[%get3A_706, %get3A_707, %get3A_708, %get3A_709] {strides = array<i32>} : memref<2x10x8x128xf32, #tpu.memory_space<vmem>>, vector<16xf32>,
        %get3A_711 = arith.constant 0 : i32
        %get3A_712 = arith.constant 1 : i32
        %get3A_713 = arith.index_cast %get3A_711 : i32 to index
        %get3A_714 = arith.index_cast %get3A_712 : i32 to index
        %get3A_715 = arith.index_cast %select_n3A_657 : i32 to index
        %get3A_716 = arith.index_cast %mul3A_661 : i32 to index
        %get3A_717 = tpu.vector_load %arg9[%get3A_713, %get3A_714, %get3A_715, %get3A_716] {strides = array<i32>} : memref<2x10x8x128xf32, #tpu.memory_space<vmem>>, vector<16xf32>,
        %mul3A_718 = arith.mulf %get3A_717, %div3A_667 : vector<16xf32>
        %sub3A_719 = arith.subf %get3A_710, %mul3A_718 : vector<16xf32>
        %abs3A_720 = math.absf %sub3A_719 : vector<16xf32>
        %min3A_721 = arith.constant 1.000000e+00 : f32
        %min3A_722 = vector.broadcast %min3A_721 : f32 to vector<16xf32>
        %min3A_723 = arith.minimumf %abs3A_720, %min3A_722 : vector<16xf32>
        %mul3A_724 = arith.constant 5.000000e-01 : f32
        %mul3A_725 = vector.broadcast %mul3A_724 : f32 to vector<16xf32>
        %mul3A_726 = arith.mulf %mul3A_725, %min3A_723 : vector<16xf32>
        %sub3A_727 = arith.subf %abs3A_720, %mul3A_726 : vector<16xf32>
        %mul3A_728 = arith.mulf %sub3A_727, %min3A_723 : vector<16xf32>
        %add3A_729 = arith.addf %mul3A_703, %mul3A_728 : vector<16xf32>
        %get3A_730 = arith.constant 0 : i32
        %get3A_731 = arith.constant 2 : i32
        %get3A_732 = arith.index_cast %get3A_730 : i32 to index
        %get3A_733 = arith.index_cast %get3A_731 : i32 to index
        %get3A_734 = arith.index_cast %select_n3A_657 : i32 to index
        %get3A_735 = arith.index_cast %mul3A_661 : i32 to index
        %get3A_736 = tpu.vector_load %arg8[%get3A_732, %get3A_733, %get3A_734, %get3A_735] {strides = array<i32>} : memref<2x10x8x128xf32, #tpu.memory_space<vmem>>, vector<16xf32>,
        %get3A_737 = arith.constant 0 : i32
        %get3A_738 = arith.constant 2 : i32
        %get3A_739 = arith.index_cast %get3A_737 : i32 to index
        %get3A_740 = arith.index_cast %get3A_738 : i32 to index
        %get3A_741 = arith.index_cast %select_n3A_657 : i32 to index
        %get3A_742 = arith.index_cast %mul3A_661 : i32 to index
        %get3A_743 = tpu.vector_load %arg9[%get3A_739, %get3A_740, %get3A_741, %get3A_742] {strides = array<i32>} : memref<2x10x8x128xf32, #tpu.memory_space<vmem>>, vector<16xf32>,
        %mul3A_744 = arith.mulf %get3A_743, %div3A_667 : vector<16xf32>
        %sub3A_745 = arith.subf %get3A_736, %mul3A_744 : vector<16xf32>
        %abs3A_746 = math.absf %sub3A_745 : vector<16xf32>
        %min3A_747 = arith.constant 1.000000e+00 : f32
        %min3A_748 = vector.broadcast %min3A_747 : f32 to vector<16xf32>
        %min3A_749 = arith.minimumf %abs3A_746, %min3A_748 : vector<16xf32>
        %mul3A_750 = arith.constant 5.000000e-01 : f32
        %mul3A_751 = vector.broadcast %mul3A_750 : f32 to vector<16xf32>
        %mul3A_752 = arith.mulf %mul3A_751, %min3A_749 : vector<16xf32>
        %sub3A_753 = arith.subf %abs3A_746, %mul3A_752 : vector<16xf32>
        %mul3A_754 = arith.mulf %sub3A_753, %min3A_749 : vector<16xf32>
        %get3A_755 = arith.constant 0 : i32
        %get3A_756 = arith.constant 3 : i32
        %get3A_757 = arith.index_cast %get3A_755 : i32 to index
        %get3A_758 = arith.index_cast %get3A_756 : i32 to index
        %get3A_759 = arith.index_cast %select_n3A_657 : i32 to index
        %get3A_760 = arith.index_cast %mul3A_661 : i32 to index
        %get3A_761 = tpu.vector_load %arg8[%get3A_757, %get3A_758, %get3A_759, %get3A_760] {strides = array<i32>} : memref<2x10x8x128xf32, #tpu.memory_space<vmem>>, vector<16xf32>,
        %get3A_762 = arith.constant 0 : i32
        %get3A_763 = arith.constant 3 : i32
        %get3A_764 = arith.index_cast %get3A_762 : i32 to index
        %get3A_765 = arith.index_cast %get3A_763 : i32 to index
        %get3A_766 = arith.index_cast %select_n3A_657 : i32 to index
        %get3A_767 = arith.index_cast %mul3A_661 : i32 to index
        %get3A_768 = tpu.vector_load %arg9[%get3A_764, %get3A_765, %get3A_766, %get3A_767] {strides = array<i32>} : memref<2x10x8x128xf32, #tpu.memory_space<vmem>>, vector<16xf32>,
        %mul3A_769 = arith.mulf %get3A_768, %div3A_667 : vector<16xf32>
        %sub3A_770 = arith.subf %get3A_761, %mul3A_769 : vector<16xf32>
        %abs3A_771 = math.absf %sub3A_770 : vector<16xf32>
        %min3A_772 = arith.constant 1.000000e+00 : f32
        %min3A_773 = vector.broadcast %min3A_772 : f32 to vector<16xf32>
        %min3A_774 = arith.minimumf %abs3A_771, %min3A_773 : vector<16xf32>
        %mul3A_775 = arith.constant 5.000000e-01 : f32
        %mul3A_776 = vector.broadcast %mul3A_775 : f32 to vector<16xf32>
        %mul3A_777 = arith.mulf %mul3A_776, %min3A_774 : vector<16xf32>
        %sub3A_778 = arith.subf %abs3A_771, %mul3A_777 : vector<16xf32>
        %mul3A_779 = arith.mulf %sub3A_778, %min3A_774 : vector<16xf32>
        %add3A_780 = arith.addf %mul3A_754, %mul3A_779 : vector<16xf32>
        %add3A_781 = arith.addf %add3A_729, %add3A_780 : vector<16xf32>
        %get3A_782 = arith.constant 0 : i32
        %get3A_783 = arith.constant 4 : i32
        %get3A_784 = arith.index_cast %get3A_782 : i32 to index
        %get3A_785 = arith.index_cast %get3A_783 : i32 to index
        %get3A_786 = arith.index_cast %select_n3A_657 : i32 to index
        %get3A_787 = arith.index_cast %mul3A_661 : i32 to index
        %get3A_788 = tpu.vector_load %arg8[%get3A_784, %get3A_785, %get3A_786, %get3A_787] {strides = array<i32>} : memref<2x10x8x128xf32, #tpu.memory_space<vmem>>, vector<16xf32>,
        %get3A_789 = arith.constant 0 : i32
        %get3A_790 = arith.constant 4 : i32
        %get3A_791 = arith.index_cast %get3A_789 : i32 to index
        %get3A_792 = arith.index_cast %get3A_790 : i32 to index
        %get3A_793 = arith.index_cast %select_n3A_657 : i32 to index
        %get3A_794 = arith.index_cast %mul3A_661 : i32 to index
        %get3A_795 = tpu.vector_load %arg9[%get3A_791, %get3A_792, %get3A_793, %get3A_794] {strides = array<i32>} : memref<2x10x8x128xf32, #tpu.memory_space<vmem>>, vector<16xf32>,
        %mul3A_796 = arith.mulf %get3A_795, %div3A_667 : vector<16xf32>
        %sub3A_797 = arith.subf %get3A_788, %mul3A_796 : vector<16xf32>
        %abs3A_798 = math.absf %sub3A_797 : vector<16xf32>
        %min3A_799 = arith.constant 1.000000e+00 : f32
        %min3A_800 = vector.broadcast %min3A_799 : f32 to vector<16xf32>
        %min3A_801 = arith.minimumf %abs3A_798, %min3A_800 : vector<16xf32>
        %mul3A_802 = arith.constant 5.000000e-01 : f32
        %mul3A_803 = vector.broadcast %mul3A_802 : f32 to vector<16xf32>
        %mul3A_804 = arith.mulf %mul3A_803, %min3A_801 : vector<16xf32>
        %sub3A_805 = arith.subf %abs3A_798, %mul3A_804 : vector<16xf32>
        %mul3A_806 = arith.mulf %sub3A_805, %min3A_801 : vector<16xf32>
        %get3A_807 = arith.constant 0 : i32
        %get3A_808 = arith.constant 5 : i32
        %get3A_809 = arith.index_cast %get3A_807 : i32 to index
        %get3A_810 = arith.index_cast %get3A_808 : i32 to index
        %get3A_811 = arith.index_cast %select_n3A_657 : i32 to index
        %get3A_812 = arith.index_cast %mul3A_661 : i32 to index
        %get3A_813 = tpu.vector_load %arg8[%get3A_809, %get3A_810, %get3A_811, %get3A_812] {strides = array<i32>} : memref<2x10x8x128xf32, #tpu.memory_space<vmem>>, vector<16xf32>,
        %get3A_814 = arith.constant 0 : i32
        %get3A_815 = arith.constant 5 : i32
        %get3A_816 = arith.index_cast %get3A_814 : i32 to index
        %get3A_817 = arith.index_cast %get3A_815 : i32 to index
        %get3A_818 = arith.index_cast %select_n3A_657 : i32 to index
        %get3A_819 = arith.index_cast %mul3A_661 : i32 to index
        %get3A_820 = tpu.vector_load %arg9[%get3A_816, %get3A_817, %get3A_818, %get3A_819] {strides = array<i32>} : memref<2x10x8x128xf32, #tpu.memory_space<vmem>>, vector<16xf32>,
        %mul3A_821 = arith.mulf %get3A_820, %div3A_667 : vector<16xf32>
        %sub3A_822 = arith.subf %get3A_813, %mul3A_821 : vector<16xf32>
        %abs3A_823 = math.absf %sub3A_822 : vector<16xf32>
        %min3A_824 = arith.constant 1.000000e+00 : f32
        %min3A_825 = vector.broadcast %min3A_824 : f32 to vector<16xf32>
        %min3A_826 = arith.minimumf %abs3A_823, %min3A_825 : vector<16xf32>
        %mul3A_827 = arith.constant 5.000000e-01 : f32
        %mul3A_828 = vector.broadcast %mul3A_827 : f32 to vector<16xf32>
        %mul3A_829 = arith.mulf %mul3A_828, %min3A_826 : vector<16xf32>
        %sub3A_830 = arith.subf %abs3A_823, %mul3A_829 : vector<16xf32>
        %mul3A_831 = arith.mulf %sub3A_830, %min3A_826 : vector<16xf32>
        %add3A_832 = arith.addf %mul3A_806, %mul3A_831 : vector<16xf32>
        %add3A_833 = arith.addf %add3A_781, %add3A_832 : vector<16xf32>
        %get3A_834 = arith.constant 0 : i32
        %get3A_835 = arith.constant 6 : i32
        %get3A_836 = arith.index_cast %get3A_834 : i32 to index
        %get3A_837 = arith.index_cast %get3A_835 : i32 to index
        %get3A_838 = arith.index_cast %select_n3A_657 : i32 to index
        %get3A_839 = arith.index_cast %mul3A_661 : i32 to index
        %get3A_840 = tpu.vector_load %arg8[%get3A_836, %get3A_837, %get3A_838, %get3A_839] {strides = array<i32>} : memref<2x10x8x128xf32, #tpu.memory_space<vmem>>, vector<16xf32>,
        %get3A_841 = arith.constant 0 : i32
        %get3A_842 = arith.constant 6 : i32
        %get3A_843 = arith.index_cast %get3A_841 : i32 to index
        %get3A_844 = arith.index_cast %get3A_842 : i32 to index
        %get3A_845 = arith.index_cast %select_n3A_657 : i32 to index
        %get3A_846 = arith.index_cast %mul3A_661 : i32 to index
        %get3A_847 = tpu.vector_load %arg9[%get3A_843, %get3A_844, %get3A_845, %get3A_846] {strides = array<i32>} : memref<2x10x8x128xf32, #tpu.memory_space<vmem>>, vector<16xf32>,
        %mul3A_848 = arith.mulf %get3A_847, %div3A_667 : vector<16xf32>
        %sub3A_849 = arith.subf %get3A_840, %mul3A_848 : vector<16xf32>
        %abs3A_850 = math.absf %sub3A_849 : vector<16xf32>
        %min3A_851 = arith.constant 1.000000e+00 : f32
        %min3A_852 = vector.broadcast %min3A_851 : f32 to vector<16xf32>
        %min3A_853 = arith.minimumf %abs3A_850, %min3A_852 : vector<16xf32>
        %mul3A_854 = arith.constant 5.000000e-01 : f32
        %mul3A_855 = vector.broadcast %mul3A_854 : f32 to vector<16xf32>
        %mul3A_856 = arith.mulf %mul3A_855, %min3A_853 : vector<16xf32>
        %sub3A_857 = arith.subf %abs3A_850, %mul3A_856 : vector<16xf32>
        %mul3A_858 = arith.mulf %sub3A_857, %min3A_853 : vector<16xf32>
        %get3A_859 = arith.constant 0 : i32
        %get3A_860 = arith.constant 7 : i32
        %get3A_861 = arith.index_cast %get3A_859 : i32 to index
        %get3A_862 = arith.index_cast %get3A_860 : i32 to index
        %get3A_863 = arith.index_cast %select_n3A_657 : i32 to index
        %get3A_864 = arith.index_cast %mul3A_661 : i32 to index
        %get3A_865 = tpu.vector_load %arg8[%get3A_861, %get3A_862, %get3A_863, %get3A_864] {strides = array<i32>} : memref<2x10x8x128xf32, #tpu.memory_space<vmem>>, vector<16xf32>,
        %get3A_866 = arith.constant 0 : i32
        %get3A_867 = arith.constant 7 : i32
        %get3A_868 = arith.index_cast %get3A_866 : i32 to index
        %get3A_869 = arith.index_cast %get3A_867 : i32 to index
        %get3A_870 = arith.index_cast %select_n3A_657 : i32 to index
        %get3A_871 = arith.index_cast %mul3A_661 : i32 to index
        %get3A_872 = tpu.vector_load %arg9[%get3A_868, %get3A_869, %get3A_870, %get3A_871] {strides = array<i32>} : memref<2x10x8x128xf32, #tpu.memory_space<vmem>>, vector<16xf32>,
        %mul3A_873 = arith.mulf %get3A_872, %div3A_667 : vector<16xf32>
        %sub3A_874 = arith.subf %get3A_865, %mul3A_873 : vector<16xf32>
        %abs3A_875 = math.absf %sub3A_874 : vector<16xf32>
        %min3A_876 = arith.constant 1.000000e+00 : f32
        %min3A_877 = vector.broadcast %min3A_876 : f32 to vector<16xf32>
        %min3A_878 = arith.minimumf %abs3A_875, %min3A_877 : vector<16xf32>
        %mul3A_879 = arith.constant 5.000000e-01 : f32
        %mul3A_880 = vector.broadcast %mul3A_879 : f32 to vector<16xf32>
        %mul3A_881 = arith.mulf %mul3A_880, %min3A_878 : vector<16xf32>
        %sub3A_882 = arith.subf %abs3A_875, %mul3A_881 : vector<16xf32>
        %mul3A_883 = arith.mulf %sub3A_882, %min3A_878 : vector<16xf32>
        %add3A_884 = arith.addf %mul3A_858, %mul3A_883 : vector<16xf32>
        %add3A_885 = arith.addf %add3A_833, %add3A_884 : vector<16xf32>
        %get3A_886 = arith.constant 0 : i32
        %get3A_887 = arith.constant 8 : i32
        %get3A_888 = arith.index_cast %get3A_886 : i32 to index
        %get3A_889 = arith.index_cast %get3A_887 : i32 to index
        %get3A_890 = arith.index_cast %select_n3A_657 : i32 to index
        %get3A_891 = arith.index_cast %mul3A_661 : i32 to index
        %get3A_892 = tpu.vector_load %arg8[%get3A_888, %get3A_889, %get3A_890, %get3A_891] {strides = array<i32>} : memref<2x10x8x128xf32, #tpu.memory_space<vmem>>, vector<16xf32>,
        %get3A_893 = arith.constant 0 : i32
        %get3A_894 = arith.constant 8 : i32
        %get3A_895 = arith.index_cast %get3A_893 : i32 to index
        %get3A_896 = arith.index_cast %get3A_894 : i32 to index
        %get3A_897 = arith.index_cast %select_n3A_657 : i32 to index
        %get3A_898 = arith.index_cast %mul3A_661 : i32 to index
        %get3A_899 = tpu.vector_load %arg9[%get3A_895, %get3A_896, %get3A_897, %get3A_898] {strides = array<i32>} : memref<2x10x8x128xf32, #tpu.memory_space<vmem>>, vector<16xf32>,
        %mul3A_900 = arith.mulf %get3A_899, %div3A_667 : vector<16xf32>
        %sub3A_901 = arith.subf %get3A_892, %mul3A_900 : vector<16xf32>
        %abs3A_902 = math.absf %sub3A_901 : vector<16xf32>
        %min3A_903 = arith.constant 1.000000e+00 : f32
        %min3A_904 = vector.broadcast %min3A_903 : f32 to vector<16xf32>
        %min3A_905 = arith.minimumf %abs3A_902, %min3A_904 : vector<16xf32>
        %mul3A_906 = arith.constant 5.000000e-01 : f32
        %mul3A_907 = vector.broadcast %mul3A_906 : f32 to vector<16xf32>
        %mul3A_908 = arith.mulf %mul3A_907, %min3A_905 : vector<16xf32>
        %sub3A_909 = arith.subf %abs3A_902, %mul3A_908 : vector<16xf32>
        %mul3A_910 = arith.mulf %sub3A_909, %min3A_905 : vector<16xf32>
        %get3A_911 = arith.constant 0 : i32
        %get3A_912 = arith.constant 9 : i32
        %get3A_913 = arith.index_cast %get3A_911 : i32 to index
        %get3A_914 = arith.index_cast %get3A_912 : i32 to index
        %get3A_915 = arith.index_cast %select_n3A_657 : i32 to index
        %get3A_916 = arith.index_cast %mul3A_661 : i32 to index
        %get3A_917 = tpu.vector_load %arg8[%get3A_913, %get3A_914, %get3A_915, %get3A_916] {strides = array<i32>} : memref<2x10x8x128xf32, #tpu.memory_space<vmem>>, vector<16xf32>,
        %get3A_918 = arith.constant 0 : i32
        %get3A_919 = arith.constant 9 : i32
        %get3A_920 = arith.index_cast %get3A_918 : i32 to index
        %get3A_921 = arith.index_cast %get3A_919 : i32 to index
        %get3A_922 = arith.index_cast %select_n3A_657 : i32 to index
        %get3A_923 = arith.index_cast %mul3A_661 : i32 to index
        %get3A_924 = tpu.vector_load %arg9[%get3A_920, %get3A_921, %get3A_922, %get3A_923] {strides = array<i32>} : memref<2x10x8x128xf32, #tpu.memory_space<vmem>>, vector<16xf32>,
        %mul3A_925 = arith.mulf %get3A_924, %div3A_667 : vector<16xf32>
        %sub3A_926 = arith.subf %get3A_917, %mul3A_925 : vector<16xf32>
        %abs3A_927 = math.absf %sub3A_926 : vector<16xf32>
        %min3A_928 = arith.constant 1.000000e+00 : f32
        %min3A_929 = vector.broadcast %min3A_928 : f32 to vector<16xf32>
        %min3A_930 = arith.minimumf %abs3A_927, %min3A_929 : vector<16xf32>
        %mul3A_931 = arith.constant 5.000000e-01 : f32
        %mul3A_932 = vector.broadcast %mul3A_931 : f32 to vector<16xf32>
        %mul3A_933 = arith.mulf %mul3A_932, %min3A_930 : vector<16xf32>
        %sub3A_934 = arith.subf %abs3A_927, %mul3A_933 : vector<16xf32>
        %mul3A_935 = arith.mulf %sub3A_934, %min3A_930 : vector<16xf32>
        %add3A_936 = arith.addf %mul3A_910, %mul3A_935 : vector<16xf32>
        %add3A_937 = arith.addf %add3A_885, %add3A_936 : vector<16xf32>
        %mul3A_938 = arith.mulf %add3A_937, %mul3A_678 : vector<16xf32>
        %add3A_939 = arith.addf %while3A_633, %mul3A_938 : vector<16xf32>
        scf.yield %add3A_939, %add3A_679 : vector<16xf32>, vector<16xf32>
      }
      %while3A_530 = arith.constant 1 : i32
      %while3A_531:2 = scf.for %while3A_632 = %while3A_527 to %while3A_523 step %while3A_530 iter_args(%while3A_633 = %while3A_529#0, %while3A_634 = %while3A_529#1) -> (vector<16xf32>, vector<16xf32>)  : i32 {
        %div3A_635 = arith.divsi %while3A_632, %select_n3A_519 : i32
        %sign3A_636 = arith.constant 0 : i32
        %sign3A_637 = arith.cmpi sgt, %while3A_632, %sign3A_636 : i32
        %sign3A_638 = arith.extui %sign3A_637 : i1 to i32
        %sign3A_639 = arith.constant 0 : i32
        %sign3A_640 = arith.cmpi slt, %while3A_632, %sign3A_639 : i32
        %sign3A_641 = arith.extui %sign3A_640 : i1 to i32
        %sign3A_642 = arith.subi %sign3A_638, %sign3A_641 : i32
        %sign3A_643 = arith.constant 0 : i32
        %sign3A_644 = arith.cmpi sgt, %select_n3A_519, %sign3A_643 : i32
        %sign3A_645 = arith.extui %sign3A_644 : i1 to i32
        %sign3A_646 = arith.constant 0 : i32
        %sign3A_647 = arith.cmpi slt, %select_n3A_519, %sign3A_646 : i32
        %sign3A_648 = arith.extui %sign3A_647 : i1 to i32
        %sign3A_649 = arith.subi %sign3A_645, %sign3A_648 : i32
        %ne3A_650 = arith.cmpi ne, %sign3A_642, %sign3A_649 : i32
        %rem3A_651 = arith.remsi %while3A_632, %select_n3A_519 : i32
        %ne3A_652 = arith.constant 0 : i32
        %ne3A_653 = arith.cmpi ne, %rem3A_651, %ne3A_652 : i32
        %and3A_654 = arith.andi %ne3A_650, %ne3A_653 : i1
        %sub3A_655 = arith.constant 1 : i32
        %sub3A_656 = arith.subi %div3A_635, %sub3A_655 : i32
        %select_n3A_657 = arith.select %and3A_654, %sub3A_656, %div3A_635 : i32
        %mul3A_658 = arith.muli %select_n3A_657, %select_n3A_519 : i32
        %sub3A_659 = arith.subi %while3A_632, %mul3A_658 : i32
        %mul3A_660 = arith.constant 16 : i32
        %mul3A_661 = arith.muli %sub3A_659, %mul3A_660 : i32
        %get3A = arith.constant 0 : i32
        %get3A_662 = arith.index_cast %get3A : i32 to index
        %get3A_663 = arith.index_cast %mul3A_661 : i32 to index
        %get3A_664 = tpu.vector_load %arg12[%get3A_662, %get3A_663] {strides = array<i32>} : memref<2x128xf32, #tpu.memory_space<vmem>>, vector<16xf32>,
        %div3A_665 = arith.constant 1.000000e+00 : f32
        %div3A_666 = vector.broadcast %div3A_665 : f32 to vector<16xf32>
        %div3A_667 = arith.divf %div3A_666, %get3A_664 : vector<16xf32>
        %get3A_668 = arith.constant 0 : i32
        %get3A_669 = arith.index_cast %get3A_668 : i32 to index
        %get3A_670 = arith.index_cast %select_n3A_657 : i32 to index
        %get3A_671 = arith.index_cast %mul3A_661 : i32 to index
        %get3A_672 = tpu.vector_load %arg11[%get3A_669, %get3A_670, %get3A_671] {strides = array<i32>} : memref<2x8x128xf32, #tpu.memory_space<vmem>>, vector<16xf32>,
        %get3A_673 = arith.constant 0 : i32
        %get3A_674 = arith.index_cast %get3A_673 : i32 to index
        %get3A_675 = arith.index_cast %select_n3A_657 : i32 to index
        %get3A_676 = arith.index_cast %mul3A_661 : i32 to index
        %get3A_677 = tpu.vector_load %arg10[%get3A_674, %get3A_675, %get3A_676] {strides = array<i32>} : memref<2x8x128xf32, #tpu.memory_space<vmem>>, vector<16xf32>,
        %mul3A_678 = arith.mulf %get3A_677, %get3A_672 : vector<16xf32>
        %add3A_679 = arith.addf %while3A_634, %get3A_672 : vector<16xf32>
        %get3A_680 = arith.constant 0 : i32
        %get3A_681 = arith.constant 0 : i32
        %get3A_682 = arith.index_cast %get3A_680 : i32 to index
        %get3A_683 = arith.index_cast %get3A_681 : i32 to index
        %get3A_684 = arith.index_cast %select_n3A_657 : i32 to index
        %get3A_685 = arith.index_cast %mul3A_661 : i32 to index
        %get3A_686 = tpu.vector_load %arg8[%get3A_682, %get3A_683, %get3A_684, %get3A_685] {strides = array<i32>} : memref<2x10x8x128xf32, #tpu.memory_space<vmem>>, vector<16xf32>,
        %get3A_687 = arith.constant 0 : i32
        %get3A_688 = arith.constant 0 : i32
        %get3A_689 = arith.index_cast %get3A_687 : i32 to index
        %get3A_690 = arith.index_cast %get3A_688 : i32 to index
        %get3A_691 = arith.index_cast %select_n3A_657 : i32 to index
        %get3A_692 = arith.index_cast %mul3A_661 : i32 to index
        %get3A_693 = tpu.vector_load %arg9[%get3A_689, %get3A_690, %get3A_691, %get3A_692] {strides = array<i32>} : memref<2x10x8x128xf32, #tpu.memory_space<vmem>>, vector<16xf32>,
        %mul3A_694 = arith.mulf %get3A_693, %div3A_667 : vector<16xf32>
        %sub3A_695 = arith.subf %get3A_686, %mul3A_694 : vector<16xf32>
        %abs3A = math.absf %sub3A_695 : vector<16xf32>
        %min3A_696 = arith.constant 1.000000e+00 : f32
        %min3A_697 = vector.broadcast %min3A_696 : f32 to vector<16xf32>
        %min3A_698 = arith.minimumf %abs3A, %min3A_697 : vector<16xf32>
        %mul3A_699 = arith.constant 5.000000e-01 : f32
        %mul3A_700 = vector.broadcast %mul3A_699 : f32 to vector<16xf32>
        %mul3A_701 = arith.mulf %mul3A_700, %min3A_698 : vector<16xf32>
        %sub3A_702 = arith.subf %abs3A, %mul3A_701 : vector<16xf32>
        %mul3A_703 = arith.mulf %sub3A_702, %min3A_698 : vector<16xf32>
        %get3A_704 = arith.constant 0 : i32
        %get3A_705 = arith.constant 1 : i32
        %get3A_706 = arith.index_cast %get3A_704 : i32 to index
        %get3A_707 = arith.index_cast %get3A_705 : i32 to index
        %get3A_708 = arith.index_cast %select_n3A_657 : i32 to index
        %get3A_709 = arith.index_cast %mul3A_661 : i32 to index
        %get3A_710 = tpu.vector_load %arg8[%get3A_706, %get3A_707, %get3A_708, %get3A_709] {strides = array<i32>} : memref<2x10x8x128xf32, #tpu.memory_space<vmem>>, vector<16xf32>,
        %get3A_711 = arith.constant 0 : i32
        %get3A_712 = arith.constant 1 : i32
        %get3A_713 = arith.index_cast %get3A_711 : i32 to index
        %get3A_714 = arith.index_cast %get3A_712 : i32 to index
        %get3A_715 = arith.index_cast %select_n3A_657 : i32 to index
        %get3A_716 = arith.index_cast %mul3A_661 : i32 to index
        %get3A_717 = tpu.vector_load %arg9[%get3A_713, %get3A_714, %get3A_715, %get3A_716] {strides = array<i32>} : memref<2x10x8x128xf32, #tpu.memory_space<vmem>>, vector<16xf32>,
        %mul3A_718 = arith.mulf %get3A_717, %div3A_667 : vector<16xf32>
        %sub3A_719 = arith.subf %get3A_710, %mul3A_718 : vector<16xf32>
        %abs3A_720 = math.absf %sub3A_719 : vector<16xf32>
        %min3A_721 = arith.constant 1.000000e+00 : f32
        %min3A_722 = vector.broadcast %min3A_721 : f32 to vector<16xf32>
        %min3A_723 = arith.minimumf %abs3A_720, %min3A_722 : vector<16xf32>
        %mul3A_724 = arith.constant 5.000000e-01 : f32
        %mul3A_725 = vector.broadcast %mul3A_724 : f32 to vector<16xf32>
        %mul3A_726 = arith.mulf %mul3A_725, %min3A_723 : vector<16xf32>
        %sub3A_727 = arith.subf %abs3A_720, %mul3A_726 : vector<16xf32>
        %mul3A_728 = arith.mulf %sub3A_727, %min3A_723 : vector<16xf32>
        %add3A_729 = arith.addf %mul3A_703, %mul3A_728 : vector<16xf32>
        %get3A_730 = arith.constant 0 : i32
        %get3A_731 = arith.constant 2 : i32
        %get3A_732 = arith.index_cast %get3A_730 : i32 to index
        %get3A_733 = arith.index_cast %get3A_731 : i32 to index
        %get3A_734 = arith.index_cast %select_n3A_657 : i32 to index
        %get3A_735 = arith.index_cast %mul3A_661 : i32 to index
        %get3A_736 = tpu.vector_load %arg8[%get3A_732, %get3A_733, %get3A_734, %get3A_735] {strides = array<i32>} : memref<2x10x8x128xf32, #tpu.memory_space<vmem>>, vector<16xf32>,
        %get3A_737 = arith.constant 0 : i32
        %get3A_738 = arith.constant 2 : i32
        %get3A_739 = arith.index_cast %get3A_737 : i32 to index
        %get3A_740 = arith.index_cast %get3A_738 : i32 to index
        %get3A_741 = arith.index_cast %select_n3A_657 : i32 to index
        %get3A_742 = arith.index_cast %mul3A_661 : i32 to index
        %get3A_743 = tpu.vector_load %arg9[%get3A_739, %get3A_740, %get3A_741, %get3A_742] {strides = array<i32>} : memref<2x10x8x128xf32, #tpu.memory_space<vmem>>, vector<16xf32>,
        %mul3A_744 = arith.mulf %get3A_743, %div3A_667 : vector<16xf32>
        %sub3A_745 = arith.subf %get3A_736, %mul3A_744 : vector<16xf32>
        %abs3A_746 = math.absf %sub3A_745 : vector<16xf32>
        %min3A_747 = arith.constant 1.000000e+00 : f32
        %min3A_748 = vector.broadcast %min3A_747 : f32 to vector<16xf32>
        %min3A_749 = arith.minimumf %abs3A_746, %min3A_748 : vector<16xf32>
        %mul3A_750 = arith.constant 5.000000e-01 : f32
        %mul3A_751 = vector.broadcast %mul3A_750 : f32 to vector<16xf32>
        %mul3A_752 = arith.mulf %mul3A_751, %min3A_749 : vector<16xf32>
        %sub3A_753 = arith.subf %abs3A_746, %mul3A_752 : vector<16xf32>
        %mul3A_754 = arith.mulf %sub3A_753, %min3A_749 : vector<16xf32>
        %get3A_755 = arith.constant 0 : i32
        %get3A_756 = arith.constant 3 : i32
        %get3A_757 = arith.index_cast %get3A_755 : i32 to index
        %get3A_758 = arith.index_cast %get3A_756 : i32 to index
        %get3A_759 = arith.index_cast %select_n3A_657 : i32 to index
        %get3A_760 = arith.index_cast %mul3A_661 : i32 to index
        %get3A_761 = tpu.vector_load %arg8[%get3A_757, %get3A_758, %get3A_759, %get3A_760] {strides = array<i32>} : memref<2x10x8x128xf32, #tpu.memory_space<vmem>>, vector<16xf32>,
        %get3A_762 = arith.constant 0 : i32
        %get3A_763 = arith.constant 3 : i32
        %get3A_764 = arith.index_cast %get3A_762 : i32 to index
        %get3A_765 = arith.index_cast %get3A_763 : i32 to index
        %get3A_766 = arith.index_cast %select_n3A_657 : i32 to index
        %get3A_767 = arith.index_cast %mul3A_661 : i32 to index
        %get3A_768 = tpu.vector_load %arg9[%get3A_764, %get3A_765, %get3A_766, %get3A_767] {strides = array<i32>} : memref<2x10x8x128xf32, #tpu.memory_space<vmem>>, vector<16xf32>,
        %mul3A_769 = arith.mulf %get3A_768, %div3A_667 : vector<16xf32>
        %sub3A_770 = arith.subf %get3A_761, %mul3A_769 : vector<16xf32>
        %abs3A_771 = math.absf %sub3A_770 : vector<16xf32>
        %min3A_772 = arith.constant 1.000000e+00 : f32
        %min3A_773 = vector.broadcast %min3A_772 : f32 to vector<16xf32>
        %min3A_774 = arith.minimumf %abs3A_771, %min3A_773 : vector<16xf32>
        %mul3A_775 = arith.constant 5.000000e-01 : f32
        %mul3A_776 = vector.broadcast %mul3A_775 : f32 to vector<16xf32>
        %mul3A_777 = arith.mulf %mul3A_776, %min3A_774 : vector<16xf32>
        %sub3A_778 = arith.subf %abs3A_771, %mul3A_777 : vector<16xf32>
        %mul3A_779 = arith.mulf %sub3A_778, %min3A_774 : vector<16xf32>
        %add3A_780 = arith.addf %mul3A_754, %mul3A_779 : vector<16xf32>
        %add3A_781 = arith.addf %add3A_729, %add3A_780 : vector<16xf32>
        %get3A_782 = arith.constant 0 : i32
        %get3A_783 = arith.constant 4 : i32
        %get3A_784 = arith.index_cast %get3A_782 : i32 to index
        %get3A_785 = arith.index_cast %get3A_783 : i32 to index
        %get3A_786 = arith.index_cast %select_n3A_657 : i32 to index
        %get3A_787 = arith.index_cast %mul3A_661 : i32 to index
        %get3A_788 = tpu.vector_load %arg8[%get3A_784, %get3A_785, %get3A_786, %get3A_787] {strides = array<i32>} : memref<2x10x8x128xf32, #tpu.memory_space<vmem>>, vector<16xf32>,
        %get3A_789 = arith.constant 0 : i32
        %get3A_790 = arith.constant 4 : i32
        %get3A_791 = arith.index_cast %get3A_789 : i32 to index
        %get3A_792 = arith.index_cast %get3A_790 : i32 to index
        %get3A_793 = arith.index_cast %select_n3A_657 : i32 to index
        %get3A_794 = arith.index_cast %mul3A_661 : i32 to index
        %get3A_795 = tpu.vector_load %arg9[%get3A_791, %get3A_792, %get3A_793, %get3A_794] {strides = array<i32>} : memref<2x10x8x128xf32, #tpu.memory_space<vmem>>, vector<16xf32>,
        %mul3A_796 = arith.mulf %get3A_795, %div3A_667 : vector<16xf32>
        %sub3A_797 = arith.subf %get3A_788, %mul3A_796 : vector<16xf32>
        %abs3A_798 = math.absf %sub3A_797 : vector<16xf32>
        %min3A_799 = arith.constant 1.000000e+00 : f32
        %min3A_800 = vector.broadcast %min3A_799 : f32 to vector<16xf32>
        %min3A_801 = arith.minimumf %abs3A_798, %min3A_800 : vector<16xf32>
        %mul3A_802 = arith.constant 5.000000e-01 : f32
        %mul3A_803 = vector.broadcast %mul3A_802 : f32 to vector<16xf32>
        %mul3A_804 = arith.mulf %mul3A_803, %min3A_801 : vector<16xf32>
        %sub3A_805 = arith.subf %abs3A_798, %mul3A_804 : vector<16xf32>
        %mul3A_806 = arith.mulf %sub3A_805, %min3A_801 : vector<16xf32>
        %get3A_807 = arith.constant 0 : i32
        %get3A_808 = arith.constant 5 : i32
        %get3A_809 = arith.index_cast %get3A_807 : i32 to index
        %get3A_810 = arith.index_cast %get3A_808 : i32 to index
        %get3A_811 = arith.index_cast %select_n3A_657 : i32 to index
        %get3A_812 = arith.index_cast %mul3A_661 : i32 to index
        %get3A_813 = tpu.vector_load %arg8[%get3A_809, %get3A_810, %get3A_811, %get3A_812] {strides = array<i32>} : memref<2x10x8x128xf32, #tpu.memory_space<vmem>>, vector<16xf32>,
        %get3A_814 = arith.constant 0 : i32
        %get3A_815 = arith.constant 5 : i32
        %get3A_816 = arith.index_cast %get3A_814 : i32 to index
        %get3A_817 = arith.index_cast %get3A_815 : i32 to index
        %get3A_818 = arith.index_cast %select_n3A_657 : i32 to index
        %get3A_819 = arith.index_cast %mul3A_661 : i32 to index
        %get3A_820 = tpu.vector_load %arg9[%get3A_816, %get3A_817, %get3A_818, %get3A_819] {strides = array<i32>} : memref<2x10x8x128xf32, #tpu.memory_space<vmem>>, vector<16xf32>,
        %mul3A_821 = arith.mulf %get3A_820, %div3A_667 : vector<16xf32>
        %sub3A_822 = arith.subf %get3A_813, %mul3A_821 : vector<16xf32>
        %abs3A_823 = math.absf %sub3A_822 : vector<16xf32>
        %min3A_824 = arith.constant 1.000000e+00 : f32
        %min3A_825 = vector.broadcast %min3A_824 : f32 to vector<16xf32>
        %min3A_826 = arith.minimumf %abs3A_823, %min3A_825 : vector<16xf32>
        %mul3A_827 = arith.constant 5.000000e-01 : f32
        %mul3A_828 = vector.broadcast %mul3A_827 : f32 to vector<16xf32>
        %mul3A_829 = arith.mulf %mul3A_828, %min3A_826 : vector<16xf32>
        %sub3A_830 = arith.subf %abs3A_823, %mul3A_829 : vector<16xf32>
        %mul3A_831 = arith.mulf %sub3A_830, %min3A_826 : vector<16xf32>
        %add3A_832 = arith.addf %mul3A_806, %mul3A_831 : vector<16xf32>
        %add3A_833 = arith.addf %add3A_781, %add3A_832 : vector<16xf32>
        %get3A_834 = arith.constant 0 : i32
        %get3A_835 = arith.constant 6 : i32
        %get3A_836 = arith.index_cast %get3A_834 : i32 to index
        %get3A_837 = arith.index_cast %get3A_835 : i32 to index
        %get3A_838 = arith.index_cast %select_n3A_657 : i32 to index
        %get3A_839 = arith.index_cast %mul3A_661 : i32 to index
        %get3A_840 = tpu.vector_load %arg8[%get3A_836, %get3A_837, %get3A_838, %get3A_839] {strides = array<i32>} : memref<2x10x8x128xf32, #tpu.memory_space<vmem>>, vector<16xf32>,
        %get3A_841 = arith.constant 0 : i32
        %get3A_842 = arith.constant 6 : i32
        %get3A_843 = arith.index_cast %get3A_841 : i32 to index
        %get3A_844 = arith.index_cast %get3A_842 : i32 to index
        %get3A_845 = arith.index_cast %select_n3A_657 : i32 to index
        %get3A_846 = arith.index_cast %mul3A_661 : i32 to index
        %get3A_847 = tpu.vector_load %arg9[%get3A_843, %get3A_844, %get3A_845, %get3A_846] {strides = array<i32>} : memref<2x10x8x128xf32, #tpu.memory_space<vmem>>, vector<16xf32>,
        %mul3A_848 = arith.mulf %get3A_847, %div3A_667 : vector<16xf32>
        %sub3A_849 = arith.subf %get3A_840, %mul3A_848 : vector<16xf32>
        %abs3A_850 = math.absf %sub3A_849 : vector<16xf32>
        %min3A_851 = arith.constant 1.000000e+00 : f32
        %min3A_852 = vector.broadcast %min3A_851 : f32 to vector<16xf32>
        %min3A_853 = arith.minimumf %abs3A_850, %min3A_852 : vector<16xf32>
        %mul3A_854 = arith.constant 5.000000e-01 : f32
        %mul3A_855 = vector.broadcast %mul3A_854 : f32 to vector<16xf32>
        %mul3A_856 = arith.mulf %mul3A_855, %min3A_853 : vector<16xf32>
        %sub3A_857 = arith.subf %abs3A_850, %mul3A_856 : vector<16xf32>
        %mul3A_858 = arith.mulf %sub3A_857, %min3A_853 : vector<16xf32>
        %get3A_859 = arith.constant 0 : i32
        %get3A_860 = arith.constant 7 : i32
        %get3A_861 = arith.index_cast %get3A_859 : i32 to index
        %get3A_862 = arith.index_cast %get3A_860 : i32 to index
        %get3A_863 = arith.index_cast %select_n3A_657 : i32 to index
        %get3A_864 = arith.index_cast %mul3A_661 : i32 to index
        %get3A_865 = tpu.vector_load %arg8[%get3A_861, %get3A_862, %get3A_863, %get3A_864] {strides = array<i32>} : memref<2x10x8x128xf32, #tpu.memory_space<vmem>>, vector<16xf32>,
        %get3A_866 = arith.constant 0 : i32
        %get3A_867 = arith.constant 7 : i32
        %get3A_868 = arith.index_cast %get3A_866 : i32 to index
        %get3A_869 = arith.index_cast %get3A_867 : i32 to index
        %get3A_870 = arith.index_cast %select_n3A_657 : i32 to index
        %get3A_871 = arith.index_cast %mul3A_661 : i32 to index
        %get3A_872 = tpu.vector_load %arg9[%get3A_868, %get3A_869, %get3A_870, %get3A_871] {strides = array<i32>} : memref<2x10x8x128xf32, #tpu.memory_space<vmem>>, vector<16xf32>,
        %mul3A_873 = arith.mulf %get3A_872, %div3A_667 : vector<16xf32>
        %sub3A_874 = arith.subf %get3A_865, %mul3A_873 : vector<16xf32>
        %abs3A_875 = math.absf %sub3A_874 : vector<16xf32>
        %min3A_876 = arith.constant 1.000000e+00 : f32
        %min3A_877 = vector.broadcast %min3A_876 : f32 to vector<16xf32>
        %min3A_878 = arith.minimumf %abs3A_875, %min3A_877 : vector<16xf32>
        %mul3A_879 = arith.constant 5.000000e-01 : f32
        %mul3A_880 = vector.broadcast %mul3A_879 : f32 to vector<16xf32>
        %mul3A_881 = arith.mulf %mul3A_880, %min3A_878 : vector<16xf32>
        %sub3A_882 = arith.subf %abs3A_875, %mul3A_881 : vector<16xf32>
        %mul3A_883 = arith.mulf %sub3A_882, %min3A_878 : vector<16xf32>
        %add3A_884 = arith.addf %mul3A_858, %mul3A_883 : vector<16xf32>
        %add3A_885 = arith.addf %add3A_833, %add3A_884 : vector<16xf32>
        %get3A_886 = arith.constant 0 : i32
        %get3A_887 = arith.constant 8 : i32
        %get3A_888 = arith.index_cast %get3A_886 : i32 to index
        %get3A_889 = arith.index_cast %get3A_887 : i32 to index
        %get3A_890 = arith.index_cast %select_n3A_657 : i32 to index
        %get3A_891 = arith.index_cast %mul3A_661 : i32 to index
        %get3A_892 = tpu.vector_load %arg8[%get3A_888, %get3A_889, %get3A_890, %get3A_891] {strides = array<i32>} : memref<2x10x8x128xf32, #tpu.memory_space<vmem>>, vector<16xf32>,
        %get3A_893 = arith.constant 0 : i32
        %get3A_894 = arith.constant 8 : i32
        %get3A_895 = arith.index_cast %get3A_893 : i32 to index
        %get3A_896 = arith.index_cast %get3A_894 : i32 to index
        %get3A_897 = arith.index_cast %select_n3A_657 : i32 to index
        %get3A_898 = arith.index_cast %mul3A_661 : i32 to index
        %get3A_899 = tpu.vector_load %arg9[%get3A_895, %get3A_896, %get3A_897, %get3A_898] {strides = array<i32>} : memref<2x10x8x128xf32, #tpu.memory_space<vmem>>, vector<16xf32>,
        %mul3A_900 = arith.mulf %get3A_899, %div3A_667 : vector<16xf32>
        %sub3A_901 = arith.subf %get3A_892, %mul3A_900 : vector<16xf32>
        %abs3A_902 = math.absf %sub3A_901 : vector<16xf32>
        %min3A_903 = arith.constant 1.000000e+00 : f32
        %min3A_904 = vector.broadcast %min3A_903 : f32 to vector<16xf32>
        %min3A_905 = arith.minimumf %abs3A_902, %min3A_904 : vector<16xf32>
        %mul3A_906 = arith.constant 5.000000e-01 : f32
        %mul3A_907 = vector.broadcast %mul3A_906 : f32 to vector<16xf32>
        %mul3A_908 = arith.mulf %mul3A_907, %min3A_905 : vector<16xf32>
        %sub3A_909 = arith.subf %abs3A_902, %mul3A_908 : vector<16xf32>
        %mul3A_910 = arith.mulf %sub3A_909, %min3A_905 : vector<16xf32>
        %get3A_911 = arith.constant 0 : i32
        %get3A_912 = arith.constant 9 : i32
        %get3A_913 = arith.index_cast %get3A_911 : i32 to index
        %get3A_914 = arith.index_cast %get3A_912 : i32 to index
        %get3A_915 = arith.index_cast %select_n3A_657 : i32 to index
        %get3A_916 = arith.index_cast %mul3A_661 : i32 to index
        %get3A_917 = tpu.vector_load %arg8[%get3A_913, %get3A_914, %get3A_915, %get3A_916] {strides = array<i32>} : memref<2x10x8x128xf32, #tpu.memory_space<vmem>>, vector<16xf32>,
        %get3A_918 = arith.constant 0 : i32
        %get3A_919 = arith.constant 9 : i32
        %get3A_920 = arith.index_cast %get3A_918 : i32 to index
        %get3A_921 = arith.index_cast %get3A_919 : i32 to index
        %get3A_922 = arith.index_cast %select_n3A_657 : i32 to index
        %get3A_923 = arith.index_cast %mul3A_661 : i32 to index
        %get3A_924 = tpu.vector_load %arg9[%get3A_920, %get3A_921, %get3A_922, %get3A_923] {strides = array<i32>} : memref<2x10x8x128xf32, #tpu.memory_space<vmem>>, vector<16xf32>,
        %mul3A_925 = arith.mulf %get3A_924, %div3A_667 : vector<16xf32>
        %sub3A_926 = arith.subf %get3A_917, %mul3A_925 : vector<16xf32>
        %abs3A_927 = math.absf %sub3A_926 : vector<16xf32>
        %min3A_928 = arith.constant 1.000000e+00 : f32
        %min3A_929 = vector.broadcast %min3A_928 : f32 to vector<16xf32>
        %min3A_930 = arith.minimumf %abs3A_927, %min3A_929 : vector<16xf32>
        %mul3A_931 = arith.constant 5.000000e-01 : f32
        %mul3A_932 = vector.broadcast %mul3A_931 : f32 to vector<16xf32>
        %mul3A_933 = arith.mulf %mul3A_932, %min3A_930 : vector<16xf32>
        %sub3A_934 = arith.subf %abs3A_927, %mul3A_933 : vector<16xf32>
        %mul3A_935 = arith.mulf %sub3A_934, %min3A_930 : vector<16xf32>
        %add3A_936 = arith.addf %mul3A_910, %mul3A_935 : vector<16xf32>
        %add3A_937 = arith.addf %add3A_885, %add3A_936 : vector<16xf32>
        %mul3A_938 = arith.mulf %add3A_937, %mul3A_678 : vector<16xf32>
        %add3A_939 = arith.addf %while3A_633, %mul3A_938 : vector<16xf32>
        scf.yield %add3A_939, %add3A_679 : vector<16xf32>, vector<16xf32>
      }
      %mul3A_532 = arith.constant 2 : i32
      %mul3A_533 = arith.muli %scan3A_432, %mul3A_532 : i32
      %add3A_534 = arith.constant 1 : i32
      %add3A_535 = arith.addi %mul3A_533, %add3A_534 : i32
      %add3A_536 = arith.constant 1 : i32
      %add3A_537 = arith.addi %add3A_535, %add3A_536 : i32
      %lt3A_538 = arith.cmpi slt, %add3A_537, %sub3A_47 : i32
      %convert_element_type3A_539 = arith.extui %lt3A_538 : i1 to i32
      %cond3A_540 = arith.constant 0 : i32
      %cond3A_541 = arith.cmpi ne, %convert_element_type3A_539, %cond3A_540 : i32
      scf.if %cond3A_541 {
        %add3A_632 = arith.constant 1 : i32
        %add3A_633 = arith.addi %add3A_535, %add3A_632 : i32
        %sub3A_634 = arith.constant 1 : i32
        %sub3A_635 = arith.subi %sub3A_47, %sub3A_634 : i32
        %min3A_636 = arith.minsi %add3A_633, %sub3A_635 : i32
        %add3A_637 = arith.addi %select_n3A, %min3A_636 : i32
        %jit3A_638 = arith.constant 2 : i32
        %div3A_639 = arith.divsi %add3A_637, %jit3A_638 : i32
        %sign3A_640 = arith.constant 0 : i32
        %sign3A_641 = arith.cmpi sgt, %add3A_637, %sign3A_640 : i32
        %sign3A_642 = arith.extui %sign3A_641 : i1 to i32
        %sign3A_643 = arith.constant 0 : i32
        %sign3A_644 = arith.cmpi slt, %add3A_637, %sign3A_643 : i32
        %sign3A_645 = arith.extui %sign3A_644 : i1 to i32
        %sign3A_646 = arith.subi %sign3A_642, %sign3A_645 : i32
        %sign3A_647 = arith.constant 0 : i32
        %sign3A_648 = arith.cmpi sgt, %jit3A_638, %sign3A_647 : i32
        %sign3A_649 = arith.extui %sign3A_648 : i1 to i32
        %sign3A_650 = arith.constant 0 : i32
        %sign3A_651 = arith.cmpi slt, %jit3A_638, %sign3A_650 : i32
        %sign3A_652 = arith.extui %sign3A_651 : i1 to i32
        %sign3A_653 = arith.subi %sign3A_649, %sign3A_652 : i32
        %ne3A_654 = arith.cmpi ne, %sign3A_646, %sign3A_653 : i32
        %rem3A_655 = arith.remsi %add3A_637, %jit3A_638 : i32
        %ne3A_656 = arith.constant 0 : i32
        %ne3A_657 = arith.cmpi ne, %rem3A_655, %ne3A_656 : i32
        %and3A_658 = arith.andi %ne3A_654, %ne3A_657 : i1
        %sub3A_659 = arith.constant 1 : i32
        %sub3A_660 = arith.subi %div3A_639, %sub3A_659 : i32
        %select_n3A_661 = arith.select %and3A_658, %sub3A_660, %div3A_639 : i32
        %mul3A_662 = arith.constant 2 : i32
        %mul3A_663 = arith.muli %select_n3A_661, %mul3A_662 : i32
        %sub3A_664 = arith.subi %add3A_637, %mul3A_663 : i32
        %lt3A_665 = arith.constant 136 : i32
        %lt3A_666 = arith.cmpi slt, %select_n3A_661, %lt3A_665 : i32
        %add3A_667 = arith.constant 120 : i32
        %add3A_668 = arith.addi %select_n3A_661, %add3A_667 : i32
        %select_n3A_669 = arith.select %lt3A_666, %select_n3A_661, %add3A_668 : i32
        %mul3A_670 = arith.constant 8 : i32
        %mul3A_671 = arith.muli %sub3A_664, %mul3A_670 : i32
        %mul3A_672 = arith.constant 128 : i32
        %mul3A_673 = arith.muli %select_n3A_669, %mul3A_672 : i32
        %dma_start3A_674 = arith.constant 0 : i32
        %dma_start3A_675 = arith.constant 0 : i32
        %dma_start3A_676 = arith.constant 0 : i32
        %dma_start3A_677 = arith.constant 0 : i32
        %dma_start3A_678 = arith.constant 0 : i32
        %dma_start3A_679 = tpu.memref_slice %arg8[%dma_start3A_675, %dma_start3A_676, %dma_start3A_677, %dma_start3A_678] : memref<2x10x8x128xf32, #tpu.memory_space<vmem>> -> memref<1x1x8x128xf32, #tpu.memory_space<vmem>>
        %dma_start3A_680 = tpu.memref_squeeze %dma_start3A_679 : memref<1x1x8x128xf32, #tpu.memory_space<vmem>> -> memref<8x128xf32, #tpu.memory_space<vmem>>
        %dma_start3A_681 = tpu.memref_slice %arg2[%dma_start3A_674, %mul3A_671, %mul3A_673] : memref<10x16x33600xf32, #tpu.memory_space<hbm>> -> memref<1x8x128xf32, #tpu.memory_space<hbm>>
        %dma_start3A_682 = tpu.memref_squeeze %dma_start3A_681 : memref<1x8x128xf32, #tpu.memory_space<hbm>> -> memref<8x128xf32, #tpu.memory_space<hbm>>
        %dma_start3A_683 = arith.constant 0 : i32
        %dma_start3A_684 = arith.constant 0 : i32
        %dma_start3A_685 = tpu.memref_slice %arg8[%dma_start3A_675, %dma_start3A_676, %dma_start3A_683, %dma_start3A_684] : memref<2x10x8x128xf32, #tpu.memory_space<vmem>> -> memref<1x1x8x128xf32, #tpu.memory_space<vmem>>
        %dma_start3A_686 = tpu.memref_squeeze %dma_start3A_685 : memref<1x1x8x128xf32, #tpu.memory_space<vmem>> -> memref<8x128xf32, #tpu.memory_space<vmem>>
        %dma_start3A_687 = tpu.memref_slice %arg2[%dma_start3A_674, %mul3A_671, %mul3A_673] : memref<10x16x33600xf32, #tpu.memory_space<hbm>> -> memref<1x8x128xf32, #tpu.memory_space<hbm>>
        %dma_start3A_688 = tpu.memref_squeeze %dma_start3A_687 : memref<1x8x128xf32, #tpu.memory_space<hbm>> -> memref<8x128xf32, #tpu.memory_space<hbm>>
        tpu.enqueue_dma source(%dma_start3A_688 : memref<8x128xf32, #tpu.memory_space<hbm>>) target(%dma_start3A_686 : memref<8x128xf32, #tpu.memory_space<vmem>>) target_semaphore(%arg14 : memref<!tpu.dma_semaphore, #tpu.memory_space<semaphore_mem>>)
        %dma_start3A_689 = arith.constant 0 : i32
        %dma_start3A_690 = arith.constant 0 : i32
        %dma_start3A_691 = arith.constant 0 : i32
        %dma_start3A_692 = arith.constant 0 : i32
        %dma_start3A_693 = arith.constant 0 : i32
        %dma_start3A_694 = tpu.memref_slice %arg9[%dma_start3A_690, %dma_start3A_691, %dma_start3A_692, %dma_start3A_693] : memref<2x10x8x128xf32, #tpu.memory_space<vmem>> -> memref<1x1x8x128xf32, #tpu.memory_space<vmem>>
        %dma_start3A_695 = tpu.memref_squeeze %dma_start3A_694 : memref<1x1x8x128xf32, #tpu.memory_space<vmem>> -> memref<8x128xf32, #tpu.memory_space<vmem>>
        %dma_start3A_696 = tpu.memref_slice %arg3[%dma_start3A_689, %mul3A_671, %mul3A_673] : memref<15x16x33600xf32, #tpu.memory_space<hbm>> -> memref<1x8x128xf32, #tpu.memory_space<hbm>>
        %dma_start3A_697 = tpu.memref_squeeze %dma_start3A_696 : memref<1x8x128xf32, #tpu.memory_space<hbm>> -> memref<8x128xf32, #tpu.memory_space<hbm>>
        %dma_start3A_698 = arith.constant 0 : i32
        %dma_start3A_699 = arith.constant 0 : i32
        %dma_start3A_700 = tpu.memref_slice %arg9[%dma_start3A_690, %dma_start3A_691, %dma_start3A_698, %dma_start3A_699] : memref<2x10x8x128xf32, #tpu.memory_space<vmem>> -> memref<1x1x8x128xf32, #tpu.memory_space<vmem>>
        %dma_start3A_701 = tpu.memref_squeeze %dma_start3A_700 : memref<1x1x8x128xf32, #tpu.memory_space<vmem>> -> memref<8x128xf32, #tpu.memory_space<vmem>>
        %dma_start3A_702 = tpu.memref_slice %arg3[%dma_start3A_689, %mul3A_671, %mul3A_673] : memref<15x16x33600xf32, #tpu.memory_space<hbm>> -> memref<1x8x128xf32, #tpu.memory_space<hbm>>
        %dma_start3A_703 = tpu.memref_squeeze %dma_start3A_702 : memref<1x8x128xf32, #tpu.memory_space<hbm>> -> memref<8x128xf32, #tpu.memory_space<hbm>>
        tpu.enqueue_dma source(%dma_start3A_703 : memref<8x128xf32, #tpu.memory_space<hbm>>) target(%dma_start3A_701 : memref<8x128xf32, #tpu.memory_space<vmem>>) target_semaphore(%arg14 : memref<!tpu.dma_semaphore, #tpu.memory_space<semaphore_mem>>)
        %dma_start3A_704 = arith.constant 1 : i32
        %dma_start3A_705 = arith.constant 0 : i32
        %dma_start3A_706 = arith.constant 1 : i32
        %dma_start3A_707 = arith.constant 0 : i32
        %dma_start3A_708 = arith.constant 0 : i32
        %dma_start3A_709 = tpu.memref_slice %arg8[%dma_start3A_705, %dma_start3A_706, %dma_start3A_707, %dma_start3A_708] : memref<2x10x8x128xf32, #tpu.memory_space<vmem>> -> memref<1x1x8x128xf32, #tpu.memory_space<vmem>>
        %dma_start3A_710 = tpu.memref_squeeze %dma_start3A_709 : memref<1x1x8x128xf32, #tpu.memory_space<vmem>> -> memref<8x128xf32, #tpu.memory_space<vmem>>
        %dma_start3A_711 = tpu.memref_slice %arg2[%dma_start3A_704, %mul3A_671, %mul3A_673] : memref<10x16x33600xf32, #tpu.memory_space<hbm>> -> memref<1x8x128xf32, #tpu.memory_space<hbm>>
        %dma_start3A_712 = tpu.memref_squeeze %dma_start3A_711 : memref<1x8x128xf32, #tpu.memory_space<hbm>> -> memref<8x128xf32, #tpu.memory_space<hbm>>
        %dma_start3A_713 = arith.constant 0 : i32
        %dma_start3A_714 = arith.constant 0 : i32
        %dma_start3A_715 = tpu.memref_slice %arg8[%dma_start3A_705, %dma_start3A_706, %dma_start3A_713, %dma_start3A_714] : memref<2x10x8x128xf32, #tpu.memory_space<vmem>> -> memref<1x1x8x128xf32, #tpu.memory_space<vmem>>
        %dma_start3A_716 = tpu.memref_squeeze %dma_start3A_715 : memref<1x1x8x128xf32, #tpu.memory_space<vmem>> -> memref<8x128xf32, #tpu.memory_space<vmem>>
        %dma_start3A_717 = tpu.memref_slice %arg2[%dma_start3A_704, %mul3A_671, %mul3A_673] : memref<10x16x33600xf32, #tpu.memory_space<hbm>> -> memref<1x8x128xf32, #tpu.memory_space<hbm>>
        %dma_start3A_718 = tpu.memref_squeeze %dma_start3A_717 : memref<1x8x128xf32, #tpu.memory_space<hbm>> -> memref<8x128xf32, #tpu.memory_space<hbm>>
        tpu.enqueue_dma source(%dma_start3A_718 : memref<8x128xf32, #tpu.memory_space<hbm>>) target(%dma_start3A_716 : memref<8x128xf32, #tpu.memory_space<vmem>>) target_semaphore(%arg14 : memref<!tpu.dma_semaphore, #tpu.memory_space<semaphore_mem>>)
        %dma_start3A_719 = arith.constant 1 : i32
        %dma_start3A_720 = arith.constant 0 : i32
        %dma_start3A_721 = arith.constant 1 : i32
        %dma_start3A_722 = arith.constant 0 : i32
        %dma_start3A_723 = arith.constant 0 : i32
        %dma_start3A_724 = tpu.memref_slice %arg9[%dma_start3A_720, %dma_start3A_721, %dma_start3A_722, %dma_start3A_723] : memref<2x10x8x128xf32, #tpu.memory_space<vmem>> -> memref<1x1x8x128xf32, #tpu.memory_space<vmem>>
        %dma_start3A_725 = tpu.memref_squeeze %dma_start3A_724 : memref<1x1x8x128xf32, #tpu.memory_space<vmem>> -> memref<8x128xf32, #tpu.memory_space<vmem>>
        %dma_start3A_726 = tpu.memref_slice %arg3[%dma_start3A_719, %mul3A_671, %mul3A_673] : memref<15x16x33600xf32, #tpu.memory_space<hbm>> -> memref<1x8x128xf32, #tpu.memory_space<hbm>>
        %dma_start3A_727 = tpu.memref_squeeze %dma_start3A_726 : memref<1x8x128xf32, #tpu.memory_space<hbm>> -> memref<8x128xf32, #tpu.memory_space<hbm>>
        %dma_start3A_728 = arith.constant 0 : i32
        %dma_start3A_729 = arith.constant 0 : i32
        %dma_start3A_730 = tpu.memref_slice %arg9[%dma_start3A_720, %dma_start3A_721, %dma_start3A_728, %dma_start3A_729] : memref<2x10x8x128xf32, #tpu.memory_space<vmem>> -> memref<1x1x8x128xf32, #tpu.memory_space<vmem>>
        %dma_start3A_731 = tpu.memref_squeeze %dma_start3A_730 : memref<1x1x8x128xf32, #tpu.memory_space<vmem>> -> memref<8x128xf32, #tpu.memory_space<vmem>>
        %dma_start3A_732 = tpu.memref_slice %arg3[%dma_start3A_719, %mul3A_671, %mul3A_673] : memref<15x16x33600xf32, #tpu.memory_space<hbm>> -> memref<1x8x128xf32, #tpu.memory_space<hbm>>
        %dma_start3A_733 = tpu.memref_squeeze %dma_start3A_732 : memref<1x8x128xf32, #tpu.memory_space<hbm>> -> memref<8x128xf32, #tpu.memory_space<hbm>>
        tpu.enqueue_dma source(%dma_start3A_733 : memref<8x128xf32, #tpu.memory_space<hbm>>) target(%dma_start3A_731 : memref<8x128xf32, #tpu.memory_space<vmem>>) target_semaphore(%arg14 : memref<!tpu.dma_semaphore, #tpu.memory_space<semaphore_mem>>)
        %dma_start3A_734 = arith.constant 2 : i32
        %dma_start3A_735 = arith.constant 0 : i32
        %dma_start3A_736 = arith.constant 2 : i32
        %dma_start3A_737 = arith.constant 0 : i32
        %dma_start3A_738 = arith.constant 0 : i32
        %dma_start3A_739 = tpu.memref_slice %arg8[%dma_start3A_735, %dma_start3A_736, %dma_start3A_737, %dma_start3A_738] : memref<2x10x8x128xf32, #tpu.memory_space<vmem>> -> memref<1x1x8x128xf32, #tpu.memory_space<vmem>>
        %dma_start3A_740 = tpu.memref_squeeze %dma_start3A_739 : memref<1x1x8x128xf32, #tpu.memory_space<vmem>> -> memref<8x128xf32, #tpu.memory_space<vmem>>
        %dma_start3A_741 = tpu.memref_slice %arg2[%dma_start3A_734, %mul3A_671, %mul3A_673] : memref<10x16x33600xf32, #tpu.memory_space<hbm>> -> memref<1x8x128xf32, #tpu.memory_space<hbm>>
        %dma_start3A_742 = tpu.memref_squeeze %dma_start3A_741 : memref<1x8x128xf32, #tpu.memory_space<hbm>> -> memref<8x128xf32, #tpu.memory_space<hbm>>
        %dma_start3A_743 = arith.constant 0 : i32
        %dma_start3A_744 = arith.constant 0 : i32
        %dma_start3A_745 = tpu.memref_slice %arg8[%dma_start3A_735, %dma_start3A_736, %dma_start3A_743, %dma_start3A_744] : memref<2x10x8x128xf32, #tpu.memory_space<vmem>> -> memref<1x1x8x128xf32, #tpu.memory_space<vmem>>
        %dma_start3A_746 = tpu.memref_squeeze %dma_start3A_745 : memref<1x1x8x128xf32, #tpu.memory_space<vmem>> -> memref<8x128xf32, #tpu.memory_space<vmem>>
        %dma_start3A_747 = tpu.memref_slice %arg2[%dma_start3A_734, %mul3A_671, %mul3A_673] : memref<10x16x33600xf32, #tpu.memory_space<hbm>> -> memref<1x8x128xf32, #tpu.memory_space<hbm>>
        %dma_start3A_748 = tpu.memref_squeeze %dma_start3A_747 : memref<1x8x128xf32, #tpu.memory_space<hbm>> -> memref<8x128xf32, #tpu.memory_space<hbm>>
        tpu.enqueue_dma source(%dma_start3A_748 : memref<8x128xf32, #tpu.memory_space<hbm>>) target(%dma_start3A_746 : memref<8x128xf32, #tpu.memory_space<vmem>>) target_semaphore(%arg14 : memref<!tpu.dma_semaphore, #tpu.memory_space<semaphore_mem>>)
        %dma_start3A_749 = arith.constant 3 : i32
        %dma_start3A_750 = arith.constant 0 : i32
        %dma_start3A_751 = arith.constant 2 : i32
        %dma_start3A_752 = arith.constant 0 : i32
        %dma_start3A_753 = arith.constant 0 : i32
        %dma_start3A_754 = tpu.memref_slice %arg9[%dma_start3A_750, %dma_start3A_751, %dma_start3A_752, %dma_start3A_753] : memref<2x10x8x128xf32, #tpu.memory_space<vmem>> -> memref<1x1x8x128xf32, #tpu.memory_space<vmem>>
        %dma_start3A_755 = tpu.memref_squeeze %dma_start3A_754 : memref<1x1x8x128xf32, #tpu.memory_space<vmem>> -> memref<8x128xf32, #tpu.memory_space<vmem>>
        %dma_start3A_756 = tpu.memref_slice %arg3[%dma_start3A_749, %mul3A_671, %mul3A_673] : memref<15x16x33600xf32, #tpu.memory_space<hbm>> -> memref<1x8x128xf32, #tpu.memory_space<hbm>>
        %dma_start3A_757 = tpu.memref_squeeze %dma_start3A_756 : memref<1x8x128xf32, #tpu.memory_space<hbm>> -> memref<8x128xf32, #tpu.memory_space<hbm>>
        %dma_start3A_758 = arith.constant 0 : i32
        %dma_start3A_759 = arith.constant 0 : i32
        %dma_start3A_760 = tpu.memref_slice %arg9[%dma_start3A_750, %dma_start3A_751, %dma_start3A_758, %dma_start3A_759] : memref<2x10x8x128xf32, #tpu.memory_space<vmem>> -> memref<1x1x8x128xf32, #tpu.memory_space<vmem>>
        %dma_start3A_761 = tpu.memref_squeeze %dma_start3A_760 : memref<1x1x8x128xf32, #tpu.memory_space<vmem>> -> memref<8x128xf32, #tpu.memory_space<vmem>>
        %dma_start3A_762 = tpu.memref_slice %arg3[%dma_start3A_749, %mul3A_671, %mul3A_673] : memref<15x16x33600xf32, #tpu.memory_space<hbm>> -> memref<1x8x128xf32, #tpu.memory_space<hbm>>
        %dma_start3A_763 = tpu.memref_squeeze %dma_start3A_762 : memref<1x8x128xf32, #tpu.memory_space<hbm>> -> memref<8x128xf32, #tpu.memory_space<hbm>>
        tpu.enqueue_dma source(%dma_start3A_763 : memref<8x128xf32, #tpu.memory_space<hbm>>) target(%dma_start3A_761 : memref<8x128xf32, #tpu.memory_space<vmem>>) target_semaphore(%arg14 : memref<!tpu.dma_semaphore, #tpu.memory_space<semaphore_mem>>)
        %dma_start3A_764 = arith.constant 3 : i32
        %dma_start3A_765 = arith.constant 0 : i32
        %dma_start3A_766 = arith.constant 3 : i32
        %dma_start3A_767 = arith.constant 0 : i32
        %dma_start3A_768 = arith.constant 0 : i32
        %dma_start3A_769 = tpu.memref_slice %arg8[%dma_start3A_765, %dma_start3A_766, %dma_start3A_767, %dma_start3A_768] : memref<2x10x8x128xf32, #tpu.memory_space<vmem>> -> memref<1x1x8x128xf32, #tpu.memory_space<vmem>>
        %dma_start3A_770 = tpu.memref_squeeze %dma_start3A_769 : memref<1x1x8x128xf32, #tpu.memory_space<vmem>> -> memref<8x128xf32, #tpu.memory_space<vmem>>
        %dma_start3A_771 = tpu.memref_slice %arg2[%dma_start3A_764, %mul3A_671, %mul3A_673] : memref<10x16x33600xf32, #tpu.memory_space<hbm>> -> memref<1x8x128xf32, #tpu.memory_space<hbm>>
        %dma_start3A_772 = tpu.memref_squeeze %dma_start3A_771 : memref<1x8x128xf32, #tpu.memory_space<hbm>> -> memref<8x128xf32, #tpu.memory_space<hbm>>
        %dma_start3A_773 = arith.constant 0 : i32
        %dma_start3A_774 = arith.constant 0 : i32
        %dma_start3A_775 = tpu.memref_slice %arg8[%dma_start3A_765, %dma_start3A_766, %dma_start3A_773, %dma_start3A_774] : memref<2x10x8x128xf32, #tpu.memory_space<vmem>> -> memref<1x1x8x128xf32, #tpu.memory_space<vmem>>
        %dma_start3A_776 = tpu.memref_squeeze %dma_start3A_775 : memref<1x1x8x128xf32, #tpu.memory_space<vmem>> -> memref<8x128xf32, #tpu.memory_space<vmem>>
        %dma_start3A_777 = tpu.memref_slice %arg2[%dma_start3A_764, %mul3A_671, %mul3A_673] : memref<10x16x33600xf32, #tpu.memory_space<hbm>> -> memref<1x8x128xf32, #tpu.memory_space<hbm>>
        %dma_start3A_778 = tpu.memref_squeeze %dma_start3A_777 : memref<1x8x128xf32, #tpu.memory_space<hbm>> -> memref<8x128xf32, #tpu.memory_space<hbm>>
        tpu.enqueue_dma source(%dma_start3A_778 : memref<8x128xf32, #tpu.memory_space<hbm>>) target(%dma_start3A_776 : memref<8x128xf32, #tpu.memory_space<vmem>>) target_semaphore(%arg14 : memref<!tpu.dma_semaphore, #tpu.memory_space<semaphore_mem>>)
        %dma_start3A_779 = arith.constant 4 : i32
        %dma_start3A_780 = arith.constant 0 : i32
        %dma_start3A_781 = arith.constant 3 : i32
        %dma_start3A_782 = arith.constant 0 : i32
        %dma_start3A_783 = arith.constant 0 : i32
        %dma_start3A_784 = tpu.memref_slice %arg9[%dma_start3A_780, %dma_start3A_781, %dma_start3A_782, %dma_start3A_783] : memref<2x10x8x128xf32, #tpu.memory_space<vmem>> -> memref<1x1x8x128xf32, #tpu.memory_space<vmem>>
        %dma_start3A_785 = tpu.memref_squeeze %dma_start3A_784 : memref<1x1x8x128xf32, #tpu.memory_space<vmem>> -> memref<8x128xf32, #tpu.memory_space<vmem>>
        %dma_start3A_786 = tpu.memref_slice %arg3[%dma_start3A_779, %mul3A_671, %mul3A_673] : memref<15x16x33600xf32, #tpu.memory_space<hbm>> -> memref<1x8x128xf32, #tpu.memory_space<hbm>>
        %dma_start3A_787 = tpu.memref_squeeze %dma_start3A_786 : memref<1x8x128xf32, #tpu.memory_space<hbm>> -> memref<8x128xf32, #tpu.memory_space<hbm>>
        %dma_start3A_788 = arith.constant 0 : i32
        %dma_start3A_789 = arith.constant 0 : i32
        %dma_start3A_790 = tpu.memref_slice %arg9[%dma_start3A_780, %dma_start3A_781, %dma_start3A_788, %dma_start3A_789] : memref<2x10x8x128xf32, #tpu.memory_space<vmem>> -> memref<1x1x8x128xf32, #tpu.memory_space<vmem>>
        %dma_start3A_791 = tpu.memref_squeeze %dma_start3A_790 : memref<1x1x8x128xf32, #tpu.memory_space<vmem>> -> memref<8x128xf32, #tpu.memory_space<vmem>>
        %dma_start3A_792 = tpu.memref_slice %arg3[%dma_start3A_779, %mul3A_671, %mul3A_673] : memref<15x16x33600xf32, #tpu.memory_space<hbm>> -> memref<1x8x128xf32, #tpu.memory_space<hbm>>
        %dma_start3A_793 = tpu.memref_squeeze %dma_start3A_792 : memref<1x8x128xf32, #tpu.memory_space<hbm>> -> memref<8x128xf32, #tpu.memory_space<hbm>>
        tpu.enqueue_dma source(%dma_start3A_793 : memref<8x128xf32, #tpu.memory_space<hbm>>) target(%dma_start3A_791 : memref<8x128xf32, #tpu.memory_space<vmem>>) target_semaphore(%arg14 : memref<!tpu.dma_semaphore, #tpu.memory_space<semaphore_mem>>)
        %dma_start3A_794 = arith.constant 4 : i32
        %dma_start3A_795 = arith.constant 0 : i32
        %dma_start3A_796 = arith.constant 4 : i32
        %dma_start3A_797 = arith.constant 0 : i32
        %dma_start3A_798 = arith.constant 0 : i32
        %dma_start3A_799 = tpu.memref_slice %arg8[%dma_start3A_795, %dma_start3A_796, %dma_start3A_797, %dma_start3A_798] : memref<2x10x8x128xf32, #tpu.memory_space<vmem>> -> memref<1x1x8x128xf32, #tpu.memory_space<vmem>>
        %dma_start3A_800 = tpu.memref_squeeze %dma_start3A_799 : memref<1x1x8x128xf32, #tpu.memory_space<vmem>> -> memref<8x128xf32, #tpu.memory_space<vmem>>
        %dma_start3A_801 = tpu.memref_slice %arg2[%dma_start3A_794, %mul3A_671, %mul3A_673] : memref<10x16x33600xf32, #tpu.memory_space<hbm>> -> memref<1x8x128xf32, #tpu.memory_space<hbm>>
        %dma_start3A_802 = tpu.memref_squeeze %dma_start3A_801 : memref<1x8x128xf32, #tpu.memory_space<hbm>> -> memref<8x128xf32, #tpu.memory_space<hbm>>
        %dma_start3A_803 = arith.constant 0 : i32
        %dma_start3A_804 = arith.constant 0 : i32
        %dma_start3A_805 = tpu.memref_slice %arg8[%dma_start3A_795, %dma_start3A_796, %dma_start3A_803, %dma_start3A_804] : memref<2x10x8x128xf32, #tpu.memory_space<vmem>> -> memref<1x1x8x128xf32, #tpu.memory_space<vmem>>
        %dma_start3A_806 = tpu.memref_squeeze %dma_start3A_805 : memref<1x1x8x128xf32, #tpu.memory_space<vmem>> -> memref<8x128xf32, #tpu.memory_space<vmem>>
        %dma_start3A_807 = tpu.memref_slice %arg2[%dma_start3A_794, %mul3A_671, %mul3A_673] : memref<10x16x33600xf32, #tpu.memory_space<hbm>> -> memref<1x8x128xf32, #tpu.memory_space<hbm>>
        %dma_start3A_808 = tpu.memref_squeeze %dma_start3A_807 : memref<1x8x128xf32, #tpu.memory_space<hbm>> -> memref<8x128xf32, #tpu.memory_space<hbm>>
        tpu.enqueue_dma source(%dma_start3A_808 : memref<8x128xf32, #tpu.memory_space<hbm>>) target(%dma_start3A_806 : memref<8x128xf32, #tpu.memory_space<vmem>>) target_semaphore(%arg14 : memref<!tpu.dma_semaphore, #tpu.memory_space<semaphore_mem>>)
        %dma_start3A_809 = arith.constant 6 : i32
        %dma_start3A_810 = arith.constant 0 : i32
        %dma_start3A_811 = arith.constant 4 : i32
        %dma_start3A_812 = arith.constant 0 : i32
        %dma_start3A_813 = arith.constant 0 : i32
        %dma_start3A_814 = tpu.memref_slice %arg9[%dma_start3A_810, %dma_start3A_811, %dma_start3A_812, %dma_start3A_813] : memref<2x10x8x128xf32, #tpu.memory_space<vmem>> -> memref<1x1x8x128xf32, #tpu.memory_space<vmem>>
        %dma_start3A_815 = tpu.memref_squeeze %dma_start3A_814 : memref<1x1x8x128xf32, #tpu.memory_space<vmem>> -> memref<8x128xf32, #tpu.memory_space<vmem>>
        %dma_start3A_816 = tpu.memref_slice %arg3[%dma_start3A_809, %mul3A_671, %mul3A_673] : memref<15x16x33600xf32, #tpu.memory_space<hbm>> -> memref<1x8x128xf32, #tpu.memory_space<hbm>>
        %dma_start3A_817 = tpu.memref_squeeze %dma_start3A_816 : memref<1x8x128xf32, #tpu.memory_space<hbm>> -> memref<8x128xf32, #tpu.memory_space<hbm>>
        %dma_start3A_818 = arith.constant 0 : i32
        %dma_start3A_819 = arith.constant 0 : i32
        %dma_start3A_820 = tpu.memref_slice %arg9[%dma_start3A_810, %dma_start3A_811, %dma_start3A_818, %dma_start3A_819] : memref<2x10x8x128xf32, #tpu.memory_space<vmem>> -> memref<1x1x8x128xf32, #tpu.memory_space<vmem>>
        %dma_start3A_821 = tpu.memref_squeeze %dma_start3A_820 : memref<1x1x8x128xf32, #tpu.memory_space<vmem>> -> memref<8x128xf32, #tpu.memory_space<vmem>>
        %dma_start3A_822 = tpu.memref_slice %arg3[%dma_start3A_809, %mul3A_671, %mul3A_673] : memref<15x16x33600xf32, #tpu.memory_space<hbm>> -> memref<1x8x128xf32, #tpu.memory_space<hbm>>
        %dma_start3A_823 = tpu.memref_squeeze %dma_start3A_822 : memref<1x8x128xf32, #tpu.memory_space<hbm>> -> memref<8x128xf32, #tpu.memory_space<hbm>>
        tpu.enqueue_dma source(%dma_start3A_823 : memref<8x128xf32, #tpu.memory_space<hbm>>) target(%dma_start3A_821 : memref<8x128xf32, #tpu.memory_space<vmem>>) target_semaphore(%arg14 : memref<!tpu.dma_semaphore, #tpu.memory_space<semaphore_mem>>)
        %dma_start3A_824 = arith.constant 5 : i32
        %dma_start3A_825 = arith.constant 0 : i32
        %dma_start3A_826 = arith.constant 5 : i32
        %dma_start3A_827 = arith.constant 0 : i32
        %dma_start3A_828 = arith.constant 0 : i32
        %dma_start3A_829 = tpu.memref_slice %arg8[%dma_start3A_825, %dma_start3A_826, %dma_start3A_827, %dma_start3A_828] : memref<2x10x8x128xf32, #tpu.memory_space<vmem>> -> memref<1x1x8x128xf32, #tpu.memory_space<vmem>>
        %dma_start3A_830 = tpu.memref_squeeze %dma_start3A_829 : memref<1x1x8x128xf32, #tpu.memory_space<vmem>> -> memref<8x128xf32, #tpu.memory_space<vmem>>
        %dma_start3A_831 = tpu.memref_slice %arg2[%dma_start3A_824, %mul3A_671, %mul3A_673] : memref<10x16x33600xf32, #tpu.memory_space<hbm>> -> memref<1x8x128xf32, #tpu.memory_space<hbm>>
        %dma_start3A_832 = tpu.memref_squeeze %dma_start3A_831 : memref<1x8x128xf32, #tpu.memory_space<hbm>> -> memref<8x128xf32, #tpu.memory_space<hbm>>
        %dma_start3A_833 = arith.constant 0 : i32
        %dma_start3A_834 = arith.constant 0 : i32
        %dma_start3A_835 = tpu.memref_slice %arg8[%dma_start3A_825, %dma_start3A_826, %dma_start3A_833, %dma_start3A_834] : memref<2x10x8x128xf32, #tpu.memory_space<vmem>> -> memref<1x1x8x128xf32, #tpu.memory_space<vmem>>
        %dma_start3A_836 = tpu.memref_squeeze %dma_start3A_835 : memref<1x1x8x128xf32, #tpu.memory_space<vmem>> -> memref<8x128xf32, #tpu.memory_space<vmem>>
        %dma_start3A_837 = tpu.memref_slice %arg2[%dma_start3A_824, %mul3A_671, %mul3A_673] : memref<10x16x33600xf32, #tpu.memory_space<hbm>> -> memref<1x8x128xf32, #tpu.memory_space<hbm>>
        %dma_start3A_838 = tpu.memref_squeeze %dma_start3A_837 : memref<1x8x128xf32, #tpu.memory_space<hbm>> -> memref<8x128xf32, #tpu.memory_space<hbm>>
        tpu.enqueue_dma source(%dma_start3A_838 : memref<8x128xf32, #tpu.memory_space<hbm>>) target(%dma_start3A_836 : memref<8x128xf32, #tpu.memory_space<vmem>>) target_semaphore(%arg14 : memref<!tpu.dma_semaphore, #tpu.memory_space<semaphore_mem>>)
        %dma_start3A_839 = arith.constant 7 : i32
        %dma_start3A_840 = arith.constant 0 : i32
        %dma_start3A_841 = arith.constant 5 : i32
        %dma_start3A_842 = arith.constant 0 : i32
        %dma_start3A_843 = arith.constant 0 : i32
        %dma_start3A_844 = tpu.memref_slice %arg9[%dma_start3A_840, %dma_start3A_841, %dma_start3A_842, %dma_start3A_843] : memref<2x10x8x128xf32, #tpu.memory_space<vmem>> -> memref<1x1x8x128xf32, #tpu.memory_space<vmem>>
        %dma_start3A_845 = tpu.memref_squeeze %dma_start3A_844 : memref<1x1x8x128xf32, #tpu.memory_space<vmem>> -> memref<8x128xf32, #tpu.memory_space<vmem>>
        %dma_start3A_846 = tpu.memref_slice %arg3[%dma_start3A_839, %mul3A_671, %mul3A_673] : memref<15x16x33600xf32, #tpu.memory_space<hbm>> -> memref<1x8x128xf32, #tpu.memory_space<hbm>>
        %dma_start3A_847 = tpu.memref_squeeze %dma_start3A_846 : memref<1x8x128xf32, #tpu.memory_space<hbm>> -> memref<8x128xf32, #tpu.memory_space<hbm>>
        %dma_start3A_848 = arith.constant 0 : i32
        %dma_start3A_849 = arith.constant 0 : i32
        %dma_start3A_850 = tpu.memref_slice %arg9[%dma_start3A_840, %dma_start3A_841, %dma_start3A_848, %dma_start3A_849] : memref<2x10x8x128xf32, #tpu.memory_space<vmem>> -> memref<1x1x8x128xf32, #tpu.memory_space<vmem>>
        %dma_start3A_851 = tpu.memref_squeeze %dma_start3A_850 : memref<1x1x8x128xf32, #tpu.memory_space<vmem>> -> memref<8x128xf32, #tpu.memory_space<vmem>>
        %dma_start3A_852 = tpu.memref_slice %arg3[%dma_start3A_839, %mul3A_671, %mul3A_673] : memref<15x16x33600xf32, #tpu.memory_space<hbm>> -> memref<1x8x128xf32, #tpu.memory_space<hbm>>
        %dma_start3A_853 = tpu.memref_squeeze %dma_start3A_852 : memref<1x8x128xf32, #tpu.memory_space<hbm>> -> memref<8x128xf32, #tpu.memory_space<hbm>>
        tpu.enqueue_dma source(%dma_start3A_853 : memref<8x128xf32, #tpu.memory_space<hbm>>) target(%dma_start3A_851 : memref<8x128xf32, #tpu.memory_space<vmem>>) target_semaphore(%arg14 : memref<!tpu.dma_semaphore, #tpu.memory_space<semaphore_mem>>)
        %dma_start3A_854 = arith.constant 6 : i32
        %dma_start3A_855 = arith.constant 0 : i32
        %dma_start3A_856 = arith.constant 6 : i32
        %dma_start3A_857 = arith.constant 0 : i32
        %dma_start3A_858 = arith.constant 0 : i32
        %dma_start3A_859 = tpu.memref_slice %arg8[%dma_start3A_855, %dma_start3A_856, %dma_start3A_857, %dma_start3A_858] : memref<2x10x8x128xf32, #tpu.memory_space<vmem>> -> memref<1x1x8x128xf32, #tpu.memory_space<vmem>>
        %dma_start3A_860 = tpu.memref_squeeze %dma_start3A_859 : memref<1x1x8x128xf32, #tpu.memory_space<vmem>> -> memref<8x128xf32, #tpu.memory_space<vmem>>
        %dma_start3A_861 = tpu.memref_slice %arg2[%dma_start3A_854, %mul3A_671, %mul3A_673] : memref<10x16x33600xf32, #tpu.memory_space<hbm>> -> memref<1x8x128xf32, #tpu.memory_space<hbm>>
        %dma_start3A_862 = tpu.memref_squeeze %dma_start3A_861 : memref<1x8x128xf32, #tpu.memory_space<hbm>> -> memref<8x128xf32, #tpu.memory_space<hbm>>
        %dma_start3A_863 = arith.constant 0 : i32
        %dma_start3A_864 = arith.constant 0 : i32
        %dma_start3A_865 = tpu.memref_slice %arg8[%dma_start3A_855, %dma_start3A_856, %dma_start3A_863, %dma_start3A_864] : memref<2x10x8x128xf32, #tpu.memory_space<vmem>> -> memref<1x1x8x128xf32, #tpu.memory_space<vmem>>
        %dma_start3A_866 = tpu.memref_squeeze %dma_start3A_865 : memref<1x1x8x128xf32, #tpu.memory_space<vmem>> -> memref<8x128xf32, #tpu.memory_space<vmem>>
        %dma_start3A_867 = tpu.memref_slice %arg2[%dma_start3A_854, %mul3A_671, %mul3A_673] : memref<10x16x33600xf32, #tpu.memory_space<hbm>> -> memref<1x8x128xf32, #tpu.memory_space<hbm>>
        %dma_start3A_868 = tpu.memref_squeeze %dma_start3A_867 : memref<1x8x128xf32, #tpu.memory_space<hbm>> -> memref<8x128xf32, #tpu.memory_space<hbm>>
        tpu.enqueue_dma source(%dma_start3A_868 : memref<8x128xf32, #tpu.memory_space<hbm>>) target(%dma_start3A_866 : memref<8x128xf32, #tpu.memory_space<vmem>>) target_semaphore(%arg14 : memref<!tpu.dma_semaphore, #tpu.memory_space<semaphore_mem>>)
        %dma_start3A_869 = arith.constant 9 : i32
        %dma_start3A_870 = arith.constant 0 : i32
        %dma_start3A_871 = arith.constant 6 : i32
        %dma_start3A_872 = arith.constant 0 : i32
        %dma_start3A_873 = arith.constant 0 : i32
        %dma_start3A_874 = tpu.memref_slice %arg9[%dma_start3A_870, %dma_start3A_871, %dma_start3A_872, %dma_start3A_873] : memref<2x10x8x128xf32, #tpu.memory_space<vmem>> -> memref<1x1x8x128xf32, #tpu.memory_space<vmem>>
        %dma_start3A_875 = tpu.memref_squeeze %dma_start3A_874 : memref<1x1x8x128xf32, #tpu.memory_space<vmem>> -> memref<8x128xf32, #tpu.memory_space<vmem>>
        %dma_start3A_876 = tpu.memref_slice %arg3[%dma_start3A_869, %mul3A_671, %mul3A_673] : memref<15x16x33600xf32, #tpu.memory_space<hbm>> -> memref<1x8x128xf32, #tpu.memory_space<hbm>>
        %dma_start3A_877 = tpu.memref_squeeze %dma_start3A_876 : memref<1x8x128xf32, #tpu.memory_space<hbm>> -> memref<8x128xf32, #tpu.memory_space<hbm>>
        %dma_start3A_878 = arith.constant 0 : i32
        %dma_start3A_879 = arith.constant 0 : i32
        %dma_start3A_880 = tpu.memref_slice %arg9[%dma_start3A_870, %dma_start3A_871, %dma_start3A_878, %dma_start3A_879] : memref<2x10x8x128xf32, #tpu.memory_space<vmem>> -> memref<1x1x8x128xf32, #tpu.memory_space<vmem>>
        %dma_start3A_881 = tpu.memref_squeeze %dma_start3A_880 : memref<1x1x8x128xf32, #tpu.memory_space<vmem>> -> memref<8x128xf32, #tpu.memory_space<vmem>>
        %dma_start3A_882 = tpu.memref_slice %arg3[%dma_start3A_869, %mul3A_671, %mul3A_673] : memref<15x16x33600xf32, #tpu.memory_space<hbm>> -> memref<1x8x128xf32, #tpu.memory_space<hbm>>
        %dma_start3A_883 = tpu.memref_squeeze %dma_start3A_882 : memref<1x8x128xf32, #tpu.memory_space<hbm>> -> memref<8x128xf32, #tpu.memory_space<hbm>>
        tpu.enqueue_dma source(%dma_start3A_883 : memref<8x128xf32, #tpu.memory_space<hbm>>) target(%dma_start3A_881 : memref<8x128xf32, #tpu.memory_space<vmem>>) target_semaphore(%arg14 : memref<!tpu.dma_semaphore, #tpu.memory_space<semaphore_mem>>)
        %dma_start3A_884 = arith.constant 7 : i32
        %dma_start3A_885 = arith.constant 0 : i32
        %dma_start3A_886 = arith.constant 7 : i32
        %dma_start3A_887 = arith.constant 0 : i32
        %dma_start3A_888 = arith.constant 0 : i32
        %dma_start3A_889 = tpu.memref_slice %arg8[%dma_start3A_885, %dma_start3A_886, %dma_start3A_887, %dma_start3A_888] : memref<2x10x8x128xf32, #tpu.memory_space<vmem>> -> memref<1x1x8x128xf32, #tpu.memory_space<vmem>>
        %dma_start3A_890 = tpu.memref_squeeze %dma_start3A_889 : memref<1x1x8x128xf32, #tpu.memory_space<vmem>> -> memref<8x128xf32, #tpu.memory_space<vmem>>
        %dma_start3A_891 = tpu.memref_slice %arg2[%dma_start3A_884, %mul3A_671, %mul3A_673] : memref<10x16x33600xf32, #tpu.memory_space<hbm>> -> memref<1x8x128xf32, #tpu.memory_space<hbm>>
        %dma_start3A_892 = tpu.memref_squeeze %dma_start3A_891 : memref<1x8x128xf32, #tpu.memory_space<hbm>> -> memref<8x128xf32, #tpu.memory_space<hbm>>
        %dma_start3A_893 = arith.constant 0 : i32
        %dma_start3A_894 = arith.constant 0 : i32
        %dma_start3A_895 = tpu.memref_slice %arg8[%dma_start3A_885, %dma_start3A_886, %dma_start3A_893, %dma_start3A_894] : memref<2x10x8x128xf32, #tpu.memory_space<vmem>> -> memref<1x1x8x128xf32, #tpu.memory_space<vmem>>
        %dma_start3A_896 = tpu.memref_squeeze %dma_start3A_895 : memref<1x1x8x128xf32, #tpu.memory_space<vmem>> -> memref<8x128xf32, #tpu.memory_space<vmem>>
        %dma_start3A_897 = tpu.memref_slice %arg2[%dma_start3A_884, %mul3A_671, %mul3A_673] : memref<10x16x33600xf32, #tpu.memory_space<hbm>> -> memref<1x8x128xf32, #tpu.memory_space<hbm>>
        %dma_start3A_898 = tpu.memref_squeeze %dma_start3A_897 : memref<1x8x128xf32, #tpu.memory_space<hbm>> -> memref<8x128xf32, #tpu.memory_space<hbm>>
        tpu.enqueue_dma source(%dma_start3A_898 : memref<8x128xf32, #tpu.memory_space<hbm>>) target(%dma_start3A_896 : memref<8x128xf32, #tpu.memory_space<vmem>>) target_semaphore(%arg14 : memref<!tpu.dma_semaphore, #tpu.memory_space<semaphore_mem>>)
        %dma_start3A_899 = arith.constant 10 : i32
        %dma_start3A_900 = arith.constant 0 : i32
        %dma_start3A_901 = arith.constant 7 : i32
        %dma_start3A_902 = arith.constant 0 : i32
        %dma_start3A_903 = arith.constant 0 : i32
        %dma_start3A_904 = tpu.memref_slice %arg9[%dma_start3A_900, %dma_start3A_901, %dma_start3A_902, %dma_start3A_903] : memref<2x10x8x128xf32, #tpu.memory_space<vmem>> -> memref<1x1x8x128xf32, #tpu.memory_space<vmem>>
        %dma_start3A_905 = tpu.memref_squeeze %dma_start3A_904 : memref<1x1x8x128xf32, #tpu.memory_space<vmem>> -> memref<8x128xf32, #tpu.memory_space<vmem>>
        %dma_start3A_906 = tpu.memref_slice %arg3[%dma_start3A_899, %mul3A_671, %mul3A_673] : memref<15x16x33600xf32, #tpu.memory_space<hbm>> -> memref<1x8x128xf32, #tpu.memory_space<hbm>>
        %dma_start3A_907 = tpu.memref_squeeze %dma_start3A_906 : memref<1x8x128xf32, #tpu.memory_space<hbm>> -> memref<8x128xf32, #tpu.memory_space<hbm>>
        %dma_start3A_908 = arith.constant 0 : i32
        %dma_start3A_909 = arith.constant 0 : i32
        %dma_start3A_910 = tpu.memref_slice %arg9[%dma_start3A_900, %dma_start3A_901, %dma_start3A_908, %dma_start3A_909] : memref<2x10x8x128xf32, #tpu.memory_space<vmem>> -> memref<1x1x8x128xf32, #tpu.memory_space<vmem>>
        %dma_start3A_911 = tpu.memref_squeeze %dma_start3A_910 : memref<1x1x8x128xf32, #tpu.memory_space<vmem>> -> memref<8x128xf32, #tpu.memory_space<vmem>>
        %dma_start3A_912 = tpu.memref_slice %arg3[%dma_start3A_899, %mul3A_671, %mul3A_673] : memref<15x16x33600xf32, #tpu.memory_space<hbm>> -> memref<1x8x128xf32, #tpu.memory_space<hbm>>
        %dma_start3A_913 = tpu.memref_squeeze %dma_start3A_912 : memref<1x8x128xf32, #tpu.memory_space<hbm>> -> memref<8x128xf32, #tpu.memory_space<hbm>>
        tpu.enqueue_dma source(%dma_start3A_913 : memref<8x128xf32, #tpu.memory_space<hbm>>) target(%dma_start3A_911 : memref<8x128xf32, #tpu.memory_space<vmem>>) target_semaphore(%arg14 : memref<!tpu.dma_semaphore, #tpu.memory_space<semaphore_mem>>)
        %dma_start3A_914 = arith.constant 8 : i32
        %dma_start3A_915 = arith.constant 0 : i32
        %dma_start3A_916 = arith.constant 8 : i32
        %dma_start3A_917 = arith.constant 0 : i32
        %dma_start3A_918 = arith.constant 0 : i32
        %dma_start3A_919 = tpu.memref_slice %arg8[%dma_start3A_915, %dma_start3A_916, %dma_start3A_917, %dma_start3A_918] : memref<2x10x8x128xf32, #tpu.memory_space<vmem>> -> memref<1x1x8x128xf32, #tpu.memory_space<vmem>>
        %dma_start3A_920 = tpu.memref_squeeze %dma_start3A_919 : memref<1x1x8x128xf32, #tpu.memory_space<vmem>> -> memref<8x128xf32, #tpu.memory_space<vmem>>
        %dma_start3A_921 = tpu.memref_slice %arg2[%dma_start3A_914, %mul3A_671, %mul3A_673] : memref<10x16x33600xf32, #tpu.memory_space<hbm>> -> memref<1x8x128xf32, #tpu.memory_space<hbm>>
        %dma_start3A_922 = tpu.memref_squeeze %dma_start3A_921 : memref<1x8x128xf32, #tpu.memory_space<hbm>> -> memref<8x128xf32, #tpu.memory_space<hbm>>
        %dma_start3A_923 = arith.constant 0 : i32
        %dma_start3A_924 = arith.constant 0 : i32
        %dma_start3A_925 = tpu.memref_slice %arg8[%dma_start3A_915, %dma_start3A_916, %dma_start3A_923, %dma_start3A_924] : memref<2x10x8x128xf32, #tpu.memory_space<vmem>> -> memref<1x1x8x128xf32, #tpu.memory_space<vmem>>
        %dma_start3A_926 = tpu.memref_squeeze %dma_start3A_925 : memref<1x1x8x128xf32, #tpu.memory_space<vmem>> -> memref<8x128xf32, #tpu.memory_space<vmem>>
        %dma_start3A_927 = tpu.memref_slice %arg2[%dma_start3A_914, %mul3A_671, %mul3A_673] : memref<10x16x33600xf32, #tpu.memory_space<hbm>> -> memref<1x8x128xf32, #tpu.memory_space<hbm>>
        %dma_start3A_928 = tpu.memref_squeeze %dma_start3A_927 : memref<1x8x128xf32, #tpu.memory_space<hbm>> -> memref<8x128xf32, #tpu.memory_space<hbm>>
        tpu.enqueue_dma source(%dma_start3A_928 : memref<8x128xf32, #tpu.memory_space<hbm>>) target(%dma_start3A_926 : memref<8x128xf32, #tpu.memory_space<vmem>>) target_semaphore(%arg14 : memref<!tpu.dma_semaphore, #tpu.memory_space<semaphore_mem>>)
        %dma_start3A_929 = arith.constant 12 : i32
        %dma_start3A_930 = arith.constant 0 : i32
        %dma_start3A_931 = arith.constant 8 : i32
        %dma_start3A_932 = arith.constant 0 : i32
        %dma_start3A_933 = arith.constant 0 : i32
        %dma_start3A_934 = tpu.memref_slice %arg9[%dma_start3A_930, %dma_start3A_931, %dma_start3A_932, %dma_start3A_933] : memref<2x10x8x128xf32, #tpu.memory_space<vmem>> -> memref<1x1x8x128xf32, #tpu.memory_space<vmem>>
        %dma_start3A_935 = tpu.memref_squeeze %dma_start3A_934 : memref<1x1x8x128xf32, #tpu.memory_space<vmem>> -> memref<8x128xf32, #tpu.memory_space<vmem>>
        %dma_start3A_936 = tpu.memref_slice %arg3[%dma_start3A_929, %mul3A_671, %mul3A_673] : memref<15x16x33600xf32, #tpu.memory_space<hbm>> -> memref<1x8x128xf32, #tpu.memory_space<hbm>>
        %dma_start3A_937 = tpu.memref_squeeze %dma_start3A_936 : memref<1x8x128xf32, #tpu.memory_space<hbm>> -> memref<8x128xf32, #tpu.memory_space<hbm>>
        %dma_start3A_938 = arith.constant 0 : i32
        %dma_start3A_939 = arith.constant 0 : i32
        %dma_start3A_940 = tpu.memref_slice %arg9[%dma_start3A_930, %dma_start3A_931, %dma_start3A_938, %dma_start3A_939] : memref<2x10x8x128xf32, #tpu.memory_space<vmem>> -> memref<1x1x8x128xf32, #tpu.memory_space<vmem>>
        %dma_start3A_941 = tpu.memref_squeeze %dma_start3A_940 : memref<1x1x8x128xf32, #tpu.memory_space<vmem>> -> memref<8x128xf32, #tpu.memory_space<vmem>>
        %dma_start3A_942 = tpu.memref_slice %arg3[%dma_start3A_929, %mul3A_671, %mul3A_673] : memref<15x16x33600xf32, #tpu.memory_space<hbm>> -> memref<1x8x128xf32, #tpu.memory_space<hbm>>
        %dma_start3A_943 = tpu.memref_squeeze %dma_start3A_942 : memref<1x8x128xf32, #tpu.memory_space<hbm>> -> memref<8x128xf32, #tpu.memory_space<hbm>>
        tpu.enqueue_dma source(%dma_start3A_943 : memref<8x128xf32, #tpu.memory_space<hbm>>) target(%dma_start3A_941 : memref<8x128xf32, #tpu.memory_space<vmem>>) target_semaphore(%arg14 : memref<!tpu.dma_semaphore, #tpu.memory_space<semaphore_mem>>)
        %dma_start3A_944 = arith.constant 9 : i32
        %dma_start3A_945 = arith.constant 0 : i32
        %dma_start3A_946 = arith.constant 9 : i32
        %dma_start3A_947 = arith.constant 0 : i32
        %dma_start3A_948 = arith.constant 0 : i32
        %dma_start3A_949 = tpu.memref_slice %arg8[%dma_start3A_945, %dma_start3A_946, %dma_start3A_947, %dma_start3A_948] : memref<2x10x8x128xf32, #tpu.memory_space<vmem>> -> memref<1x1x8x128xf32, #tpu.memory_space<vmem>>
        %dma_start3A_950 = tpu.memref_squeeze %dma_start3A_949 : memref<1x1x8x128xf32, #tpu.memory_space<vmem>> -> memref<8x128xf32, #tpu.memory_space<vmem>>
        %dma_start3A_951 = tpu.memref_slice %arg2[%dma_start3A_944, %mul3A_671, %mul3A_673] : memref<10x16x33600xf32, #tpu.memory_space<hbm>> -> memref<1x8x128xf32, #tpu.memory_space<hbm>>
        %dma_start3A_952 = tpu.memref_squeeze %dma_start3A_951 : memref<1x8x128xf32, #tpu.memory_space<hbm>> -> memref<8x128xf32, #tpu.memory_space<hbm>>
        %dma_start3A_953 = arith.constant 0 : i32
        %dma_start3A_954 = arith.constant 0 : i32
        %dma_start3A_955 = tpu.memref_slice %arg8[%dma_start3A_945, %dma_start3A_946, %dma_start3A_953, %dma_start3A_954] : memref<2x10x8x128xf32, #tpu.memory_space<vmem>> -> memref<1x1x8x128xf32, #tpu.memory_space<vmem>>
        %dma_start3A_956 = tpu.memref_squeeze %dma_start3A_955 : memref<1x1x8x128xf32, #tpu.memory_space<vmem>> -> memref<8x128xf32, #tpu.memory_space<vmem>>
        %dma_start3A_957 = tpu.memref_slice %arg2[%dma_start3A_944, %mul3A_671, %mul3A_673] : memref<10x16x33600xf32, #tpu.memory_space<hbm>> -> memref<1x8x128xf32, #tpu.memory_space<hbm>>
        %dma_start3A_958 = tpu.memref_squeeze %dma_start3A_957 : memref<1x8x128xf32, #tpu.memory_space<hbm>> -> memref<8x128xf32, #tpu.memory_space<hbm>>
        tpu.enqueue_dma source(%dma_start3A_958 : memref<8x128xf32, #tpu.memory_space<hbm>>) target(%dma_start3A_956 : memref<8x128xf32, #tpu.memory_space<vmem>>) target_semaphore(%arg14 : memref<!tpu.dma_semaphore, #tpu.memory_space<semaphore_mem>>)
        %dma_start3A_959 = arith.constant 13 : i32
        %dma_start3A_960 = arith.constant 0 : i32
        %dma_start3A_961 = arith.constant 9 : i32
        %dma_start3A_962 = arith.constant 0 : i32
        %dma_start3A_963 = arith.constant 0 : i32
        %dma_start3A_964 = tpu.memref_slice %arg9[%dma_start3A_960, %dma_start3A_961, %dma_start3A_962, %dma_start3A_963] : memref<2x10x8x128xf32, #tpu.memory_space<vmem>> -> memref<1x1x8x128xf32, #tpu.memory_space<vmem>>
        %dma_start3A_965 = tpu.memref_squeeze %dma_start3A_964 : memref<1x1x8x128xf32, #tpu.memory_space<vmem>> -> memref<8x128xf32, #tpu.memory_space<vmem>>
        %dma_start3A_966 = tpu.memref_slice %arg3[%dma_start3A_959, %mul3A_671, %mul3A_673] : memref<15x16x33600xf32, #tpu.memory_space<hbm>> -> memref<1x8x128xf32, #tpu.memory_space<hbm>>
        %dma_start3A_967 = tpu.memref_squeeze %dma_start3A_966 : memref<1x8x128xf32, #tpu.memory_space<hbm>> -> memref<8x128xf32, #tpu.memory_space<hbm>>
        %dma_start3A_968 = arith.constant 0 : i32
        %dma_start3A_969 = arith.constant 0 : i32
        %dma_start3A_970 = tpu.memref_slice %arg9[%dma_start3A_960, %dma_start3A_961, %dma_start3A_968, %dma_start3A_969] : memref<2x10x8x128xf32, #tpu.memory_space<vmem>> -> memref<1x1x8x128xf32, #tpu.memory_space<vmem>>
        %dma_start3A_971 = tpu.memref_squeeze %dma_start3A_970 : memref<1x1x8x128xf32, #tpu.memory_space<vmem>> -> memref<8x128xf32, #tpu.memory_space<vmem>>
        %dma_start3A_972 = tpu.memref_slice %arg3[%dma_start3A_959, %mul3A_671, %mul3A_673] : memref<15x16x33600xf32, #tpu.memory_space<hbm>> -> memref<1x8x128xf32, #tpu.memory_space<hbm>>
        %dma_start3A_973 = tpu.memref_squeeze %dma_start3A_972 : memref<1x8x128xf32, #tpu.memory_space<hbm>> -> memref<8x128xf32, #tpu.memory_space<hbm>>
        tpu.enqueue_dma source(%dma_start3A_973 : memref<8x128xf32, #tpu.memory_space<hbm>>) target(%dma_start3A_971 : memref<8x128xf32, #tpu.memory_space<vmem>>) target_semaphore(%arg14 : memref<!tpu.dma_semaphore, #tpu.memory_space<semaphore_mem>>)
        %dma_start3A_974 = arith.constant 0 : i32
        %dma_start3A_975 = arith.constant 0 : i32
        %dma_start3A_976 = arith.constant 0 : i32
        %dma_start3A_977 = tpu.memref_slice %arg10[%dma_start3A_974, %dma_start3A_975, %dma_start3A_976] : memref<2x8x128xf32, #tpu.memory_space<vmem>> -> memref<1x8x128xf32, #tpu.memory_space<vmem>>
        %dma_start3A_978 = tpu.memref_squeeze %dma_start3A_977 : memref<1x8x128xf32, #tpu.memory_space<vmem>> -> memref<8x128xf32, #tpu.memory_space<vmem>>
        %dma_start3A_979 = tpu.memref_slice %arg4[%mul3A_671, %mul3A_673] : memref<16x33600xf32, #tpu.memory_space<hbm>> -> memref<8x128xf32, #tpu.memory_space<hbm>>
        %dma_start3A_980 = arith.constant 0 : i32
        %dma_start3A_981 = arith.constant 0 : i32
        %dma_start3A_982 = tpu.memref_slice %arg10[%dma_start3A_974, %dma_start3A_980, %dma_start3A_981] : memref<2x8x128xf32, #tpu.memory_space<vmem>> -> memref<1x8x128xf32, #tpu.memory_space<vmem>>
        %dma_start3A_983 = tpu.memref_squeeze %dma_start3A_982 : memref<1x8x128xf32, #tpu.memory_space<vmem>> -> memref<8x128xf32, #tpu.memory_space<vmem>>
        %dma_start3A_984 = tpu.memref_slice %arg4[%mul3A_671, %mul3A_673] : memref<16x33600xf32, #tpu.memory_space<hbm>> -> memref<8x128xf32, #tpu.memory_space<hbm>>
        tpu.enqueue_dma source(%dma_start3A_984 : memref<8x128xf32, #tpu.memory_space<hbm>>) target(%dma_start3A_983 : memref<8x128xf32, #tpu.memory_space<vmem>>) target_semaphore(%arg14 : memref<!tpu.dma_semaphore, #tpu.memory_space<semaphore_mem>>)
        %dma_start3A_985 = arith.constant 0 : i32
        %dma_start3A_986 = arith.constant 0 : i32
        %dma_start3A_987 = arith.constant 0 : i32
        %dma_start3A_988 = tpu.memref_slice %arg11[%dma_start3A_985, %dma_start3A_986, %dma_start3A_987] : memref<2x8x128xf32, #tpu.memory_space<vmem>> -> memref<1x8x128xf32, #tpu.memory_space<vmem>>
        %dma_start3A_989 = tpu.memref_squeeze %dma_start3A_988 : memref<1x8x128xf32, #tpu.memory_space<vmem>> -> memref<8x128xf32, #tpu.memory_space<vmem>>
        %dma_start3A_990 = tpu.memref_slice %arg5[%mul3A_671, %mul3A_673] : memref<16x33600xf32, #tpu.memory_space<hbm>> -> memref<8x128xf32, #tpu.memory_space<hbm>>
        %dma_start3A_991 = arith.constant 0 : i32
        %dma_start3A_992 = arith.constant 0 : i32
        %dma_start3A_993 = tpu.memref_slice %arg11[%dma_start3A_985, %dma_start3A_991, %dma_start3A_992] : memref<2x8x128xf32, #tpu.memory_space<vmem>> -> memref<1x8x128xf32, #tpu.memory_space<vmem>>
        %dma_start3A_994 = tpu.memref_squeeze %dma_start3A_993 : memref<1x8x128xf32, #tpu.memory_space<vmem>> -> memref<8x128xf32, #tpu.memory_space<vmem>>
        %dma_start3A_995 = tpu.memref_slice %arg5[%mul3A_671, %mul3A_673] : memref<16x33600xf32, #tpu.memory_space<hbm>> -> memref<8x128xf32, #tpu.memory_space<hbm>>
        tpu.enqueue_dma source(%dma_start3A_995 : memref<8x128xf32, #tpu.memory_space<hbm>>) target(%dma_start3A_994 : memref<8x128xf32, #tpu.memory_space<vmem>>) target_semaphore(%arg14 : memref<!tpu.dma_semaphore, #tpu.memory_space<semaphore_mem>>)
        %dma_start3A_996 = arith.constant 0 : i32
        %dma_start3A_997 = arith.constant 0 : i32
        %dma_start3A_998 = tpu.memref_slice %arg12[%dma_start3A_996, %dma_start3A_997] : memref<2x128xf32, #tpu.memory_space<vmem>> -> memref<1x128xf32, #tpu.memory_space<vmem>>
        %dma_start3A_999 = tpu.memref_squeeze %dma_start3A_998 : memref<1x128xf32, #tpu.memory_space<vmem>> -> memref<128xf32, #tpu.memory_space<vmem>>
        %dma_start3A_1000 = tpu.memref_slice %arg6[%mul3A_673] : memref<33600xf32, #tpu.memory_space<hbm>> -> memref<128xf32, #tpu.memory_space<hbm>>
        %dma_start3A_1001 = arith.constant 0 : i32
        %dma_start3A_1002 = tpu.memref_slice %arg12[%dma_start3A_996, %dma_start3A_1001] : memref<2x128xf32, #tpu.memory_space<vmem>> -> memref<1x128xf32, #tpu.memory_space<vmem>>
        %dma_start3A_1003 = tpu.memref_squeeze %dma_start3A_1002 : memref<1x128xf32, #tpu.memory_space<vmem>> -> memref<128xf32, #tpu.memory_space<vmem>>
        %dma_start3A_1004 = tpu.memref_slice %arg6[%mul3A_673] : memref<33600xf32, #tpu.memory_space<hbm>> -> memref<128xf32, #tpu.memory_space<hbm>>
        tpu.enqueue_dma source(%dma_start3A_1004 : memref<128xf32, #tpu.memory_space<hbm>>) target(%dma_start3A_1003 : memref<128xf32, #tpu.memory_space<vmem>>) target_semaphore(%arg14 : memref<!tpu.dma_semaphore, #tpu.memory_space<semaphore_mem>>)
      } else {
      }
      %lt3A_542 = arith.cmpi slt, %add3A_535, %sub3A_47 : i32
      %convert_element_type3A_543 = arith.extui %lt3A_542 : i1 to i32
      %cond3A_544 = arith.constant 0 : i32
      %cond3A_545 = arith.cmpi ne, %convert_element_type3A_543, %cond3A_544 : i32
      scf.if %cond3A_545 {
        %dma_wait3A = arith.constant 1 : i32
        %dma_wait3A_632 = arith.constant 0 : i32
        %dma_wait3A_633 = arith.constant 0 : i32
        %dma_wait3A_634 = arith.constant 0 : i32
        %dma_wait3A_635 = tpu.memref_slice %arg8[%dma_wait3A, %dma_wait3A_632, %dma_wait3A_633, %dma_wait3A_634] : memref<2x10x8x128xf32, #tpu.memory_space<vmem>> -> memref<1x10x8x128xf32, #tpu.memory_space<vmem>>
        %dma_wait3A_636 = tpu.memref_squeeze %dma_wait3A_635 : memref<1x10x8x128xf32, #tpu.memory_space<vmem>> -> memref<10x8x128xf32, #tpu.memory_space<vmem>>
        %dma_wait3A_637 = arith.constant 0 : i32
        %dma_wait3A_638 = arith.constant 0 : i32
        %dma_wait3A_639 = arith.constant 0 : i32
        %dma_wait3A_640 = tpu.memref_slice %arg2[%dma_wait3A_637, %dma_wait3A_638, %dma_wait3A_639] : memref<10x16x33600xf32, #tpu.memory_space<hbm>> -> memref<10x8x128xf32, #tpu.memory_space<hbm>>
        %dma_wait3A_641 = arith.constant 0 : i32
        %dma_wait3A_642 = arith.constant 0 : i32
        %dma_wait3A_643 = arith.constant 0 : i32
        %dma_wait3A_644 = tpu.memref_slice %arg8[%dma_wait3A, %dma_wait3A_641, %dma_wait3A_642, %dma_wait3A_643] : memref<2x10x8x128xf32, #tpu.memory_space<vmem>> -> memref<1x10x8x128xf32, #tpu.memory_space<vmem>>
        %dma_wait3A_645 = tpu.memref_squeeze %dma_wait3A_644 : memref<1x10x8x128xf32, #tpu.memory_space<vmem>> -> memref<10x8x128xf32, #tpu.memory_space<vmem>>
        %dma_wait3A_646 = arith.constant 0 : i32
        %dma_wait3A_647 = arith.constant 0 : i32
        %dma_wait3A_648 = arith.constant 0 : i32
        %dma_wait3A_649 = tpu.memref_slice %arg2[%dma_wait3A_646, %dma_wait3A_647, %dma_wait3A_648] : memref<10x16x33600xf32, #tpu.memory_space<hbm>> -> memref<10x8x128xf32, #tpu.memory_space<hbm>>
        tpu.wait_dma2 semaphore(%arg15 : memref<!tpu.dma_semaphore, #tpu.memory_space<semaphore_mem>>) src(%dma_wait3A_649 : memref<10x8x128xf32, #tpu.memory_space<hbm>>) dst(%dma_wait3A_645 : memref<10x8x128xf32, #tpu.memory_space<vmem>>)
        %dma_wait3A_650 = arith.constant 1 : i32
        %dma_wait3A_651 = arith.constant 0 : i32
        %dma_wait3A_652 = arith.constant 0 : i32
        %dma_wait3A_653 = arith.constant 0 : i32
        %dma_wait3A_654 = tpu.memref_slice %arg9[%dma_wait3A_650, %dma_wait3A_651, %dma_wait3A_652, %dma_wait3A_653] : memref<2x10x8x128xf32, #tpu.memory_space<vmem>> -> memref<1x10x8x128xf32, #tpu.memory_space<vmem>>
        %dma_wait3A_655 = tpu.memref_squeeze %dma_wait3A_654 : memref<1x10x8x128xf32, #tpu.memory_space<vmem>> -> memref<10x8x128xf32, #tpu.memory_space<vmem>>
        %dma_wait3A_656 = arith.constant 0 : i32
        %dma_wait3A_657 = arith.constant 0 : i32
        %dma_wait3A_658 = arith.constant 0 : i32
        %dma_wait3A_659 = tpu.memref_slice %arg3[%dma_wait3A_656, %dma_wait3A_657, %dma_wait3A_658] : memref<15x16x33600xf32, #tpu.memory_space<hbm>> -> memref<10x8x128xf32, #tpu.memory_space<hbm>>
        %dma_wait3A_660 = arith.constant 0 : i32
        %dma_wait3A_661 = arith.constant 0 : i32
        %dma_wait3A_662 = arith.constant 0 : i32
        %dma_wait3A_663 = tpu.memref_slice %arg9[%dma_wait3A_650, %dma_wait3A_660, %dma_wait3A_661, %dma_wait3A_662] : memref<2x10x8x128xf32, #tpu.memory_space<vmem>> -> memref<1x10x8x128xf32, #tpu.memory_space<vmem>>
        %dma_wait3A_664 = tpu.memref_squeeze %dma_wait3A_663 : memref<1x10x8x128xf32, #tpu.memory_space<vmem>> -> memref<10x8x128xf32, #tpu.memory_space<vmem>>
        %dma_wait3A_665 = arith.constant 0 : i32
        %dma_wait3A_666 = arith.constant 0 : i32
        %dma_wait3A_667 = arith.constant 0 : i32
        %dma_wait3A_668 = tpu.memref_slice %arg3[%dma_wait3A_665, %dma_wait3A_666, %dma_wait3A_667] : memref<15x16x33600xf32, #tpu.memory_space<hbm>> -> memref<10x8x128xf32, #tpu.memory_space<hbm>>
        tpu.wait_dma2 semaphore(%arg15 : memref<!tpu.dma_semaphore, #tpu.memory_space<semaphore_mem>>) src(%dma_wait3A_668 : memref<10x8x128xf32, #tpu.memory_space<hbm>>) dst(%dma_wait3A_664 : memref<10x8x128xf32, #tpu.memory_space<vmem>>)
        %dma_wait3A_669 = arith.constant 1 : i32
        %dma_wait3A_670 = arith.constant 0 : i32
        %dma_wait3A_671 = arith.constant 0 : i32
        %dma_wait3A_672 = tpu.memref_slice %arg10[%dma_wait3A_669, %dma_wait3A_670, %dma_wait3A_671] : memref<2x8x128xf32, #tpu.memory_space<vmem>> -> memref<1x8x128xf32, #tpu.memory_space<vmem>>
        %dma_wait3A_673 = tpu.memref_squeeze %dma_wait3A_672 : memref<1x8x128xf32, #tpu.memory_space<vmem>> -> memref<8x128xf32, #tpu.memory_space<vmem>>
        %dma_wait3A_674 = arith.constant 0 : i32
        %dma_wait3A_675 = arith.constant 0 : i32
        %dma_wait3A_676 = tpu.memref_slice %arg4[%dma_wait3A_674, %dma_wait3A_675] : memref<16x33600xf32, #tpu.memory_space<hbm>> -> memref<8x128xf32, #tpu.memory_space<hbm>>
        %dma_wait3A_677 = arith.constant 0 : i32
        %dma_wait3A_678 = arith.constant 0 : i32
        %dma_wait3A_679 = tpu.memref_slice %arg10[%dma_wait3A_669, %dma_wait3A_677, %dma_wait3A_678] : memref<2x8x128xf32, #tpu.memory_space<vmem>> -> memref<1x8x128xf32, #tpu.memory_space<vmem>>
        %dma_wait3A_680 = tpu.memref_squeeze %dma_wait3A_679 : memref<1x8x128xf32, #tpu.memory_space<vmem>> -> memref<8x128xf32, #tpu.memory_space<vmem>>
        %dma_wait3A_681 = arith.constant 0 : i32
        %dma_wait3A_682 = arith.constant 0 : i32
        %dma_wait3A_683 = tpu.memref_slice %arg4[%dma_wait3A_681, %dma_wait3A_682] : memref<16x33600xf32, #tpu.memory_space<hbm>> -> memref<8x128xf32, #tpu.memory_space<hbm>>
        tpu.wait_dma2 semaphore(%arg15 : memref<!tpu.dma_semaphore, #tpu.memory_space<semaphore_mem>>) src(%dma_wait3A_683 : memref<8x128xf32, #tpu.memory_space<hbm>>) dst(%dma_wait3A_680 : memref<8x128xf32, #tpu.memory_space<vmem>>)
        %dma_wait3A_684 = arith.constant 1 : i32
        %dma_wait3A_685 = arith.constant 0 : i32
        %dma_wait3A_686 = arith.constant 0 : i32
        %dma_wait3A_687 = tpu.memref_slice %arg11[%dma_wait3A_684, %dma_wait3A_685, %dma_wait3A_686] : memref<2x8x128xf32, #tpu.memory_space<vmem>> -> memref<1x8x128xf32, #tpu.memory_space<vmem>>
        %dma_wait3A_688 = tpu.memref_squeeze %dma_wait3A_687 : memref<1x8x128xf32, #tpu.memory_space<vmem>> -> memref<8x128xf32, #tpu.memory_space<vmem>>
        %dma_wait3A_689 = arith.constant 0 : i32
        %dma_wait3A_690 = arith.constant 0 : i32
        %dma_wait3A_691 = tpu.memref_slice %arg5[%dma_wait3A_689, %dma_wait3A_690] : memref<16x33600xf32, #tpu.memory_space<hbm>> -> memref<8x128xf32, #tpu.memory_space<hbm>>
        %dma_wait3A_692 = arith.constant 0 : i32
        %dma_wait3A_693 = arith.constant 0 : i32
        %dma_wait3A_694 = tpu.memref_slice %arg11[%dma_wait3A_684, %dma_wait3A_692, %dma_wait3A_693] : memref<2x8x128xf32, #tpu.memory_space<vmem>> -> memref<1x8x128xf32, #tpu.memory_space<vmem>>
        %dma_wait3A_695 = tpu.memref_squeeze %dma_wait3A_694 : memref<1x8x128xf32, #tpu.memory_space<vmem>> -> memref<8x128xf32, #tpu.memory_space<vmem>>
        %dma_wait3A_696 = arith.constant 0 : i32
        %dma_wait3A_697 = arith.constant 0 : i32
        %dma_wait3A_698 = tpu.memref_slice %arg5[%dma_wait3A_696, %dma_wait3A_697] : memref<16x33600xf32, #tpu.memory_space<hbm>> -> memref<8x128xf32, #tpu.memory_space<hbm>>
        tpu.wait_dma2 semaphore(%arg15 : memref<!tpu.dma_semaphore, #tpu.memory_space<semaphore_mem>>) src(%dma_wait3A_698 : memref<8x128xf32, #tpu.memory_space<hbm>>) dst(%dma_wait3A_695 : memref<8x128xf32, #tpu.memory_space<vmem>>)
        %dma_wait3A_699 = arith.constant 1 : i32
        %dma_wait3A_700 = arith.constant 0 : i32
        %dma_wait3A_701 = tpu.memref_slice %arg12[%dma_wait3A_699, %dma_wait3A_700] : memref<2x128xf32, #tpu.memory_space<vmem>> -> memref<1x128xf32, #tpu.memory_space<vmem>>
        %dma_wait3A_702 = tpu.memref_squeeze %dma_wait3A_701 : memref<1x128xf32, #tpu.memory_space<vmem>> -> memref<128xf32, #tpu.memory_space<vmem>>
        %dma_wait3A_703 = arith.constant 0 : i32
        %dma_wait3A_704 = tpu.memref_slice %arg6[%dma_wait3A_703] : memref<33600xf32, #tpu.memory_space<hbm>> -> memref<128xf32, #tpu.memory_space<hbm>>
        %dma_wait3A_705 = arith.constant 0 : i32
        %dma_wait3A_706 = tpu.memref_slice %arg12[%dma_wait3A_699, %dma_wait3A_705] : memref<2x128xf32, #tpu.memory_space<vmem>> -> memref<1x128xf32, #tpu.memory_space<vmem>>
        %dma_wait3A_707 = tpu.memref_squeeze %dma_wait3A_706 : memref<1x128xf32, #tpu.memory_space<vmem>> -> memref<128xf32, #tpu.memory_space<vmem>>
        %dma_wait3A_708 = arith.constant 0 : i32
        %dma_wait3A_709 = tpu.memref_slice %arg6[%dma_wait3A_708] : memref<33600xf32, #tpu.memory_space<hbm>> -> memref<128xf32, #tpu.memory_space<hbm>>
        tpu.wait_dma2 semaphore(%arg15 : memref<!tpu.dma_semaphore, #tpu.memory_space<semaphore_mem>>) src(%dma_wait3A_709 : memref<128xf32, #tpu.memory_space<hbm>>) dst(%dma_wait3A_707 : memref<128xf32, #tpu.memory_space<vmem>>)
      } else {
      }
      %sub3A_546 = arith.constant 1 : i32
      %sub3A_547 = arith.subi %sub3A_47, %sub3A_546 : i32
      %min3A_548 = arith.minsi %add3A_535, %sub3A_547 : i32
      %add3A_549 = arith.addi %select_n3A, %min3A_548 : i32
      %jit3A_550 = arith.constant 2 : i32
      %div3A_551 = arith.divsi %add3A_549, %jit3A_550 : i32
      %sign3A_552 = arith.constant 0 : i32
      %sign3A_553 = arith.cmpi sgt, %add3A_549, %sign3A_552 : i32
      %sign3A_554 = arith.extui %sign3A_553 : i1 to i32
      %sign3A_555 = arith.constant 0 : i32
      %sign3A_556 = arith.cmpi slt, %add3A_549, %sign3A_555 : i32
      %sign3A_557 = arith.extui %sign3A_556 : i1 to i32
      %sign3A_558 = arith.subi %sign3A_554, %sign3A_557 : i32
      %sign3A_559 = arith.constant 0 : i32
      %sign3A_560 = arith.cmpi sgt, %jit3A_550, %sign3A_559 : i32
      %sign3A_561 = arith.extui %sign3A_560 : i1 to i32
      %sign3A_562 = arith.constant 0 : i32
      %sign3A_563 = arith.cmpi slt, %jit3A_550, %sign3A_562 : i32
      %sign3A_564 = arith.extui %sign3A_563 : i1 to i32
      %sign3A_565 = arith.subi %sign3A_561, %sign3A_564 : i32
      %ne3A_566 = arith.cmpi ne, %sign3A_558, %sign3A_565 : i32
      %rem3A_567 = arith.remsi %add3A_549, %jit3A_550 : i32
      %ne3A_568 = arith.constant 0 : i32
      %ne3A_569 = arith.cmpi ne, %rem3A_567, %ne3A_568 : i32
      %and3A_570 = arith.andi %ne3A_566, %ne3A_569 : i1
      %sub3A_571 = arith.constant 1 : i32
      %sub3A_572 = arith.subi %div3A_551, %sub3A_571 : i32
      %select_n3A_573 = arith.select %and3A_570, %sub3A_572, %div3A_551 : i32
      %mul3A_574 = arith.constant 2 : i32
      %mul3A_575 = arith.muli %select_n3A_573, %mul3A_574 : i32
      %sub3A_576 = arith.subi %add3A_549, %mul3A_575 : i32
      %lt3A_577 = arith.constant 136 : i32
      %lt3A_578 = arith.cmpi slt, %select_n3A_573, %lt3A_577 : i32
      %add3A_579 = arith.constant 120 : i32
      %add3A_580 = arith.addi %select_n3A_573, %add3A_579 : i32
      %select_n3A_581 = arith.select %lt3A_578, %select_n3A_573, %add3A_580 : i32
      %mul3A_582 = arith.constant 8 : i32
      %mul3A_583 = arith.muli %sub3A_576, %mul3A_582 : i32
      %mul3A_584 = arith.constant 128 : i32
      %mul3A_585 = arith.muli %select_n3A_581, %mul3A_584 : i32
      %lt3A_586 = arith.cmpi slt, %add3A_535, %sub3A_47 : i32
      %mul3A_587 = arith.constant 128 : i32
      %mul3A_588 = arith.muli %select_n3A_581, %mul3A_587 : i32
      %sub3A_589 = arith.constant 33600 : i32
      %sub3A_590 = arith.subi %sub3A_589, %mul3A_588 : i32
      %min3A_591 = arith.constant 128 : i32
      %min3A_592 = arith.minsi %sub3A_590, %min3A_591 : i32
      %jit3A_593 = arith.constant 16 : i32
      %div3A_594 = arith.divsi %min3A_592, %jit3A_593 : i32
      %sign3A_595 = arith.constant 0 : i32
      %sign3A_596 = arith.cmpi sgt, %min3A_592, %sign3A_595 : i32
      %sign3A_597 = arith.extui %sign3A_596 : i1 to i32
      %sign3A_598 = arith.constant 0 : i32
      %sign3A_599 = arith.cmpi slt, %min3A_592, %sign3A_598 : i32
      %sign3A_600 = arith.extui %sign3A_599 : i1 to i32
      %sign3A_601 = arith.subi %sign3A_597, %sign3A_600 : i32
      %sign3A_602 = arith.constant 0 : i32
      %sign3A_603 = arith.cmpi sgt, %jit3A_593, %sign3A_602 : i32
      %sign3A_604 = arith.extui %sign3A_603 : i1 to i32
      %sign3A_605 = arith.constant 0 : i32
      %sign3A_606 = arith.cmpi slt, %jit3A_593, %sign3A_605 : i32
      %sign3A_607 = arith.extui %sign3A_606 : i1 to i32
      %sign3A_608 = arith.subi %sign3A_604, %sign3A_607 : i32
      %ne3A_609 = arith.cmpi ne, %sign3A_601, %sign3A_608 : i32
      %rem3A_610 = arith.remsi %min3A_592, %jit3A_593 : i32
      %ne3A_611 = arith.constant 0 : i32
      %ne3A_612 = arith.cmpi ne, %rem3A_610, %ne3A_611 : i32
      %and3A_613 = arith.andi %ne3A_609, %ne3A_612 : i1
      %sub3A_614 = arith.constant 1 : i32
      %sub3A_615 = arith.subi %div3A_594, %sub3A_614 : i32
      %select_n3A_616 = arith.select %and3A_613, %sub3A_615, %div3A_594 : i32
      %jit3A_617 = arith.constant 0 : i32
      %select_n3A_618 = arith.select %lt3A_586, %select_n3A_616, %jit3A_617 : i32
      %mul3A_619 = arith.constant 8 : i32
      %mul3A_620 = arith.muli %select_n3A_618, %mul3A_619 : i32
      %while3A_621 = arith.constant 0 : i32
      %while3A_622 = arith.subi %mul3A_620, %while3A_621 : i32
      %while3A_623 = arith.addi %while3A_621, %while3A_622 : i32
      %while3A_624 = arith.constant 1 : i32
      %while3A_625 = arith.divsi %while3A_622, %while3A_624 : i32
      %while3A_626 = arith.muli %while3A_625, %while3A_624 : i32
      %while3A_627 = arith.addi %while3A_621, %while3A_626 : i32
      %while3A_628 = arith.constant 1 : i32
      %while3A_629:2 = scf.for %while3A_632 = %while3A_621 to %while3A_627 step %while3A_628 iter_args(%while3A_633 = %while3A_531#0, %while3A_634 = %while3A_531#1) -> (vector<16xf32>, vector<16xf32>)  : i32 {
        %div3A_635 = arith.divsi %while3A_632, %select_n3A_618 : i32
        %sign3A_636 = arith.constant 0 : i32
        %sign3A_637 = arith.cmpi sgt, %while3A_632, %sign3A_636 : i32
        %sign3A_638 = arith.extui %sign3A_637 : i1 to i32
        %sign3A_639 = arith.constant 0 : i32
        %sign3A_640 = arith.cmpi slt, %while3A_632, %sign3A_639 : i32
        %sign3A_641 = arith.extui %sign3A_640 : i1 to i32
        %sign3A_642 = arith.subi %sign3A_638, %sign3A_641 : i32
        %sign3A_643 = arith.constant 0 : i32
        %sign3A_644 = arith.cmpi sgt, %select_n3A_618, %sign3A_643 : i32
        %sign3A_645 = arith.extui %sign3A_644 : i1 to i32
        %sign3A_646 = arith.constant 0 : i32
        %sign3A_647 = arith.cmpi slt, %select_n3A_618, %sign3A_646 : i32
        %sign3A_648 = arith.extui %sign3A_647 : i1 to i32
        %sign3A_649 = arith.subi %sign3A_645, %sign3A_648 : i32
        %ne3A_650 = arith.cmpi ne, %sign3A_642, %sign3A_649 : i32
        %rem3A_651 = arith.remsi %while3A_632, %select_n3A_618 : i32
        %ne3A_652 = arith.constant 0 : i32
        %ne3A_653 = arith.cmpi ne, %rem3A_651, %ne3A_652 : i32
        %and3A_654 = arith.andi %ne3A_650, %ne3A_653 : i1
        %sub3A_655 = arith.constant 1 : i32
        %sub3A_656 = arith.subi %div3A_635, %sub3A_655 : i32
        %select_n3A_657 = arith.select %and3A_654, %sub3A_656, %div3A_635 : i32
        %mul3A_658 = arith.muli %select_n3A_657, %select_n3A_618 : i32
        %sub3A_659 = arith.subi %while3A_632, %mul3A_658 : i32
        %mul3A_660 = arith.constant 16 : i32
        %mul3A_661 = arith.muli %sub3A_659, %mul3A_660 : i32
        %get3A = arith.constant 1 : i32
        %get3A_662 = arith.index_cast %get3A : i32 to index
        %get3A_663 = arith.index_cast %mul3A_661 : i32 to index
        %get3A_664 = tpu.vector_load %arg12[%get3A_662, %get3A_663] {strides = array<i32>} : memref<2x128xf32, #tpu.memory_space<vmem>>, vector<16xf32>,
        %div3A_665 = arith.constant 1.000000e+00 : f32
        %div3A_666 = vector.broadcast %div3A_665 : f32 to vector<16xf32>
        %div3A_667 = arith.divf %div3A_666, %get3A_664 : vector<16xf32>
        %get3A_668 = arith.constant 1 : i32
        %get3A_669 = arith.index_cast %get3A_668 : i32 to index
        %get3A_670 = arith.index_cast %select_n3A_657 : i32 to index
        %get3A_671 = arith.index_cast %mul3A_661 : i32 to index
        %get3A_672 = tpu.vector_load %arg11[%get3A_669, %get3A_670, %get3A_671] {strides = array<i32>} : memref<2x8x128xf32, #tpu.memory_space<vmem>>, vector<16xf32>,
        %get3A_673 = arith.constant 1 : i32
        %get3A_674 = arith.index_cast %get3A_673 : i32 to index
        %get3A_675 = arith.index_cast %select_n3A_657 : i32 to index
        %get3A_676 = arith.index_cast %mul3A_661 : i32 to index
        %get3A_677 = tpu.vector_load %arg10[%get3A_674, %get3A_675, %get3A_676] {strides = array<i32>} : memref<2x8x128xf32, #tpu.memory_space<vmem>>, vector<16xf32>,
        %mul3A_678 = arith.mulf %get3A_677, %get3A_672 : vector<16xf32>
        %add3A_679 = arith.addf %while3A_634, %get3A_672 : vector<16xf32>
        %get3A_680 = arith.constant 1 : i32
        %get3A_681 = arith.constant 0 : i32
        %get3A_682 = arith.index_cast %get3A_680 : i32 to index
        %get3A_683 = arith.index_cast %get3A_681 : i32 to index
        %get3A_684 = arith.index_cast %select_n3A_657 : i32 to index
        %get3A_685 = arith.index_cast %mul3A_661 : i32 to index
        %get3A_686 = tpu.vector_load %arg8[%get3A_682, %get3A_683, %get3A_684, %get3A_685] {strides = array<i32>} : memref<2x10x8x128xf32, #tpu.memory_space<vmem>>, vector<16xf32>,
        %get3A_687 = arith.constant 1 : i32
        %get3A_688 = arith.constant 0 : i32
        %get3A_689 = arith.index_cast %get3A_687 : i32 to index
        %get3A_690 = arith.index_cast %get3A_688 : i32 to index
        %get3A_691 = arith.index_cast %select_n3A_657 : i32 to index
        %get3A_692 = arith.index_cast %mul3A_661 : i32 to index
        %get3A_693 = tpu.vector_load %arg9[%get3A_689, %get3A_690, %get3A_691, %get3A_692] {strides = array<i32>} : memref<2x10x8x128xf32, #tpu.memory_space<vmem>>, vector<16xf32>,
        %mul3A_694 = arith.mulf %get3A_693, %div3A_667 : vector<16xf32>
        %sub3A_695 = arith.subf %get3A_686, %mul3A_694 : vector<16xf32>
        %abs3A = math.absf %sub3A_695 : vector<16xf32>
        %min3A_696 = arith.constant 1.000000e+00 : f32
        %min3A_697 = vector.broadcast %min3A_696 : f32 to vector<16xf32>
        %min3A_698 = arith.minimumf %abs3A, %min3A_697 : vector<16xf32>
        %mul3A_699 = arith.constant 5.000000e-01 : f32
        %mul3A_700 = vector.broadcast %mul3A_699 : f32 to vector<16xf32>
        %mul3A_701 = arith.mulf %mul3A_700, %min3A_698 : vector<16xf32>
        %sub3A_702 = arith.subf %abs3A, %mul3A_701 : vector<16xf32>
        %mul3A_703 = arith.mulf %sub3A_702, %min3A_698 : vector<16xf32>
        %get3A_704 = arith.constant 1 : i32
        %get3A_705 = arith.constant 1 : i32
        %get3A_706 = arith.index_cast %get3A_704 : i32 to index
        %get3A_707 = arith.index_cast %get3A_705 : i32 to index
        %get3A_708 = arith.index_cast %select_n3A_657 : i32 to index
        %get3A_709 = arith.index_cast %mul3A_661 : i32 to index
        %get3A_710 = tpu.vector_load %arg8[%get3A_706, %get3A_707, %get3A_708, %get3A_709] {strides = array<i32>} : memref<2x10x8x128xf32, #tpu.memory_space<vmem>>, vector<16xf32>,
        %get3A_711 = arith.constant 1 : i32
        %get3A_712 = arith.constant 1 : i32
        %get3A_713 = arith.index_cast %get3A_711 : i32 to index
        %get3A_714 = arith.index_cast %get3A_712 : i32 to index
        %get3A_715 = arith.index_cast %select_n3A_657 : i32 to index
        %get3A_716 = arith.index_cast %mul3A_661 : i32 to index
        %get3A_717 = tpu.vector_load %arg9[%get3A_713, %get3A_714, %get3A_715, %get3A_716] {strides = array<i32>} : memref<2x10x8x128xf32, #tpu.memory_space<vmem>>, vector<16xf32>,
        %mul3A_718 = arith.mulf %get3A_717, %div3A_667 : vector<16xf32>
        %sub3A_719 = arith.subf %get3A_710, %mul3A_718 : vector<16xf32>
        %abs3A_720 = math.absf %sub3A_719 : vector<16xf32>
        %min3A_721 = arith.constant 1.000000e+00 : f32
        %min3A_722 = vector.broadcast %min3A_721 : f32 to vector<16xf32>
        %min3A_723 = arith.minimumf %abs3A_720, %min3A_722 : vector<16xf32>
        %mul3A_724 = arith.constant 5.000000e-01 : f32
        %mul3A_725 = vector.broadcast %mul3A_724 : f32 to vector<16xf32>
        %mul3A_726 = arith.mulf %mul3A_725, %min3A_723 : vector<16xf32>
        %sub3A_727 = arith.subf %abs3A_720, %mul3A_726 : vector<16xf32>
        %mul3A_728 = arith.mulf %sub3A_727, %min3A_723 : vector<16xf32>
        %add3A_729 = arith.addf %mul3A_703, %mul3A_728 : vector<16xf32>
        %get3A_730 = arith.constant 1 : i32
        %get3A_731 = arith.constant 2 : i32
        %get3A_732 = arith.index_cast %get3A_730 : i32 to index
        %get3A_733 = arith.index_cast %get3A_731 : i32 to index
        %get3A_734 = arith.index_cast %select_n3A_657 : i32 to index
        %get3A_735 = arith.index_cast %mul3A_661 : i32 to index
        %get3A_736 = tpu.vector_load %arg8[%get3A_732, %get3A_733, %get3A_734, %get3A_735] {strides = array<i32>} : memref<2x10x8x128xf32, #tpu.memory_space<vmem>>, vector<16xf32>,
        %get3A_737 = arith.constant 1 : i32
        %get3A_738 = arith.constant 2 : i32
        %get3A_739 = arith.index_cast %get3A_737 : i32 to index
        %get3A_740 = arith.index_cast %get3A_738 : i32 to index
        %get3A_741 = arith.index_cast %select_n3A_657 : i32 to index
        %get3A_742 = arith.index_cast %mul3A_661 : i32 to index
        %get3A_743 = tpu.vector_load %arg9[%get3A_739, %get3A_740, %get3A_741, %get3A_742] {strides = array<i32>} : memref<2x10x8x128xf32, #tpu.memory_space<vmem>>, vector<16xf32>,
        %mul3A_744 = arith.mulf %get3A_743, %div3A_667 : vector<16xf32>
        %sub3A_745 = arith.subf %get3A_736, %mul3A_744 : vector<16xf32>
        %abs3A_746 = math.absf %sub3A_745 : vector<16xf32>
        %min3A_747 = arith.constant 1.000000e+00 : f32
        %min3A_748 = vector.broadcast %min3A_747 : f32 to vector<16xf32>
        %min3A_749 = arith.minimumf %abs3A_746, %min3A_748 : vector<16xf32>
        %mul3A_750 = arith.constant 5.000000e-01 : f32
        %mul3A_751 = vector.broadcast %mul3A_750 : f32 to vector<16xf32>
        %mul3A_752 = arith.mulf %mul3A_751, %min3A_749 : vector<16xf32>
        %sub3A_753 = arith.subf %abs3A_746, %mul3A_752 : vector<16xf32>
        %mul3A_754 = arith.mulf %sub3A_753, %min3A_749 : vector<16xf32>
        %get3A_755 = arith.constant 1 : i32
        %get3A_756 = arith.constant 3 : i32
        %get3A_757 = arith.index_cast %get3A_755 : i32 to index
        %get3A_758 = arith.index_cast %get3A_756 : i32 to index
        %get3A_759 = arith.index_cast %select_n3A_657 : i32 to index
        %get3A_760 = arith.index_cast %mul3A_661 : i32 to index
        %get3A_761 = tpu.vector_load %arg8[%get3A_757, %get3A_758, %get3A_759, %get3A_760] {strides = array<i32>} : memref<2x10x8x128xf32, #tpu.memory_space<vmem>>, vector<16xf32>,
        %get3A_762 = arith.constant 1 : i32
        %get3A_763 = arith.constant 3 : i32
        %get3A_764 = arith.index_cast %get3A_762 : i32 to index
        %get3A_765 = arith.index_cast %get3A_763 : i32 to index
        %get3A_766 = arith.index_cast %select_n3A_657 : i32 to index
        %get3A_767 = arith.index_cast %mul3A_661 : i32 to index
        %get3A_768 = tpu.vector_load %arg9[%get3A_764, %get3A_765, %get3A_766, %get3A_767] {strides = array<i32>} : memref<2x10x8x128xf32, #tpu.memory_space<vmem>>, vector<16xf32>,
        %mul3A_769 = arith.mulf %get3A_768, %div3A_667 : vector<16xf32>
        %sub3A_770 = arith.subf %get3A_761, %mul3A_769 : vector<16xf32>
        %abs3A_771 = math.absf %sub3A_770 : vector<16xf32>
        %min3A_772 = arith.constant 1.000000e+00 : f32
        %min3A_773 = vector.broadcast %min3A_772 : f32 to vector<16xf32>
        %min3A_774 = arith.minimumf %abs3A_771, %min3A_773 : vector<16xf32>
        %mul3A_775 = arith.constant 5.000000e-01 : f32
        %mul3A_776 = vector.broadcast %mul3A_775 : f32 to vector<16xf32>
        %mul3A_777 = arith.mulf %mul3A_776, %min3A_774 : vector<16xf32>
        %sub3A_778 = arith.subf %abs3A_771, %mul3A_777 : vector<16xf32>
        %mul3A_779 = arith.mulf %sub3A_778, %min3A_774 : vector<16xf32>
        %add3A_780 = arith.addf %mul3A_754, %mul3A_779 : vector<16xf32>
        %add3A_781 = arith.addf %add3A_729, %add3A_780 : vector<16xf32>
        %get3A_782 = arith.constant 1 : i32
        %get3A_783 = arith.constant 4 : i32
        %get3A_784 = arith.index_cast %get3A_782 : i32 to index
        %get3A_785 = arith.index_cast %get3A_783 : i32 to index
        %get3A_786 = arith.index_cast %select_n3A_657 : i32 to index
        %get3A_787 = arith.index_cast %mul3A_661 : i32 to index
        %get3A_788 = tpu.vector_load %arg8[%get3A_784, %get3A_785, %get3A_786, %get3A_787] {strides = array<i32>} : memref<2x10x8x128xf32, #tpu.memory_space<vmem>>, vector<16xf32>,
        %get3A_789 = arith.constant 1 : i32
        %get3A_790 = arith.constant 4 : i32
        %get3A_791 = arith.index_cast %get3A_789 : i32 to index
        %get3A_792 = arith.index_cast %get3A_790 : i32 to index
        %get3A_793 = arith.index_cast %select_n3A_657 : i32 to index
        %get3A_794 = arith.index_cast %mul3A_661 : i32 to index
        %get3A_795 = tpu.vector_load %arg9[%get3A_791, %get3A_792, %get3A_793, %get3A_794] {strides = array<i32>} : memref<2x10x8x128xf32, #tpu.memory_space<vmem>>, vector<16xf32>,
        %mul3A_796 = arith.mulf %get3A_795, %div3A_667 : vector<16xf32>
        %sub3A_797 = arith.subf %get3A_788, %mul3A_796 : vector<16xf32>
        %abs3A_798 = math.absf %sub3A_797 : vector<16xf32>
        %min3A_799 = arith.constant 1.000000e+00 : f32
        %min3A_800 = vector.broadcast %min3A_799 : f32 to vector<16xf32>
        %min3A_801 = arith.minimumf %abs3A_798, %min3A_800 : vector<16xf32>
        %mul3A_802 = arith.constant 5.000000e-01 : f32
        %mul3A_803 = vector.broadcast %mul3A_802 : f32 to vector<16xf32>
        %mul3A_804 = arith.mulf %mul3A_803, %min3A_801 : vector<16xf32>
        %sub3A_805 = arith.subf %abs3A_798, %mul3A_804 : vector<16xf32>
        %mul3A_806 = arith.mulf %sub3A_805, %min3A_801 : vector<16xf32>
        %get3A_807 = arith.constant 1 : i32
        %get3A_808 = arith.constant 5 : i32
        %get3A_809 = arith.index_cast %get3A_807 : i32 to index
        %get3A_810 = arith.index_cast %get3A_808 : i32 to index
        %get3A_811 = arith.index_cast %select_n3A_657 : i32 to index
        %get3A_812 = arith.index_cast %mul3A_661 : i32 to index
        %get3A_813 = tpu.vector_load %arg8[%get3A_809, %get3A_810, %get3A_811, %get3A_812] {strides = array<i32>} : memref<2x10x8x128xf32, #tpu.memory_space<vmem>>, vector<16xf32>,
        %get3A_814 = arith.constant 1 : i32
        %get3A_815 = arith.constant 5 : i32
        %get3A_816 = arith.index_cast %get3A_814 : i32 to index
        %get3A_817 = arith.index_cast %get3A_815 : i32 to index
        %get3A_818 = arith.index_cast %select_n3A_657 : i32 to index
        %get3A_819 = arith.index_cast %mul3A_661 : i32 to index
        %get3A_820 = tpu.vector_load %arg9[%get3A_816, %get3A_817, %get3A_818, %get3A_819] {strides = array<i32>} : memref<2x10x8x128xf32, #tpu.memory_space<vmem>>, vector<16xf32>,
        %mul3A_821 = arith.mulf %get3A_820, %div3A_667 : vector<16xf32>
        %sub3A_822 = arith.subf %get3A_813, %mul3A_821 : vector<16xf32>
        %abs3A_823 = math.absf %sub3A_822 : vector<16xf32>
        %min3A_824 = arith.constant 1.000000e+00 : f32
        %min3A_825 = vector.broadcast %min3A_824 : f32 to vector<16xf32>
        %min3A_826 = arith.minimumf %abs3A_823, %min3A_825 : vector<16xf32>
        %mul3A_827 = arith.constant 5.000000e-01 : f32
        %mul3A_828 = vector.broadcast %mul3A_827 : f32 to vector<16xf32>
        %mul3A_829 = arith.mulf %mul3A_828, %min3A_826 : vector<16xf32>
        %sub3A_830 = arith.subf %abs3A_823, %mul3A_829 : vector<16xf32>
        %mul3A_831 = arith.mulf %sub3A_830, %min3A_826 : vector<16xf32>
        %add3A_832 = arith.addf %mul3A_806, %mul3A_831 : vector<16xf32>
        %add3A_833 = arith.addf %add3A_781, %add3A_832 : vector<16xf32>
        %get3A_834 = arith.constant 1 : i32
        %get3A_835 = arith.constant 6 : i32
        %get3A_836 = arith.index_cast %get3A_834 : i32 to index
        %get3A_837 = arith.index_cast %get3A_835 : i32 to index
        %get3A_838 = arith.index_cast %select_n3A_657 : i32 to index
        %get3A_839 = arith.index_cast %mul3A_661 : i32 to index
        %get3A_840 = tpu.vector_load %arg8[%get3A_836, %get3A_837, %get3A_838, %get3A_839] {strides = array<i32>} : memref<2x10x8x128xf32, #tpu.memory_space<vmem>>, vector<16xf32>,
        %get3A_841 = arith.constant 1 : i32
        %get3A_842 = arith.constant 6 : i32
        %get3A_843 = arith.index_cast %get3A_841 : i32 to index
        %get3A_844 = arith.index_cast %get3A_842 : i32 to index
        %get3A_845 = arith.index_cast %select_n3A_657 : i32 to index
        %get3A_846 = arith.index_cast %mul3A_661 : i32 to index
        %get3A_847 = tpu.vector_load %arg9[%get3A_843, %get3A_844, %get3A_845, %get3A_846] {strides = array<i32>} : memref<2x10x8x128xf32, #tpu.memory_space<vmem>>, vector<16xf32>,
        %mul3A_848 = arith.mulf %get3A_847, %div3A_667 : vector<16xf32>
        %sub3A_849 = arith.subf %get3A_840, %mul3A_848 : vector<16xf32>
        %abs3A_850 = math.absf %sub3A_849 : vector<16xf32>
        %min3A_851 = arith.constant 1.000000e+00 : f32
        %min3A_852 = vector.broadcast %min3A_851 : f32 to vector<16xf32>
        %min3A_853 = arith.minimumf %abs3A_850, %min3A_852 : vector<16xf32>
        %mul3A_854 = arith.constant 5.000000e-01 : f32
        %mul3A_855 = vector.broadcast %mul3A_854 : f32 to vector<16xf32>
        %mul3A_856 = arith.mulf %mul3A_855, %min3A_853 : vector<16xf32>
        %sub3A_857 = arith.subf %abs3A_850, %mul3A_856 : vector<16xf32>
        %mul3A_858 = arith.mulf %sub3A_857, %min3A_853 : vector<16xf32>
        %get3A_859 = arith.constant 1 : i32
        %get3A_860 = arith.constant 7 : i32
        %get3A_861 = arith.index_cast %get3A_859 : i32 to index
        %get3A_862 = arith.index_cast %get3A_860 : i32 to index
        %get3A_863 = arith.index_cast %select_n3A_657 : i32 to index
        %get3A_864 = arith.index_cast %mul3A_661 : i32 to index
        %get3A_865 = tpu.vector_load %arg8[%get3A_861, %get3A_862, %get3A_863, %get3A_864] {strides = array<i32>} : memref<2x10x8x128xf32, #tpu.memory_space<vmem>>, vector<16xf32>,
        %get3A_866 = arith.constant 1 : i32
        %get3A_867 = arith.constant 7 : i32
        %get3A_868 = arith.index_cast %get3A_866 : i32 to index
        %get3A_869 = arith.index_cast %get3A_867 : i32 to index
        %get3A_870 = arith.index_cast %select_n3A_657 : i32 to index
        %get3A_871 = arith.index_cast %mul3A_661 : i32 to index
        %get3A_872 = tpu.vector_load %arg9[%get3A_868, %get3A_869, %get3A_870, %get3A_871] {strides = array<i32>} : memref<2x10x8x128xf32, #tpu.memory_space<vmem>>, vector<16xf32>,
        %mul3A_873 = arith.mulf %get3A_872, %div3A_667 : vector<16xf32>
        %sub3A_874 = arith.subf %get3A_865, %mul3A_873 : vector<16xf32>
        %abs3A_875 = math.absf %sub3A_874 : vector<16xf32>
        %min3A_876 = arith.constant 1.000000e+00 : f32
        %min3A_877 = vector.broadcast %min3A_876 : f32 to vector<16xf32>
        %min3A_878 = arith.minimumf %abs3A_875, %min3A_877 : vector<16xf32>
        %mul3A_879 = arith.constant 5.000000e-01 : f32
        %mul3A_880 = vector.broadcast %mul3A_879 : f32 to vector<16xf32>
        %mul3A_881 = arith.mulf %mul3A_880, %min3A_878 : vector<16xf32>
        %sub3A_882 = arith.subf %abs3A_875, %mul3A_881 : vector<16xf32>
        %mul3A_883 = arith.mulf %sub3A_882, %min3A_878 : vector<16xf32>
        %add3A_884 = arith.addf %mul3A_858, %mul3A_883 : vector<16xf32>
        %add3A_885 = arith.addf %add3A_833, %add3A_884 : vector<16xf32>
        %get3A_886 = arith.constant 1 : i32
        %get3A_887 = arith.constant 8 : i32
        %get3A_888 = arith.index_cast %get3A_886 : i32 to index
        %get3A_889 = arith.index_cast %get3A_887 : i32 to index
        %get3A_890 = arith.index_cast %select_n3A_657 : i32 to index
        %get3A_891 = arith.index_cast %mul3A_661 : i32 to index
        %get3A_892 = tpu.vector_load %arg8[%get3A_888, %get3A_889, %get3A_890, %get3A_891] {strides = array<i32>} : memref<2x10x8x128xf32, #tpu.memory_space<vmem>>, vector<16xf32>,
        %get3A_893 = arith.constant 1 : i32
        %get3A_894 = arith.constant 8 : i32
        %get3A_895 = arith.index_cast %get3A_893 : i32 to index
        %get3A_896 = arith.index_cast %get3A_894 : i32 to index
        %get3A_897 = arith.index_cast %select_n3A_657 : i32 to index
        %get3A_898 = arith.index_cast %mul3A_661 : i32 to index
        %get3A_899 = tpu.vector_load %arg9[%get3A_895, %get3A_896, %get3A_897, %get3A_898] {strides = array<i32>} : memref<2x10x8x128xf32, #tpu.memory_space<vmem>>, vector<16xf32>,
        %mul3A_900 = arith.mulf %get3A_899, %div3A_667 : vector<16xf32>
        %sub3A_901 = arith.subf %get3A_892, %mul3A_900 : vector<16xf32>
        %abs3A_902 = math.absf %sub3A_901 : vector<16xf32>
        %min3A_903 = arith.constant 1.000000e+00 : f32
        %min3A_904 = vector.broadcast %min3A_903 : f32 to vector<16xf32>
        %min3A_905 = arith.minimumf %abs3A_902, %min3A_904 : vector<16xf32>
        %mul3A_906 = arith.constant 5.000000e-01 : f32
        %mul3A_907 = vector.broadcast %mul3A_906 : f32 to vector<16xf32>
        %mul3A_908 = arith.mulf %mul3A_907, %min3A_905 : vector<16xf32>
        %sub3A_909 = arith.subf %abs3A_902, %mul3A_908 : vector<16xf32>
        %mul3A_910 = arith.mulf %sub3A_909, %min3A_905 : vector<16xf32>
        %get3A_911 = arith.constant 1 : i32
        %get3A_912 = arith.constant 9 : i32
        %get3A_913 = arith.index_cast %get3A_911 : i32 to index
        %get3A_914 = arith.index_cast %get3A_912 : i32 to index
        %get3A_915 = arith.index_cast %select_n3A_657 : i32 to index
        %get3A_916 = arith.index_cast %mul3A_661 : i32 to index
        %get3A_917 = tpu.vector_load %arg8[%get3A_913, %get3A_914, %get3A_915, %get3A_916] {strides = array<i32>} : memref<2x10x8x128xf32, #tpu.memory_space<vmem>>, vector<16xf32>,
        %get3A_918 = arith.constant 1 : i32
        %get3A_919 = arith.constant 9 : i32
        %get3A_920 = arith.index_cast %get3A_918 : i32 to index
        %get3A_921 = arith.index_cast %get3A_919 : i32 to index
        %get3A_922 = arith.index_cast %select_n3A_657 : i32 to index
        %get3A_923 = arith.index_cast %mul3A_661 : i32 to index
        %get3A_924 = tpu.vector_load %arg9[%get3A_920, %get3A_921, %get3A_922, %get3A_923] {strides = array<i32>} : memref<2x10x8x128xf32, #tpu.memory_space<vmem>>, vector<16xf32>,
        %mul3A_925 = arith.mulf %get3A_924, %div3A_667 : vector<16xf32>
        %sub3A_926 = arith.subf %get3A_917, %mul3A_925 : vector<16xf32>
        %abs3A_927 = math.absf %sub3A_926 : vector<16xf32>
        %min3A_928 = arith.constant 1.000000e+00 : f32
        %min3A_929 = vector.broadcast %min3A_928 : f32 to vector<16xf32>
        %min3A_930 = arith.minimumf %abs3A_927, %min3A_929 : vector<16xf32>
        %mul3A_931 = arith.constant 5.000000e-01 : f32
        %mul3A_932 = vector.broadcast %mul3A_931 : f32 to vector<16xf32>
        %mul3A_933 = arith.mulf %mul3A_932, %min3A_930 : vector<16xf32>
        %sub3A_934 = arith.subf %abs3A_927, %mul3A_933 : vector<16xf32>
        %mul3A_935 = arith.mulf %sub3A_934, %min3A_930 : vector<16xf32>
        %add3A_936 = arith.addf %mul3A_910, %mul3A_935 : vector<16xf32>
        %add3A_937 = arith.addf %add3A_885, %add3A_936 : vector<16xf32>
        %mul3A_938 = arith.mulf %add3A_937, %mul3A_678 : vector<16xf32>
        %add3A_939 = arith.addf %while3A_633, %mul3A_938 : vector<16xf32>
        scf.yield %add3A_939, %add3A_679 : vector<16xf32>, vector<16xf32>
      }
      %while3A_630 = arith.constant 1 : i32
      %while3A_631:2 = scf.for %while3A_632 = %while3A_627 to %while3A_623 step %while3A_630 iter_args(%while3A_633 = %while3A_629#0, %while3A_634 = %while3A_629#1) -> (vector<16xf32>, vector<16xf32>)  : i32 {
        %div3A_635 = arith.divsi %while3A_632, %select_n3A_618 : i32
        %sign3A_636 = arith.constant 0 : i32
        %sign3A_637 = arith.cmpi sgt, %while3A_632, %sign3A_636 : i32
        %sign3A_638 = arith.extui %sign3A_637 : i1 to i32
        %sign3A_639 = arith.constant 0 : i32
        %sign3A_640 = arith.cmpi slt, %while3A_632, %sign3A_639 : i32
        %sign3A_641 = arith.extui %sign3A_640 : i1 to i32
        %sign3A_642 = arith.subi %sign3A_638, %sign3A_641 : i32
        %sign3A_643 = arith.constant 0 : i32
        %sign3A_644 = arith.cmpi sgt, %select_n3A_618, %sign3A_643 : i32
        %sign3A_645 = arith.extui %sign3A_644 : i1 to i32
        %sign3A_646 = arith.constant 0 : i32
        %sign3A_647 = arith.cmpi slt, %select_n3A_618, %sign3A_646 : i32
        %sign3A_648 = arith.extui %sign3A_647 : i1 to i32
        %sign3A_649 = arith.subi %sign3A_645, %sign3A_648 : i32
        %ne3A_650 = arith.cmpi ne, %sign3A_642, %sign3A_649 : i32
        %rem3A_651 = arith.remsi %while3A_632, %select_n3A_618 : i32
        %ne3A_652 = arith.constant 0 : i32
        %ne3A_653 = arith.cmpi ne, %rem3A_651, %ne3A_652 : i32
        %and3A_654 = arith.andi %ne3A_650, %ne3A_653 : i1
        %sub3A_655 = arith.constant 1 : i32
        %sub3A_656 = arith.subi %div3A_635, %sub3A_655 : i32
        %select_n3A_657 = arith.select %and3A_654, %sub3A_656, %div3A_635 : i32
        %mul3A_658 = arith.muli %select_n3A_657, %select_n3A_618 : i32
        %sub3A_659 = arith.subi %while3A_632, %mul3A_658 : i32
        %mul3A_660 = arith.constant 16 : i32
        %mul3A_661 = arith.muli %sub3A_659, %mul3A_660 : i32
        %get3A = arith.constant 1 : i32
        %get3A_662 = arith.index_cast %get3A : i32 to index
        %get3A_663 = arith.index_cast %mul3A_661 : i32 to index
        %get3A_664 = tpu.vector_load %arg12[%get3A_662, %get3A_663] {strides = array<i32>} : memref<2x128xf32, #tpu.memory_space<vmem>>, vector<16xf32>,
        %div3A_665 = arith.constant 1.000000e+00 : f32
        %div3A_666 = vector.broadcast %div3A_665 : f32 to vector<16xf32>
        %div3A_667 = arith.divf %div3A_666, %get3A_664 : vector<16xf32>
        %get3A_668 = arith.constant 1 : i32
        %get3A_669 = arith.index_cast %get3A_668 : i32 to index
        %get3A_670 = arith.index_cast %select_n3A_657 : i32 to index
        %get3A_671 = arith.index_cast %mul3A_661 : i32 to index
        %get3A_672 = tpu.vector_load %arg11[%get3A_669, %get3A_670, %get3A_671] {strides = array<i32>} : memref<2x8x128xf32, #tpu.memory_space<vmem>>, vector<16xf32>,
        %get3A_673 = arith.constant 1 : i32
        %get3A_674 = arith.index_cast %get3A_673 : i32 to index
        %get3A_675 = arith.index_cast %select_n3A_657 : i32 to index
        %get3A_676 = arith.index_cast %mul3A_661 : i32 to index
        %get3A_677 = tpu.vector_load %arg10[%get3A_674, %get3A_675, %get3A_676] {strides = array<i32>} : memref<2x8x128xf32, #tpu.memory_space<vmem>>, vector<16xf32>,
        %mul3A_678 = arith.mulf %get3A_677, %get3A_672 : vector<16xf32>
        %add3A_679 = arith.addf %while3A_634, %get3A_672 : vector<16xf32>
        %get3A_680 = arith.constant 1 : i32
        %get3A_681 = arith.constant 0 : i32
        %get3A_682 = arith.index_cast %get3A_680 : i32 to index
        %get3A_683 = arith.index_cast %get3A_681 : i32 to index
        %get3A_684 = arith.index_cast %select_n3A_657 : i32 to index
        %get3A_685 = arith.index_cast %mul3A_661 : i32 to index
        %get3A_686 = tpu.vector_load %arg8[%get3A_682, %get3A_683, %get3A_684, %get3A_685] {strides = array<i32>} : memref<2x10x8x128xf32, #tpu.memory_space<vmem>>, vector<16xf32>,
        %get3A_687 = arith.constant 1 : i32
        %get3A_688 = arith.constant 0 : i32
        %get3A_689 = arith.index_cast %get3A_687 : i32 to index
        %get3A_690 = arith.index_cast %get3A_688 : i32 to index
        %get3A_691 = arith.index_cast %select_n3A_657 : i32 to index
        %get3A_692 = arith.index_cast %mul3A_661 : i32 to index
        %get3A_693 = tpu.vector_load %arg9[%get3A_689, %get3A_690, %get3A_691, %get3A_692] {strides = array<i32>} : memref<2x10x8x128xf32, #tpu.memory_space<vmem>>, vector<16xf32>,
        %mul3A_694 = arith.mulf %get3A_693, %div3A_667 : vector<16xf32>
        %sub3A_695 = arith.subf %get3A_686, %mul3A_694 : vector<16xf32>
        %abs3A = math.absf %sub3A_695 : vector<16xf32>
        %min3A_696 = arith.constant 1.000000e+00 : f32
        %min3A_697 = vector.broadcast %min3A_696 : f32 to vector<16xf32>
        %min3A_698 = arith.minimumf %abs3A, %min3A_697 : vector<16xf32>
        %mul3A_699 = arith.constant 5.000000e-01 : f32
        %mul3A_700 = vector.broadcast %mul3A_699 : f32 to vector<16xf32>
        %mul3A_701 = arith.mulf %mul3A_700, %min3A_698 : vector<16xf32>
        %sub3A_702 = arith.subf %abs3A, %mul3A_701 : vector<16xf32>
        %mul3A_703 = arith.mulf %sub3A_702, %min3A_698 : vector<16xf32>
        %get3A_704 = arith.constant 1 : i32
        %get3A_705 = arith.constant 1 : i32
        %get3A_706 = arith.index_cast %get3A_704 : i32 to index
        %get3A_707 = arith.index_cast %get3A_705 : i32 to index
        %get3A_708 = arith.index_cast %select_n3A_657 : i32 to index
        %get3A_709 = arith.index_cast %mul3A_661 : i32 to index
        %get3A_710 = tpu.vector_load %arg8[%get3A_706, %get3A_707, %get3A_708, %get3A_709] {strides = array<i32>} : memref<2x10x8x128xf32, #tpu.memory_space<vmem>>, vector<16xf32>,
        %get3A_711 = arith.constant 1 : i32
        %get3A_712 = arith.constant 1 : i32
        %get3A_713 = arith.index_cast %get3A_711 : i32 to index
        %get3A_714 = arith.index_cast %get3A_712 : i32 to index
        %get3A_715 = arith.index_cast %select_n3A_657 : i32 to index
        %get3A_716 = arith.index_cast %mul3A_661 : i32 to index
        %get3A_717 = tpu.vector_load %arg9[%get3A_713, %get3A_714, %get3A_715, %get3A_716] {strides = array<i32>} : memref<2x10x8x128xf32, #tpu.memory_space<vmem>>, vector<16xf32>,
        %mul3A_718 = arith.mulf %get3A_717, %div3A_667 : vector<16xf32>
        %sub3A_719 = arith.subf %get3A_710, %mul3A_718 : vector<16xf32>
        %abs3A_720 = math.absf %sub3A_719 : vector<16xf32>
        %min3A_721 = arith.constant 1.000000e+00 : f32
        %min3A_722 = vector.broadcast %min3A_721 : f32 to vector<16xf32>
        %min3A_723 = arith.minimumf %abs3A_720, %min3A_722 : vector<16xf32>
        %mul3A_724 = arith.constant 5.000000e-01 : f32
        %mul3A_725 = vector.broadcast %mul3A_724 : f32 to vector<16xf32>
        %mul3A_726 = arith.mulf %mul3A_725, %min3A_723 : vector<16xf32>
        %sub3A_727 = arith.subf %abs3A_720, %mul3A_726 : vector<16xf32>
        %mul3A_728 = arith.mulf %sub3A_727, %min3A_723 : vector<16xf32>
        %add3A_729 = arith.addf %mul3A_703, %mul3A_728 : vector<16xf32>
        %get3A_730 = arith.constant 1 : i32
        %get3A_731 = arith.constant 2 : i32
        %get3A_732 = arith.index_cast %get3A_730 : i32 to index
        %get3A_733 = arith.index_cast %get3A_731 : i32 to index
        %get3A_734 = arith.index_cast %select_n3A_657 : i32 to index
        %get3A_735 = arith.index_cast %mul3A_661 : i32 to index
        %get3A_736 = tpu.vector_load %arg8[%get3A_732, %get3A_733, %get3A_734, %get3A_735] {strides = array<i32>} : memref<2x10x8x128xf32, #tpu.memory_space<vmem>>, vector<16xf32>,
        %get3A_737 = arith.constant 1 : i32
        %get3A_738 = arith.constant 2 : i32
        %get3A_739 = arith.index_cast %get3A_737 : i32 to index
        %get3A_740 = arith.index_cast %get3A_738 : i32 to index
        %get3A_741 = arith.index_cast %select_n3A_657 : i32 to index
        %get3A_742 = arith.index_cast %mul3A_661 : i32 to index
        %get3A_743 = tpu.vector_load %arg9[%get3A_739, %get3A_740, %get3A_741, %get3A_742] {strides = array<i32>} : memref<2x10x8x128xf32, #tpu.memory_space<vmem>>, vector<16xf32>,
        %mul3A_744 = arith.mulf %get3A_743, %div3A_667 : vector<16xf32>
        %sub3A_745 = arith.subf %get3A_736, %mul3A_744 : vector<16xf32>
        %abs3A_746 = math.absf %sub3A_745 : vector<16xf32>
        %min3A_747 = arith.constant 1.000000e+00 : f32
        %min3A_748 = vector.broadcast %min3A_747 : f32 to vector<16xf32>
        %min3A_749 = arith.minimumf %abs3A_746, %min3A_748 : vector<16xf32>
        %mul3A_750 = arith.constant 5.000000e-01 : f32
        %mul3A_751 = vector.broadcast %mul3A_750 : f32 to vector<16xf32>
        %mul3A_752 = arith.mulf %mul3A_751, %min3A_749 : vector<16xf32>
        %sub3A_753 = arith.subf %abs3A_746, %mul3A_752 : vector<16xf32>
        %mul3A_754 = arith.mulf %sub3A_753, %min3A_749 : vector<16xf32>
        %get3A_755 = arith.constant 1 : i32
        %get3A_756 = arith.constant 3 : i32
        %get3A_757 = arith.index_cast %get3A_755 : i32 to index
        %get3A_758 = arith.index_cast %get3A_756 : i32 to index
        %get3A_759 = arith.index_cast %select_n3A_657 : i32 to index
        %get3A_760 = arith.index_cast %mul3A_661 : i32 to index
        %get3A_761 = tpu.vector_load %arg8[%get3A_757, %get3A_758, %get3A_759, %get3A_760] {strides = array<i32>} : memref<2x10x8x128xf32, #tpu.memory_space<vmem>>, vector<16xf32>,
        %get3A_762 = arith.constant 1 : i32
        %get3A_763 = arith.constant 3 : i32
        %get3A_764 = arith.index_cast %get3A_762 : i32 to index
        %get3A_765 = arith.index_cast %get3A_763 : i32 to index
        %get3A_766 = arith.index_cast %select_n3A_657 : i32 to index
        %get3A_767 = arith.index_cast %mul3A_661 : i32 to index
        %get3A_768 = tpu.vector_load %arg9[%get3A_764, %get3A_765, %get3A_766, %get3A_767] {strides = array<i32>} : memref<2x10x8x128xf32, #tpu.memory_space<vmem>>, vector<16xf32>,
        %mul3A_769 = arith.mulf %get3A_768, %div3A_667 : vector<16xf32>
        %sub3A_770 = arith.subf %get3A_761, %mul3A_769 : vector<16xf32>
        %abs3A_771 = math.absf %sub3A_770 : vector<16xf32>
        %min3A_772 = arith.constant 1.000000e+00 : f32
        %min3A_773 = vector.broadcast %min3A_772 : f32 to vector<16xf32>
        %min3A_774 = arith.minimumf %abs3A_771, %min3A_773 : vector<16xf32>
        %mul3A_775 = arith.constant 5.000000e-01 : f32
        %mul3A_776 = vector.broadcast %mul3A_775 : f32 to vector<16xf32>
        %mul3A_777 = arith.mulf %mul3A_776, %min3A_774 : vector<16xf32>
        %sub3A_778 = arith.subf %abs3A_771, %mul3A_777 : vector<16xf32>
        %mul3A_779 = arith.mulf %sub3A_778, %min3A_774 : vector<16xf32>
        %add3A_780 = arith.addf %mul3A_754, %mul3A_779 : vector<16xf32>
        %add3A_781 = arith.addf %add3A_729, %add3A_780 : vector<16xf32>
        %get3A_782 = arith.constant 1 : i32
        %get3A_783 = arith.constant 4 : i32
        %get3A_784 = arith.index_cast %get3A_782 : i32 to index
        %get3A_785 = arith.index_cast %get3A_783 : i32 to index
        %get3A_786 = arith.index_cast %select_n3A_657 : i32 to index
        %get3A_787 = arith.index_cast %mul3A_661 : i32 to index
        %get3A_788 = tpu.vector_load %arg8[%get3A_784, %get3A_785, %get3A_786, %get3A_787] {strides = array<i32>} : memref<2x10x8x128xf32, #tpu.memory_space<vmem>>, vector<16xf32>,
        %get3A_789 = arith.constant 1 : i32
        %get3A_790 = arith.constant 4 : i32
        %get3A_791 = arith.index_cast %get3A_789 : i32 to index
        %get3A_792 = arith.index_cast %get3A_790 : i32 to index
        %get3A_793 = arith.index_cast %select_n3A_657 : i32 to index
        %get3A_794 = arith.index_cast %mul3A_661 : i32 to index
        %get3A_795 = tpu.vector_load %arg9[%get3A_791, %get3A_792, %get3A_793, %get3A_794] {strides = array<i32>} : memref<2x10x8x128xf32, #tpu.memory_space<vmem>>, vector<16xf32>,
        %mul3A_796 = arith.mulf %get3A_795, %div3A_667 : vector<16xf32>
        %sub3A_797 = arith.subf %get3A_788, %mul3A_796 : vector<16xf32>
        %abs3A_798 = math.absf %sub3A_797 : vector<16xf32>
        %min3A_799 = arith.constant 1.000000e+00 : f32
        %min3A_800 = vector.broadcast %min3A_799 : f32 to vector<16xf32>
        %min3A_801 = arith.minimumf %abs3A_798, %min3A_800 : vector<16xf32>
        %mul3A_802 = arith.constant 5.000000e-01 : f32
        %mul3A_803 = vector.broadcast %mul3A_802 : f32 to vector<16xf32>
        %mul3A_804 = arith.mulf %mul3A_803, %min3A_801 : vector<16xf32>
        %sub3A_805 = arith.subf %abs3A_798, %mul3A_804 : vector<16xf32>
        %mul3A_806 = arith.mulf %sub3A_805, %min3A_801 : vector<16xf32>
        %get3A_807 = arith.constant 1 : i32
        %get3A_808 = arith.constant 5 : i32
        %get3A_809 = arith.index_cast %get3A_807 : i32 to index
        %get3A_810 = arith.index_cast %get3A_808 : i32 to index
        %get3A_811 = arith.index_cast %select_n3A_657 : i32 to index
        %get3A_812 = arith.index_cast %mul3A_661 : i32 to index
        %get3A_813 = tpu.vector_load %arg8[%get3A_809, %get3A_810, %get3A_811, %get3A_812] {strides = array<i32>} : memref<2x10x8x128xf32, #tpu.memory_space<vmem>>, vector<16xf32>,
        %get3A_814 = arith.constant 1 : i32
        %get3A_815 = arith.constant 5 : i32
        %get3A_816 = arith.index_cast %get3A_814 : i32 to index
        %get3A_817 = arith.index_cast %get3A_815 : i32 to index
        %get3A_818 = arith.index_cast %select_n3A_657 : i32 to index
        %get3A_819 = arith.index_cast %mul3A_661 : i32 to index
        %get3A_820 = tpu.vector_load %arg9[%get3A_816, %get3A_817, %get3A_818, %get3A_819] {strides = array<i32>} : memref<2x10x8x128xf32, #tpu.memory_space<vmem>>, vector<16xf32>,
        %mul3A_821 = arith.mulf %get3A_820, %div3A_667 : vector<16xf32>
        %sub3A_822 = arith.subf %get3A_813, %mul3A_821 : vector<16xf32>
        %abs3A_823 = math.absf %sub3A_822 : vector<16xf32>
        %min3A_824 = arith.constant 1.000000e+00 : f32
        %min3A_825 = vector.broadcast %min3A_824 : f32 to vector<16xf32>
        %min3A_826 = arith.minimumf %abs3A_823, %min3A_825 : vector<16xf32>
        %mul3A_827 = arith.constant 5.000000e-01 : f32
        %mul3A_828 = vector.broadcast %mul3A_827 : f32 to vector<16xf32>
        %mul3A_829 = arith.mulf %mul3A_828, %min3A_826 : vector<16xf32>
        %sub3A_830 = arith.subf %abs3A_823, %mul3A_829 : vector<16xf32>
        %mul3A_831 = arith.mulf %sub3A_830, %min3A_826 : vector<16xf32>
        %add3A_832 = arith.addf %mul3A_806, %mul3A_831 : vector<16xf32>
        %add3A_833 = arith.addf %add3A_781, %add3A_832 : vector<16xf32>
        %get3A_834 = arith.constant 1 : i32
        %get3A_835 = arith.constant 6 : i32
        %get3A_836 = arith.index_cast %get3A_834 : i32 to index
        %get3A_837 = arith.index_cast %get3A_835 : i32 to index
        %get3A_838 = arith.index_cast %select_n3A_657 : i32 to index
        %get3A_839 = arith.index_cast %mul3A_661 : i32 to index
        %get3A_840 = tpu.vector_load %arg8[%get3A_836, %get3A_837, %get3A_838, %get3A_839] {strides = array<i32>} : memref<2x10x8x128xf32, #tpu.memory_space<vmem>>, vector<16xf32>,
        %get3A_841 = arith.constant 1 : i32
        %get3A_842 = arith.constant 6 : i32
        %get3A_843 = arith.index_cast %get3A_841 : i32 to index
        %get3A_844 = arith.index_cast %get3A_842 : i32 to index
        %get3A_845 = arith.index_cast %select_n3A_657 : i32 to index
        %get3A_846 = arith.index_cast %mul3A_661 : i32 to index
        %get3A_847 = tpu.vector_load %arg9[%get3A_843, %get3A_844, %get3A_845, %get3A_846] {strides = array<i32>} : memref<2x10x8x128xf32, #tpu.memory_space<vmem>>, vector<16xf32>,
        %mul3A_848 = arith.mulf %get3A_847, %div3A_667 : vector<16xf32>
        %sub3A_849 = arith.subf %get3A_840, %mul3A_848 : vector<16xf32>
        %abs3A_850 = math.absf %sub3A_849 : vector<16xf32>
        %min3A_851 = arith.constant 1.000000e+00 : f32
        %min3A_852 = vector.broadcast %min3A_851 : f32 to vector<16xf32>
        %min3A_853 = arith.minimumf %abs3A_850, %min3A_852 : vector<16xf32>
        %mul3A_854 = arith.constant 5.000000e-01 : f32
        %mul3A_855 = vector.broadcast %mul3A_854 : f32 to vector<16xf32>
        %mul3A_856 = arith.mulf %mul3A_855, %min3A_853 : vector<16xf32>
        %sub3A_857 = arith.subf %abs3A_850, %mul3A_856 : vector<16xf32>
        %mul3A_858 = arith.mulf %sub3A_857, %min3A_853 : vector<16xf32>
        %get3A_859 = arith.constant 1 : i32
        %get3A_860 = arith.constant 7 : i32
        %get3A_861 = arith.index_cast %get3A_859 : i32 to index
        %get3A_862 = arith.index_cast %get3A_860 : i32 to index
        %get3A_863 = arith.index_cast %select_n3A_657 : i32 to index
        %get3A_864 = arith.index_cast %mul3A_661 : i32 to index
        %get3A_865 = tpu.vector_load %arg8[%get3A_861, %get3A_862, %get3A_863, %get3A_864] {strides = array<i32>} : memref<2x10x8x128xf32, #tpu.memory_space<vmem>>, vector<16xf32>,
        %get3A_866 = arith.constant 1 : i32
        %get3A_867 = arith.constant 7 : i32
        %get3A_868 = arith.index_cast %get3A_866 : i32 to index
        %get3A_869 = arith.index_cast %get3A_867 : i32 to index
        %get3A_870 = arith.index_cast %select_n3A_657 : i32 to index
        %get3A_871 = arith.index_cast %mul3A_661 : i32 to index
        %get3A_872 = tpu.vector_load %arg9[%get3A_868, %get3A_869, %get3A_870, %get3A_871] {strides = array<i32>} : memref<2x10x8x128xf32, #tpu.memory_space<vmem>>, vector<16xf32>,
        %mul3A_873 = arith.mulf %get3A_872, %div3A_667 : vector<16xf32>
        %sub3A_874 = arith.subf %get3A_865, %mul3A_873 : vector<16xf32>
        %abs3A_875 = math.absf %sub3A_874 : vector<16xf32>
        %min3A_876 = arith.constant 1.000000e+00 : f32
        %min3A_877 = vector.broadcast %min3A_876 : f32 to vector<16xf32>
        %min3A_878 = arith.minimumf %abs3A_875, %min3A_877 : vector<16xf32>
        %mul3A_879 = arith.constant 5.000000e-01 : f32
        %mul3A_880 = vector.broadcast %mul3A_879 : f32 to vector<16xf32>
        %mul3A_881 = arith.mulf %mul3A_880, %min3A_878 : vector<16xf32>
        %sub3A_882 = arith.subf %abs3A_875, %mul3A_881 : vector<16xf32>
        %mul3A_883 = arith.mulf %sub3A_882, %min3A_878 : vector<16xf32>
        %add3A_884 = arith.addf %mul3A_858, %mul3A_883 : vector<16xf32>
        %add3A_885 = arith.addf %add3A_833, %add3A_884 : vector<16xf32>
        %get3A_886 = arith.constant 1 : i32
        %get3A_887 = arith.constant 8 : i32
        %get3A_888 = arith.index_cast %get3A_886 : i32 to index
        %get3A_889 = arith.index_cast %get3A_887 : i32 to index
        %get3A_890 = arith.index_cast %select_n3A_657 : i32 to index
        %get3A_891 = arith.index_cast %mul3A_661 : i32 to index
        %get3A_892 = tpu.vector_load %arg8[%get3A_888, %get3A_889, %get3A_890, %get3A_891] {strides = array<i32>} : memref<2x10x8x128xf32, #tpu.memory_space<vmem>>, vector<16xf32>,
        %get3A_893 = arith.constant 1 : i32
        %get3A_894 = arith.constant 8 : i32
        %get3A_895 = arith.index_cast %get3A_893 : i32 to index
        %get3A_896 = arith.index_cast %get3A_894 : i32 to index
        %get3A_897 = arith.index_cast %select_n3A_657 : i32 to index
        %get3A_898 = arith.index_cast %mul3A_661 : i32 to index
        %get3A_899 = tpu.vector_load %arg9[%get3A_895, %get3A_896, %get3A_897, %get3A_898] {strides = array<i32>} : memref<2x10x8x128xf32, #tpu.memory_space<vmem>>, vector<16xf32>,
        %mul3A_900 = arith.mulf %get3A_899, %div3A_667 : vector<16xf32>
        %sub3A_901 = arith.subf %get3A_892, %mul3A_900 : vector<16xf32>
        %abs3A_902 = math.absf %sub3A_901 : vector<16xf32>
        %min3A_903 = arith.constant 1.000000e+00 : f32
        %min3A_904 = vector.broadcast %min3A_903 : f32 to vector<16xf32>
        %min3A_905 = arith.minimumf %abs3A_902, %min3A_904 : vector<16xf32>
        %mul3A_906 = arith.constant 5.000000e-01 : f32
        %mul3A_907 = vector.broadcast %mul3A_906 : f32 to vector<16xf32>
        %mul3A_908 = arith.mulf %mul3A_907, %min3A_905 : vector<16xf32>
        %sub3A_909 = arith.subf %abs3A_902, %mul3A_908 : vector<16xf32>
        %mul3A_910 = arith.mulf %sub3A_909, %min3A_905 : vector<16xf32>
        %get3A_911 = arith.constant 1 : i32
        %get3A_912 = arith.constant 9 : i32
        %get3A_913 = arith.index_cast %get3A_911 : i32 to index
        %get3A_914 = arith.index_cast %get3A_912 : i32 to index
        %get3A_915 = arith.index_cast %select_n3A_657 : i32 to index
        %get3A_916 = arith.index_cast %mul3A_661 : i32 to index
        %get3A_917 = tpu.vector_load %arg8[%get3A_913, %get3A_914, %get3A_915, %get3A_916] {strides = array<i32>} : memref<2x10x8x128xf32, #tpu.memory_space<vmem>>, vector<16xf32>,
        %get3A_918 = arith.constant 1 : i32
        %get3A_919 = arith.constant 9 : i32
        %get3A_920 = arith.index_cast %get3A_918 : i32 to index
        %get3A_921 = arith.index_cast %get3A_919 : i32 to index
        %get3A_922 = arith.index_cast %select_n3A_657 : i32 to index
        %get3A_923 = arith.index_cast %mul3A_661 : i32 to index
        %get3A_924 = tpu.vector_load %arg9[%get3A_920, %get3A_921, %get3A_922, %get3A_923] {strides = array<i32>} : memref<2x10x8x128xf32, #tpu.memory_space<vmem>>, vector<16xf32>,
        %mul3A_925 = arith.mulf %get3A_924, %div3A_667 : vector<16xf32>
        %sub3A_926 = arith.subf %get3A_917, %mul3A_925 : vector<16xf32>
        %abs3A_927 = math.absf %sub3A_926 : vector<16xf32>
        %min3A_928 = arith.constant 1.000000e+00 : f32
        %min3A_929 = vector.broadcast %min3A_928 : f32 to vector<16xf32>
        %min3A_930 = arith.minimumf %abs3A_927, %min3A_929 : vector<16xf32>
        %mul3A_931 = arith.constant 5.000000e-01 : f32
        %mul3A_932 = vector.broadcast %mul3A_931 : f32 to vector<16xf32>
        %mul3A_933 = arith.mulf %mul3A_932, %min3A_930 : vector<16xf32>
        %sub3A_934 = arith.subf %abs3A_927, %mul3A_933 : vector<16xf32>
        %mul3A_935 = arith.mulf %sub3A_934, %min3A_930 : vector<16xf32>
        %add3A_936 = arith.addf %mul3A_910, %mul3A_935 : vector<16xf32>
        %add3A_937 = arith.addf %add3A_885, %add3A_936 : vector<16xf32>
        %mul3A_938 = arith.mulf %add3A_937, %mul3A_678 : vector<16xf32>
        %add3A_939 = arith.addf %while3A_633, %mul3A_938 : vector<16xf32>
        scf.yield %add3A_939, %add3A_679 : vector<16xf32>, vector<16xf32>
      }
      scf.yield %while3A_631#0, %while3A_631#1 : vector<16xf32>, vector<16xf32>
    }
    %scan3A_424 = arith.constant 5 : i32
    %swap3A = arith.constant 0 : index
    %swap3A_425 = tpu.vector_load %arg13[%swap3A] {strides = array<i32>} : memref<32xf32, #tpu.memory_space<vmem>>, vector<16xf32>,
    tpu.vector_store %arg13[%swap3A], %scan3A_423#0 {strides = array<i32>} : memref<32xf32, #tpu.memory_space<vmem>>, vector<16xf32>,
    %swap3A_426 = arith.constant 16 : index
    %swap3A_427 = tpu.vector_load %arg13[%swap3A_426] {strides = array<i32>} : memref<32xf32, #tpu.memory_space<vmem>>, vector<16xf32>,
    tpu.vector_store %arg13[%swap3A_426], %scan3A_423#1 {strides = array<i32>} : memref<32xf32, #tpu.memory_space<vmem>>, vector<16xf32>,
    %mul3A_428 = arith.constant 2 : i32
    %mul3A_429 = arith.muli %add3A, %mul3A_428 : i32
    %mul3A_430 = arith.constant 16 : i32
    %mul3A_431 = arith.muli %mul3A_429, %mul3A_430 : i32
    "tpu.region"() ({
      %run_scoped3A = tpu.sem_alloc : memref<!tpu.dma_semaphore, #tpu.memory_space<semaphore_mem>>
      %dma_start3A_432 = tpu.memref_slice %arg7[%mul3A_431] : memref<1024xf32, #tpu.memory_space<hbm>> -> memref<32xf32, #tpu.memory_space<hbm>>
      %dma_start3A_433 = tpu.memref_slice %arg7[%mul3A_431] : memref<1024xf32, #tpu.memory_space<hbm>> -> memref<32xf32, #tpu.memory_space<hbm>>
      tpu.enqueue_dma source(%arg13 : memref<32xf32, #tpu.memory_space<vmem>>) target(%dma_start3A_433 : memref<32xf32, #tpu.memory_space<hbm>>) target_semaphore(%run_scoped3A : memref<!tpu.dma_semaphore, #tpu.memory_space<semaphore_mem>>)
      %dma_wait3A = tpu.memref_slice %arg7[%mul3A_431] : memref<1024xf32, #tpu.memory_space<hbm>> -> memref<32xf32, #tpu.memory_space<hbm>>
      %dma_wait3A_434 = tpu.memref_slice %arg7[%mul3A_431] : memref<1024xf32, #tpu.memory_space<hbm>> -> memref<32xf32, #tpu.memory_space<hbm>>
      tpu.wait_dma2 semaphore(%run_scoped3A : memref<!tpu.dma_semaphore, #tpu.memory_space<semaphore_mem>>) src(%arg13 : memref<32xf32, #tpu.memory_space<vmem>>) dst(%dma_wait3A_434 : memref<32xf32, #tpu.memory_space<hbm>>)
      tpu.yield
    }) : () -> ()
    return
  }
}

</mosaic_0001>

<sc_bundles>
// kernel: _sc_loss.3.cloned.1.call-start
scs
__scs_entry_jumppad:
0x0: {  	(pc) =	sbr.rel $0x88, $3  }
0x1: {  	(tag) =	ssettag $0x0;
	lr =	simm.s32 $0x1  }
0x2: {  	[smem:$0x3F9C] =	sst lr;
	_ =	strace $0xD0000000  }
0x3: {  	_ = 	snop  }
0x4: {  	_ = 	snop  }
0x5: {  	_ = 	snop  }
0x6: {  	_ = 	snop  }
0x7: {  	_ = 	snop  }
__scs_overlays_trampoline_lowered:
0x8: {  	[smem:$0x3FAB] =	sst s0  }
0x9: {  	[smem:$0x3FAC] =	sst s1  }
0xa: {  	[smem:$0x3FAD] =	sst s2  }
0xb: {  	[smem:$0x3FAE] =	sst s3  }
0xc: {  	[smem:$0x3FAF] =	sst s4  }
0xd: {  	[smem:$0x3FB0] =	sst s5  }
0xe: {  	[smem:$0x3FB1] =	sst s6  }
0xf: {  	[smem:$0x3FB2] =	sst s7  }
0x10: {  	[smem:$0x3FB3] =	sst s8  }
0x11: {  	[smem:$0x3FB4] =	sst s9;
	s0 =	simm.s32 @!p0 $0x0  }
0x12: {  	s1 =	sld [smem:$0x3F9A];
	s0 =	simm.s32 @p0 $0x1  }
0x13: {  	[smem:$0x3FB5] =	sst s0;
	s0 =	simm.s32 @!p1 $0x0  }
0x14: {  	s2 =	sld [smem:$0x3F99];
	s0 =	simm.s32 @p1 $0x1  }
0x15: {  	[smem:$0x3FB6] =	sst s0;
	s0 =	simm.s32 @!p2 $0x0  }
0x16: {  	s3 =	sld [smem:$0x3FDB];
	s0 =	simm.s32 @p2 $0x1  }
0x17: {  	s4 =	simm.s32 $0x1BF5;
	[smem:$0x3FB8] =	sst s0  }
0x18: {  	s0 =	sld [smem:$0x3F9B];
	_ =	swait.ge [sflag:s4], $0x0  }
0x19: {  	s7 =	sld [smem:$0x3F9C]  }
0x1a: {  	s8 =	sadd.s32 $0xFFFFE003, lr  }
0x1b: {  	s9 =	sadd.s32 $0xFFFFFEF7, lr;
	s5 =	simm.s32 $0xFFFFFFFF;
	p2 =	slt.u32 s8, $0xFFFFF086  }
0x1c: {  	p1 =	slt.u32 s9, $0xF7A;
	s5 =	simm.s32 @!p2 $0x0  }
0x1d: {  	s5 =	simm.s32 @p1 $0x1;
	p0 =	seq.s32 s7, s2  }
0x1e: {  	s7 =	smul.u32 @!p0 $0xF7A, s2;
	p2 =	seq.s32 @!p0 s5, $0x0  }
0x1f: {  	s9 =	smul.u32 $0xF7A, s1;
	s8 =	simm.s32 @!p0 $0x1BF5;
	p2 =	por !p2, p0  }
0x20: {  	[sflag:s8] =	ssyncset.s32 @!p0 $0xFFFFF086;
	s6 =	sadd.s32 @!p0 s3, s7;
	s7 =	simm.s32 @!p0 $0x108  }
0x21: {  	s3 =	sadd.s32 s3, s9;
	s6 =	sadd.s32 @!p0 $0x88, s6;
	s7 =	simm.s32 @p2 $0x1082  }
0x22: {  	[simem:s7], [sflag:s8] =	dma.local @!p0 [hbm:s6], $0xF7A  }
0x23: {  	s9 =	sor.u32 $0xD0000000, s2;
	s6 =	simm.s32 $0x108;
	_ =	swait.ge @!p0 [sflag:s8], $0x0  }
0x24: {  	s3 =	sadd.s32 $0x88, s3;
	s6 =	simm.s32 @!p1 $0x1082;
	[sflag:s4] =	ssyncset.s32 $0xFFFFF086  }
0x25: {  	[simem:s6], [sflag:s4] =	dma.local [hbm:s3], $0xF7A  }
0x26: {  	[smem:$0x3F9C] =	sst s1;
	(tag) =	ssettag s2;
	_ =	strace s9  }
0x27: {  	s1 =	sld [smem:$0x3FAC]  }
0x28: {  	s2 =	sld [smem:$0x3FAD]  }
0x29: {  	s4 =	sld [smem:$0x3FAF]  }
0x2a: {  	p0 =	seq.s32 s5, $0x0;
	s5 =	sld [smem:$0x3FB0]  }
0x2b: {  	s6 =	sld [smem:$0x3FB1]  }
0x2c: {  	s7 =	sld [smem:$0x3FB2]  }
0x2d: {  	s3 =	simm.s32 $0x108;
	s8 =	sld [smem:$0x3FB3]  }
0x2e: {  	s3 =	simm.s32 @!p0 $0x1082;
	s9 =	sld [smem:$0x3FB4]  }
0x2f: {  	lr =	sadd.s32 s0, s3;
	s0 =	sld [smem:$0x3FAB]  }
0x30: {  	s3 =	sld [smem:$0x3FAE]  }
0x31: {  	[smem:$0x3FB7] =	sst s10  }
0x32: {  	s10 =	sld [smem:$0x3FB5];
	_ =	sdelay $0x3  }
0x33: {  	p0 =	seq.s32 s10, $0x1;
	s10 =	sld [smem:$0x3FB7];
	_ =	sdelay $0x3  }
0x34: {  	[smem:$0x3FB7] =	sst s10  }
0x35: {  	s10 =	sld [smem:$0x3FB6];
	_ =	sdelay $0x3  }
0x36: {  	p1 =	seq.s32 s10, $0x1;
	s10 =	sld [smem:$0x3FB7];
	_ =	sdelay $0x3  }
0x37: {  	[smem:$0x3FB7] =	sst s10  }
0x38: {  	s10 =	sld [smem:$0x3FB8]  }
0x39: {  	_ = 	snop;
	(pc) =	sbr.ind lr, $3  }
0x3a: {  	_ = 	snop  }
0x3b: {  	_ = 	snop  }
0x3c: {  	p2 =	seq.s32 s10, $0x1;
	s10 =	sld [smem:$0x3FB7]  }
0x3d: {  	_ =	shalt  }
0x3e: {  	_ =	shalt  }
0x3f: {  	_ =	shalt  }
0x40: {  	_ =	shalt  }
0x41: {  	_ =	shalt  }
0x42: {  	_ =	shalt  }
0x43: {  	_ =	shalt  }
0x44: {  	_ =	shalt  }
0x45: {  	_ =	shalt  }
0x46: {  	_ =	shalt  }
0x47: {  	_ =	shalt  }
0x48: {  	_ =	shalt  }
0x49: {  	_ =	shalt  }
0x4a: {  	_ =	shalt  }
0x4b: {  	_ =	shalt  }
0x4c: {  	_ =	shalt  }
0x4d: {  	_ =	shalt  }
0x4e: {  	_ =	shalt  }
0x4f: {  	_ =	shalt  }
0x50: {  	_ =	shalt  }
0x51: {  	_ =	shalt  }
0x52: {  	_ =	shalt  }
0x53: {  	_ =	shalt  }
0x54: {  	_ =	shalt  }
0x55: {  	_ =	shalt  }
0x56: {  	_ =	shalt  }
0x57: {  	_ =	shalt  }
0x58: {  	_ =	shalt  }
0x59: {  	_ =	shalt  }
0x5a: {  	_ =	shalt  }
0x5b: {  	_ =	shalt  }
0x5c: {  	_ =	shalt  }
0x5d: {  	_ =	shalt  }
0x5e: {  	_ =	shalt  }
0x5f: {  	_ =	shalt  }
0x60: {  	_ =	shalt  }
0x61: {  	_ =	shalt  }
0x62: {  	_ =	shalt  }
0x63: {  	_ =	shalt  }
0x64: {  	_ =	shalt  }
0x65: {  	_ =	shalt  }
0x66: {  	_ =	shalt  }
0x67: {  	_ =	shalt  }
0x68: {  	_ =	shalt  }
0x69: {  	_ =	shalt  }
0x6a: {  	_ =	shalt  }
0x6b: {  	_ =	shalt  }
0x6c: {  	_ =	shalt  }
0x6d: {  	_ =	shalt  }
0x6e: {  	_ =	shalt  }
0x6f: {  	_ =	shalt  }
0x70: {  	_ =	shalt  }
0x71: {  	_ =	shalt  }
0x72: {  	_ =	shalt  }
0x73: {  	_ =	shalt  }
0x74: {  	_ =	shalt  }
0x75: {  	_ =	shalt  }
0x76: {  	_ =	shalt  }
0x77: {  	_ =	shalt  }
0x78: {  	_ =	shalt  }
0x79: {  	_ =	shalt  }
0x7a: {  	_ =	shalt  }
0x7b: {  	_ =	shalt  }
0x7c: {  	_ =	shalt  }
0x7d: {  	_ =	shalt  }
0x7e: {  	_ =	shalt  }
0x7f: {  	_ =	shalt  }
0x80: {  	_ =	shalt  }
0x81: {  	_ =	shalt  }
0x82: {  	_ =	shalt  }
0x83: {  	_ =	shalt  }
0x84: {  	_ =	shalt  }
0x85: {  	_ =	shalt  }
0x86: {  	_ =	shalt  }
0x87: {  	_ =	shalt  }
.Lfunc_end0:
.L_simem_size_0:
called_computation_lowered:
.L_overlay_start_0:
0x88: {  	s2 =	sld [smem:$0x3FD9]  }
0x89: {  	s3 =	sld [smem:$0x3FFE];
	_ =	sdelay $0x1  }
0x8a: {  	s1 =	srdreg.scid  }
0x8b: {  	s0 =	sand.u32 $0x1, s1  }
0x8c: {  	s18 =	sshll.u32 s0, $0xA;
	s2 =	sadd.s32 s3, s2  }
0x8d: {  	s2 =	sadd.s32 s2, s18  }
0x8e: {  	[smem:$0x3FC3] =	sst s2  }
0x8f: {  	_ = 	snop  }
0x90: {  	s2 =	sld [smem:$0x3FC9]  }
0x91: {  	s19 =	sld [smem:$0x3FC8]  }
0x92: {  	s4 =	sld [smem:$0x3FC7]  }
0x93: {  	s5 =	sld [smem:$0x3FC6]  }
0x94: {  	s6 =	sld [smem:$0x3FC5]  }
0x95: {  	s7 =	sld [smem:$0x3FD0];
	(tm) =	ssettm $0x1  }
0x96: {  	s8 =	sld [smem:$0x3FFB];
	_ =	sdelay $0x3  }
0x97: {  	_ =	strace s8  }
0x98: {  	s8 =	sld [smem:$0x3FFC];
	_ =	sdelay $0x3  }
0x99: {  	_ =	strace s8  }
0x9a: {  	s8 =	sld [smem:$0x3FFD];
	_ =	sdelay $0x3  }
0x9b: {  	_ =	strace s8  }
0x9c: {  	_ =	strace $0x8FFFFFFF  }
0x9d: {  	s20 =	sld [smem:$0x3FDB];
	_ =	sdelay $0x1  }
0x9e: {  	s9 =	simm.s32 $_scs_section_size  }
0x9f: {  	s10 =	simm.s32 $_size__tile_overlayer_lowered;
	s11 =	simm.s32 $_tile_overlayer_lowered  }
0xa0: {  	s23 =	simm.s32 $0x1BFF;
	s22 =	sshll.u32 s11, $0x1;
	s8 =	sadd.s32 s9, s20  }
0xa1: {  	s12 =	simm.s32 $0x0;
	s21 =	sshll.u32 s10, $0x1;
	s10 =	sadd.s32 s22, s8  }
0xa2: {  	[timem:s12], [sflag:s23] =	dma.local [hbm:s10], s21  }
0xa3: {  	_ =	swait.ge [sflag:s23], s21  }
0xa4: {  	s9 =	ssub.s32 $0x0, s21;
	[sflag:s23] =	ssyncset.done $0x0  }
0xa5: {  	[sflag:s23] =	ssyncadd.s32 s9;
	_ =	sdelay $0x1  }
0xa6: {  	s24 =	simm.s32 $0x1B8B  }
0xa7: {  	_ =	swait.ge [sflag:s24], $0x1  }
0xa8: {  	[sflag:s24] =	ssyncset.done $0x0  }
0xa9: {  	s25 =	simm.s32 $0x1B8E;
	[sflag:s24] =	ssyncadd.s32 $0xFFFFFFFF  }
0xaa: {  	s26 =	simm.s32 $execute0_lowered;
	[smem:$0x3FD2] =	sst s25  }
0xab: {  	s9 =	sshll.u32 s26, $0x1;
	_ =	strace $0x80000046;
	[dreg:$0x1] =	wrdreg $0xFFFFFFFF  }
0xac: {  	s28 =	simm.s32 $_size_execute0_lowered;
	s8 =	sadd.s32 s8, s9;
	[dreg:$0x0] =	wrdreg $0x0  }
0xad: {  	s9 =	sshll.u32 s28, $0x1;
	[dreg:$0x2] =	wrdreg s8  }
0xae: {  	[dreg:$0x3] =	wrdreg s9  }
0xaf: {  	[dreg:$0x4] =	wrdreg $0xC0  }
0xb0: {  	_ =	task [dreg:s12], $0x5FFFF  }
0xb1: {  	[dreg:$0x1] =	wrdreg $0xFFFFFFFF  }
0xb2: {  	[dreg:$0x0] =	wrdreg $0x60  }
0xb3: {  	[dreg:$0x2] =	wrdreg s2  }
0xb4: {  	[dreg:$0x3] =	wrdreg s19  }
0xb5: {  	[dreg:$0x4] =	wrdreg s4  }
0xb6: {  	[dreg:$0x5] =	wrdreg s5  }
0xb7: {  	[dreg:$0x6] =	wrdreg s6  }
0xb8: {  	[dreg:$0x7] =	wrdreg s7  }
0xb9: {  	[dreg:$0x8] =	wrdreg $0x9  }
0xba: {  	_ =	task.clear_ibuf [dreg:s12], $0x9FFFF;
	_ =	strace $0x90000046  }
0xbb: {  	s29 =	simm.s32 $0x9;
	_ =	strace $0x80000048  }
0xbc: {  	_ =	swait.ge [sflag:s29], $0x1  }
0xbd: {  	[sflag:s29] =	ssyncadd.s32 $0xFFFFFFFF  }
0xbe: {  	_ =	strace $0x90000048  }
0xbf: {  	_ =	sfence  }
0xc0: {  	s30 =	sld [smem:$0x0];
	_ =	sdelay $0x2  }
0xc1: {  	s31 =	sshll.u32 s1, $0xD;
	s1 =	sshrl.u32 s1, $0x2  }
0xc2: {  	s3 =	sand.u32 $0x4000, s31;
	s1 =	sadd.s32 s1, s30  }
0xc3: {  	s0 =	sor.u32 s3, s0;
	s1 =	sshll.u32 s1, $0x11  }
0xc4: {  	s0 =	sor.u32 s1, s0  }
0xc5: {  	s0 =	sadd.s32 $0x8F2B, s0  }
0xc6: {  	[sflag:s0] =	ssyncadd.remote.s32 $0x1  }
0xc7: {  	_ =	sfence.sel $0xFFFF  }
0xc8: {  	[dreg:$0x0] =	wrdreg $0xFFFFFFFF;
	(pc) =	sbr.abs _section_cstart, $3  }
0xc9: {  	[dreg:$0x1] =	wrdreg $0xFFFFFFFF  }
0xca: {  	_ =	task.clear_ibuf [dreg:s12], $0x2FFFF;
	_ =	strace $0x9FFFFFFF  }
0xcb: {  	(tm) =	ssettm $0x7FFFFFFF  }
tec
execute0_lowered:
.L_overlay_start_1:
0x0: {  	(tag) =	ssettag $0x1  }
0x1: {  	s0 =	srdreg.scid;
	s1 =	stileid.u32  }
0x2: {  	s9 =	sand.u32 $0x1, s0;
	s24 =	sshll.u32 s1, $0x1  }
0x3: {  	s0 =	sor.u32 s9, s24  }
0x4: {  	s25 =	smul.u32 $0x11E, s0;
	_ =	sdelay $0x1  }
0x5: {  	s2 =	sadd.s32 $0x11E, s25  }
0x6: {  	s1 =	sshrl.u32 s25, $0x5;
	s2 =	sshrl.u32 s2, $0x5  }
0x7: {  	s2 =	ssub.s32 s2, s1  }
0x8: {  	s3 =	sadd.s32 $0xFFFFFFFF, s2  }
0x9: {  	s4 =	sshra.s32 s3, $0x1F  }
0xa: {  	s4 =	sand.u32 s4, s3  }
0xb: {  	s7 =	simm.s32 $0x1;
	s8 =	sadd.s32 s1, s4  }
0xc: {  	s29 =	rddreg [dreg:$0x5];
	s4 =	sand.u32 $0x8000, s8;
	s5 =	sand.u32 $0x1, s8  }
0xd: {  	p0 =	slt.s32 s8, $0x1;
	s6 =	sshrl.u32 s4, $0xF;
	p1 =	seq.s32 s5, $0x1  }
0xe: {  	s9 =	ssub.s32 $0x2, s9;
	s26 =	sadd.s32 s6, s8;
	p0 =	por !p0, !p1  }
0xf: {  	s15 =	sshrl.u32 s9, $0x1;
	s6 =	sshll.u32 s26, $0x10;
	p0 =	por !p0, !p0  }
0x10: {  	s0 =	sshll.u32 s0, $0x2;
	s10 =	sshra.s32 s6, $0x11;
	s7 =	simm.s32 @!p0 $0x0  }
0x11: {  	s9 =	ssub.s32 s9, s15;
	s4 =	rddreg [dreg:$0x0];
	s10 =	ssub.s32 s10, s7  }
0x12: {  	s12 =	sshll.u32 s8, $0x3;
	s5 =	rddreg [dreg:$0x1];
	s11 =	sshll.u32 s10, $0x4  }
0x13: {  	s8 =	rddreg [dreg:$0x4];
	s11 =	ssub.s32 s12, s11;
	s12 =	sshll.u32 s10, $0x7  }
0x14: {  	p0 =	slt.s32 s10, $0x88;
	s13 =	sadd.s32 $0x3C00, s12;
	s28 =	sshrl.u32 s11, $0x3  }
0x15: {  	s6 =	rddreg [dreg:$0x2];
	s13 =	smov.u32 @p0 s12;
	s11 =	smul.u32 $0x41C00, s28  }
0x16: {  	s7 =	rddreg [dreg:$0x3];
	s10 =	simm.s32 $0x0;
	s14 =	sshll.u32 s13, $0x3  }
0x17: {  	s0 =	sadd.s32 s29, s0;
	[smem:$0x7FF] =	sst s10;
	s11 =	sadd.s32 s14, s11  }
0x18: {  	_ =	strace $0x80000047;
	[dreg:$0x12] =	wrdreg s0;
	s14 =	sadd.s32 $0x83800, s11  }
0x19: {  	s16 =	sadd.s32 $0x107000, s11;
	s18 =	sadd.s32 $0x18A800, s11;
	s20 =	sadd.s32 $0x20E000, s11  }
0x1a: {  	s22 =	sadd.s32 $0x315000, s11;
	s23 =	sadd.s32 $0x291800, s11;
	s14 =	sshrl.u32 s14, $0x3  }
0x1b: {  	s28 =	sadd.s32 $0x49F800, s11;
	s17 =	sshrl.u32 s16, $0x3;
	s30 =	sadd.s32 s4, s14  }
0x1c: {  	s19 =	sshrl.u32 s18, $0x3;
	s14 =	sadd.s32 s5, s14;
	[dreg:$0xa] =	wrdreg s30  }
0x1d: {  	s21 =	sshrl.u32 s20, $0x3;
	s16 =	sadd.s32 s5, s19;
	[dreg:$0xb] =	wrdreg s14  }
0x1e: {  	s24 =	sshrl.u32 s22, $0x3;
	s15 =	sadd.s32 s5, s21;
	[dreg:$0xd] =	wrdreg s16  }
0x1f: {  	s20 =	sshrl.u32 s11, $0x3;
	s29 =	sadd.s32 s5, s24;
	[dreg:$0xf] =	wrdreg s15  }
0x20: {  	s0 =	sshrl.u32 s28, $0x3;
	s28 =	sadd.s32 s7, s20;
	[dreg:$0x13] =	wrdreg s29  }
0x21: {  	s25 =	sshrl.u32 s23, $0x3;
	s14 =	sadd.s32 s4, s17;
	[smem:$0x7FA] =	sst s28  }
0x22: {  	s15 =	sadd.s32 s4, s25;
	[dreg:$0xc] =	wrdreg s14  }
0x23: {  	s30 =	sadd.s32 s4, s24;
	[dreg:$0x11] =	wrdreg s15  }
0x24: {  	s31 =	simm.s32 $0x7000;
	s24 =	sadd.s32 s4, s20;
	[dreg:$0x14] =	wrdreg s30  }
0x25: {  	s26 =	sadd.s32 $0x398800, s11;
	s25 =	sadd.s32 s5, s20;
	[dreg:$0x1d] =	wrdreg s24  }
0x26: {  	s23 =	sshrl.u32 s13, $0x3;
	s29 =	smax.u32 s9, $0x1;
	[dreg:$0x1e] =	wrdreg s25  }
0x27: {  	s13 =	simm.s32 $0xB000;
	s14 =	sadd.s32 s4, s19;
	[smem:$0x7FC] =	sst s29  }
0x28: {  	s15 =	sshrl.u32 s26, $0x3;
	s26 =	sadd.s32 s6, s20;
	[dreg:$0xe] =	wrdreg s14  }
0x29: {  	s16 =	sadd.s32 $0x523000, s11;
	s30 =	simm.s32 $0x0;
	[dreg:$0x1f] =	wrdreg s26  }
0x2a: {  	s12 =	sshrl.u32 s16, $0x3;
	s14 =	sadd.s32 s4, s21;
	[smem:$0x7FD] =	sst s30  }
0x2b: {  	s17 =	sadd.s32 $0x41C000, s11;
	s12 =	sadd.s32 s5, s12;
	[dreg:$0x10] =	wrdreg s14  }
0x2c: {  	s9 =	simm.s32 $0x2400;
	s21 =	sadd.s32 s5, s0;
	[dreg:$0x17] =	wrdreg s12  }
0x2d: {  	s19 =	sadd.s32 $0x62A000, s11;
	s0 =	sadd.s32 s4, s0;
	[dreg:$0x1a] =	wrdreg s21  }
0x2e: {  	s11 =	sadd.s32 $0x6AD800, s11;
	s14 =	sadd.s32 s5, s15;
	[dreg:$0x1b] =	wrdreg s0  }
0x2f: {  	s11 =	sshrl.u32 s11, $0x3;
	s15 =	sadd.s32 s4, s15;
	[dreg:$0x15] =	wrdreg s14  }
.Ltmp0:
0x30: {  	s22 =	sadd.s32 s5, s11;
	[dreg:$0x16] =	wrdreg s15;
	(pc) =	sbr.rel .LBB2_1-.Ltmp0, $4  }
0x31: {  	s12 =	sshrl.u32 s19, $0x3;
	s0 =	sadd.s32 s8, s23;
	[dreg:$0x1c] =	wrdreg s22  }
0x32: {  	s14 =	sshrl.u32 s17, $0x3;
	s12 =	sadd.s32 s5, s12;
	[smem:$0x7FB] =	sst s0  }
0x33: {  	s11 =	simm.s32 $0xA000;
	s18 =	sadd.s32 s4, s14;
	[dreg:$0x19] =	wrdreg s12  }
0x34: {  	s0 =	simm.s32 $0x7400;
	s12 =	simm.s32 $0xA800;
	[dreg:$0x18] =	wrdreg s18  }
.LBB2_27:
0x35: {  	[tilespmem:$0xB100] =	vst v1  }
0x36: {  	[tilespmem:$0xB110] =	vst v0;
	s14 =	rddreg [dreg:$0x12];
	s15 =	simm.s32 $0xB100;
	s29 =	simm.s32 $0x3  }
0x37: {  	[hbm4b:s14+s10] =	stream.linear.scatter [tilespmem:s15], [sflag:$0x3], $0x20, $0x38;
	[tilespmem:$0xB180] =	vst v63  }
0x38: {  	_ =	swait.ge [sflag:s29], $0x20  }
0x39: {  	s16 =	sld [smem:$0x7FD]  }
0x3a: {  	s30 =	sld [smem:$0x7FC];
	_ =	sdelay $0x1  }
0x3b: {  	s16 =	sadd.s32 $0x1, s16  }
0x3c: {  	p0 =	sne.s32 s16, s30  }
.Ltmp1:
0x3d: {  	_ = 	snop;
	(pc) =	sbr.rel @!p0 .LBB2_28-.Ltmp1, $3  }
0x3e: {  	_ =	sdelay $0x1  }
0x3f: {  	[sflag:s29] =	ssyncset.done $0x0  }
0x40: {  	[sflag:s29] =	ssyncadd.s32 $0xFFFFFFE0;
	[smem:$0x7FD] =	sst s16  }
.LBB2_1:
0x41: {  	s14 =	rddreg [dreg:$0x1d]  }
0x42: {  	s21 =	rddreg [dreg:$0x1e]  }
0x43: {  	[tilespmem:s10], [sflag:$0x1] =	stream.linear.gather [hbm4b:s14+s10], $0x400, $0x38;
	[tilespmem:$0xB180] =	vst v63  }
0x44: {  	s15 =	simm.s32 $0x5000;
	s22 =	rddreg [dreg:$0xa]  }
0x45: {  	[tilespmem:s15], [sflag:$0x1] =	stream.linear.gather [hbm4b:s21+s10], $0x400, $0x38;
	[tilespmem:$0xB180] =	vst v63  }
0x46: {  	s23 =	simm.s32 $0x400;
	s24 =	rddreg [dreg:$0xb]  }
0x47: {  	[tilespmem:s23], [sflag:$0x1] =	stream.linear.gather [hbm4b:s22+s10], $0x400, $0x38;
	[tilespmem:$0xB180] =	vst v63  }
0x48: {  	s25 =	simm.s32 $0x5400;
	s26 =	rddreg [dreg:$0xc]  }
0x49: {  	[tilespmem:s25], [sflag:$0x1] =	stream.linear.gather [hbm4b:s24+s10], $0x400, $0x38;
	[tilespmem:$0xB180] =	vst v63  }
0x4a: {  	s28 =	simm.s32 $0x800;
	s29 =	rddreg [dreg:$0xd]  }
0x4b: {  	[tilespmem:s28], [sflag:$0x1] =	stream.linear.gather [hbm4b:s26+s10], $0x400, $0x38;
	[tilespmem:$0xB180] =	vst v63  }
0x4c: {  	s30 =	simm.s32 $0x5800;
	s16 =	rddreg [dreg:$0xe]  }
0x4d: {  	[tilespmem:s30], [sflag:$0x1] =	stream.linear.gather [hbm4b:s29+s10], $0x400, $0x38;
	[tilespmem:$0xB180] =	vst v63  }
0x4e: {  	s17 =	simm.s32 $0xC00;
	s18 =	rddreg [dreg:$0xf]  }
0x4f: {  	[tilespmem:s17], [sflag:$0x1] =	stream.linear.gather [hbm4b:s16+s10], $0x400, $0x38;
	[tilespmem:$0xB180] =	vst v63  }
0x50: {  	s19 =	simm.s32 $0x5C00;
	s20 =	rddreg [dreg:$0x10]  }
0x51: {  	[tilespmem:s19], [sflag:$0x1] =	stream.linear.gather [hbm4b:s18+s10], $0x400, $0x38;
	[tilespmem:$0xB180] =	vst v63  }
0x52: {  	s21 =	simm.s32 $0x1000;
	s22 =	rddreg [dreg:$0x13]  }
0x53: {  	[tilespmem:s21], [sflag:$0x1] =	stream.linear.gather [hbm4b:s20+s10], $0x400, $0x38;
	[tilespmem:$0xB180] =	vst v63  }
0x54: {  	s23 =	simm.s32 $0x6000;
	s24 =	rddreg [dreg:$0x11]  }
0x55: {  	[tilespmem:s23], [sflag:$0x1] =	stream.linear.gather [hbm4b:s22+s10], $0x400, $0x38;
	[tilespmem:$0xB180] =	vst v63  }
0x56: {  	s25 =	simm.s32 $0x1400;
	s26 =	rddreg [dreg:$0x15]  }
0x57: {  	[tilespmem:s25], [sflag:$0x1] =	stream.linear.gather [hbm4b:s24+s10], $0x400, $0x38;
	[tilespmem:$0xB180] =	vst v63  }
0x58: {  	s28 =	simm.s32 $0x6400;
	s29 =	rddreg [dreg:$0x14]  }
0x59: {  	[tilespmem:s28], [sflag:$0x1] =	stream.linear.gather [hbm4b:s26+s10], $0x400, $0x38;
	[tilespmem:$0xB180] =	vst v63  }
0x5a: {  	s30 =	simm.s32 $0x1800;
	s16 =	rddreg [dreg:$0x1a]  }
0x5b: {  	[tilespmem:s30], [sflag:$0x1] =	stream.linear.gather [hbm4b:s29+s10], $0x400, $0x38;
	[tilespmem:$0xB180] =	vst v63  }
0x5c: {  	s17 =	simm.s32 $0x6800;
	s18 =	rddreg [dreg:$0x16]  }
0x5d: {  	[tilespmem:s17], [sflag:$0x1] =	stream.linear.gather [hbm4b:s16+s10], $0x400, $0x38;
	[tilespmem:$0xB180] =	vst v63  }
0x5e: {  	s19 =	simm.s32 $0x1C00;
	s20 =	rddreg [dreg:$0x17]  }
0x5f: {  	[tilespmem:s19], [sflag:$0x1] =	stream.linear.gather [hbm4b:s18+s10], $0x400, $0x38;
	[tilespmem:$0xB180] =	vst v63  }
0x60: {  	s21 =	simm.s32 $0x6C00;
	s22 =	rddreg [dreg:$0x18]  }
0x61: {  	[tilespmem:s21], [sflag:$0x1] =	stream.linear.gather [hbm4b:s20+s10], $0x400, $0x38;
	[tilespmem:$0xB180] =	vst v63  }
0x62: {  	s23 =	simm.s32 $0x2000;
	s24 =	rddreg [dreg:$0x19]  }
0x63: {  	[tilespmem:s23], [sflag:$0x1] =	stream.linear.gather [hbm4b:s22+s10], $0x400, $0x38;
	[tilespmem:$0xB180] =	vst v63  }
0x64: {  	s25 =	rddreg [dreg:$0x1b]  }
0x65: {  	[tilespmem:s31], [sflag:$0x1] =	stream.linear.gather [hbm4b:s24+s10], $0x400, $0x38;
	[tilespmem:$0xB180] =	vst v63  }
0x66: {  	s26 =	rddreg [dreg:$0x1c]  }
0x67: {  	[tilespmem:s9], [sflag:$0x1] =	stream.linear.gather [hbm4b:s25+s10], $0x400, $0x38;
	[tilespmem:$0xB180] =	vst v63  }
0x68: {  	s28 =	rddreg [dreg:$0x1f]  }
0x69: {  	[tilespmem:s0], [sflag:$0x1] =	stream.linear.gather [hbm4b:s26+s10], $0x400, $0x38;
	[tilespmem:$0xB180] =	vst v63  }
0x6a: {  	s29 =	sld [smem:$0x7FA]  }
0x6b: {  	[tilespmem:s11], [sflag:$0x1] =	stream.linear.gather [hbm4b:s28+s10], $0x400, $0x38;
	[tilespmem:$0xB180] =	vst v63  }
.Ltmp2:
0x6c: {  	_ = 	snop;
	(pc) =	sbr.rel .LBB2_2-.Ltmp2, $4  }
0x6d: {  	s30 =	sld [smem:$0x7FB]  }
0x6e: {  	[tilespmem:s12], [sflag:$0x1] =	stream.linear.gather [hbm4b:s29+s10], $0x400, $0x38;
	[tilespmem:$0xB180] =	vst v63  }
0x6f: {  	s14 =	simm.s32 $0x0  }
0x70: {  	v1 =	vimm.f32 $0.0e+00;
	v0 =	vimm.f32 $0.0e+00;
	[tilespmem:s13], [sflag:$0x1] =	stream.linear.gather [hbm4b:s30+s10], $0x80, $0x38;
	[tilespmem:$0xB180] =	vst v63  }
.LBB2_18:
0x71: {  	v2 =	vmov v1;
	s15 =	smov.u32 s22  }
.LBB2_25:
0x72: {  	v14 =	vsub.f32 @p0 v21, v14;
	v21 =	vld @p0 [tilespmem:s22+$0x4C00]  }
0x73: {  	v20 =	vmul.f32 @p0 v20, v3;
	v36 =	vld [tilespmem:s15+$0x8C00]  }
0x74: {  	v18 =	vsub.f32 @p0 v18, v24;
	v17 =	vmul.f32 @p0 v17, v3;
	v6 =	vmul.f32 @p1 v26, v8;
	v37 =	vld [tilespmem:s15+$0x8800]  }
0x75: {  	v8 =	vsub.f32 @p0 v15, v25;
	v3 =	vmul.f32 @p0 v10, v3;
	v38 =	vld [tilespmem:s15+$0x8400];
	v13 =	vand.u32 @p0 $0x7FFFFFFF, v13  }
0x76: {  	v39 =	vld [tilespmem:s15+$0x7C00];
	v26 =	vmul.f32 @p0 $5.000000000e-01, v5;
	v15 =	vsub.f32 @p0 v22, v20;
	v14 =	vand.u32 @p0 $0x7FFFFFFF, v14  }
0x77: {  	v40 =	vld [tilespmem:s15+$0x7800];
	v17 =	vsub.f32 @p0 v23, v17;
	v16 =	vmul.f32 @p0 v18, v16;
	v8 =	vmul.f32 @p0 v8, v11  }
0x78: {  	v41 =	vld [tilespmem:s15+$0x8000];
	v7 =	vsub.f32 @p0 v7, v26;
	(erf) = vrcp.f32 v19;
	v10 =	vmin.f32 @p0 v14, $1.000000000e+00  }
0x79: {  	v42 =	vld [tilespmem:s15+$0x2800];
	v15 =	vand.u32 @p0 $0x7FFFFFFF, v15;
	v20 =	vmul.f32 @p0 $5.000000000e-01, v10;
	v17 =	vand.u32 @p0 $0x7FFFFFFF, v17  }
0x7a: {  	v43 =	vld [tilespmem:s15+$0x3400];
	v8 =	vadd.f32 @p0 v12, v8;
	v12 =	vmin.f32 @p0 v13, $1.000000000e+00;
	v9 =	vadd.f32 @p0 v16, v9  }
0x7b: {  	v44 =	vld [tilespmem:s15+$0x3800];
	v22 =	vmin.f32 @p0 v15, $1.000000000e+00;
	v25 =	vmin.f32 @p0 v17, $1.000000000e+00;
	v27 =	vmul.f32 @p0 $5.000000000e-01, v12  }
0x7c: {  	v46 =	vld [tilespmem:s15+$0x3000];
	v3 =	vsub.f32 @p0 v21, v3;
	v24 =	vmul.f32 @p0 $5.000000000e-01, v22;
	v14 =	vsub.f32 @p0 v14, v20  }
0x7d: {  	v47 =	vld [tilespmem:s15+$0x9000];
	v5 =	vmul.f32 @p0 v7, v5;
	v18 =	vmul.f32 @p0 $5.000000000e-01, v25;
	v13 =	vsub.f32 @p0 v13, v27  }
0x7e: {  	v49 =	vld [tilespmem:s15+$0x2C00];
	v3 =	vand.u32 @p0 $0x7FFFFFFF, v3;
	v11 =	vsub.f32 @p0 v15, v24;
	v10 =	vmul.f32 @p0 v14, v10  }
0x7f: {  	v54 =	vld [tilespmem:s15+$0x3C00];
	v14 =	vsub.f32 @p0 v17, v18;
	v17 =	vmin.f32 @p0 v3, $1.000000000e+00;
	v12 =	vmul.f32 @p0 v13, v12  }
0x80: {  	v57 =	vld [tilespmem:s15+$0x9800];
	v11 =	vmul.f32 @p0 v11, v22;
	v22 =	vmul.f32 @p0 $5.000000000e-01, v17  }
0x81: {  	v60 =	vld [tilespmem:s15+$0x9400];
	v8 =	vadd.f32 @p0 v8, v9;
	v14 =	vmul.f32 @p0 v14, v25;
	v5 =	vadd.f32 @p0 v12, v5;
	v28 =	vpop (erf)  }
0x82: {  	v29 =	vld [tilespmem:s15+$0x4400];
	v3 =	vsub.f32 @p0 v3, v22;
	v45 =	vmul.f32 v40, v28;
	v48 =	vmul.f32 v38, v28  }
0x83: {  	v33 =	vld [tilespmem:s15+$0x4800];
	v10 =	vadd.f32 @p0 v11, v10;
	v18 =	vmul.f32 v41, v28;
	v20 =	vmul.f32 v39, v28  }
0x84: {  	v34 =	vld [tilespmem:s15+$0x9C00];
	v23 =	vmul.f32 v37, v28;
	v19 =	vmul.f32 v36, v28;
	v5 =	vadd.f32 @p0 v5, v8  }
0x85: {  	v62 =	vld [tilespmem:s15+$0x4000];
	v3 =	vmul.f32 @p0 v3, v17;
	v11 =	vsub.f32 v42, v45;
	v17 =	vsub.f32 v43, v48  }
0x86: {  	v35 =	vmul.f32 v60, v28;
	v50 =	vsub.f32 v44, v23;
	v51 =	vsub.f32 v46, v18  }
0x87: {  	v38 =	vmul.f32 v57, v28;
	v55 =	vsub.f32 v49, v20;
	v5 =	vadd.f32 @p0 v10, v5  }
0x88: {  	v52 =	vmul.f32 v47, v28;
	v16 =	vsub.f32 v54, v19;
	v19 =	vsub.f32 v29, v35  }
0x89: {  	v13 =	vmul.f32 v34, v28;
	v12 =	vsub.f32 v33, v38;
	v3 =	vadd.f32 @p0 v3, v14  }
0x8a: {  	v39 =	vld [tilespmem:s15+$0x4C00];
	v14 =	vsub.f32 v62, v52;
	v11 =	vand.u32 $0x7FFFFFFF, v11;
	v53 =	vand.u32 $0x7FFFFFFF, v17  }
0x8b: {  	v7 =	vand.u32 $0x7FFFFFFF, v51;
	v17 =	vand.u32 $0x7FFFFFFF, v55;
	v32 =	vand.u32 $0x7FFFFFFF, v50  }
0x8c: {  	v19 =	vand.u32 $0x7FFFFFFF, v19;
	v12 =	vand.u32 $0x7FFFFFFF, v12;
	v16 =	vand.u32 $0x7FFFFFFF, v16  }
0x8d: {  	v56 =	vmin.f32 v53, $1.000000000e+00;
	v58 =	vmin.f32 v11, $1.000000000e+00;
	v63 =	vmin.f32 v7, $1.000000000e+00  }
0x8e: {  	v30 =	vmin.f32 v17, $1.000000000e+00;
	v37 =	vmin.f32 v32, $1.000000000e+00;
	v14 =	vand.u32 $0x7FFFFFFF, v14  }
0x8f: {  	v42 =	vmin.f32 v19, $1.000000000e+00;
	v13 =	vsub.f32 v39, v13;
	v59 =	vmul.f32 $5.000000000e-01, v56  }
0x90: {  	v44 =	vmin.f32 v16, $1.000000000e+00;
	v61 =	vmul.f32 $5.000000000e-01, v58;
	v31 =	vmul.f32 $5.000000000e-01, v30  }
0x91: {  	v45 =	vmin.f32 v12, $1.000000000e+00;
	v36 =	vmul.f32 $5.000000000e-01, v63;
	v43 =	vmul.f32 $5.000000000e-01, v42  }
0x92: {  	v40 =	vmin.f32 v14, $1.000000000e+00;
	v46 =	vmul.f32 $5.000000000e-01, v37;
	v47 =	vmul.f32 $5.000000000e-01, v44  }
0x93: {  	v48 =	vmul.f32 $5.000000000e-01, v45;
	v41 =	vmul.f32 $5.000000000e-01, v40;
	v9 =	vsub.f32 v53, v59  }
0x94: {  	v13 =	vand.u32 $0x7FFFFFFF, v13;
	v8 =	vsub.f32 v11, v61;
	v10 =	vsub.f32 v17, v31  }
0x95: {  	v7 =	vsub.f32 v7, v36;
	v49 =	vmin.f32 v13, $1.000000000e+00;
	v16 =	vsub.f32 v16, v47  }
0x96: {  	v11 =	vsub.f32 v32, v46;
	v9 =	vmul.f32 v9, v56;
	v8 =	vmul.f32 v8, v58  }
0x97: {  	v26 =	vld @p0 [tilespmem:s22+$0xA400];
	v19 =	vsub.f32 v19, v43;
	v10 =	vmul.f32 v10, v30;
	v7 =	vmul.f32 v7, v63  }
0x98: {  	v14 =	vsub.f32 v14, v41;
	v50 =	vmul.f32 $5.000000000e-01, v49;
	v51 =	vmul.f32 v16, v44  }
0x99: {  	v52 =	vmul.f32 v11, v37;
	v7 =	vadd.f32 v9, v7;
	v8 =	vadd.f32 v10, v8  }
0x9a: {  	v12 =	vsub.f32 v12, v48;
	v55 =	vmul.f32 v19, v42;
	v13 =	vsub.f32 v13, v50  }
0x9b: {  	v57 =	vld [tilespmem:s15+$0xA400];
	v53 =	vmul.f32 v14, v40;
	v56 =	vadd.f32 v51, v52;
	v7 =	vadd.f32 v7, v8  }
0x9c: {  	v4 =	vmul.f32 @p0 v26, v4;
	v54 =	vld [tilespmem:s15+$0xAC00];
	v3 =	vadd.f32 @p0 v3, v5;
	v58 =	vmul.f32 v12, v45  }
0x9d: {  	v59 =	vadd.f32 v55, v53;
	v60 =	vmul.f32 v13, v49;
	v7 =	vadd.f32 v56, v7  }
0x9e: {  	v2 =	vadd.f32 @p1 v6, v2;
	v4 =	vpsel p0, v4, v0  }
0x9f: {  	v3 =	vpsel p0, v3, v0;
	v61 =	vadd.f32 v60, v58;
	v7 =	vadd.f32 v59, v7  }
0xa0: {  	v3 =	vmul.f32 @p0 v3, v4  }
0xa1: {  	v2 =	vpsel p1, v2, v1;
	v62 =	vmul.f32 v57, v54;
	v63 =	vadd.f32 v61, v7  }
0xa2: {  	v2 =	vadd.f32 @p0 v3, v2  }
0xa3: {  	v3 =	vmul.f32 v63, v62  }
0xa4: {  	v1 =	vpsel p0, v2, v1  }
0xa5: {  	v1 =	vadd.f32 v3, v1  }
0xa6: {  	v0 =	vadd.f32 v54, v0  }
.LBB2_26:
0xa7: {  	s14 =	sadd.s32 $0x1, s14  }
0xa8: {  	p0 =	sne.s32 s14, $0x5  }
.Ltmp3:
0xa9: {  	_ = 	snop;
	(pc) =	sbr.rel @!p0 .LBB2_27-.Ltmp3, $1  }
0xaa: {  	_ =	sdelay $0x3  }
.LBB2_2:
0xab: {  	s15 =	sshllo.u32 s14, $0x1  }
0xac: {  	p0 =	sge.s32 s15, s2  }
.Ltmp4:
0xad: {  	_ = 	snop;
	(pc) =	sbr.rel @p0 .LBB2_4-.Ltmp4, $1  }
0xae: {  	_ =	sdelay $0x3  }
0xaf: {  	s16 =	smin.u32 s15, s3  }
0xb0: {  	s16 =	sadd.s32 s1, s16  }
0xb1: {  	s17 =	sshrl.u32 s16, $0x1  }
0xb2: {  	s19 =	sshll.u32 s16, $0x3;
	s18 =	sshll.u32 s17, $0x4  }
0xb3: {  	s17 =	sshll.u32 s17, $0x7;
	s18 =	ssub.s32 s19, s18  }
0xb4: {  	p1 =	slt.u32 s16, $0x110;
	s16 =	sadd.s32 $0x3C00, s17;
	s18 =	sshrl.u32 s18, $0x3  }
0xb5: {  	s16 =	smov.u32 @p1 s17;
	s22 =	smul.u32 $0x41C00, s18  }
0xb6: {  	s23 =	sshll.u32 s16, $0x3  }
0xb7: {  	s18 =	sadd.s32 s23, s22  }
0xb8: {  	s17 =	sshrl.u32 s18, $0x3  }
0xb9: {  	s20 =	simm.s32 $0x2800;
	s28 =	sadd.s32 $0x83800, s18;
	s24 =	sadd.s32 s4, s17  }
0xba: {  	[tilespmem:s20], [sflag:$0x2] =	stream.linear.gather [hbm4b:s24+s10], $0x400, $0x38;
	[tilespmem:$0xB180] =	vst v63  }
0xbb: {  	s26 =	simm.s32 $0x7800;
	s25 =	sadd.s32 s5, s17;
	s19 =	sshrl.u32 s28, $0x3  }
0xbc: {  	[tilespmem:s26], [sflag:$0x2] =	stream.linear.gather [hbm4b:s25+s10], $0x400, $0x38;
	[tilespmem:$0xB180] =	vst v63  }
0xbd: {  	s21 =	simm.s32 $0x2C00;
	s29 =	sadd.s32 s4, s19  }
0xbe: {  	[tilespmem:s21], [sflag:$0x2] =	stream.linear.gather [hbm4b:s29+s10], $0x400, $0x38;
	[tilespmem:$0xB180] =	vst v63  }
0xbf: {  	s30 =	simm.s32 $0x7C00;
	s19 =	sadd.s32 s5, s19;
	s21 =	sadd.s32 $0x107000, s18  }
0xc0: {  	[tilespmem:s30], [sflag:$0x2] =	stream.linear.gather [hbm4b:s19+s10], $0x400, $0x38;
	[tilespmem:$0xB180] =	vst v63  }
0xc1: {  	s19 =	sshrl.u32 s21, $0x3  }
0xc2: {  	s22 =	simm.s32 $0x3000;
	s23 =	sadd.s32 $0x18A800, s18;
	s19 =	sadd.s32 s4, s19  }
0xc3: {  	[tilespmem:s22], [sflag:$0x2] =	stream.linear.gather [hbm4b:s19+s10], $0x400, $0x38;
	[tilespmem:$0xB180] =	vst v63  }
0xc4: {  	s19 =	sshrl.u32 s23, $0x3  }
0xc5: {  	s25 =	simm.s32 $0x8000;
	s24 =	sadd.s32 s5, s19  }
0xc6: {  	[tilespmem:s25], [sflag:$0x2] =	stream.linear.gather [hbm4b:s24+s10], $0x400, $0x38;
	[tilespmem:$0xB180] =	vst v63  }
0xc7: {  	s28 =	sadd.s32 $0x20E000, s18;
	s26 =	simm.s32 $0x3400;
	s19 =	sadd.s32 s4, s19  }
0xc8: {  	[tilespmem:s26], [sflag:$0x2] =	stream.linear.gather [hbm4b:s19+s10], $0x400, $0x38;
	[tilespmem:$0xB180] =	vst v63  }
0xc9: {  	s19 =	sshrl.u32 s28, $0x3  }
0xca: {  	s30 =	simm.s32 $0x8400;
	s29 =	sadd.s32 s5, s19  }
0xcb: {  	[tilespmem:s30], [sflag:$0x2] =	stream.linear.gather [hbm4b:s29+s10], $0x400, $0x38;
	[tilespmem:$0xB180] =	vst v63  }
0xcc: {  	s21 =	simm.s32 $0x3800;
	s22 =	sadd.s32 $0x315000, s18;
	s19 =	sadd.s32 s4, s19  }
0xcd: {  	[tilespmem:s21], [sflag:$0x2] =	stream.linear.gather [hbm4b:s19+s10], $0x400, $0x38;
	[tilespmem:$0xB180] =	vst v63  }
0xce: {  	s25 =	sadd.s32 $0x291800, s18;
	s19 =	sshrl.u32 s22, $0x3  }
0xcf: {  	s24 =	simm.s32 $0x8800;
	s20 =	sshrl.u32 s25, $0x3;
	s23 =	sadd.s32 s5, s19  }
0xd0: {  	[tilespmem:s24], [sflag:$0x2] =	stream.linear.gather [hbm4b:s23+s10], $0x400, $0x38;
	[tilespmem:$0xB180] =	vst v63  }
0xd1: {  	s20 =	sadd.s32 s4, s20;
	s26 =	simm.s32 $0x3C00;
	s28 =	sadd.s32 $0x398800, s18  }
0xd2: {  	[tilespmem:s26], [sflag:$0x2] =	stream.linear.gather [hbm4b:s20+s10], $0x400, $0x38;
	[tilespmem:$0xB180] =	vst v63  }
0xd3: {  	s20 =	sshrl.u32 s28, $0x3  }
0xd4: {  	s22 =	simm.s32 $0x8C00;
	s29 =	sadd.s32 s5, s20  }
0xd5: {  	[tilespmem:s22], [sflag:$0x2] =	stream.linear.gather [hbm4b:s29+s10], $0x400, $0x38;
	[tilespmem:$0xB180] =	vst v63  }
0xd6: {  	s30 =	simm.s32 $0x4000;
	s19 =	sadd.s32 s4, s19;
	s22 =	sadd.s32 $0x49F800, s18  }
0xd7: {  	[tilespmem:s30], [sflag:$0x2] =	stream.linear.gather [hbm4b:s19+s10], $0x400, $0x38;
	[tilespmem:$0xB180] =	vst v63  }
0xd8: {  	s19 =	sshrl.u32 s22, $0x3  }
0xd9: {  	s24 =	simm.s32 $0x9000;
	s23 =	sadd.s32 s5, s19  }
0xda: {  	[tilespmem:s24], [sflag:$0x2] =	stream.linear.gather [hbm4b:s23+s10], $0x400, $0x38;
	[tilespmem:$0xB180] =	vst v63  }
0xdb: {  	s25 =	simm.s32 $0x4400;
	s26 =	sadd.s32 $0x523000, s18;
	s20 =	sadd.s32 s4, s20  }
0xdc: {  	[tilespmem:s25], [sflag:$0x2] =	stream.linear.gather [hbm4b:s20+s10], $0x400, $0x38;
	[tilespmem:$0xB180] =	vst v63  }
0xdd: {  	s20 =	sshrl.u32 s26, $0x3  }
0xde: {  	s28 =	simm.s32 $0x9400;
	s29 =	sadd.s32 $0x41C000, s18;
	s20 =	sadd.s32 s5, s20  }
0xdf: {  	[tilespmem:s28], [sflag:$0x2] =	stream.linear.gather [hbm4b:s20+s10], $0x400, $0x38;
	[tilespmem:$0xB180] =	vst v63  }
0xe0: {  	s20 =	sshrl.u32 s29, $0x3  }
0xe1: {  	s30 =	simm.s32 $0x4800;
	s22 =	sadd.s32 $0x62A000, s18;
	s20 =	sadd.s32 s4, s20  }
0xe2: {  	[tilespmem:s30], [sflag:$0x2] =	stream.linear.gather [hbm4b:s20+s10], $0x400, $0x38;
	[tilespmem:$0xB180] =	vst v63  }
0xe3: {  	s20 =	sshrl.u32 s22, $0x3  }
0xe4: {  	s18 =	sadd.s32 $0x6AD800, s18;
	s23 =	simm.s32 $0x9800;
	s20 =	sadd.s32 s5, s20  }
0xe5: {  	[tilespmem:s23], [sflag:$0x2] =	stream.linear.gather [hbm4b:s20+s10], $0x400, $0x38;
	[tilespmem:$0xB180] =	vst v63  }
0xe6: {  	s19 =	sadd.s32 s4, s19;
	s18 =	sshrl.u32 s18, $0x3;
	s24 =	simm.s32 $0x4C00  }
0xe7: {  	[tilespmem:s24], [sflag:$0x2] =	stream.linear.gather [hbm4b:s19+s10], $0x400, $0x38;
	[tilespmem:$0xB180] =	vst v63  }
0xe8: {  	s18 =	sadd.s32 s5, s18;
	s25 =	simm.s32 $0x9C00  }
0xe9: {  	[tilespmem:s25], [sflag:$0x2] =	stream.linear.gather [hbm4b:s18+s10], $0x400, $0x38;
	[tilespmem:$0xB180] =	vst v63  }
0xea: {  	s26 =	sadd.s32 s6, s17;
	s28 =	simm.s32 $0xA400  }
0xeb: {  	[tilespmem:s28], [sflag:$0x2] =	stream.linear.gather [hbm4b:s26+s10], $0x400, $0x38;
	[tilespmem:$0xB180] =	vst v63  }
0xec: {  	s16 =	sshrl.u32 s16, $0x3;
	s17 =	sadd.s32 s7, s17;
	s29 =	simm.s32 $0xAC00  }
0xed: {  	[tilespmem:s29], [sflag:$0x2] =	stream.linear.gather [hbm4b:s17+s10], $0x400, $0x38;
	[tilespmem:$0xB180] =	vst v63  }
0xee: {  	s16 =	sadd.s32 s8, s16;
	s30 =	simm.s32 $0xB080  }
0xef: {  	[tilespmem:s30], [sflag:$0x2] =	stream.linear.gather [hbm4b:s16+s10], $0x80, $0x38;
	[tilespmem:$0xB180] =	vst v63  }
.LBB2_4:
0xf0: {  	s16 =	sshll.u32 s14, $0x1  }
0xf1: {  	s17 =	smov.u32 s3;
	p1 =	slt.s32 s16, s3  }
0xf2: {  	s17 =	smov.u32 @p1 s16  }
0xf3: {  	s17 =	sadd.s32 s1, s17  }
0xf4: {  	s19 =	sand.u32 $0x1, s17  }
0xf5: {  	p2 =	slt.s32 s17, $0x1;
	p3 =	seq.s32 s19, $0x1  }
0xf6: {  	s30 =	sshrl.u32 s17, $0x1F;
	p2 =	por !p2, !p3  }
0xf7: {  	s17 =	sadd.s32 s30, s17;
	s19 =	simm.s32 $0x1;
	p2 =	por !p2, !p2  }
0xf8: {  	p1 =	sge.s32 s16, s2;
	s17 =	sshra.s32 s17, $0x1;
	s19 =	simm.s32 @!p2 $0x0  }
0xf9: {  	s18 =	simm.s32 @!p1 $0x1;
	s17 =	ssub.s32 s17, s19  }
0xfa: {  	_ =	swait.ge @!p1 [sflag:s18], $0x2800;
	s19 =	sshll.u32 s17, $0x7  }
0xfb: {  	[sflag:s18] =	ssyncset.done @!p1 $0x0;
	p2 =	slt.s32 s17, $0x88;
	s17 =	sadd.s32 $0x3C00, s19  }
0xfc: {  	[sflag:s18] =	ssyncadd.s32 @!p1 $0xFFFFD800;
	s17 =	smov.u32 @p2 s19  }
0xfd: {  	_ =	swait.ge @!p1 [sflag:s18], $0x2800;
	s21 =	ssub.s32 $0x8340, s17  }
0xfe: {  	[sflag:s18] =	ssyncset.done @!p1 $0x0;
	p2 =	slt.s32 s21, $0x80  }
0xff: {  	[sflag:s18] =	ssyncadd.s32 @!p1 $0xFFFFD800;
	s21 =	simm.s32 @!p2 $0x80  }
0x100: {  	_ =	swait.ge @!p1 [sflag:s18], $0x400;
	s17 =	sshra.s32 s21, $0x4  }
0x101: {  	[sflag:s18] =	ssyncset.done @!p1 $0x0;
	p2 =	slt.s32 s16, s2;
	s20 =	smov.u32 s17  }
0x102: {  	[sflag:s18] =	ssyncadd.s32 @!p1 $0xFFFFFC00;
	s20 =	simm.s32 @!p2 $0x0  }
0x103: {  	_ =	swait.ge @!p1 [sflag:s18], $0x400;
	p2 =	slt.s32 s20, $0x1  }
.Ltmp5:
0x104: {  	[sflag:s18] =	ssyncset.done @!p1 $0x0;
	(pc) =	sbr.rel @p2 .LBB2_14-.Ltmp5, $4  }
0x105: {  	[sflag:s18] =	ssyncadd.s32 @!p1 $0xFFFFFC00  }
0x106: {  	_ =	swait.ge @!p1 [sflag:s18], $0x80  }
0x107: {  	[sflag:s18] =	ssyncset.done @!p1 $0x0  }
0x108: {  	[sflag:s18] =	ssyncadd.s32 @!p1 $0xFFFFFF80  }
0x109: {  	s19 =	simm.s32 $0x0;
	s18 =	sshra.s32 s17, $0x1F;
	s22 =	simm.s32 $0x0  }
0x10a: {  	s23 =	sxor.u32 s18, s17;
	s24 =	sxor.u32 s22, s19  }
0x10b: {  	s19 =	ssub.s32 s23, s18;
	s25 =	ssub.s32 s24, s22  }
0x10c: {  	(drf) =	sdiv.u32 s25, s19;
	_ =	sdelay $0x8  }
0x10d: {  	s21 =	sshra.s32 s21, $0x1F;
	s22 =	sxor.u32 s18, s22;
	s23 =	spop (drf)  }
0x10e: {  	p1 =	por $0x0, $0x0;
	s21 =	sor.u32 $0x1, s21;
	s23 =	sxor.u32 s22, s23  }
0x10f: {  	[dreg:$0x7] =	wrdreg s21;
	s24 =	simm.s32 $0x1;
	s22 =	ssub.s32 s23, s22  }
0x110: {  	s24 =	simm.s32 @!p1 $0x0;
	p1 =	por $0x0, $0x0;
	s25 =	smul.u32 s17, s22  }
0x111: {  	s26 =	sshll.u32 s20, $0x6;
	s29 =	rddreg [dreg:$0x7];
	s24 =	simm.s32 @p1 $0xFFFFFFFF  }
0x112: {  	s30 =	sshll.u32 s20, $0x4;
	p1 =	sne.s32 s24, s29;
	p2 =	sne.s32 s25, $0x0  }
0x113: {  	s28 =	ssub.s32 $0x0, s26;
	s21 =	ssub.s32 $0x0, s30;
	p1 =	por !p1, !p2  }
0x114: {  	[dreg:$0x8] =	wrdreg s21;
	s21 =	simm.s32 $0x1;
	p1 =	por !p1, !p1  }
0x115: {  	[dreg:$0x9] =	wrdreg s28;
	s21 =	simm.s32 @!p1 $0x0  }
0x116: {  	s24 =	rddreg [dreg:$0x8];
	s26 =	ssub.s32 s22, s21  }
0x117: {  	s25 =	rddreg [dreg:$0x9];
	s21 =	sshll.u32 s20, $0x3;
	s23 =	smul.u32 s26, s24  }
0x118: {  	s28 =	smul.u32 s26, s25;
	p3 =	sne.s32 s21, $0x1  }
.Ltmp6:
0x119: {  	_ = 	snop;
	(pc) =	sbr.rel @!p3 .LBB2_6-.Ltmp6, $4  }
0x11a: {  	p2 =	por $0x0, $0x0;
	s23 =	sadd.s32 $0x0, s23  }
0x11b: {  	s29 =	sshll.u32 s26, $0x7;
	s20 =	sshra.s32 s28, $0x2;
	s30 =	sand.u32 $0xFFFFFF80, s23  }
0x11c: {  	s20 =	sadd.s32 $0xB000, s20;
	s23 =	sand.u32 $0x70, s23;
	s24 =	sadd.s32 s29, s30  }
0x11d: {  	p1 =	por $0x0, $0x0;
	s22 =	simm.s32 $0x1;
	v20 =	vld [tilespmem:s20+$0x0];
	s20 =	sor.u32 s23, s24  }
0x11e: {  	s23 =	simm.s32 $0x0  }
0x11f: {  	s22 =	sxor.u32 s23, s22  }
0x120: {  	s22 =	ssub.s32 s22, s23  }
0x121: {  	(drf) =	sdiv.u32 s22, s19  }
0x122: {  	v3 =	vld [tilespmem:s20+$0x5400]  }
0x123: {  	v4 =	vld [tilespmem:s20+$0x7000]  }
0x124: {  	v5 =	vld [tilespmem:s20+$0xA800]  }
0x125: {  	v2 =	vld [tilespmem:s20+$0xA000];
	(erf) = vrcp.f32 v20  }
0x126: {  	v6 =	vld [tilespmem:s20+$0x800]  }
0x127: {  	v7 =	vld [tilespmem:s20+$0x0]  }
0x128: {  	v8 =	vld [tilespmem:s20+$0x5800]  }
0x129: {  	v9 =	vld [tilespmem:s20+$0x5000]  }
0x12a: {  	v10 =	vld [tilespmem:s20+$0x5C00];
	s28 =	sxor.u32 s18, s23;
	s29 =	spop (drf)  }
0x12b: {  	v12 =	vld [tilespmem:s20+$0x6000];
	s23 =	sxor.u32 s28, s29  }
0x12c: {  	p1 =	por $0x1, $0x1;
	s24 =	simm.s32 $0x1;
	v14 =	vld [tilespmem:s20+$0x6400];
	s22 =	ssub.s32 s23, s28  }
0x12d: {  	v15 =	vld [tilespmem:s20+$0x400];
	s24 =	simm.s32 @!p1 $0x0;
	p1 =	por $0x0, $0x0;
	s25 =	smul.u32 s17, s22  }
0x12e: {  	s30 =	rddreg [dreg:$0x7];
	v16 =	vld [tilespmem:s20+$0xC00];
	s24 =	simm.s32 @p1 $0xFFFFFFFF;
	v17 =	vpop (erf)  }
0x12f: {  	v11 =	vld [tilespmem:s20+$0x1000];
	p1 =	sne.s32 s24, s30;
	v2 =	vmul.f32 v2, v5;
	v9 =	vmul.f32 v9, v17;
	p3 =	sne.s32 s25, $0x1  }
0x130: {  	v13 =	vld [tilespmem:s20+$0x7400];
	v0 =	vadd.f32 v5, v0;
	v8 =	vmul.f32 v8, v17;
	v5 =	vmul.f32 v10, v17;
	p1 =	por !p1, !p3  }
0x131: {  	s24 =	simm.s32 $0x1;
	v3 =	vmul.f32 v3, v17;
	v18 =	vmul.f32 v14, v17;
	p1 =	por !p1, !p1  }
0x132: {  	v7 =	vsub.f32 v7, v9;
	v9 =	vmul.f32 v12, v17;
	v12 =	vld [tilespmem:s20+$0x1400];
	v6 =	vsub.f32 v6, v8;
	s24 =	simm.s32 @!p1 $0x0  }
0x133: {  	v3 =	vsub.f32 v15, v3;
	v8 =	vmul.f32 v4, v17;
	v15 =	vsub.f32 v16, v5;
	s25 =	rddreg [dreg:$0x9];
	s22 =	ssub.s32 s22, s24  }
0x134: {  	s26 =	rddreg [dreg:$0x8];
	v22 =	vld [tilespmem:s20+$0x6800];
	v10 =	vand.u32 $0x7FFFFFFF, v7;
	v11 =	vsub.f32 v11, v9;
	v6 =	vand.u32 $0x7FFFFFFF, v6;
	s23 =	smul.u32 s22, s25  }
0x135: {  	v4 =	vld [tilespmem:s20+$0x6C00];
	v7 =	vmul.f32 v13, v17;
	v3 =	vand.u32 $0x7FFFFFFF, v3;
	p3 =	sne.s32 s21, $0x2;
	v5 =	vmin.f32 v6, $1.000000000e+00;
	s24 =	smul.u32 s22, s26  }
.Ltmp7:
0x136: {  	v21 =	vld [tilespmem:s20+$0x1800];
	v9 =	vmin.f32 v10, $1.000000000e+00;
	v13 =	vand.u32 $0x7FFFFFFF, v11;
	v24 =	vmul.f32 $5.000000000e-01, v5;
	(pc) =	sbr.rel @!p3 .LBB2_8-.Ltmp7, $4  }
0x137: {  	v14 =	vld [tilespmem:s20+$0x1C00];
	v23 =	vmul.f32 $5.000000000e-01, v9;
	v16 =	vsub.f32 v12, v18;
	v18 =	vmin.f32 v3, $1.000000000e+00;
	s24 =	sadd.s32 $0x10, s24  }
0x138: {  	v11 =	vld [tilespmem:s20+$0x2000];
	v12 =	vand.u32 $0x7FFFFFFF, v15;
	v15 =	vmin.f32 v13, $1.000000000e+00;
	s22 =	sshll.u32 s22, $0x7;
	v25 =	vmul.f32 $5.000000000e-01, v18;
	s23 =	sshra.s32 s23, $0x2;
	s28 =	sand.u32 $0xFFFFFF80, s24  }
0x139: {  	v19 =	vand.u32 $0x7FFFFFFF, v16;
	v16 =	vsub.f32 v6, v24;
	v24 =	vmul.f32 v22, v17;
	v22 =	vld [tilespmem:s20+$0x2400];
	s23 =	sadd.s32 $0xB010, s23;
	s29 =	sand.u32 $0x70, s24;
	s30 =	sadd.s32 s22, s28  }
0x13a: {  	p1 =	por $0x1, $0x1;
	v26 =	vmul.f32 v4, v17;
	v6 =	vmin.f32 v19, $1.000000000e+00;
	v25 =	vsub.f32 v3, v25;
	v20 =	vld [tilespmem:s23+$0x0];
	s22 =	simm.s32 $0x2;
	s25 =	sor.u32 s29, s30  }
0x13b: {  	s20 =	simm.s32 $0x0;
	v3 =	vsub.f32 v10, v23;
	v10 =	vmul.f32 $5.000000000e-01, v6  }
0x13c: {  	v5 =	vmul.f32 v16, v5;
	s22 =	sxor.u32 s20, s22;
	v4 =	vsub.f32 v14, v26;
	v17 =	vmul.f32 v25, v18  }
0x13d: {  	v18 =	vsub.f32 v21, v24;
	v21 =	vmin.f32 v12, $1.000000000e+00;
	v25 =	vmul.f32 $5.000000000e-01, v15;
	s22 =	ssub.s32 s22, s20  }
0x13e: {  	v24 =	vmul.f32 $5.000000000e-01, v21;
	v10 =	vsub.f32 v19, v10;
	v8 =	vsub.f32 v11, v8;
	(drf) =	sdiv.u32 s22, s19  }
0x13f: {  	v23 =	vld [tilespmem:s25+$0xA800];
	v3 =	vmul.f32 v3, v9;
	v18 =	vand.u32 $0x7FFFFFFF, v18;
	v7 =	vsub.f32 v22, v7  }
0x140: {  	v28 =	vld [tilespmem:s25+$0x7400];
	v13 =	vsub.f32 v13, v25;
	(erf) = vrcp.f32 v20;
	v20 =	vand.u32 $0x7FFFFFFF, v4  }
0x141: {  	v14 =	vld [tilespmem:s25+$0x5400];
	v25 =	vmin.f32 v18, $1.000000000e+00;
	v9 =	vsub.f32 v12, v24;
	v8 =	vand.u32 $0x7FFFFFFF, v8  }
0x142: {  	v4 =	vld [tilespmem:s25+$0xA000];
	v3 =	vadd.f32 v17, v3;
	v6 =	vmul.f32 v10, v6;
	v7 =	vand.u32 $0x7FFFFFFF, v7  }
0x143: {  	v26 =	vld [tilespmem:s25+$0x800];
	v13 =	vmul.f32 v13, v15;
	v29 =	vmul.f32 $5.000000000e-01, v25;
	v15 =	vmin.f32 v7, $1.000000000e+00  }
0x144: {  	v11 =	vld [tilespmem:s25+$0x5800];
	v9 =	vmul.f32 v9, v21;
	v21 =	vmin.f32 v8, $1.000000000e+00;
	v27 =	vmul.f32 $5.000000000e-01, v15  }
0x145: {  	v22 =	vld [tilespmem:s25+$0x0];
	v19 =	vmin.f32 v20, $1.000000000e+00;
	v0 =	vadd.f32 v23, v0;
	v30 =	vmul.f32 $5.000000000e-01, v21  }
0x146: {  	v12 =	vld [tilespmem:s25+$0x5000];
	v31 =	vmul.f32 $5.000000000e-01, v19;
	v16 =	vsub.f32 v18, v29;
	v7 =	vsub.f32 v7, v27  }
0x147: {  	s20 =	sxor.u32 s18, s20;
	v17 =	vld [tilespmem:s25+$0x400];
	v5 =	vadd.f32 v9, v5;
	v4 =	vmul.f32 v4, v23;
	v8 =	vsub.f32 v8, v30;
	s22 =	spop (drf)  }
0x148: {  	v23 =	vld [tilespmem:s25+$0x5C00];
	v7 =	vmul.f32 v7, v15;
	v15 =	vmul.f32 v16, v25;
	v16 =	vsub.f32 v20, v31;
	s22 =	sxor.u32 s20, s22  }
0x149: {  	p2 =	por $0x1, $0x1;
	s23 =	simm.s32 $0x1;
	v18 =	vld [tilespmem:s25+$0x6400];
	v3 =	vadd.f32 v5, v3;
	v5 =	vadd.f32 v6, v13;
	s20 =	ssub.s32 s22, s20  }
0x14a: {  	s23 =	simm.s32 @!p2 $0x0;
	p2 =	por $0x0, $0x0;
	v20 =	vld [tilespmem:s25+$0x7000];
	v32 =	vpop (erf);
	v16 =	vmul.f32 v16, v19;
	s24 =	smul.u32 s17, s20  }
0x14b: {  	s26 =	rddreg [dreg:$0x7];
	s23 =	simm.s32 @p2 $0xFFFFFFFF;
	v27 =	vld [tilespmem:s25+$0x6000];
	v8 =	vmul.f32 v8, v21;
	v3 =	vadd.f32 v5, v3;
	v12 =	vmul.f32 v12, v32  }
0x14c: {  	p2 =	sne.s32 s23, s26;
	v19 =	vld [tilespmem:s25+$0xC00];
	v11 =	vmul.f32 v11, v32;
	v9 =	vmul.f32 v14, v32;
	v15 =	vadd.f32 v16, v15;
	p3 =	sne.s32 s24, $0x2  }
0x14d: {  	v24 =	vld [tilespmem:s25+$0x1000];
	v21 =	vmul.f32 v23, v32;
	v12 =	vsub.f32 v22, v12;
	v22 =	vadd.f32 v7, v8;
	p2 =	por !p2, !p3  }
0x14e: {  	s23 =	simm.s32 $0x1;
	v23 =	vmul.f32 v18, v32;
	v11 =	vsub.f32 v26, v11;
	v14 =	vsub.f32 v17, v9;
	v17 =	vld [tilespmem:s25+$0x1400];
	p2 =	por !p2, !p2  }
0x14f: {  	v7 =	vmul.f32 v28, v32;
	v8 =	vmul.f32 v20, v32;
	v3 =	vadd.f32 v15, v3;
	s23 =	simm.s32 @!p2 $0x0  }
0x150: {  	s28 =	rddreg [dreg:$0x9];
	v10 =	vand.u32 $0x7FFFFFFF, v12;
	v12 =	vmul.f32 v27, v32;
	v6 =	vand.u32 $0x7FFFFFFF, v11;
	s20 =	ssub.s32 s20, s23  }
0x151: {  	s29 =	rddreg [dreg:$0x8];
	v25 =	vld [tilespmem:s25+$0x6C00];
	v11 =	vsub.f32 v19, v21;
	v9 =	vmin.f32 v10, $1.000000000e+00;
	v5 =	vmin.f32 v6, $1.000000000e+00;
	s23 =	smul.u32 s20, s28  }
0x152: {  	v27 =	vld [tilespmem:s25+$0x6800];
	p3 =	sne.s32 s21, $0x3;
	v3 =	vadd.f32 v22, v3;
	v12 =	vsub.f32 v24, v12;
	v24 =	vand.u32 $0x7FFFFFFF, v14;
	s24 =	smul.u32 s20, s29  }
.Ltmp8:
0x153: {  	v21 =	vld [tilespmem:s25+$0x1800];
	v26 =	vmul.f32 $5.000000000e-01, v5;
	v18 =	vmin.f32 v24, $1.000000000e+00;
	v16 =	vsub.f32 v17, v23;
	(pc) =	sbr.rel @!p3 .LBB2_10-.Ltmp8, $4  }
0x154: {  	s22 =	simm.s32 $0x3;
	v22 =	vld [tilespmem:s25+$0x2400];
	p2 =	por $0x1, $0x1;
	v23 =	vmul.f32 $5.000000000e-01, v9;
	v13 =	vand.u32 $0x7FFFFFFF, v12;
	v12 =	vand.u32 $0x7FFFFFFF, v11;
	s24 =	sadd.s32 $0x20, s24  }
0x155: {  	v14 =	vld [tilespmem:s25+$0x1C00];
	v17 =	vmul.f32 $5.000000000e-01, v18;
	s20 =	sshll.u32 s20, $0x7;
	v15 =	vmin.f32 v13, $1.000000000e+00;
	v19 =	vand.u32 $0x7FFFFFFF, v16;
	s23 =	sshra.s32 s23, $0x2;
	s28 =	sand.u32 $0xFFFFFF80, s24  }
0x156: {  	v11 =	vld [tilespmem:s25+$0x2000];
	v16 =	vsub.f32 v6, v26;
	v26 =	vmul.f32 v25, v32;
	v6 =	vmin.f32 v19, $1.000000000e+00;
	s26 =	sadd.s32 $0xB020, s23;
	s30 =	sand.u32 $0x70, s24;
	s20 =	sadd.s32 s20, s28  }
0x157: {  	v25 =	vsub.f32 v24, v17;
	v24 =	vmul.f32 v27, v32;
	v17 =	vmul.f32 v3, v2;
	v3 =	vmovc v1;
	s23 =	simm.s32 $0x20;
	s24 =	simm.s32 $0xB020;
	v20 =	vld [tilespmem:s26+$0x0];
	s20 =	sor.u32 s30, s20  }
.LBB2_11:
0x158: {  	s26 =	sshra.s32 s22, $0x1F;
	s25 =	smov.u32 s22;
	v27 =	vmul.f32 $5.000000000e-01, v15  }
0x159: {  	v10 =	vsub.f32 v10, v23;
	v23 =	vmul.f32 $5.000000000e-01, v6;
	s28 =	sxor.u32 s26, s25;
	v18 =	vmul.f32 v25, v18  }
0x15a: {  	v25 =	vmin.f32 v12, $1.000000000e+00;
	v3 =	vadd.f32 v17, v3;
	v5 =	vmul.f32 v16, v5;
	s28 =	ssub.s32 s28, s26  }
0x15b: {  	v2 =	vld [tilespmem:s20+$0x5400];
	v17 =	vmul.f32 $5.000000000e-01, v25;
	v13 =	vsub.f32 v13, v27;
	(drf) =	sdiv.u32 s28, s19;
	v19 =	vsub.f32 v19, v23  }
0x15c: {  	v28 =	vld [tilespmem:s20+$0x800];
	v9 =	vmul.f32 v10, v9;
	v14 =	vsub.f32 v14, v26;
	v21 =	vsub.f32 v21, v24  }
0x15d: {  	v30 =	vld [tilespmem:s20+$0x7400];
	(erf) = vrcp.f32 v20;
	v7 =	vsub.f32 v22, v7;
	v8 =	vsub.f32 v11, v8  }
0x15e: {  	v62 =	vld [tilespmem:s20+$0x6000];
	v10 =	vsub.f32 v12, v17;
	v13 =	vmul.f32 v13, v15;
	v18 =	vadd.f32 v18, v9  }
0x15f: {  	v24 =	vld [tilespmem:s20+$0xA800];
	v6 =	vmul.f32 v19, v6;
	v20 =	vand.u32 $0x7FFFFFFF, v14;
	v21 =	vand.u32 $0x7FFFFFFF, v21  }
0x160: {  	v14 =	vld [tilespmem:s20+$0xA000];
	v7 =	vand.u32 $0x7FFFFFFF, v7;
	v8 =	vand.u32 $0x7FFFFFFF, v8;
	v10 =	vmul.f32 v10, v25  }
0x161: {  	v22 =	vld [tilespmem:s20+$0x0];
	v23 =	vmin.f32 v20, $1.000000000e+00;
	v27 =	vmin.f32 v21, $1.000000000e+00;
	v15 =	vmin.f32 v7, $1.000000000e+00  }
0x162: {  	v12 =	vld [tilespmem:s20+$0x5000];
	v25 =	vmin.f32 v8, $1.000000000e+00;
	v29 =	vmul.f32 $5.000000000e-01, v15;
	v31 =	vmul.f32 $5.000000000e-01, v27  }
0x163: {  	v11 =	vld [tilespmem:s20+$0x5800];
	v6 =	vadd.f32 v6, v13;
	v32 =	vmul.f32 $5.000000000e-01, v25;
	v5 =	vadd.f32 v10, v5  }
0x164: {  	s26 =	sxor.u32 s18, s26;
	v34 =	vmul.f32 $5.000000000e-01, v23;
	v7 =	vsub.f32 v7, v29;
	v16 =	vsub.f32 v21, v31;
	v21 =	vld [tilespmem:s20+$0x6400];
	s28 =	spop (drf)  }
0x165: {  	v0 =	vadd.f32 v24, v0;
	v8 =	vsub.f32 v8, v32;
	v33 =	vmul.f32 v14, v24;
	v24 =	vld [tilespmem:s20+$0x5C00];
	s28 =	sxor.u32 s26, s28  }
0x166: {  	s29 =	simm.s32 $0x1;
	p4 =	sgt.s32 s25, $0x0;
	v7 =	vmul.f32 v7, v15;
	v15 =	vmul.f32 v16, v27;
	v16 =	vsub.f32 v20, v34;
	v20 =	vld [tilespmem:s20+$0x400];
	v35 =	vpop (erf);
	s26 =	ssub.s32 s28, s26  }
0x167: {  	s29 =	simm.s32 @!p4 $0x0;
	p4 =	slt.s32 s25, $0x0;
	v26 =	vld [tilespmem:s20+$0x7000];
	v5 =	vadd.f32 v5, v18;
	v8 =	vmul.f32 v8, v25;
	v12 =	vmul.f32 v12, v35;
	s30 =	smul.u32 s17, s26  }
0x168: {  	s29 =	simm.s32 @p4 $0xFFFFFFFF;
	v17 =	vld [tilespmem:s20+$0x1000];
	v9 =	vmul.f32 v11, v35;
	s28 =	rddreg [dreg:$0x7];
	v16 =	vmul.f32 v16, v23  }
0x169: {  	v6 =	vadd.f32 v6, v5;
	v2 =	vmul.f32 v2, v35;
	p4 =	sne.s32 s29, s28;
	v21 =	vmul.f32 v21, v35;
	p5 =	sne.s32 s25, s30  }
0x16a: {  	v12 =	vsub.f32 v22, v12;
	v19 =	vmul.f32 v24, v35;
	v22 =	vadd.f32 v7, v8;
	p4 =	por !p4, !p5  }
0x16b: {  	s28 =	simm.s32 $0x1;
	v23 =	vsub.f32 v28, v9;
	v8 =	vmul.f32 v62, v35;
	v2 =	vsub.f32 v20, v2;
	v20 =	vld [tilespmem:s20+$0x1400];
	p4 =	por !p4, !p4  }
0x16c: {  	v7 =	vmul.f32 v30, v35;
	v16 =	vadd.f32 v16, v15;
	v10 =	vand.u32 $0x7FFFFFFF, v12;
	v12 =	vld [tilespmem:s20+$0xC00];
	s28 =	simm.s32 @!p4 $0x0  }
0x16d: {  	v27 =	vld [tilespmem:s20+$0x6800];
	s25 =	rddreg [dreg:$0x9];
	v17 =	vsub.f32 v17, v8;
	v8 =	vmul.f32 v26, v35;
	v24 =	vand.u32 $0x7FFFFFFF, v23;
	s26 =	ssub.s32 s26, s28  }
0x16e: {  	s22 =	sadd.s32 $0x1, s22;
	s30 =	rddreg [dreg:$0x8];
	v6 =	vadd.f32 v16, v6;
	v9 =	vmin.f32 v10, $1.000000000e+00;
	v2 =	vand.u32 $0x7FFFFFFF, v2;
	s25 =	smul.u32 s26, s25  }
0x16f: {  	p3 =	sne.s32 s21, s22;
	v5 =	vmin.f32 v24, $1.000000000e+00;
	v13 =	vand.u32 $0x7FFFFFFF, v17;
	v17 =	vld [tilespmem:s20+$0x6C00];
	v18 =	vmin.f32 v2, $1.000000000e+00;
	s28 =	smul.u32 s26, s30  }
.Ltmp9:
0x170: {  	s23 =	sadd.s32 $0x10, s23;
	v14 =	vld [tilespmem:s20+$0x1C00];
	v16 =	vmul.f32 $5.000000000e-01, v5;
	v23 =	vmul.f32 $5.000000000e-01, v9;
	v63 =	vadd.f32 v22, v6;
	(pc) =	sbr.rel @p3 .LBB2_11-.Ltmp9, $4  }
0x171: {  	s24 =	sadd.s32 $0x10, s24;
	v11 =	vld [tilespmem:s20+$0x2000];
	v25 =	vmul.f32 $5.000000000e-01, v18;
	v12 =	vsub.f32 v12, v19;
	v19 =	vsub.f32 v20, v21;
	s28 =	sadd.s32 s28, s23  }
0x172: {  	v22 =	vld [tilespmem:s20+$0x2400];
	v15 =	vmin.f32 v13, $1.000000000e+00;
	s26 =	sshll.u32 s26, $0x7;
	v16 =	vsub.f32 v24, v16;
	v24 =	vmul.f32 v27, v35;
	s25 =	sshra.s32 s25, $0x2;
	s29 =	sand.u32 $0xFFFFFF80, s28  }
0x173: {  	v21 =	vld [tilespmem:s20+$0x1800];
	v25 =	vsub.f32 v2, v25;
	v12 =	vand.u32 $0x7FFFFFFF, v12;
	s25 =	sadd.s32 s25, s24;
	v19 =	vand.u32 $0x7FFFFFFF, v19;
	s30 =	sand.u32 $0x70, s28;
	s26 =	sadd.s32 s26, s29  }
0x174: {  	v26 =	vmul.f32 v17, v35;
	v17 =	vmul.f32 v63, v4;
	v4 =	vmovc v33;
	v20 =	vld [tilespmem:s25+$0x0];
	v6 =	vmin.f32 v19, $1.000000000e+00;
	s20 =	sor.u32 s30, s26  }
0x175: {  	v2 =	vmov v4  }
.LBB2_13:
0x176: {  	v4 =	vmul.f32 @p1 $5.000000000e-01, v6;
	v14 =	vsub.f32 @p1 v14, v26;
	v42 =	vld [tilespmem:s20+$0x5400]  }
0x177: {  	v10 =	vsub.f32 @p1 v10, v23;
	v18 =	vmul.f32 @p1 v25, v18;
	v23 =	vmin.f32 @p1 v12, $1.000000000e+00;
	v43 =	vld [tilespmem:s20+$0x7000]  }
0x178: {  	v26 =	vmul.f32 @p1 $5.000000000e-01, v15;
	v44 =	vld [tilespmem:s20+$0x800];
	v8 =	vsub.f32 @p1 v11, v8;
	v5 =	vmul.f32 @p1 v16, v5  }
0x179: {  	v27 =	vld [tilespmem:s20+$0x0];
	v25 =	vmul.f32 @p1 $5.000000000e-01, v23;
	v7 =	vsub.f32 @p1 v22, v7;
	v21 =	vsub.f32 @p1 v21, v24  }
0x17a: {  	v45 =	vld [tilespmem:s20+$0x5000];
	v14 =	vand.u32 @p1 $0x7FFFFFFF, v14;
	v4 =	vsub.f32 @p1 v19, v4;
	(erf) = vrcp.f32 v20  }
0x17b: {  	v28 =	vld [tilespmem:s20+$0x5800];
	v13 =	vsub.f32 @p1 v13, v26;
	v9 =	vmul.f32 @p1 v10, v9;
	v8 =	vand.u32 @p1 $0x7FFFFFFF, v8  }
0x17c: {  	v29 =	vld [tilespmem:s20+$0x7400];
	v7 =	vand.u32 @p1 $0x7FFFFFFF, v7;
	v12 =	vsub.f32 @p1 v12, v25;
	v21 =	vand.u32 @p1 $0x7FFFFFFF, v21  }
0x17d: {  	v31 =	vld [tilespmem:s20+$0x5C00];
	v26 =	vmin.f32 @p1 v7, $1.000000000e+00;
	v13 =	vmul.f32 @p1 v13, v15;
	v15 =	vmin.f32 @p1 v8, $1.000000000e+00  }
0x17e: {  	v32 =	vld [tilespmem:s20+$0x6000];
	v11 =	vmin.f32 @p1 v21, $1.000000000e+00;
	v25 =	vmul.f32 @p1 $5.000000000e-01, v26;
	v12 =	vmul.f32 @p1 v12, v23  }
0x17f: {  	v46 =	vld [tilespmem:s20+$0x6400];
	v19 =	vmin.f32 @p1 v14, $1.000000000e+00;
	v23 =	vmul.f32 @p1 $5.000000000e-01, v15;
	v30 =	vmul.f32 @p1 $5.000000000e-01, v11  }
0x180: {  	v48 =	vld [tilespmem:s20+$0x400];
	v9 =	vadd.f32 @p1 v18, v9;
	v7 =	vsub.f32 @p1 v7, v25;
	v25 =	vmul.f32 @p1 $5.000000000e-01, v19  }
0x181: {  	v49 =	vld [tilespmem:s20+$0x1000];
	v4 =	vmul.f32 @p1 v4, v6;
	v8 =	vsub.f32 @p1 v8, v23;
	v16 =	vsub.f32 @p1 v21, v30  }
0x182: {  	v51 =	vld [tilespmem:s20+$0xC00];
	v5 =	vadd.f32 @p1 v12, v5;
	v7 =	vmul.f32 @p1 v7, v26;
	v14 =	vsub.f32 @p1 v14, v25  }
0x183: {  	v58 =	vld [tilespmem:s20+$0x1400];
	v4 =	vadd.f32 @p1 v4, v13;
	v6 =	vmul.f32 @p1 v8, v15;
	v11 =	vmul.f32 @p1 v16, v11;
	v33 =	vpop (erf)  }
0x184: {  	v61 =	vld [tilespmem:s20+$0x6C00];
	v5 =	vadd.f32 @p1 v5, v9;
	v12 =	vmul.f32 @p1 v14, v19;
	v10 =	vmul.f32 v45, v33  }
0x185: {  	v38 =	vld [tilespmem:s20+$0x2400];
	v6 =	vadd.f32 @p1 v7, v6;
	v47 =	vmul.f32 v28, v33;
	v50 =	vmul.f32 v31, v33  }
0x186: {  	v40 =	vld [tilespmem:s20+$0x2000];
	v4 =	vadd.f32 @p1 v4, v5;
	v52 =	vmul.f32 v42, v33;
	v54 =	vmul.f32 v32, v33  }
0x187: {  	v55 =	vmul.f32 v46, v33;
	v5 =	vadd.f32 @p1 v12, v11;
	v10 =	vsub.f32 v27, v10  }
0x188: {  	v56 =	vmul.f32 v29, v33;
	v53 =	vsub.f32 v44, v47;
	v15 =	vsub.f32 v48, v52  }
0x189: {  	v59 =	vmul.f32 v43, v33;
	v57 =	vsub.f32 v49, v54;
	v8 =	vsub.f32 v51, v50  }
0x18a: {  	v28 =	vld [tilespmem:s20+$0x6800];
	v18 =	vsub.f32 v58, v55;
	v4 =	vadd.f32 @p1 v5, v4  }
0x18b: {  	v29 =	vld [tilespmem:s20+$0x1C00];
	v9 =	vmul.f32 v61, v33;
	v20 =	vsub.f32 v38, v56;
	v16 =	vsub.f32 v40, v59  }
0x18c: {  	v10 =	vand.u32 $0x7FFFFFFF, v10;
	v7 =	vand.u32 $0x7FFFFFFF, v53;
	v62 =	vand.u32 $0x7FFFFFFF, v57  }
0x18d: {  	v63 =	vand.u32 $0x7FFFFFFF, v15;
	v8 =	vand.u32 $0x7FFFFFFF, v8;
	v18 =	vand.u32 $0x7FFFFFFF, v18  }
0x18e: {  	v47 =	vand.u32 $0x7FFFFFFF, v20;
	v48 =	vand.u32 $0x7FFFFFFF, v16;
	v60 =	vmin.f32 v10, $1.000000000e+00  }
0x18f: {  	v34 =	vld [tilespmem:s20+$0x1800];
	v30 =	vmin.f32 v63, $1.000000000e+00;
	v31 =	vmin.f32 v7, $1.000000000e+00;
	v32 =	vmin.f32 v62, $1.000000000e+00  }
0x190: {  	v15 =	vmul.f32 v28, v33;
	v39 =	vmin.f32 v18, $1.000000000e+00;
	v9 =	vsub.f32 v29, v9  }
0x191: {  	v42 =	vmin.f32 v8, $1.000000000e+00;
	v35 =	vmul.f32 $5.000000000e-01, v30;
	v36 =	vmul.f32 $5.000000000e-01, v31  }
0x192: {  	v20 =	vmin.f32 v47, $1.000000000e+00;
	v37 =	vmul.f32 $5.000000000e-01, v60;
	v41 =	vmul.f32 $5.000000000e-01, v39  }
0x193: {  	v51 =	vmin.f32 v48, $1.000000000e+00;
	v43 =	vmul.f32 $5.000000000e-01, v42;
	v44 =	vmul.f32 $5.000000000e-01, v32  }
0x194: {  	v49 =	vmul.f32 $5.000000000e-01, v20;
	v53 =	vmul.f32 $5.000000000e-01, v51;
	v15 =	vsub.f32 v34, v15  }
0x195: {  	v9 =	vand.u32 $0x7FFFFFFF, v9;
	v7 =	vsub.f32 v7, v36;
	v14 =	vsub.f32 v63, v35  }
0x196: {  	v5 =	vsub.f32 v10, v37;
	v10 =	vsub.f32 v18, v41;
	v45 =	vmin.f32 v9, $1.000000000e+00  }
0x197: {  	v13 =	vsub.f32 v62, v44;
	v8 =	vsub.f32 v8, v43;
	v52 =	vmul.f32 $5.000000000e-01, v45  }
0x198: {  	v15 =	vand.u32 $0x7FFFFFFF, v15;
	v11 =	vmul.f32 v14, v30;
	v5 =	vmul.f32 v5, v60  }
0x199: {  	v46 =	vmin.f32 v15, $1.000000000e+00;
	v13 =	vmul.f32 v13, v32;
	v8 =	vmul.f32 v8, v42  }
0x19a: {  	v55 =	vsub.f32 v47, v49;
	v7 =	vmul.f32 v7, v31;
	v50 =	vmul.f32 $5.000000000e-01, v46  }
0x19b: {  	v10 =	vmul.f32 v10, v39;
	v9 =	vsub.f32 v9, v52;
	v5 =	vadd.f32 v11, v5  }
0x19c: {  	v7 =	vadd.f32 v8, v7;
	v15 =	vsub.f32 v15, v50  }
0x19d: {  	v12 =	vsub.f32 v48, v53;
	v58 =	vadd.f32 v10, v13  }
0x19e: {  	v54 =	vld [tilespmem:s20+$0xA800];
	v9 =	vmul.f32 v9, v45;
	v5 =	vadd.f32 v7, v5;
	v56 =	vmul.f32 v15, v46  }
0x19f: {  	v57 =	vld [tilespmem:s20+$0xA000];
	v4 =	vadd.f32 @p1 v6, v4;
	v59 =	vmul.f32 v55, v20  }
0x1a0: {  	v60 =	vmul.f32 v12, v51;
	v5 =	vadd.f32 v58, v5;
	v61 =	vadd.f32 v9, v56  }
0x1a1: {  	v3 =	vadd.f32 @p2 v17, v3  }
0x1a2: {  	v2 =	vmul.f32 @p1 v4, v2;
	v62 =	vadd.f32 v59, v60;
	v5 =	vadd.f32 v61, v5  }
0x1a3: {  	v3 =	vpsel p2, v3, v1  }
0x1a4: {  	v2 =	vpsel p1, v2, v0;
	v63 =	vmul.f32 v57, v54;
	v4 =	vadd.f32 v62, v5  }
0x1a5: {  	v2 =	vadd.f32 @p1 v2, v3  }
0x1a6: {  	v3 =	vmul.f32 v4, v63  }
0x1a7: {  	v1 =	vpsel p1, v2, v1  }
0x1a8: {  	v1 =	vadd.f32 v3, v1  }
0x1a9: {  	v0 =	vadd.f32 v54, v0  }
.LBB2_14:
0x1aa: {  	s16 =	sadd.s32 $0x2, s16  }
0x1ab: {  	p1 =	sge.s32 s16, s2  }
.Ltmp10:
0x1ac: {  	_ = 	snop;
	(pc) =	sbr.rel @p1 .LBB2_16-.Ltmp10, $1  }
0x1ad: {  	_ =	sdelay $0x3  }
0x1ae: {  	s16 =	sadd.s32 s1, s16  }
0x1af: {  	s17 =	sshrl.u32 s16, $0x1  }
0x1b0: {  	s19 =	sshll.u32 s16, $0x3;
	s18 =	sshll.u32 s17, $0x4  }
0x1b1: {  	s17 =	sshll.u32 s17, $0x7;
	s18 =	ssub.s32 s19, s18  }
0x1b2: {  	p1 =	slt.u32 s16, $0x110;
	s16 =	sadd.s32 $0x3C00, s17;
	s18 =	sshrl.u32 s18, $0x3  }
0x1b3: {  	s16 =	smov.u32 @p1 s17;
	s18 =	smul.u32 $0x41C00, s18  }
0x1b4: {  	s19 =	sshll.u32 s16, $0x3  }
0x1b5: {  	s18 =	sadd.s32 s19, s18  }
0x1b6: {  	s17 =	sshrl.u32 s18, $0x3  }
0x1b7: {  	s22 =	sadd.s32 $0x83800, s18;
	s20 =	sadd.s32 s4, s17  }
0x1b8: {  	[tilespmem:s10], [sflag:$0x1] =	stream.linear.gather [hbm4b:s20+s10], $0x400, $0x38;
	[tilespmem:$0xB180] =	vst v63  }
0x1b9: {  	s21 =	sadd.s32 s5, s17;
	s19 =	sshrl.u32 s22, $0x3;
	s20 =	simm.s32 $0x5000  }
0x1ba: {  	[tilespmem:s20], [sflag:$0x1] =	stream.linear.gather [hbm4b:s21+s10], $0x400, $0x38;
	[tilespmem:$0xB180] =	vst v63  }
0x1bb: {  	s23 =	sadd.s32 s4, s19;
	s21 =	simm.s32 $0x400  }
0x1bc: {  	[tilespmem:s21], [sflag:$0x1] =	stream.linear.gather [hbm4b:s23+s10], $0x400, $0x38;
	[tilespmem:$0xB180] =	vst v63  }
0x1bd: {  	s24 =	simm.s32 $0x5400;
	s25 =	sadd.s32 $0x107000, s18;
	s19 =	sadd.s32 s5, s19  }
0x1be: {  	[tilespmem:s24], [sflag:$0x1] =	stream.linear.gather [hbm4b:s19+s10], $0x400, $0x38;
	[tilespmem:$0xB180] =	vst v63  }
0x1bf: {  	s19 =	sshrl.u32 s25, $0x3  }
0x1c0: {  	s26 =	simm.s32 $0x800;
	s28 =	sadd.s32 $0x18A800, s18;
	s19 =	sadd.s32 s4, s19  }
0x1c1: {  	[tilespmem:s26], [sflag:$0x1] =	stream.linear.gather [hbm4b:s19+s10], $0x400, $0x38;
	[tilespmem:$0xB180] =	vst v63  }
0x1c2: {  	s19 =	sshrl.u32 s28, $0x3  }
0x1c3: {  	s30 =	simm.s32 $0x5800;
	s29 =	sadd.s32 s5, s19  }
0x1c4: {  	[tilespmem:s30], [sflag:$0x1] =	stream.linear.gather [hbm4b:s29+s10], $0x400, $0x38;
	[tilespmem:$0xB180] =	vst v63  }
0x1c5: {  	s22 =	simm.s32 $0xC00;
	s23 =	sadd.s32 $0x20E000, s18;
	s19 =	sadd.s32 s4, s19  }
0x1c6: {  	[tilespmem:s22], [sflag:$0x1] =	stream.linear.gather [hbm4b:s19+s10], $0x400, $0x38;
	[tilespmem:$0xB180] =	vst v63  }
0x1c7: {  	s19 =	sshrl.u32 s23, $0x3  }
0x1c8: {  	s25 =	simm.s32 $0x5C00;
	s24 =	sadd.s32 s5, s19  }
0x1c9: {  	[tilespmem:s25], [sflag:$0x1] =	stream.linear.gather [hbm4b:s24+s10], $0x400, $0x38;
	[tilespmem:$0xB180] =	vst v63  }
0x1ca: {  	s26 =	simm.s32 $0x1000;
	s28 =	sadd.s32 $0x315000, s18;
	s19 =	sadd.s32 s4, s19  }
0x1cb: {  	[tilespmem:s26], [sflag:$0x1] =	stream.linear.gather [hbm4b:s19+s10], $0x400, $0x38;
	[tilespmem:$0xB180] =	vst v63  }
0x1cc: {  	s22 =	sadd.s32 $0x291800, s18;
	s19 =	sshrl.u32 s28, $0x3  }
0x1cd: {  	s30 =	simm.s32 $0x6000;
	s20 =	sshrl.u32 s22, $0x3;
	s29 =	sadd.s32 s5, s19  }
0x1ce: {  	[tilespmem:s30], [sflag:$0x1] =	stream.linear.gather [hbm4b:s29+s10], $0x400, $0x38;
	[tilespmem:$0xB180] =	vst v63  }
0x1cf: {  	s23 =	simm.s32 $0x1400;
	s20 =	sadd.s32 s4, s20;
	s24 =	sadd.s32 $0x398800, s18  }
0x1d0: {  	[tilespmem:s23], [sflag:$0x1] =	stream.linear.gather [hbm4b:s20+s10], $0x400, $0x38;
	[tilespmem:$0xB180] =	vst v63  }
0x1d1: {  	s20 =	sshrl.u32 s24, $0x3  }
0x1d2: {  	s22 =	simm.s32 $0x6400;
	s25 =	sadd.s32 s5, s20  }
0x1d3: {  	[tilespmem:s22], [sflag:$0x1] =	stream.linear.gather [hbm4b:s25+s10], $0x400, $0x38;
	[tilespmem:$0xB180] =	vst v63  }
0x1d4: {  	s26 =	simm.s32 $0x1800;
	s28 =	sadd.s32 $0x49F800, s18;
	s19 =	sadd.s32 s4, s19  }
0x1d5: {  	[tilespmem:s26], [sflag:$0x1] =	stream.linear.gather [hbm4b:s19+s10], $0x400, $0x38;
	[tilespmem:$0xB180] =	vst v63  }
0x1d6: {  	s19 =	sshrl.u32 s28, $0x3  }
0x1d7: {  	s30 =	simm.s32 $0x6800;
	s29 =	sadd.s32 s5, s19  }
0x1d8: {  	[tilespmem:s30], [sflag:$0x1] =	stream.linear.gather [hbm4b:s29+s10], $0x400, $0x38;
	[tilespmem:$0xB180] =	vst v63  }
0x1d9: {  	s23 =	simm.s32 $0x1C00;
	s24 =	sadd.s32 $0x523000, s18;
	s20 =	sadd.s32 s4, s20  }
0x1da: {  	[tilespmem:s23], [sflag:$0x1] =	stream.linear.gather [hbm4b:s20+s10], $0x400, $0x38;
	[tilespmem:$0xB180] =	vst v63  }
0x1db: {  	s20 =	sshrl.u32 s24, $0x3  }
0x1dc: {  	s25 =	simm.s32 $0x6C00;
	s26 =	sadd.s32 $0x41C000, s18;
	s20 =	sadd.s32 s5, s20  }
0x1dd: {  	[tilespmem:s25], [sflag:$0x1] =	stream.linear.gather [hbm4b:s20+s10], $0x400, $0x38;
	[tilespmem:$0xB180] =	vst v63  }
0x1de: {  	s20 =	sshrl.u32 s26, $0x3  }
0x1df: {  	s28 =	simm.s32 $0x2000;
	s29 =	sadd.s32 $0x62A000, s18;
	s20 =	sadd.s32 s4, s20  }
0x1e0: {  	[tilespmem:s28], [sflag:$0x1] =	stream.linear.gather [hbm4b:s20+s10], $0x400, $0x38;
	[tilespmem:$0xB180] =	vst v63  }
0x1e1: {  	s20 =	sshrl.u32 s29, $0x3  }
0x1e2: {  	s18 =	sadd.s32 $0x6AD800, s18;
	s20 =	sadd.s32 s5, s20  }
0x1e3: {  	[tilespmem:s31], [sflag:$0x1] =	stream.linear.gather [hbm4b:s20+s10], $0x400, $0x38;
	[tilespmem:$0xB180] =	vst v63  }
0x1e4: {  	s19 =	sadd.s32 s4, s19;
	s18 =	sshrl.u32 s18, $0x3  }
0x1e5: {  	[tilespmem:s9], [sflag:$0x1] =	stream.linear.gather [hbm4b:s19+s10], $0x400, $0x38;
	[tilespmem:$0xB180] =	vst v63  }
0x1e6: {  	s18 =	sadd.s32 s5, s18  }
0x1e7: {  	[tilespmem:s0], [sflag:$0x1] =	stream.linear.gather [hbm4b:s18+s10], $0x400, $0x38;
	[tilespmem:$0xB180] =	vst v63  }
0x1e8: {  	s30 =	sadd.s32 s6, s17  }
0x1e9: {  	[tilespmem:s11], [sflag:$0x1] =	stream.linear.gather [hbm4b:s30+s10], $0x400, $0x38;
	[tilespmem:$0xB180] =	vst v63  }
0x1ea: {  	s16 =	sshrl.u32 s16, $0x3;
	s17 =	sadd.s32 s7, s17  }
0x1eb: {  	[tilespmem:s12], [sflag:$0x1] =	stream.linear.gather [hbm4b:s17+s10], $0x400, $0x38;
	[tilespmem:$0xB180] =	vst v63  }
0x1ec: {  	s16 =	sadd.s32 s8, s16  }
0x1ed: {  	[tilespmem:s13], [sflag:$0x1] =	stream.linear.gather [hbm4b:s16+s10], $0x80, $0x38;
	[tilespmem:$0xB180] =	vst v63  }
.LBB2_16:
0x1ee: {  	p1 =	slt.s32 s15, s3;
	s16 =	smov.u32 s3  }
0x1ef: {  	s16 =	smov.u32 @p1 s15  }
0x1f0: {  	s16 =	sadd.s32 s1, s16  }
0x1f1: {  	s18 =	sand.u32 $0x1, s16  }
0x1f2: {  	p6 =	slt.s32 s16, $0x1;
	p2 =	seq.s32 s18, $0x1  }
0x1f3: {  	s30 =	sshrl.u32 s16, $0x1F;
	p1 =	por !p6, !p2  }
0x1f4: {  	s16 =	sadd.s32 s30, s16;
	s18 =	simm.s32 $0x1;
	p1 =	por !p1, !p1  }
0x1f5: {  	s16 =	sshra.s32 s16, $0x1;
	s18 =	simm.s32 @!p1 $0x0  }
0x1f6: {  	s17 =	simm.s32 @!p0 $0x2;
	s16 =	ssub.s32 s16, s18  }
0x1f7: {  	_ =	swait.ge @!p0 [sflag:s17], $0x2800;
	s18 =	sshll.u32 s16, $0x7  }
0x1f8: {  	[sflag:s17] =	ssyncset.done @!p0 $0x0;
	p1 =	slt.s32 s16, $0x88;
	s16 =	sadd.s32 $0x3C00, s18  }
0x1f9: {  	[sflag:s17] =	ssyncadd.s32 @!p0 $0xFFFFD800;
	s16 =	smov.u32 @p1 s18  }
0x1fa: {  	_ =	swait.ge @!p0 [sflag:s17], $0x2800;
	s19 =	ssub.s32 $0x8340, s16  }
0x1fb: {  	[sflag:s17] =	ssyncset.done @!p0 $0x0;
	p1 =	slt.s32 s19, $0x80  }
0x1fc: {  	[sflag:s17] =	ssyncadd.s32 @!p0 $0xFFFFD800;
	s19 =	simm.s32 @!p1 $0x80  }
0x1fd: {  	_ =	swait.ge @!p0 [sflag:s17], $0x400;
	s16 =	sshra.s32 s19, $0x4  }
0x1fe: {  	[sflag:s17] =	ssyncset.done @!p0 $0x0;
	p1 =	slt.s32 s15, s2;
	s15 =	smov.u32 s16  }
0x1ff: {  	[sflag:s17] =	ssyncadd.s32 @!p0 $0xFFFFFC00;
	s15 =	simm.s32 @!p1 $0x0  }
0x200: {  	_ =	swait.ge @!p0 [sflag:s17], $0x400;
	p1 =	slt.s32 s15, $0x1  }
.Ltmp11:
0x201: {  	[sflag:s17] =	ssyncset.done @!p0 $0x0;
	(pc) =	sbr.rel @p1 .LBB2_26-.Ltmp11, $4  }
0x202: {  	[sflag:s17] =	ssyncadd.s32 @!p0 $0xFFFFFC00  }
0x203: {  	_ =	swait.ge @!p0 [sflag:s17], $0x80  }
0x204: {  	[sflag:s17] =	ssyncset.done @!p0 $0x0  }
0x205: {  	[sflag:s17] =	ssyncadd.s32 @!p0 $0xFFFFFF80  }
0x206: {  	s18 =	simm.s32 $0x0;
	s17 =	sshra.s32 s16, $0x1F;
	s20 =	simm.s32 $0x0  }
0x207: {  	s21 =	sxor.u32 s17, s16;
	s22 =	sxor.u32 s20, s18  }
0x208: {  	s18 =	ssub.s32 s21, s17;
	s28 =	ssub.s32 s22, s20  }
0x209: {  	(drf) =	sdiv.u32 s28, s18;
	_ =	sdelay $0x8  }
0x20a: {  	s20 =	sxor.u32 s17, s20;
	s21 =	spop (drf)  }
0x20b: {  	s19 =	sshra.s32 s19, $0x1F;
	s21 =	sxor.u32 s20, s21  }
0x20c: {  	p0 =	por $0x0, $0x0;
	s21 =	ssub.s32 s21, s20;
	s20 =	simm.s32 $0x1  }
0x20d: {  	s20 =	simm.s32 @!p0 $0x0;
	p0 =	por $0x0, $0x0;
	s29 =	smul.u32 s16, s21  }
0x20e: {  	s19 =	sor.u32 $0x1, s19;
	s20 =	simm.s32 @p0 $0xFFFFFFFF  }
0x20f: {  	p0 =	sne.s32 s20, s19;
	p1 =	sne.s32 s29, $0x0  }
0x210: {  	p0 =	por !p0, !p1  }
0x211: {  	s22 =	simm.s32 $0x1;
	p0 =	por !p0, !p0  }
0x212: {  	s30 =	sshll.u32 s15, $0x4;
	s22 =	simm.s32 @!p0 $0x0  }
0x213: {  	s20 =	ssub.s32 $0x0, s30;
	s22 =	ssub.s32 s21, s22;
	s21 =	sshll.u32 s15, $0x3  }
0x214: {  	s23 =	smul.u32 s22, s20;
	p2 =	sne.s32 s21, $0x1  }
.Ltmp12:
0x215: {  	_ = 	snop;
	(pc) =	sbr.rel @!p2 .LBB2_18-.Ltmp12, $4  }
0x216: {  	s23 =	sadd.s32 $0x0, s23  }
0x217: {  	s22 =	sshll.u32 s22, $0x7;
	s24 =	sand.u32 $0xFFFFFF80, s23;
	s23 =	sand.u32 $0x70, s23  }
0x218: {  	p1 =	por $0x0, $0x0;
	s25 =	sor.u32 s23, s24;
	s22 =	sadd.s32 s22, s24  }
0x219: {  	p0 =	por $0x0, $0x0;
	s15 =	simm.s32 $0x1;
	v19 =	vld [tilespmem:s25+$0xB080];
	s22 =	sor.u32 s23, s22  }
0x21a: {  	s23 =	simm.s32 $0x0  }
0x21b: {  	s15 =	sxor.u32 s23, s15  }
0x21c: {  	s15 =	ssub.s32 s15, s23  }
0x21d: {  	(drf) =	sdiv.u32 s15, s18;
	_ =	sdelay $0x2  }
0x21e: {  	v4 =	vld [tilespmem:s22+$0xAC00];
	(erf) = vrcp.f32 v19  }
0x21f: {  	v2 =	vld [tilespmem:s22+$0x8C00]  }
0x220: {  	v5 =	vld [tilespmem:s22+$0x8800]  }
0x221: {  	v6 =	vld [tilespmem:s22+$0x8400]  }
0x222: {  	v7 =	vld [tilespmem:s22+$0x7800]  }
0x223: {  	v8 =	vld [tilespmem:s22+$0x8000]  }
0x224: {  	v9 =	vld [tilespmem:s22+$0x2800];
	s28 =	sxor.u32 s17, s23;
	s29 =	spop (drf)  }
0x225: {  	v10 =	vld [tilespmem:s22+$0x3400];
	s23 =	sxor.u32 s28, s29  }
0x226: {  	v11 =	vld [tilespmem:s22+$0x7C00];
	p0 =	por $0x1, $0x1;
	s15 =	ssub.s32 s23, s28;
	s23 =	simm.s32 $0x1  }
0x227: {  	v12 =	vld [tilespmem:s22+$0x3800];
	v3 =	vpop (erf);
	s23 =	simm.s32 @!p0 $0x0;
	p0 =	por $0x0, $0x0;
	s24 =	smul.u32 s16, s15  }
0x228: {  	v13 =	vld [tilespmem:s22+$0x2C00];
	v6 =	vmul.f32 v6, v3;
	s23 =	simm.s32 @p0 $0xFFFFFFFF  }
0x229: {  	v14 =	vld [tilespmem:s22+$0x3000];
	v7 =	vmul.f32 v7, v3;
	p0 =	sne.s32 s23, s19;
	p2 =	sne.s32 s24, $0x1  }
0x22a: {  	v15 =	vld [tilespmem:s22+$0x9000];
	v0 =	vadd.f32 v4, v0;
	v5 =	vmul.f32 v5, v3;
	v6 =	vsub.f32 v10, v6;
	p0 =	por !p0, !p2  }
0x22b: {  	v8 =	vmul.f32 v8, v3;
	v7 =	vsub.f32 v9, v7;
	v9 =	vmul.f32 v11, v3;
	s23 =	simm.s32 $0x1;
	p0 =	por !p0, !p0  }
0x22c: {  	v17 =	vld [tilespmem:s22+$0x9800];
	v2 =	vmul.f32 v2, v3;
	v5 =	vsub.f32 v12, v5;
	v6 =	vand.u32 $0x7FFFFFFF, v6;
	s23 =	simm.s32 @!p0 $0x0  }
0x22d: {  	v7 =	vand.u32 $0x7FFFFFFF, v7;
	v9 =	vsub.f32 v13, v9;
	v13 =	vld [tilespmem:s22+$0x3C00];
	v12 =	vmin.f32 v6, $1.000000000e+00;
	s15 =	ssub.s32 s15, s23  }
0x22e: {  	v20 =	vld [tilespmem:s22+$0x9400];
	v8 =	vsub.f32 v14, v8;
	p2 =	sne.s32 s21, $0x2;
	v25 =	vmin.f32 v7, $1.000000000e+00;
	v11 =	vmul.f32 $5.000000000e-01, v12;
	s23 =	smul.u32 s15, s20  }
.Ltmp13:
0x22f: {  	v21 =	vld [tilespmem:s22+$0x4000];
	v14 =	vmul.f32 v15, v3;
	v19 =	vmul.f32 $5.000000000e-01, v25;
	v18 =	vand.u32 $0x7FFFFFFF, v9;
	(pc) =	sbr.rel @!p2 .LBB2_20-.Ltmp13, $4  }
0x230: {  	v22 =	vld [tilespmem:s22+$0x4400];
	v15 =	vand.u32 $0x7FFFFFFF, v8;
	v16 =	vmin.f32 v18, $1.000000000e+00;
	v6 =	vsub.f32 v6, v11;
	s23 =	sadd.s32 $0x10, s23  }
0x231: {  	v23 =	vld [tilespmem:s22+$0x4800];
	v11 =	vmin.f32 v15, $1.000000000e+00;
	s15 =	sshll.u32 s15, $0x7;
	v8 =	vsub.f32 v7, v19;
	v24 =	vmul.f32 $5.000000000e-01, v16;
	s30 =	sand.u32 $0xFFFFFF80, s23;
	s25 =	sand.u32 $0x70, s23  }
0x232: {  	v10 =	vld [tilespmem:s22+$0x9C00];
	v7 =	vand.u32 $0x7FFFFFFF, v5;
	v13 =	vsub.f32 v13, v2;
	v12 =	vmul.f32 v6, v12;
	s26 =	sor.u32 s25, s30;
	s15 =	sadd.s32 s15, s30  }
0x233: {  	p0 =	por $0x1, $0x1;
	v5 =	vmin.f32 v7, $1.000000000e+00;
	v9 =	vmul.f32 v8, v25;
	v25 =	vmul.f32 $5.000000000e-01, v11;
	s23 =	simm.s32 $0x2;
	v19 =	vld [tilespmem:s26+$0xB080];
	s15 =	sor.u32 s25, s15  }
0x234: {  	v2 =	vsub.f32 v18, v24;
	v6 =	vmul.f32 v20, v3;
	v8 =	vsub.f32 v21, v14  }
0x235: {  	s24 =	simm.s32 $0x0;
	v14 =	vmul.f32 v17, v3;
	v13 =	vand.u32 $0x7FFFFFFF, v13;
	v28 =	vmul.f32 $5.000000000e-01, v5  }
0x236: {  	v17 =	vld [tilespmem:s22+$0x4C00];
	s23 =	sxor.u32 s24, s23;
	v15 =	vsub.f32 v15, v25;
	v2 =	vmul.f32 v2, v16;
	v16 =	vsub.f32 v22, v6  }
0x237: {  	s23 =	ssub.s32 s23, s24;
	v8 =	vand.u32 $0x7FFFFFFF, v8;
	v14 =	vsub.f32 v23, v14;
	v3 =	vmul.f32 v10, v3  }
0x238: {  	v18 =	vld [tilespmem:s22+$0xA400];
	v7 =	vsub.f32 v7, v28;
	(drf) =	sdiv.u32 s23, s18;
	v11 =	vmul.f32 v15, v11;
	(erf) = vrcp.f32 v19  }
0x239: {  	v20 =	vld [tilespmem:s15+$0x8C00];
	v19 =	vmin.f32 v8, $1.000000000e+00;
	v16 =	vand.u32 $0x7FFFFFFF, v16;
	v14 =	vand.u32 $0x7FFFFFFF, v14  }
0x23a: {  	v26 =	vld [tilespmem:s15+$0x2800];
	v21 =	vmul.f32 $5.000000000e-01, v19;
	v22 =	vmin.f32 v16, $1.000000000e+00;
	v25 =	vmin.f32 v14, $1.000000000e+00  }
0x23b: {  	v6 =	vld [tilespmem:s15+$0xAC00];
	v3 =	vsub.f32 v17, v3;
	v11 =	vadd.f32 v12, v11;
	v24 =	vmul.f32 $5.000000000e-01, v22  }
0x23c: {  	v23 =	vld [tilespmem:s15+$0x8800];
	v12 =	vmin.f32 v13, $1.000000000e+00;
	v15 =	vmul.f32 $5.000000000e-01, v25;
	v8 =	vsub.f32 v8, v21  }
0x23d: {  	v17 =	vld [tilespmem:s15+$0x8400];
	v29 =	vmul.f32 $5.000000000e-01, v12;
	v3 =	vand.u32 $0x7FFFFFFF, v3;
	v16 =	vsub.f32 v16, v24  }
0x23e: {  	v24 =	vld [tilespmem:s15+$0x7800];
	v19 =	vmul.f32 v8, v19;
	v8 =	vsub.f32 v14, v15;
	v14 =	vmin.f32 v3, $1.000000000e+00  }
0x23f: {  	v13 =	vsub.f32 v13, v29;
	v15 =	vld [tilespmem:s15+$0x8000];
	v16 =	vmul.f32 v16, v22;
	v22 =	vmul.f32 $5.000000000e-01, v14  }
0x240: {  	v2 =	vadd.f32 v2, v9;
	v21 =	vld [tilespmem:s15+$0x7C00]  }
0x241: {  	v27 =	vld [tilespmem:s15+$0x3400];
	s28 =	sxor.u32 s17, s24;
	v5 =	vmul.f32 v7, v5;
	v12 =	vmul.f32 v13, v12;
	s23 =	spop (drf);
	v22 =	vsub.f32 v3, v22  }
0x242: {  	v30 =	vld [tilespmem:s15+$0x3800];
	v2 =	vadd.f32 v11, v2;
	v25 =	vmul.f32 v8, v25;
	v8 =	vmul.f32 v18, v4;
	s23 =	sxor.u32 s28, s23;
	v3 =	vpop (erf)  }
0x243: {  	p1 =	por $0x1, $0x1;
	v4 =	vadd.f32 v16, v19;
	v16 =	vld [tilespmem:s15+$0x3000];
	s22 =	ssub.s32 s23, s28;
	v9 =	vmul.f32 v24, v3;
	v18 =	vmul.f32 v22, v14;
	s23 =	simm.s32 $0x1  }
0x244: {  	v19 =	vld [tilespmem:s15+$0x2C00];
	v5 =	vadd.f32 v12, v5;
	v14 =	vmul.f32 v15, v3;
	v15 =	vmul.f32 v17, v3;
	s23 =	simm.s32 @!p1 $0x0;
	p1 =	por $0x0, $0x0;
	s29 =	smul.u32 s16, s22  }
0x245: {  	v0 =	vadd.f32 v6, v0;
	v17 =	vmul.f32 v21, v3;
	v21 =	vmul.f32 v23, v3;
	s23 =	simm.s32 @p1 $0xFFFFFFFF  }
0x246: {  	v2 =	vadd.f32 v5, v2;
	v9 =	vsub.f32 v26, v9;
	p1 =	sne.s32 s23, s19;
	p2 =	sne.s32 s29, $0x2  }
0x247: {  	v15 =	vsub.f32 v27, v15;
	v13 =	vsub.f32 v30, v21;
	p1 =	por !p1, !p2  }
0x248: {  	v10 =	vld [tilespmem:s15+$0x9000];
	v25 =	vadd.f32 v18, v25;
	v7 =	vsub.f32 v16, v14;
	s23 =	simm.s32 $0x1;
	p1 =	por !p1, !p1  }
0x249: {  	v23 =	vmul.f32 v20, v3;
	v20 =	vld [tilespmem:s15+$0x9400];
	v2 =	vadd.f32 v4, v2;
	v11 =	vsub.f32 v19, v17;
	s23 =	simm.s32 @!p1 $0x0  }
0x24a: {  	v26 =	vld [tilespmem:s15+$0x3C00];
	v9 =	vand.u32 $0x7FFFFFFF, v9;
	v19 =	vand.u32 $0x7FFFFFFF, v15;
	v15 =	vand.u32 $0x7FFFFFFF, v7;
	s23 =	ssub.s32 s22, s23  }
0x24b: {  	v22 =	vld [tilespmem:s15+$0x4400];
	p2 =	sne.s32 s21, $0x3;
	v12 =	vmin.f32 v19, $1.000000000e+00;
	v27 =	vmin.f32 v9, $1.000000000e+00;
	v18 =	vand.u32 $0x7FFFFFFF, v11;
	s30 =	smul.u32 s23, s20  }
.Ltmp14:
0x24c: {  	v21 =	vld [tilespmem:s15+$0x4000];
	v7 =	vmul.f32 $5.000000000e-01, v12;
	v5 =	vmul.f32 $5.000000000e-01, v27;
	v16 =	vmin.f32 v18, $1.000000000e+00;
	(pc) =	sbr.rel @!p2 .LBB2_22-.Ltmp14, $4  }
0x24d: {  	v14 =	vmul.f32 v10, v3;
	v17 =	vld [tilespmem:s15+$0x9800];
	v11 =	vmin.f32 v15, $1.000000000e+00;
	v24 =	vmul.f32 $5.000000000e-01, v16;
	s24 =	sadd.s32 $0x20, s30  }
0x24e: {  	v10 =	vld [tilespmem:s15+$0x9C00];
	v19 =	vsub.f32 v19, v7;
	s23 =	sshll.u32 s23, $0x7;
	v4 =	vsub.f32 v9, v5;
	v7 =	vand.u32 $0x7FFFFFFF, v13;
	s25 =	sand.u32 $0xFFFFFF80, s24;
	s24 =	sand.u32 $0x70, s24  }
0x24f: {  	p1 =	por $0x1, $0x1;
	v13 =	vsub.f32 v26, v23;
	v23 =	vld [tilespmem:s15+$0x4800];
	v26 =	vadd.f32 v25, v2;
	v25 =	vmul.f32 $5.000000000e-01, v11;
	s26 =	sor.u32 s24, s25;
	s25 =	sadd.s32 s23, s25  }
0x250: {  	s22 =	simm.s32 $0x3;
	v2 =	vmovc v1;
	v5 =	vmin.f32 v7, $1.000000000e+00;
	v12 =	vmul.f32 v19, v12;
	v9 =	vmul.f32 v4, v27;
	s23 =	simm.s32 $0x20;
	v19 =	vld [tilespmem:s26+$0xB080];
	s26 =	sor.u32 s24, s25  }
.LBB2_23:
0x251: {  	s25 =	sshra.s32 s22, $0x1F;
	v4 =	vsub.f32 v18, v24;
	v18 =	vmul.f32 v20, v3;
	v8 =	vmul.f32 v26, v8;
	s24 =	smov.u32 s22;
	s22 =	sadd.s32 $0x1, s22  }
0x252: {  	v17 =	vmul.f32 v17, v3;
	s28 =	sxor.u32 s25, s24;
	p2 =	sne.s32 s21, s22;
	v15 =	vsub.f32 v15, v25;
	v14 =	vsub.f32 v21, v14;
	v20 =	vld [tilespmem:s15+$0x4C00]  }
0x253: {  	s28 =	ssub.s32 s28, s25;
	v21 =	vld [tilespmem:s15+$0xA400];
	v4 =	vmul.f32 v4, v16;
	v16 =	vsub.f32 v22, v18;
	v2 =	vadd.f32 v8, v2;
	s15 =	smov.u32 s26  }
0x254: {  	v3 =	vmul.f32 v10, v3;
	(drf) =	sdiv.u32 s28, s18;
	v18 =	vld [tilespmem:s15+$0xAC00];
	v8 =	vand.u32 $0x7FFFFFFF, v14;
	v14 =	vsub.f32 v23, v17  }
0x255: {  	v10 =	vld [tilespmem:s15+$0x9000];
	(erf) = vrcp.f32 v19;
	v17 =	vmin.f32 v8, $1.000000000e+00;
	v16 =	vand.u32 $0x7FFFFFFF, v16  }
0x256: {  	v19 =	vld [tilespmem:s15+$0x8C00];
	v22 =	vmul.f32 $5.000000000e-01, v17;
	v23 =	vmin.f32 v16, $1.000000000e+00;
	v14 =	vand.u32 $0x7FFFFFFF, v14  }
0x257: {  	v24 =	vld [tilespmem:s15+$0x8800];
	v25 =	vmul.f32 $5.000000000e-01, v23;
	v26 =	vmin.f32 v14, $1.000000000e+00;
	v3 =	vsub.f32 v20, v3  }
0x258: {  	v11 =	vmul.f32 v15, v11;
	v20 =	vld [tilespmem:s15+$0x8400];
	v8 =	vsub.f32 v8, v22;
	v15 =	vmul.f32 $5.000000000e-01, v26  }
0x259: {  	v0 =	vadd.f32 v18, v0;
	v22 =	vld [tilespmem:s15+$0x7C00];
	v16 =	vsub.f32 v16, v25;
	v3 =	vand.u32 $0x7FFFFFFF, v3  }
0x25a: {  	v25 =	vld [tilespmem:s15+$0x7800];
	v17 =	vmul.f32 v8, v17;
	v8 =	vsub.f32 v14, v15;
	v14 =	vmin.f32 v3, $1.000000000e+00  }
0x25b: {  	v13 =	vand.u32 $0x7FFFFFFF, v13;
	v15 =	vld [tilespmem:s15+$0x8000];
	v16 =	vmul.f32 v16, v23;
	v23 =	vmul.f32 $5.000000000e-01, v14  }
0x25c: {  	v11 =	vadd.f32 v12, v11;
	v12 =	vmin.f32 v13, $1.000000000e+00;
	v27 =	vld [tilespmem:s15+$0x2800];
	v26 =	vmul.f32 v8, v26  }
0x25d: {  	v29 =	vmul.f32 $5.000000000e-01, v5;
	s25 =	sxor.u32 s17, s25;
	v30 =	vmul.f32 $5.000000000e-01, v12;
	s26 =	spop (drf);
	v28 =	vld [tilespmem:s15+$0x3400];
	v23 =	vsub.f32 v3, v23  }
0x25e: {  	v4 =	vadd.f32 v4, v9;
	v8 =	vmul.f32 v21, v6;
	v9 =	vadd.f32 v16, v17;
	s26 =	sxor.u32 s25, s26;
	v31 =	vld [tilespmem:s15+$0x3800];
	v3 =	vpop (erf)  }
0x25f: {  	p3 =	sgt.s32 s24, $0x0;
	v13 =	vsub.f32 v13, v30;
	v6 =	vmovc v18;
	s25 =	ssub.s32 s26, s25;
	v16 =	vmul.f32 v25, v3;
	v17 =	vld [tilespmem:s15+$0x3000];
	v21 =	vmul.f32 v23, v14;
	s26 =	simm.s32 $0x1  }
0x260: {  	v7 =	vsub.f32 v7, v29;
	s26 =	simm.s32 @!p3 $0x0;
	p3 =	slt.s32 s24, $0x0;
	s28 =	smul.u32 s16, s25;
	v18 =	vld [tilespmem:s15+$0x2C00];
	v14 =	vmul.f32 v15, v3;
	v15 =	vmul.f32 v20, v3  }
0x261: {  	v20 =	vmul.f32 v22, v3;
	v22 =	vmul.f32 v24, v3;
	s26 =	simm.s32 @p3 $0xFFFFFFFF;
	v16 =	vsub.f32 v27, v16  }
0x262: {  	v12 =	vmul.f32 v13, v12;
	v19 =	vmul.f32 v19, v3;
	p3 =	sne.s32 s26, s19;
	p4 =	sne.s32 s24, s28;
	v15 =	vsub.f32 v28, v15  }
0x263: {  	v5 =	vmul.f32 v7, v5;
	p3 =	por !p3, !p4;
	v13 =	vand.u32 $0x7FFFFFFF, v16;
	v22 =	vsub.f32 v31, v22  }
0x264: {  	v4 =	vadd.f32 v11, v4;
	s24 =	simm.s32 $0x1;
	p3 =	por !p3, !p3;
	v7 =	vsub.f32 v17, v14;
	v14 =	vmul.f32 v10, v3  }
0x265: {  	v5 =	vadd.f32 v12, v5;
	v23 =	vand.u32 $0x7FFFFFFF, v15;
	s24 =	simm.s32 @!p3 $0x0;
	v11 =	vsub.f32 v18, v20;
	v10 =	vld [tilespmem:s15+$0x9C00]  }
0x266: {  	v26 =	vadd.f32 v21, v26;
	v12 =	vmin.f32 v23, $1.000000000e+00;
	s24 =	ssub.s32 s25, s24;
	v15 =	vand.u32 $0x7FFFFFFF, v7;
	v25 =	vld [tilespmem:s15+$0x3C00]  }
0x267: {  	v4 =	vadd.f32 v5, v4;
	v27 =	vmin.f32 v13, $1.000000000e+00;
	v7 =	vmul.f32 $5.000000000e-01, v12;
	s25 =	smul.u32 s24, s20;
	v17 =	vld [tilespmem:s15+$0x9800]  }
.Ltmp15:
0x268: {  	s23 =	sadd.s32 $0x10, s23;
	v5 =	vmul.f32 $5.000000000e-01, v27;
	v18 =	vand.u32 $0x7FFFFFFF, v11;
	v11 =	vmin.f32 v15, $1.000000000e+00;
	v20 =	vld [tilespmem:s15+$0x9400];
	(pc) =	sbr.rel @p2 .LBB2_23-.Ltmp15, $4  }
0x269: {  	v4 =	vadd.f32 v9, v4;
	v16 =	vmin.f32 v18, $1.000000000e+00;
	v23 =	vsub.f32 v23, v7;
	s25 =	sadd.s32 s25, s23;
	v21 =	vld [tilespmem:s15+$0x4000]  }
0x26a: {  	s24 =	sshll.u32 s24, $0x7;
	v5 =	vsub.f32 v13, v5;
	v7 =	vand.u32 $0x7FFFFFFF, v22;
	v24 =	vmul.f32 $5.000000000e-01, v16;
	s26 =	sand.u32 $0xFFFFFF80, s25;
	s25 =	sand.u32 $0x70, s25;
	v22 =	vld [tilespmem:s15+$0x4400]  }
0x26b: {  	v26 =	vadd.f32 v26, v4;
	v12 =	vmul.f32 v23, v12;
	s28 =	sor.u32 s25, s26;
	s24 =	sadd.s32 s24, s26;
	v13 =	vsub.f32 v25, v19;
	v23 =	vld [tilespmem:s15+$0x4800]  }
0x26c: {  	v9 =	vmul.f32 v5, v27;
	v5 =	vmin.f32 v7, $1.000000000e+00;
	v25 =	vmul.f32 $5.000000000e-01, v11;
	v19 =	vld [tilespmem:s28+$0xB080];
	s26 =	sor.u32 s25, s24  }
.Ltmp16:
0x26d: {  	(pc) =	sbr.rel .LBB2_25-.Ltmp16, $2  }
0x26e: {  	_ =	sdelay $0x2  }
0x26f: {  	s22 =	smov.u32 s15;
	s15 =	smov.u32 s26;
	v4 =	vmov v6  }
.LBB2_6:
.Ltmp17:
0x270: {  	(pc) =	sbr.rel .LBB2_13-.Ltmp17, $2  }
0x271: {  	_ =	sdelay $0x2  }
0x272: {  	v3 =	vmov v1  }
.LBB2_8:
.Ltmp18:
0x273: {  	(pc) =	sbr.rel .LBB2_13-.Ltmp18, $2  }
0x274: {  	_ =	sdelay $0x2  }
0x275: {  	s20 =	smov.u32 s25;
	v3 =	vmov v1  }
.LBB2_20:
.Ltmp19:
0x276: {  	(pc) =	sbr.rel .LBB2_25-.Ltmp19, $2  }
0x277: {  	_ =	sdelay $0x2  }
0x278: {  	v2 =	vmov v1  }
.LBB2_10:
.Ltmp20:
0x279: {  	(pc) =	sbr.rel .LBB2_13-.Ltmp20, $2  }
0x27a: {  	_ =	sdelay $0x2  }
0x27b: {  	v3 =	vmov v1;
	v2 =	vmov v4  }
.LBB2_22:
.Ltmp21:
0x27c: {  	(pc) =	sbr.rel .LBB2_25-.Ltmp21, $2  }
0x27d: {  	_ =	sdelay $0x2  }
0x27e: {  	s22 =	smov.u32 s15;
	v2 =	vmov v1;
	s15 =	smov.u32 s26;
	v4 =	vmov v6  }
.LBB2_28:
0x27f: {  	_ =	sfence.sel $0x180000  }
0x280: {  	[bflag:$0x0] =	sbarrier.arrive $0xFFFF  }
0x281: {  	_ =	strace $0x90000047  }
0x282: {  	s0 =	stileid.u32;
	[bflag:$0x2] =	sbarrier.arrive $0xFFFF  }
0x283: {  	p0 =	sne.s32 s0, $0x0;
	s0 =	rddreg [dreg:$0x6]  }
0x284: {  	s0 =	sadd.s32 @!p0 $0x100000, s0  }
0x285: {  	[sflag:s0] =	ssyncadd.tile.s32 @!p0 $0x1;
	_ =	shalt  }
.Lfunc_end2:
_tile_overlayer_lowered:
.L_overlay_start_2:
0x286: {  	(tag) =	ssettag $0x2  }
0x287: {  	s0 =	rddreg [dreg:$0x0];
	s2 =	stileid.u32  }
0x288: {  	s1 =	rddreg [dreg:$0x1];
	p0 =	sne.s32 s2, $0x0  }
0x289: {  	s3 =	rddreg [dreg:$0x2];
	[bflag:$0x3] =	sbarrier.arrive $0xFFFF;
	s2 =	simm.s32 @!p0 $0x1C03  }
0x28a: {  	[timem:s3], [sflag:s2] =	dma.local @!p0 [hbm:s0], s1  }
0x28b: {  	s0 =	simm.s32 @!p0 $0x3  }
0x28c: {  	_ =	swait.ge @!p0 [sflag:s0], s1  }
0x28d: {  	s1 =	ssub.s32 @!p0 $0x0, s1;
	[sflag:s0] =	ssyncset.done @!p0 $0x0  }
0x28e: {  	[sflag:s0] =	ssyncadd.s32 @!p0 s1  }
0x28f: {  	[bflag:$0x3] =	sbarrier.arrive $0xFFFF  }
0x290: {  	_ =	shalt  }

</sc_bundles>
